<compile_context>
chip_gen: v7x
topology: tpu7x:2x2x1
jax: 0.10.2.dev20260603
libtpu: 0.0.44.dev20260713+nightly
codegen_flags: <defaults>
</compile_context>

<pallas_src>
import functools

import jax
import jax.numpy as jnp
from jax import lax
from jax.experimental import pallas as pl
from jax.experimental.pallas import tpu as pltpu
from jax.experimental.pallas import tpu_sc as plsc

NC = 2
NS = 16
K = 128
NI = 3
NB = 2
UNROLL = 6
B1 = 8
SHARE0 = 0.692


def _split_rows(n_rows):
    per = -(-n_rows // NS)
    per = -(-per // 8) * 8
    slices = []
    off = 0
    for s in range(NS):
        size = min(per, n_rows - off)
        slices.append((off, max(size, 0)))
        off += size
    return slices


def _sc_agg_call(n, n_pad, d, e_off, spw0, q1, r1):
    mesh = plsc.VectorSubcoreMesh(core_axis_name="c", subcore_axis_name="s")
    rows_per_tile = n_pad // NS
    xslices = _split_rows(n)
    start1 = NS * spw0

    @functools.partial(
        pl.kernel,
        mesh=mesh,
        out_type=jax.ShapeDtypeStruct((NC, n_pad, d), jnp.float32),
        scratch_types=(
            [pltpu.VMEM((K,), jnp.int32) for _ in range(2 * NI)]
            + [pltpu.VMEM((B1 * K,), jnp.int32) for _ in range(2)]
            + [pltpu.VMEM((K, d), jnp.float32) for _ in range(NB)]
            + [pltpu.VMEM_SHARED((n_pad, d), jnp.float32)]
            + [pltpu.SemaphoreType.DMA for _ in range(NI + NB + 1)]
        ),
    )
    def sc_agg(x_hbm, ei_hbm, out_hbm,
               src0, src1, src2, dst0, dst1, dst2, sblk, dblk, rows0, rows1,
               agg_sh, isem0, isem1, isem2, gsem0, gsem1, ssem):
        c = lax.axis_index("c")
        s = lax.axis_index("s")
        srcs = (src0, src1, src2)
        dsts = (dst0, dst1, dst2)
        isems = (isem0, isem1, isem2)
        rows = (rows0, rows1)
        gsems = (gsem0, gsem1)
        rslc = pl.ds(s * rows_per_tile, rows_per_tile)
        base0 = s * (spw0 * K)
        cnt1 = q1 + jnp.where(s < r1, 1, 0)
        base1 = (start1 + q1 * s + jnp.minimum(s, r1)) * K

        def idx_start(base, g, j):
            off = pl.multiple_of(base + g * K, K)
            pltpu.async_copy(ei_hbm.at[0, pl.ds(off, K)], srcs[j], isems[j])
            pltpu.async_copy(ei_hbm.at[1, pl.ds(off, K)], dsts[j],
                             isems[j])

        def idx_wait(base, g, j):
            off = pl.multiple_of(base + g * K, K)
            pltpu.make_async_copy(ei_hbm.at[0, pl.ds(off, K)], srcs[j],
                                  isems[j]).wait()
            pltpu.make_async_copy(ei_hbm.at[1, pl.ds(off, K)], dsts[j],
                                  isems[j]).wait()

        def gather_start(j, b):
            pltpu.async_copy(x_hbm.at[srcs[j]], rows[b], gsems[b])

        def gather_wait(j, b):
            pltpu.make_async_copy(x_hbm.at[srcs[j]], rows[b],
                                  gsems[b]).wait()

        @pl.when(c == 0)
        def _():
            for g in range(NI):
                idx_start(base0, g, g)
            for t, (xo, xs_) in enumerate(xslices):
                if xs_ > 0:
                    @pl.when(s == t)
                    def _():
                        pltpu.async_copy(x_hbm.at[pl.ds(xo, xs_)],
                                         agg_sh.at[pl.ds(xo, xs_)], ssem)
                        pltpu.make_async_copy(
                            x_hbm.at[pl.ds(xo, xs_)],
                            agg_sh.at[pl.ds(xo, xs_)], ssem).wait()

        @pl.when(c == 1)
        def _():
            def zrow(r, carry):
                for v in range(K // 16):
                    rows1[r, pl.ds(v * 16, 16)] = jnp.zeros(
                        (16,), jnp.float32)
                return carry

            lax.fori_loop(0, K, zrow, 0)
            full = rows_per_tile // K
            remr = rows_per_tile - full * K
            for fb in range(full):
                pltpu.sync_copy(
                    rows1,
                    agg_sh.at[pl.ds(s * rows_per_tile + fb * K, K)])
            if remr:
                pltpu.sync_copy(
                    rows1.at[pl.ds(0, remr)],
                    agg_sh.at[pl.ds(s * rows_per_tile + full * K, remr)])

        plsc.subcore_barrier()

        @pl.when(c == 0)
        def _():
            idx_wait(base0, 0, 0)
            gather_start(0, 0)
            idx_wait(base0, 1, 1)
            gather_start(1, 1)

            def step(i, carry):
                g0 = i * UNROLL
                for u in range(UNROLL):
                    g = g0 + u
                    b = u % NB
                    j = u % NI
                    jn = (u + 2) % NI
                    gather_wait(j, b)
                    pltpu.sync_copy(rows[b], agg_sh.at[dsts[j]], add=True)

                    @pl.when(g + NI < spw0)
                    def _():
                        idx_start(base0, g + NI, j)

                    @pl.when(g + 2 < spw0)
                    def _():
                        idx_wait(base0, g + 2, jn)
                        gather_start(jn, b)
                return carry

            lax.fori_loop(0, spw0 // UNROLL, step, 0)

        @pl.when(c == 1)
        def _():
            def blk(i, carry):
                boff = pl.multiple_of(base1 + i * (B1 * K), K)
                pltpu.sync_copy(ei_hbm.at[0, pl.ds(boff, B1 * K)], sblk)
                pltpu.sync_copy(ei_hbm.at[1, pl.ds(boff, B1 * K)], dblk)
                for u in range(B1):
                    uslc = pl.ds(u * K, K)
                    for v in range(K // 16):
                        dsts[0][pl.ds(v * 16, 16)] = (
                            dblk[pl.ds(u * K + v * 16, 16)])
                    pltpu.async_copy(x_hbm.at[sblk.at[uslc]], rows[0],
                                     gsems[0])
                    pltpu.make_async_copy(x_hbm.at[sblk.at[uslc]], rows[0],
                                          gsems[0]).wait()
                    pltpu.sync_copy(rows[0], agg_sh.at[dsts[0]], add=True)
                return carry

            nblk = cnt1 // B1
            lax.fori_loop(0, nblk, blk, 0)

            def step(g, carry):
                off = pl.multiple_of(base1 + g * K, K)
                pltpu.sync_copy(ei_hbm.at[0, pl.ds(off, K)], srcs[0])
                pltpu.sync_copy(ei_hbm.at[1, pl.ds(off, K)], dsts[0])
                gather_start(0, 0)
                gather_wait(0, 0)
                pltpu.sync_copy(rows[0], agg_sh.at[dsts[0]], add=True)
                return carry

            lax.fori_loop(nblk * B1, cnt1, step, 0)

        plsc.subcore_barrier()
        pltpu.sync_copy(agg_sh.at[rslc], out_hbm.at[c, rslc])

    return sc_agg


def _dense_body(n, sr, w1r, b1r, w2r, b2r, gr, br, outr):
    h = sr[0, :n, :] + sr[1, :n, :]
    a = jnp.dot(h, w1r[...], preferred_element_type=jnp.float32) + b1r[...]
    a = jnp.maximum(a, 0.0)
    h2 = jnp.dot(a, w2r[...], preferred_element_type=jnp.float32) + b2r[...]
    mean = jnp.mean(h2, axis=0, keepdims=True)
    cent = h2 - mean
    var = jnp.mean(cent * cent, axis=0, keepdims=True)
    scale = lax.rsqrt(var + 1e-5) * gr[...]
    outr[...] = jnp.maximum(cent * scale + br[...], 0.0)


def kernel(x, edge_index, W1, b1, W2, b2, gamma, beta):
    n, d = x.shape
    e = edge_index.shape[1]
    n_pad = -(-n // (NS * 8)) * (NS * 8)

    steps = e // K
    assert e % K == 0 and e % 8 == 0, "edge count must be step-aligned"
    spw0 = int(steps * SHARE0) // NS
    spw0 = (spw0 // UNROLL) * UNROLL
    q1, r1 = divmod(steps - NS * spw0, NS)

    ei = edge_index.astype(jnp.int32)

    slabs = _sc_agg_call(n, n_pad, d, e, spw0, q1, r1)(x, ei)

    out = pl.pallas_call(
        functools.partial(_dense_body, n),
        out_shape=jax.ShapeDtypeStruct((n, d), jnp.float32),
    )(slabs, W1.T, b1.reshape(1, d), W2.T,
      b2.reshape(1, d), gamma.reshape(1, d), beta.reshape(1, d))
    return out

# --- scband reference (transcript-rebuilt; emitter-appended) ---
"""Pipeline reference for scband-graph-conv-12824772346521 (READ-ONLY COPY).

The authoritative reference and input builder live on the scoring server;
editing this copy changes nothing except your own understanding.
"""

import jax, jax.numpy as jnp
import numpy as np

N = 10000
D_IN = 128
D_HID = 128
D_OUT = 128
E = 320000

def setup_inputs(seed: int = 0) -> dict:
    key = jax.random.key(seed)
    k1, k2, k3, k4, k5, k6 = jax.random.split(key, 6)
    x = jax.random.normal(k1, (N, D_IN), dtype=jnp.float32)
    edge_index = jax.random.randint(k2, (2, E), 0, N, dtype=jnp.int64)
    # GIN MLP params (torch Linear default init approximated with uniform)
    lim1 = 1.0 / np.sqrt(D_IN)
    W1 = jax.random.uniform(k3, (D_HID, D_IN), minval=-lim1, maxval=lim1, dtype=jnp.float32)
    b1 = jax.random.uniform(k4, (D_HID,), minval=-lim1, maxval=lim1, dtype=jnp.float32)
    lim2 = 1.0 / np.sqrt(D_HID)
    W2 = jax.random.uniform(k5, (D_OUT, D_HID), minval=-lim2, maxval=lim2, dtype=jnp.float32)
    b2 = jax.random.uniform(k6, (D_OUT,), minval=-lim2, maxval=lim2, dtype=jnp.float32)
    gamma = jnp.ones((D_OUT,), dtype=jnp.float32)
    beta = jnp.zeros((D_OUT,), dtype=jnp.float32)
    return {"x": x, "edge_index": edge_index, "W1": W1, "b1": b1, "W2": W2, "b2": b2, "gamma": gamma, "beta": beta}

def reference(x, edge_index, W1, b1, W2, b2, gamma, beta):
    src = edge_index[0]
    dst = edge_index[1]
    # GINConv: (1 + eps) * x + sum_{j in N(i)} x_j, eps = 0
    msgs = jnp.take(x, src, axis=0)
    agg = jax.ops.segment_sum(msgs, dst, num_segments=x.shape[0])
    h = x + agg
    # MLP: Linear -> ReLU -> Linear
    h = h @ W1.T + b1
    h = jnp.maximum(h, 0.0)
    h = h @ W2.T + b2
    # BatchNorm1d (training mode: batch statistics, biased variance), eps=1e-5
    mean = jnp.mean(h, axis=0)
    var = jnp.var(h, axis=0)
    h = (h - mean) / jnp.sqrt(var + 1e-5) * gamma + beta
    # ReLU
    return jnp.maximum(h, 0.0)

if __name__ == "__main__":
    import jax
    _d = setup_inputs()
    print(jax.jit(kernel)(*tuple(_d.values())))

</pallas_src>

<mosaic_0001>
#map = affine_map<(d0, d1) -> (0, 0)>
#map1 = affine_map<(d0, d1) -> (0, 0, 0)>
module attributes {stable_mosaic.version = 14 : i64} {
  func.func @sc_agg(%arg0: i32, %arg1: i32, %arg2: memref<10000x128xf32, #tpu.memory_space<hbm>>, %arg3: memref<2x320000xi32, #tpu.memory_space<hbm>>, %arg4: memref<2x10112x128xf32, #tpu.memory_space<hbm>>, %arg5: memref<128xi32, #tpu.memory_space<vmem>>, %arg6: memref<128xi32, #tpu.memory_space<vmem>>, %arg7: memref<128xi32, #tpu.memory_space<vmem>>, %arg8: memref<128xi32, #tpu.memory_space<vmem>>, %arg9: memref<128xi32, #tpu.memory_space<vmem>>, %arg10: memref<128xi32, #tpu.memory_space<vmem>>, %arg11: memref<1024xi32, #tpu.memory_space<vmem>>, %arg12: memref<1024xi32, #tpu.memory_space<vmem>>, %arg13: memref<128x128xf32, #tpu.memory_space<vmem>>, %arg14: memref<128x128xf32, #tpu.memory_space<vmem>>, %arg15: memref<10112x128xf32, #tpu.memory_space<vmem_shared>>, %arg16: memref<!tpu.dma_semaphore, #tpu.memory_space<semaphore_mem>>, %arg17: memref<!tpu.dma_semaphore, #tpu.memory_space<semaphore_mem>>, %arg18: memref<!tpu.dma_semaphore, #tpu.memory_space<semaphore_mem>>, %arg19: memref<!tpu.dma_semaphore, #tpu.memory_space<semaphore_mem>>, %arg20: memref<!tpu.dma_semaphore, #tpu.memory_space<semaphore_mem>>, %arg21: memref<!tpu.dma_semaphore, #tpu.memory_space<semaphore_mem>>) attributes {dimension_semantics = [#tpu.dimension_semantics<core_parallel>, #tpu.dimension_semantics<subcore_parallel>], iteration_bounds = array<i64: 2, 16>, scalar_prefetch = 0 : i64, scratch_operands = 17 : i64, tpu.core_type = #tpu.core_type<sc_vector_subcore>, window_params = [{transform_indices = #map}, {transform_indices = #map}, {transform_indices = #map1}]} {
    %mul3A = arith.constant 632 : i32
    %mul3A_0 = arith.muli %arg1, %mul3A : i32
    %mul3A_1 = arith.constant 13824 : i32
    %mul3A_2 = arith.muli %arg1, %mul3A_1 : i32
    %lt3A = arith.constant 4 : i32
    %lt3A_3 = arith.cmpi slt, %arg1, %lt3A : i32
    %jit3A = arith.constant 1 : i32
    %jit3A_4 = arith.constant 0 : i32
    %select_n3A = arith.select %lt3A_3, %jit3A, %jit3A_4 : i32
    %add3A = arith.constant 48 : i32
    %add3A_5 = arith.addi %add3A, %select_n3A : i32
    %mul3A_6 = arith.constant 48 : i32
    %mul3A_7 = arith.muli %mul3A_6, %arg1 : i32
    %add3A_8 = arith.constant 1728 : i32
    %add3A_9 = arith.addi %add3A_8, %mul3A_7 : i32
    %min3A = arith.constant 4 : i32
    %min3A_10 = arith.minsi %arg1, %min3A : i32
    %add3A_11 = arith.addi %add3A_9, %min3A_10 : i32
    %mul3A_12 = arith.constant 128 : i32
    %mul3A_13 = arith.muli %add3A_11, %mul3A_12 : i32
    %eq3A = arith.constant 0 : i32
    %eq3A_14 = arith.cmpi eq, %arg0, %eq3A : i32
    %convert_element_type3A = arith.extui %eq3A_14 : i1 to i32
    %cond3A = arith.constant 0 : i32
    %cond3A_15 = arith.cmpi ne, %convert_element_type3A, %cond3A : i32
    scf.if %cond3A_15 {
      %add3A_32 = arith.constant 0 : i32
      %add3A_33 = arith.addi %mul3A_2, %add3A_32 : i32
      %multiple_of3A = tpu.assume_multiple %add3A_33, 128 : i32
      %dma_start3A = arith.constant 0 : i32
      %dma_start3A_34 = tpu.memref_slice %arg3[%dma_start3A, %multiple_of3A] : memref<2x320000xi32, #tpu.memory_space<hbm>> -> memref<1x128xi32, #tpu.memory_space<hbm>>
      %dma_start3A_35 = tpu.memref_squeeze %dma_start3A_34 : memref<1x128xi32, #tpu.memory_space<hbm>> -> memref<128xi32, #tpu.memory_space<hbm>>
      %dma_start3A_36 = tpu.memref_slice %arg3[%dma_start3A, %multiple_of3A] : memref<2x320000xi32, #tpu.memory_space<hbm>> -> memref<1x128xi32, #tpu.memory_space<hbm>>
      %dma_start3A_37 = tpu.memref_squeeze %dma_start3A_36 : memref<1x128xi32, #tpu.memory_space<hbm>> -> memref<128xi32, #tpu.memory_space<hbm>>
      tpu.enqueue_dma source(%dma_start3A_37 : memref<128xi32, #tpu.memory_space<hbm>>) target(%arg5 : memref<128xi32, #tpu.memory_space<vmem>>) target_semaphore(%arg16 : memref<!tpu.dma_semaphore, #tpu.memory_space<semaphore_mem>>)
      %dma_start3A_38 = arith.constant 1 : i32
      %dma_start3A_39 = tpu.memref_slice %arg3[%dma_start3A_38, %multiple_of3A] : memref<2x320000xi32, #tpu.memory_space<hbm>> -> memref<1x128xi32, #tpu.memory_space<hbm>>
      %dma_start3A_40 = tpu.memref_squeeze %dma_start3A_39 : memref<1x128xi32, #tpu.memory_space<hbm>> -> memref<128xi32, #tpu.memory_space<hbm>>
      %dma_start3A_41 = tpu.memref_slice %arg3[%dma_start3A_38, %multiple_of3A] : memref<2x320000xi32, #tpu.memory_space<hbm>> -> memref<1x128xi32, #tpu.memory_space<hbm>>
      %dma_start3A_42 = tpu.memref_squeeze %dma_start3A_41 : memref<1x128xi32, #tpu.memory_space<hbm>> -> memref<128xi32, #tpu.memory_space<hbm>>
      tpu.enqueue_dma source(%dma_start3A_42 : memref<128xi32, #tpu.memory_space<hbm>>) target(%arg8 : memref<128xi32, #tpu.memory_space<vmem>>) target_semaphore(%arg16 : memref<!tpu.dma_semaphore, #tpu.memory_space<semaphore_mem>>)
      %add3A_43 = arith.constant 128 : i32
      %add3A_44 = arith.addi %mul3A_2, %add3A_43 : i32
      %multiple_of3A_45 = tpu.assume_multiple %add3A_44, 128 : i32
      %dma_start3A_46 = arith.constant 0 : i32
      %dma_start3A_47 = tpu.memref_slice %arg3[%dma_start3A_46, %multiple_of3A_45] : memref<2x320000xi32, #tpu.memory_space<hbm>> -> memref<1x128xi32, #tpu.memory_space<hbm>>
      %dma_start3A_48 = tpu.memref_squeeze %dma_start3A_47 : memref<1x128xi32, #tpu.memory_space<hbm>> -> memref<128xi32, #tpu.memory_space<hbm>>
      %dma_start3A_49 = tpu.memref_slice %arg3[%dma_start3A_46, %multiple_of3A_45] : memref<2x320000xi32, #tpu.memory_space<hbm>> -> memref<1x128xi32, #tpu.memory_space<hbm>>
      %dma_start3A_50 = tpu.memref_squeeze %dma_start3A_49 : memref<1x128xi32, #tpu.memory_space<hbm>> -> memref<128xi32, #tpu.memory_space<hbm>>
      tpu.enqueue_dma source(%dma_start3A_50 : memref<128xi32, #tpu.memory_space<hbm>>) target(%arg6 : memref<128xi32, #tpu.memory_space<vmem>>) target_semaphore(%arg17 : memref<!tpu.dma_semaphore, #tpu.memory_space<semaphore_mem>>)
      %dma_start3A_51 = arith.constant 1 : i32
      %dma_start3A_52 = tpu.memref_slice %arg3[%dma_start3A_51, %multiple_of3A_45] : memref<2x320000xi32, #tpu.memory_space<hbm>> -> memref<1x128xi32, #tpu.memory_space<hbm>>
      %dma_start3A_53 = tpu.memref_squeeze %dma_start3A_52 : memref<1x128xi32, #tpu.memory_space<hbm>> -> memref<128xi32, #tpu.memory_space<hbm>>
      %dma_start3A_54 = tpu.memref_slice %arg3[%dma_start3A_51, %multiple_of3A_45] : memref<2x320000xi32, #tpu.memory_space<hbm>> -> memref<1x128xi32, #tpu.memory_space<hbm>>
      %dma_start3A_55 = tpu.memref_squeeze %dma_start3A_54 : memref<1x128xi32, #tpu.memory_space<hbm>> -> memref<128xi32, #tpu.memory_space<hbm>>
      tpu.enqueue_dma source(%dma_start3A_55 : memref<128xi32, #tpu.memory_space<hbm>>) target(%arg9 : memref<128xi32, #tpu.memory_space<vmem>>) target_semaphore(%arg17 : memref<!tpu.dma_semaphore, #tpu.memory_space<semaphore_mem>>)
      %add3A_56 = arith.constant 256 : i32
      %add3A_57 = arith.addi %mul3A_2, %add3A_56 : i32
      %multiple_of3A_58 = tpu.assume_multiple %add3A_57, 128 : i32
      %dma_start3A_59 = arith.constant 0 : i32
      %dma_start3A_60 = tpu.memref_slice %arg3[%dma_start3A_59, %multiple_of3A_58] : memref<2x320000xi32, #tpu.memory_space<hbm>> -> memref<1x128xi32, #tpu.memory_space<hbm>>
      %dma_start3A_61 = tpu.memref_squeeze %dma_start3A_60 : memref<1x128xi32, #tpu.memory_space<hbm>> -> memref<128xi32, #tpu.memory_space<hbm>>
      %dma_start3A_62 = tpu.memref_slice %arg3[%dma_start3A_59, %multiple_of3A_58] : memref<2x320000xi32, #tpu.memory_space<hbm>> -> memref<1x128xi32, #tpu.memory_space<hbm>>
      %dma_start3A_63 = tpu.memref_squeeze %dma_start3A_62 : memref<1x128xi32, #tpu.memory_space<hbm>> -> memref<128xi32, #tpu.memory_space<hbm>>
      tpu.enqueue_dma source(%dma_start3A_63 : memref<128xi32, #tpu.memory_space<hbm>>) target(%arg7 : memref<128xi32, #tpu.memory_space<vmem>>) target_semaphore(%arg18 : memref<!tpu.dma_semaphore, #tpu.memory_space<semaphore_mem>>)
      %dma_start3A_64 = arith.constant 1 : i32
      %dma_start3A_65 = tpu.memref_slice %arg3[%dma_start3A_64, %multiple_of3A_58] : memref<2x320000xi32, #tpu.memory_space<hbm>> -> memref<1x128xi32, #tpu.memory_space<hbm>>
      %dma_start3A_66 = tpu.memref_squeeze %dma_start3A_65 : memref<1x128xi32, #tpu.memory_space<hbm>> -> memref<128xi32, #tpu.memory_space<hbm>>
      %dma_start3A_67 = tpu.memref_slice %arg3[%dma_start3A_64, %multiple_of3A_58] : memref<2x320000xi32, #tpu.memory_space<hbm>> -> memref<1x128xi32, #tpu.memory_space<hbm>>
      %dma_start3A_68 = tpu.memref_squeeze %dma_start3A_67 : memref<1x128xi32, #tpu.memory_space<hbm>> -> memref<128xi32, #tpu.memory_space<hbm>>
      tpu.enqueue_dma source(%dma_start3A_68 : memref<128xi32, #tpu.memory_space<hbm>>) target(%arg10 : memref<128xi32, #tpu.memory_space<vmem>>) target_semaphore(%arg18 : memref<!tpu.dma_semaphore, #tpu.memory_space<semaphore_mem>>)
      %eq3A_69 = arith.constant 0 : i32
      %eq3A_70 = arith.cmpi eq, %arg1, %eq3A_69 : i32
      %convert_element_type3A_71 = arith.extui %eq3A_70 : i1 to i32
      %cond3A_72 = arith.constant 0 : i32
      %cond3A_73 = arith.cmpi ne, %convert_element_type3A_71, %cond3A_72 : i32
      scf.if %cond3A_73 {
        %dma_start3A_149 = arith.constant 0 : i32
        %dma_start3A_150 = arith.constant 0 : i32
        %dma_start3A_151 = tpu.memref_slice %arg15[%dma_start3A_149, %dma_start3A_150] : memref<10112x128xf32, #tpu.memory_space<vmem_shared>> -> memref<632x128xf32, #tpu.memory_space<vmem_shared>>
        %dma_start3A_152 = arith.constant 0 : i32
        %dma_start3A_153 = arith.constant 0 : i32
        %dma_start3A_154 = tpu.memref_slice %arg2[%dma_start3A_152, %dma_start3A_153] : memref<10000x128xf32, #tpu.memory_space<hbm>> -> memref<632x128xf32, #tpu.memory_space<hbm>>
        tpu.enqueue_dma source(%dma_start3A_154 : memref<632x128xf32, #tpu.memory_space<hbm>>) target(%dma_start3A_151 : memref<632x128xf32, #tpu.memory_space<vmem_shared>>) target_semaphore(%arg21 : memref<!tpu.dma_semaphore, #tpu.memory_space<semaphore_mem>>)
        %dma_wait3A = arith.constant 0 : i32
        %dma_wait3A_155 = arith.constant 0 : i32
        %dma_wait3A_156 = tpu.memref_slice %arg15[%dma_wait3A, %dma_wait3A_155] : memref<10112x128xf32, #tpu.memory_space<vmem_shared>> -> memref<632x128xf32, #tpu.memory_space<vmem_shared>>
        %dma_wait3A_157 = arith.constant 0 : i32
        %dma_wait3A_158 = arith.constant 0 : i32
        %dma_wait3A_159 = tpu.memref_slice %arg2[%dma_wait3A_157, %dma_wait3A_158] : memref<10000x128xf32, #tpu.memory_space<hbm>> -> memref<632x128xf32, #tpu.memory_space<hbm>>
        tpu.wait_dma2 semaphore(%arg21 : memref<!tpu.dma_semaphore, #tpu.memory_space<semaphore_mem>>) src(%dma_wait3A_159 : memref<632x128xf32, #tpu.memory_space<hbm>>) dst(%dma_wait3A_156 : memref<632x128xf32, #tpu.memory_space<vmem_shared>>)
      } else {
      }
      %eq3A_74 = arith.constant 1 : i32
      %eq3A_75 = arith.cmpi eq, %arg1, %eq3A_74 : i32
      %convert_element_type3A_76 = arith.extui %eq3A_75 : i1 to i32
      %cond3A_77 = arith.constant 0 : i32
      %cond3A_78 = arith.cmpi ne, %convert_element_type3A_76, %cond3A_77 : i32
      scf.if %cond3A_78 {
        %dma_start3A_149 = arith.constant 632 : i32
        %dma_start3A_150 = arith.constant 0 : i32
        %dma_start3A_151 = tpu.memref_slice %arg15[%dma_start3A_149, %dma_start3A_150] : memref<10112x128xf32, #tpu.memory_space<vmem_shared>> -> memref<632x128xf32, #tpu.memory_space<vmem_shared>>
        %dma_start3A_152 = arith.constant 632 : i32
        %dma_start3A_153 = arith.constant 0 : i32
        %dma_start3A_154 = tpu.memref_slice %arg2[%dma_start3A_152, %dma_start3A_153] : memref<10000x128xf32, #tpu.memory_space<hbm>> -> memref<632x128xf32, #tpu.memory_space<hbm>>
        tpu.enqueue_dma source(%dma_start3A_154 : memref<632x128xf32, #tpu.memory_space<hbm>>) target(%dma_start3A_151 : memref<632x128xf32, #tpu.memory_space<vmem_shared>>) target_semaphore(%arg21 : memref<!tpu.dma_semaphore, #tpu.memory_space<semaphore_mem>>)
        %dma_wait3A = arith.constant 632 : i32
        %dma_wait3A_155 = arith.constant 0 : i32
        %dma_wait3A_156 = tpu.memref_slice %arg15[%dma_wait3A, %dma_wait3A_155] : memref<10112x128xf32, #tpu.memory_space<vmem_shared>> -> memref<632x128xf32, #tpu.memory_space<vmem_shared>>
        %dma_wait3A_157 = arith.constant 632 : i32
        %dma_wait3A_158 = arith.constant 0 : i32
        %dma_wait3A_159 = tpu.memref_slice %arg2[%dma_wait3A_157, %dma_wait3A_158] : memref<10000x128xf32, #tpu.memory_space<hbm>> -> memref<632x128xf32, #tpu.memory_space<hbm>>
        tpu.wait_dma2 semaphore(%arg21 : memref<!tpu.dma_semaphore, #tpu.memory_space<semaphore_mem>>) src(%dma_wait3A_159 : memref<632x128xf32, #tpu.memory_space<hbm>>) dst(%dma_wait3A_156 : memref<632x128xf32, #tpu.memory_space<vmem_shared>>)
      } else {
      }
      %eq3A_79 = arith.constant 2 : i32
      %eq3A_80 = arith.cmpi eq, %arg1, %eq3A_79 : i32
      %convert_element_type3A_81 = arith.extui %eq3A_80 : i1 to i32
      %cond3A_82 = arith.constant 0 : i32
      %cond3A_83 = arith.cmpi ne, %convert_element_type3A_81, %cond3A_82 : i32
      scf.if %cond3A_83 {
        %dma_start3A_149 = arith.constant 1264 : i32
        %dma_start3A_150 = arith.constant 0 : i32
        %dma_start3A_151 = tpu.memref_slice %arg15[%dma_start3A_149, %dma_start3A_150] : memref<10112x128xf32, #tpu.memory_space<vmem_shared>> -> memref<632x128xf32, #tpu.memory_space<vmem_shared>>
        %dma_start3A_152 = arith.constant 1264 : i32
        %dma_start3A_153 = arith.constant 0 : i32
        %dma_start3A_154 = tpu.memref_slice %arg2[%dma_start3A_152, %dma_start3A_153] : memref<10000x128xf32, #tpu.memory_space<hbm>> -> memref<632x128xf32, #tpu.memory_space<hbm>>
        tpu.enqueue_dma source(%dma_start3A_154 : memref<632x128xf32, #tpu.memory_space<hbm>>) target(%dma_start3A_151 : memref<632x128xf32, #tpu.memory_space<vmem_shared>>) target_semaphore(%arg21 : memref<!tpu.dma_semaphore, #tpu.memory_space<semaphore_mem>>)
        %dma_wait3A = arith.constant 1264 : i32
        %dma_wait3A_155 = arith.constant 0 : i32
        %dma_wait3A_156 = tpu.memref_slice %arg15[%dma_wait3A, %dma_wait3A_155] : memref<10112x128xf32, #tpu.memory_space<vmem_shared>> -> memref<632x128xf32, #tpu.memory_space<vmem_shared>>
        %dma_wait3A_157 = arith.constant 1264 : i32
        %dma_wait3A_158 = arith.constant 0 : i32
        %dma_wait3A_159 = tpu.memref_slice %arg2[%dma_wait3A_157, %dma_wait3A_158] : memref<10000x128xf32, #tpu.memory_space<hbm>> -> memref<632x128xf32, #tpu.memory_space<hbm>>
        tpu.wait_dma2 semaphore(%arg21 : memref<!tpu.dma_semaphore, #tpu.memory_space<semaphore_mem>>) src(%dma_wait3A_159 : memref<632x128xf32, #tpu.memory_space<hbm>>) dst(%dma_wait3A_156 : memref<632x128xf32, #tpu.memory_space<vmem_shared>>)
      } else {
      }
      %eq3A_84 = arith.constant 3 : i32
      %eq3A_85 = arith.cmpi eq, %arg1, %eq3A_84 : i32
      %convert_element_type3A_86 = arith.extui %eq3A_85 : i1 to i32
      %cond3A_87 = arith.constant 0 : i32
      %cond3A_88 = arith.cmpi ne, %convert_element_type3A_86, %cond3A_87 : i32
      scf.if %cond3A_88 {
        %dma_start3A_149 = arith.constant 1896 : i32
        %dma_start3A_150 = arith.constant 0 : i32
        %dma_start3A_151 = tpu.memref_slice %arg15[%dma_start3A_149, %dma_start3A_150] : memref<10112x128xf32, #tpu.memory_space<vmem_shared>> -> memref<632x128xf32, #tpu.memory_space<vmem_shared>>
        %dma_start3A_152 = arith.constant 1896 : i32
        %dma_start3A_153 = arith.constant 0 : i32
        %dma_start3A_154 = tpu.memref_slice %arg2[%dma_start3A_152, %dma_start3A_153] : memref<10000x128xf32, #tpu.memory_space<hbm>> -> memref<632x128xf32, #tpu.memory_space<hbm>>
        tpu.enqueue_dma source(%dma_start3A_154 : memref<632x128xf32, #tpu.memory_space<hbm>>) target(%dma_start3A_151 : memref<632x128xf32, #tpu.memory_space<vmem_shared>>) target_semaphore(%arg21 : memref<!tpu.dma_semaphore, #tpu.memory_space<semaphore_mem>>)
        %dma_wait3A = arith.constant 1896 : i32
        %dma_wait3A_155 = arith.constant 0 : i32
        %dma_wait3A_156 = tpu.memref_slice %arg15[%dma_wait3A, %dma_wait3A_155] : memref<10112x128xf32, #tpu.memory_space<vmem_shared>> -> memref<632x128xf32, #tpu.memory_space<vmem_shared>>
        %dma_wait3A_157 = arith.constant 1896 : i32
        %dma_wait3A_158 = arith.constant 0 : i32
        %dma_wait3A_159 = tpu.memref_slice %arg2[%dma_wait3A_157, %dma_wait3A_158] : memref<10000x128xf32, #tpu.memory_space<hbm>> -> memref<632x128xf32, #tpu.memory_space<hbm>>
        tpu.wait_dma2 semaphore(%arg21 : memref<!tpu.dma_semaphore, #tpu.memory_space<semaphore_mem>>) src(%dma_wait3A_159 : memref<632x128xf32, #tpu.memory_space<hbm>>) dst(%dma_wait3A_156 : memref<632x128xf32, #tpu.memory_space<vmem_shared>>)
      } else {
      }
      %eq3A_89 = arith.constant 4 : i32
      %eq3A_90 = arith.cmpi eq, %arg1, %eq3A_89 : i32
      %convert_element_type3A_91 = arith.extui %eq3A_90 : i1 to i32
      %cond3A_92 = arith.constant 0 : i32
      %cond3A_93 = arith.cmpi ne, %convert_element_type3A_91, %cond3A_92 : i32
      scf.if %cond3A_93 {
        %dma_start3A_149 = arith.constant 2528 : i32
        %dma_start3A_150 = arith.constant 0 : i32
        %dma_start3A_151 = tpu.memref_slice %arg15[%dma_start3A_149, %dma_start3A_150] : memref<10112x128xf32, #tpu.memory_space<vmem_shared>> -> memref<632x128xf32, #tpu.memory_space<vmem_shared>>
        %dma_start3A_152 = arith.constant 2528 : i32
        %dma_start3A_153 = arith.constant 0 : i32
        %dma_start3A_154 = tpu.memref_slice %arg2[%dma_start3A_152, %dma_start3A_153] : memref<10000x128xf32, #tpu.memory_space<hbm>> -> memref<632x128xf32, #tpu.memory_space<hbm>>
        tpu.enqueue_dma source(%dma_start3A_154 : memref<632x128xf32, #tpu.memory_space<hbm>>) target(%dma_start3A_151 : memref<632x128xf32, #tpu.memory_space<vmem_shared>>) target_semaphore(%arg21 : memref<!tpu.dma_semaphore, #tpu.memory_space<semaphore_mem>>)
        %dma_wait3A = arith.constant 2528 : i32
        %dma_wait3A_155 = arith.constant 0 : i32
        %dma_wait3A_156 = tpu.memref_slice %arg15[%dma_wait3A, %dma_wait3A_155] : memref<10112x128xf32, #tpu.memory_space<vmem_shared>> -> memref<632x128xf32, #tpu.memory_space<vmem_shared>>
        %dma_wait3A_157 = arith.constant 2528 : i32
        %dma_wait3A_158 = arith.constant 0 : i32
        %dma_wait3A_159 = tpu.memref_slice %arg2[%dma_wait3A_157, %dma_wait3A_158] : memref<10000x128xf32, #tpu.memory_space<hbm>> -> memref<632x128xf32, #tpu.memory_space<hbm>>
        tpu.wait_dma2 semaphore(%arg21 : memref<!tpu.dma_semaphore, #tpu.memory_space<semaphore_mem>>) src(%dma_wait3A_159 : memref<632x128xf32, #tpu.memory_space<hbm>>) dst(%dma_wait3A_156 : memref<632x128xf32, #tpu.memory_space<vmem_shared>>)
      } else {
      }
      %eq3A_94 = arith.constant 5 : i32
      %eq3A_95 = arith.cmpi eq, %arg1, %eq3A_94 : i32
      %convert_element_type3A_96 = arith.extui %eq3A_95 : i1 to i32
      %cond3A_97 = arith.constant 0 : i32
      %cond3A_98 = arith.cmpi ne, %convert_element_type3A_96, %cond3A_97 : i32
      scf.if %cond3A_98 {
        %dma_start3A_149 = arith.constant 3160 : i32
        %dma_start3A_150 = arith.constant 0 : i32
        %dma_start3A_151 = tpu.memref_slice %arg15[%dma_start3A_149, %dma_start3A_150] : memref<10112x128xf32, #tpu.memory_space<vmem_shared>> -> memref<632x128xf32, #tpu.memory_space<vmem_shared>>
        %dma_start3A_152 = arith.constant 3160 : i32
        %dma_start3A_153 = arith.constant 0 : i32
        %dma_start3A_154 = tpu.memref_slice %arg2[%dma_start3A_152, %dma_start3A_153] : memref<10000x128xf32, #tpu.memory_space<hbm>> -> memref<632x128xf32, #tpu.memory_space<hbm>>
        tpu.enqueue_dma source(%dma_start3A_154 : memref<632x128xf32, #tpu.memory_space<hbm>>) target(%dma_start3A_151 : memref<632x128xf32, #tpu.memory_space<vmem_shared>>) target_semaphore(%arg21 : memref<!tpu.dma_semaphore, #tpu.memory_space<semaphore_mem>>)
        %dma_wait3A = arith.constant 3160 : i32
        %dma_wait3A_155 = arith.constant 0 : i32
        %dma_wait3A_156 = tpu.memref_slice %arg15[%dma_wait3A, %dma_wait3A_155] : memref<10112x128xf32, #tpu.memory_space<vmem_shared>> -> memref<632x128xf32, #tpu.memory_space<vmem_shared>>
        %dma_wait3A_157 = arith.constant 3160 : i32
        %dma_wait3A_158 = arith.constant 0 : i32
        %dma_wait3A_159 = tpu.memref_slice %arg2[%dma_wait3A_157, %dma_wait3A_158] : memref<10000x128xf32, #tpu.memory_space<hbm>> -> memref<632x128xf32, #tpu.memory_space<hbm>>
        tpu.wait_dma2 semaphore(%arg21 : memref<!tpu.dma_semaphore, #tpu.memory_space<semaphore_mem>>) src(%dma_wait3A_159 : memref<632x128xf32, #tpu.memory_space<hbm>>) dst(%dma_wait3A_156 : memref<632x128xf32, #tpu.memory_space<vmem_shared>>)
      } else {
      }
      %eq3A_99 = arith.constant 6 : i32
      %eq3A_100 = arith.cmpi eq, %arg1, %eq3A_99 : i32
      %convert_element_type3A_101 = arith.extui %eq3A_100 : i1 to i32
      %cond3A_102 = arith.constant 0 : i32
      %cond3A_103 = arith.cmpi ne, %convert_element_type3A_101, %cond3A_102 : i32
      scf.if %cond3A_103 {
        %dma_start3A_149 = arith.constant 3792 : i32
        %dma_start3A_150 = arith.constant 0 : i32
        %dma_start3A_151 = tpu.memref_slice %arg15[%dma_start3A_149, %dma_start3A_150] : memref<10112x128xf32, #tpu.memory_space<vmem_shared>> -> memref<632x128xf32, #tpu.memory_space<vmem_shared>>
        %dma_start3A_152 = arith.constant 3792 : i32
        %dma_start3A_153 = arith.constant 0 : i32
        %dma_start3A_154 = tpu.memref_slice %arg2[%dma_start3A_152, %dma_start3A_153] : memref<10000x128xf32, #tpu.memory_space<hbm>> -> memref<632x128xf32, #tpu.memory_space<hbm>>
        tpu.enqueue_dma source(%dma_start3A_154 : memref<632x128xf32, #tpu.memory_space<hbm>>) target(%dma_start3A_151 : memref<632x128xf32, #tpu.memory_space<vmem_shared>>) target_semaphore(%arg21 : memref<!tpu.dma_semaphore, #tpu.memory_space<semaphore_mem>>)
        %dma_wait3A = arith.constant 3792 : i32
        %dma_wait3A_155 = arith.constant 0 : i32
        %dma_wait3A_156 = tpu.memref_slice %arg15[%dma_wait3A, %dma_wait3A_155] : memref<10112x128xf32, #tpu.memory_space<vmem_shared>> -> memref<632x128xf32, #tpu.memory_space<vmem_shared>>
        %dma_wait3A_157 = arith.constant 3792 : i32
        %dma_wait3A_158 = arith.constant 0 : i32
        %dma_wait3A_159 = tpu.memref_slice %arg2[%dma_wait3A_157, %dma_wait3A_158] : memref<10000x128xf32, #tpu.memory_space<hbm>> -> memref<632x128xf32, #tpu.memory_space<hbm>>
        tpu.wait_dma2 semaphore(%arg21 : memref<!tpu.dma_semaphore, #tpu.memory_space<semaphore_mem>>) src(%dma_wait3A_159 : memref<632x128xf32, #tpu.memory_space<hbm>>) dst(%dma_wait3A_156 : memref<632x128xf32, #tpu.memory_space<vmem_shared>>)
      } else {
      }
      %eq3A_104 = arith.constant 7 : i32
      %eq3A_105 = arith.cmpi eq, %arg1, %eq3A_104 : i32
      %convert_element_type3A_106 = arith.extui %eq3A_105 : i1 to i32
      %cond3A_107 = arith.constant 0 : i32
      %cond3A_108 = arith.cmpi ne, %convert_element_type3A_106, %cond3A_107 : i32
      scf.if %cond3A_108 {
        %dma_start3A_149 = arith.constant 4424 : i32
        %dma_start3A_150 = arith.constant 0 : i32
        %dma_start3A_151 = tpu.memref_slice %arg15[%dma_start3A_149, %dma_start3A_150] : memref<10112x128xf32, #tpu.memory_space<vmem_shared>> -> memref<632x128xf32, #tpu.memory_space<vmem_shared>>
        %dma_start3A_152 = arith.constant 4424 : i32
        %dma_start3A_153 = arith.constant 0 : i32
        %dma_start3A_154 = tpu.memref_slice %arg2[%dma_start3A_152, %dma_start3A_153] : memref<10000x128xf32, #tpu.memory_space<hbm>> -> memref<632x128xf32, #tpu.memory_space<hbm>>
        tpu.enqueue_dma source(%dma_start3A_154 : memref<632x128xf32, #tpu.memory_space<hbm>>) target(%dma_start3A_151 : memref<632x128xf32, #tpu.memory_space<vmem_shared>>) target_semaphore(%arg21 : memref<!tpu.dma_semaphore, #tpu.memory_space<semaphore_mem>>)
        %dma_wait3A = arith.constant 4424 : i32
        %dma_wait3A_155 = arith.constant 0 : i32
        %dma_wait3A_156 = tpu.memref_slice %arg15[%dma_wait3A, %dma_wait3A_155] : memref<10112x128xf32, #tpu.memory_space<vmem_shared>> -> memref<632x128xf32, #tpu.memory_space<vmem_shared>>
        %dma_wait3A_157 = arith.constant 4424 : i32
        %dma_wait3A_158 = arith.constant 0 : i32
        %dma_wait3A_159 = tpu.memref_slice %arg2[%dma_wait3A_157, %dma_wait3A_158] : memref<10000x128xf32, #tpu.memory_space<hbm>> -> memref<632x128xf32, #tpu.memory_space<hbm>>
        tpu.wait_dma2 semaphore(%arg21 : memref<!tpu.dma_semaphore, #tpu.memory_space<semaphore_mem>>) src(%dma_wait3A_159 : memref<632x128xf32, #tpu.memory_space<hbm>>) dst(%dma_wait3A_156 : memref<632x128xf32, #tpu.memory_space<vmem_shared>>)
      } else {
      }
      %eq3A_109 = arith.constant 8 : i32
      %eq3A_110 = arith.cmpi eq, %arg1, %eq3A_109 : i32
      %convert_element_type3A_111 = arith.extui %eq3A_110 : i1 to i32
      %cond3A_112 = arith.constant 0 : i32
      %cond3A_113 = arith.cmpi ne, %convert_element_type3A_111, %cond3A_112 : i32
      scf.if %cond3A_113 {
        %dma_start3A_149 = arith.constant 5056 : i32
        %dma_start3A_150 = arith.constant 0 : i32
        %dma_start3A_151 = tpu.memref_slice %arg15[%dma_start3A_149, %dma_start3A_150] : memref<10112x128xf32, #tpu.memory_space<vmem_shared>> -> memref<632x128xf32, #tpu.memory_space<vmem_shared>>
        %dma_start3A_152 = arith.constant 5056 : i32
        %dma_start3A_153 = arith.constant 0 : i32
        %dma_start3A_154 = tpu.memref_slice %arg2[%dma_start3A_152, %dma_start3A_153] : memref<10000x128xf32, #tpu.memory_space<hbm>> -> memref<632x128xf32, #tpu.memory_space<hbm>>
        tpu.enqueue_dma source(%dma_start3A_154 : memref<632x128xf32, #tpu.memory_space<hbm>>) target(%dma_start3A_151 : memref<632x128xf32, #tpu.memory_space<vmem_shared>>) target_semaphore(%arg21 : memref<!tpu.dma_semaphore, #tpu.memory_space<semaphore_mem>>)
        %dma_wait3A = arith.constant 5056 : i32
        %dma_wait3A_155 = arith.constant 0 : i32
        %dma_wait3A_156 = tpu.memref_slice %arg15[%dma_wait3A, %dma_wait3A_155] : memref<10112x128xf32, #tpu.memory_space<vmem_shared>> -> memref<632x128xf32, #tpu.memory_space<vmem_shared>>
        %dma_wait3A_157 = arith.constant 5056 : i32
        %dma_wait3A_158 = arith.constant 0 : i32
        %dma_wait3A_159 = tpu.memref_slice %arg2[%dma_wait3A_157, %dma_wait3A_158] : memref<10000x128xf32, #tpu.memory_space<hbm>> -> memref<632x128xf32, #tpu.memory_space<hbm>>
        tpu.wait_dma2 semaphore(%arg21 : memref<!tpu.dma_semaphore, #tpu.memory_space<semaphore_mem>>) src(%dma_wait3A_159 : memref<632x128xf32, #tpu.memory_space<hbm>>) dst(%dma_wait3A_156 : memref<632x128xf32, #tpu.memory_space<vmem_shared>>)
      } else {
      }
      %eq3A_114 = arith.constant 9 : i32
      %eq3A_115 = arith.cmpi eq, %arg1, %eq3A_114 : i32
      %convert_element_type3A_116 = arith.extui %eq3A_115 : i1 to i32
      %cond3A_117 = arith.constant 0 : i32
      %cond3A_118 = arith.cmpi ne, %convert_element_type3A_116, %cond3A_117 : i32
      scf.if %cond3A_118 {
        %dma_start3A_149 = arith.constant 5688 : i32
        %dma_start3A_150 = arith.constant 0 : i32
        %dma_start3A_151 = tpu.memref_slice %arg15[%dma_start3A_149, %dma_start3A_150] : memref<10112x128xf32, #tpu.memory_space<vmem_shared>> -> memref<632x128xf32, #tpu.memory_space<vmem_shared>>
        %dma_start3A_152 = arith.constant 5688 : i32
        %dma_start3A_153 = arith.constant 0 : i32
        %dma_start3A_154 = tpu.memref_slice %arg2[%dma_start3A_152, %dma_start3A_153] : memref<10000x128xf32, #tpu.memory_space<hbm>> -> memref<632x128xf32, #tpu.memory_space<hbm>>
        tpu.enqueue_dma source(%dma_start3A_154 : memref<632x128xf32, #tpu.memory_space<hbm>>) target(%dma_start3A_151 : memref<632x128xf32, #tpu.memory_space<vmem_shared>>) target_semaphore(%arg21 : memref<!tpu.dma_semaphore, #tpu.memory_space<semaphore_mem>>)
        %dma_wait3A = arith.constant 5688 : i32
        %dma_wait3A_155 = arith.constant 0 : i32
        %dma_wait3A_156 = tpu.memref_slice %arg15[%dma_wait3A, %dma_wait3A_155] : memref<10112x128xf32, #tpu.memory_space<vmem_shared>> -> memref<632x128xf32, #tpu.memory_space<vmem_shared>>
        %dma_wait3A_157 = arith.constant 5688 : i32
        %dma_wait3A_158 = arith.constant 0 : i32
        %dma_wait3A_159 = tpu.memref_slice %arg2[%dma_wait3A_157, %dma_wait3A_158] : memref<10000x128xf32, #tpu.memory_space<hbm>> -> memref<632x128xf32, #tpu.memory_space<hbm>>
        tpu.wait_dma2 semaphore(%arg21 : memref<!tpu.dma_semaphore, #tpu.memory_space<semaphore_mem>>) src(%dma_wait3A_159 : memref<632x128xf32, #tpu.memory_space<hbm>>) dst(%dma_wait3A_156 : memref<632x128xf32, #tpu.memory_space<vmem_shared>>)
      } else {
      }
      %eq3A_119 = arith.constant 10 : i32
      %eq3A_120 = arith.cmpi eq, %arg1, %eq3A_119 : i32
      %convert_element_type3A_121 = arith.extui %eq3A_120 : i1 to i32
      %cond3A_122 = arith.constant 0 : i32
      %cond3A_123 = arith.cmpi ne, %convert_element_type3A_121, %cond3A_122 : i32
      scf.if %cond3A_123 {
        %dma_start3A_149 = arith.constant 6320 : i32
        %dma_start3A_150 = arith.constant 0 : i32
        %dma_start3A_151 = tpu.memref_slice %arg15[%dma_start3A_149, %dma_start3A_150] : memref<10112x128xf32, #tpu.memory_space<vmem_shared>> -> memref<632x128xf32, #tpu.memory_space<vmem_shared>>
        %dma_start3A_152 = arith.constant 6320 : i32
        %dma_start3A_153 = arith.constant 0 : i32
        %dma_start3A_154 = tpu.memref_slice %arg2[%dma_start3A_152, %dma_start3A_153] : memref<10000x128xf32, #tpu.memory_space<hbm>> -> memref<632x128xf32, #tpu.memory_space<hbm>>
        tpu.enqueue_dma source(%dma_start3A_154 : memref<632x128xf32, #tpu.memory_space<hbm>>) target(%dma_start3A_151 : memref<632x128xf32, #tpu.memory_space<vmem_shared>>) target_semaphore(%arg21 : memref<!tpu.dma_semaphore, #tpu.memory_space<semaphore_mem>>)
        %dma_wait3A = arith.constant 6320 : i32
        %dma_wait3A_155 = arith.constant 0 : i32
        %dma_wait3A_156 = tpu.memref_slice %arg15[%dma_wait3A, %dma_wait3A_155] : memref<10112x128xf32, #tpu.memory_space<vmem_shared>> -> memref<632x128xf32, #tpu.memory_space<vmem_shared>>
        %dma_wait3A_157 = arith.constant 6320 : i32
        %dma_wait3A_158 = arith.constant 0 : i32
        %dma_wait3A_159 = tpu.memref_slice %arg2[%dma_wait3A_157, %dma_wait3A_158] : memref<10000x128xf32, #tpu.memory_space<hbm>> -> memref<632x128xf32, #tpu.memory_space<hbm>>
        tpu.wait_dma2 semaphore(%arg21 : memref<!tpu.dma_semaphore, #tpu.memory_space<semaphore_mem>>) src(%dma_wait3A_159 : memref<632x128xf32, #tpu.memory_space<hbm>>) dst(%dma_wait3A_156 : memref<632x128xf32, #tpu.memory_space<vmem_shared>>)
      } else {
      }
      %eq3A_124 = arith.constant 11 : i32
      %eq3A_125 = arith.cmpi eq, %arg1, %eq3A_124 : i32
      %convert_element_type3A_126 = arith.extui %eq3A_125 : i1 to i32
      %cond3A_127 = arith.constant 0 : i32
      %cond3A_128 = arith.cmpi ne, %convert_element_type3A_126, %cond3A_127 : i32
      scf.if %cond3A_128 {
        %dma_start3A_149 = arith.constant 6952 : i32
        %dma_start3A_150 = arith.constant 0 : i32
        %dma_start3A_151 = tpu.memref_slice %arg15[%dma_start3A_149, %dma_start3A_150] : memref<10112x128xf32, #tpu.memory_space<vmem_shared>> -> memref<632x128xf32, #tpu.memory_space<vmem_shared>>
        %dma_start3A_152 = arith.constant 6952 : i32
        %dma_start3A_153 = arith.constant 0 : i32
        %dma_start3A_154 = tpu.memref_slice %arg2[%dma_start3A_152, %dma_start3A_153] : memref<10000x128xf32, #tpu.memory_space<hbm>> -> memref<632x128xf32, #tpu.memory_space<hbm>>
        tpu.enqueue_dma source(%dma_start3A_154 : memref<632x128xf32, #tpu.memory_space<hbm>>) target(%dma_start3A_151 : memref<632x128xf32, #tpu.memory_space<vmem_shared>>) target_semaphore(%arg21 : memref<!tpu.dma_semaphore, #tpu.memory_space<semaphore_mem>>)
        %dma_wait3A = arith.constant 6952 : i32
        %dma_wait3A_155 = arith.constant 0 : i32
        %dma_wait3A_156 = tpu.memref_slice %arg15[%dma_wait3A, %dma_wait3A_155] : memref<10112x128xf32, #tpu.memory_space<vmem_shared>> -> memref<632x128xf32, #tpu.memory_space<vmem_shared>>
        %dma_wait3A_157 = arith.constant 6952 : i32
        %dma_wait3A_158 = arith.constant 0 : i32
        %dma_wait3A_159 = tpu.memref_slice %arg2[%dma_wait3A_157, %dma_wait3A_158] : memref<10000x128xf32, #tpu.memory_space<hbm>> -> memref<632x128xf32, #tpu.memory_space<hbm>>
        tpu.wait_dma2 semaphore(%arg21 : memref<!tpu.dma_semaphore, #tpu.memory_space<semaphore_mem>>) src(%dma_wait3A_159 : memref<632x128xf32, #tpu.memory_space<hbm>>) dst(%dma_wait3A_156 : memref<632x128xf32, #tpu.memory_space<vmem_shared>>)
      } else {
      }
      %eq3A_129 = arith.constant 12 : i32
      %eq3A_130 = arith.cmpi eq, %arg1, %eq3A_129 : i32
      %convert_element_type3A_131 = arith.extui %eq3A_130 : i1 to i32
      %cond3A_132 = arith.constant 0 : i32
      %cond3A_133 = arith.cmpi ne, %convert_element_type3A_131, %cond3A_132 : i32
      scf.if %cond3A_133 {
        %dma_start3A_149 = arith.constant 7584 : i32
        %dma_start3A_150 = arith.constant 0 : i32
        %dma_start3A_151 = tpu.memref_slice %arg15[%dma_start3A_149, %dma_start3A_150] : memref<10112x128xf32, #tpu.memory_space<vmem_shared>> -> memref<632x128xf32, #tpu.memory_space<vmem_shared>>
        %dma_start3A_152 = arith.constant 7584 : i32
        %dma_start3A_153 = arith.constant 0 : i32
        %dma_start3A_154 = tpu.memref_slice %arg2[%dma_start3A_152, %dma_start3A_153] : memref<10000x128xf32, #tpu.memory_space<hbm>> -> memref<632x128xf32, #tpu.memory_space<hbm>>
        tpu.enqueue_dma source(%dma_start3A_154 : memref<632x128xf32, #tpu.memory_space<hbm>>) target(%dma_start3A_151 : memref<632x128xf32, #tpu.memory_space<vmem_shared>>) target_semaphore(%arg21 : memref<!tpu.dma_semaphore, #tpu.memory_space<semaphore_mem>>)
        %dma_wait3A = arith.constant 7584 : i32
        %dma_wait3A_155 = arith.constant 0 : i32
        %dma_wait3A_156 = tpu.memref_slice %arg15[%dma_wait3A, %dma_wait3A_155] : memref<10112x128xf32, #tpu.memory_space<vmem_shared>> -> memref<632x128xf32, #tpu.memory_space<vmem_shared>>
        %dma_wait3A_157 = arith.constant 7584 : i32
        %dma_wait3A_158 = arith.constant 0 : i32
        %dma_wait3A_159 = tpu.memref_slice %arg2[%dma_wait3A_157, %dma_wait3A_158] : memref<10000x128xf32, #tpu.memory_space<hbm>> -> memref<632x128xf32, #tpu.memory_space<hbm>>
        tpu.wait_dma2 semaphore(%arg21 : memref<!tpu.dma_semaphore, #tpu.memory_space<semaphore_mem>>) src(%dma_wait3A_159 : memref<632x128xf32, #tpu.memory_space<hbm>>) dst(%dma_wait3A_156 : memref<632x128xf32, #tpu.memory_space<vmem_shared>>)
      } else {
      }
      %eq3A_134 = arith.constant 13 : i32
      %eq3A_135 = arith.cmpi eq, %arg1, %eq3A_134 : i32
      %convert_element_type3A_136 = arith.extui %eq3A_135 : i1 to i32
      %cond3A_137 = arith.constant 0 : i32
      %cond3A_138 = arith.cmpi ne, %convert_element_type3A_136, %cond3A_137 : i32
      scf.if %cond3A_138 {
        %dma_start3A_149 = arith.constant 8216 : i32
        %dma_start3A_150 = arith.constant 0 : i32
        %dma_start3A_151 = tpu.memref_slice %arg15[%dma_start3A_149, %dma_start3A_150] : memref<10112x128xf32, #tpu.memory_space<vmem_shared>> -> memref<632x128xf32, #tpu.memory_space<vmem_shared>>
        %dma_start3A_152 = arith.constant 8216 : i32
        %dma_start3A_153 = arith.constant 0 : i32
        %dma_start3A_154 = tpu.memref_slice %arg2[%dma_start3A_152, %dma_start3A_153] : memref<10000x128xf32, #tpu.memory_space<hbm>> -> memref<632x128xf32, #tpu.memory_space<hbm>>
        tpu.enqueue_dma source(%dma_start3A_154 : memref<632x128xf32, #tpu.memory_space<hbm>>) target(%dma_start3A_151 : memref<632x128xf32, #tpu.memory_space<vmem_shared>>) target_semaphore(%arg21 : memref<!tpu.dma_semaphore, #tpu.memory_space<semaphore_mem>>)
        %dma_wait3A = arith.constant 8216 : i32
        %dma_wait3A_155 = arith.constant 0 : i32
        %dma_wait3A_156 = tpu.memref_slice %arg15[%dma_wait3A, %dma_wait3A_155] : memref<10112x128xf32, #tpu.memory_space<vmem_shared>> -> memref<632x128xf32, #tpu.memory_space<vmem_shared>>
        %dma_wait3A_157 = arith.constant 8216 : i32
        %dma_wait3A_158 = arith.constant 0 : i32
        %dma_wait3A_159 = tpu.memref_slice %arg2[%dma_wait3A_157, %dma_wait3A_158] : memref<10000x128xf32, #tpu.memory_space<hbm>> -> memref<632x128xf32, #tpu.memory_space<hbm>>
        tpu.wait_dma2 semaphore(%arg21 : memref<!tpu.dma_semaphore, #tpu.memory_space<semaphore_mem>>) src(%dma_wait3A_159 : memref<632x128xf32, #tpu.memory_space<hbm>>) dst(%dma_wait3A_156 : memref<632x128xf32, #tpu.memory_space<vmem_shared>>)
      } else {
      }
      %eq3A_139 = arith.constant 14 : i32
      %eq3A_140 = arith.cmpi eq, %arg1, %eq3A_139 : i32
      %convert_element_type3A_141 = arith.extui %eq3A_140 : i1 to i32
      %cond3A_142 = arith.constant 0 : i32
      %cond3A_143 = arith.cmpi ne, %convert_element_type3A_141, %cond3A_142 : i32
      scf.if %cond3A_143 {
        %dma_start3A_149 = arith.constant 8848 : i32
        %dma_start3A_150 = arith.constant 0 : i32
        %dma_start3A_151 = tpu.memref_slice %arg15[%dma_start3A_149, %dma_start3A_150] : memref<10112x128xf32, #tpu.memory_space<vmem_shared>> -> memref<632x128xf32, #tpu.memory_space<vmem_shared>>
        %dma_start3A_152 = arith.constant 8848 : i32
        %dma_start3A_153 = arith.constant 0 : i32
        %dma_start3A_154 = tpu.memref_slice %arg2[%dma_start3A_152, %dma_start3A_153] : memref<10000x128xf32, #tpu.memory_space<hbm>> -> memref<632x128xf32, #tpu.memory_space<hbm>>
        tpu.enqueue_dma source(%dma_start3A_154 : memref<632x128xf32, #tpu.memory_space<hbm>>) target(%dma_start3A_151 : memref<632x128xf32, #tpu.memory_space<vmem_shared>>) target_semaphore(%arg21 : memref<!tpu.dma_semaphore, #tpu.memory_space<semaphore_mem>>)
        %dma_wait3A = arith.constant 8848 : i32
        %dma_wait3A_155 = arith.constant 0 : i32
        %dma_wait3A_156 = tpu.memref_slice %arg15[%dma_wait3A, %dma_wait3A_155] : memref<10112x128xf32, #tpu.memory_space<vmem_shared>> -> memref<632x128xf32, #tpu.memory_space<vmem_shared>>
        %dma_wait3A_157 = arith.constant 8848 : i32
        %dma_wait3A_158 = arith.constant 0 : i32
        %dma_wait3A_159 = tpu.memref_slice %arg2[%dma_wait3A_157, %dma_wait3A_158] : memref<10000x128xf32, #tpu.memory_space<hbm>> -> memref<632x128xf32, #tpu.memory_space<hbm>>
        tpu.wait_dma2 semaphore(%arg21 : memref<!tpu.dma_semaphore, #tpu.memory_space<semaphore_mem>>) src(%dma_wait3A_159 : memref<632x128xf32, #tpu.memory_space<hbm>>) dst(%dma_wait3A_156 : memref<632x128xf32, #tpu.memory_space<vmem_shared>>)
      } else {
      }
      %eq3A_144 = arith.constant 15 : i32
      %eq3A_145 = arith.cmpi eq, %arg1, %eq3A_144 : i32
      %convert_element_type3A_146 = arith.extui %eq3A_145 : i1 to i32
      %cond3A_147 = arith.constant 0 : i32
      %cond3A_148 = arith.cmpi ne, %convert_element_type3A_146, %cond3A_147 : i32
      scf.if %cond3A_148 {
        %dma_start3A_149 = arith.constant 9480 : i32
        %dma_start3A_150 = arith.constant 0 : i32
        %dma_start3A_151 = tpu.memref_slice %arg15[%dma_start3A_149, %dma_start3A_150] : memref<10112x128xf32, #tpu.memory_space<vmem_shared>> -> memref<520x128xf32, #tpu.memory_space<vmem_shared>>
        %dma_start3A_152 = arith.constant 9480 : i32
        %dma_start3A_153 = arith.constant 0 : i32
        %dma_start3A_154 = tpu.memref_slice %arg2[%dma_start3A_152, %dma_start3A_153] : memref<10000x128xf32, #tpu.memory_space<hbm>> -> memref<520x128xf32, #tpu.memory_space<hbm>>
        tpu.enqueue_dma source(%dma_start3A_154 : memref<520x128xf32, #tpu.memory_space<hbm>>) target(%dma_start3A_151 : memref<520x128xf32, #tpu.memory_space<vmem_shared>>) target_semaphore(%arg21 : memref<!tpu.dma_semaphore, #tpu.memory_space<semaphore_mem>>)
        %dma_wait3A = arith.constant 9480 : i32
        %dma_wait3A_155 = arith.constant 0 : i32
        %dma_wait3A_156 = tpu.memref_slice %arg15[%dma_wait3A, %dma_wait3A_155] : memref<10112x128xf32, #tpu.memory_space<vmem_shared>> -> memref<520x128xf32, #tpu.memory_space<vmem_shared>>
        %dma_wait3A_157 = arith.constant 9480 : i32
        %dma_wait3A_158 = arith.constant 0 : i32
        %dma_wait3A_159 = tpu.memref_slice %arg2[%dma_wait3A_157, %dma_wait3A_158] : memref<10000x128xf32, #tpu.memory_space<hbm>> -> memref<520x128xf32, #tpu.memory_space<hbm>>
        tpu.wait_dma2 semaphore(%arg21 : memref<!tpu.dma_semaphore, #tpu.memory_space<semaphore_mem>>) src(%dma_wait3A_159 : memref<520x128xf32, #tpu.memory_space<hbm>>) dst(%dma_wait3A_156 : memref<520x128xf32, #tpu.memory_space<vmem_shared>>)
      } else {
      }
    } else {
    }
    %eq3A_16 = arith.constant 1 : i32
    %eq3A_17 = arith.cmpi eq, %arg0, %eq3A_16 : i32
    %convert_element_type3A_18 = arith.extui %eq3A_17 : i1 to i32
    %cond3A_19 = arith.constant 0 : i32
    %cond3A_20 = arith.cmpi ne, %convert_element_type3A_18, %cond3A_19 : i32
    scf.if %cond3A_20 {
      %scan3A = arith.constant 0 : i32
      %scan3A_32 = arith.constant 0 : i32
      %scan3A_33 = arith.constant 128 : i32
      %scan3A_34 = arith.addi %scan3A_32, %scan3A_33 : i32
      %scan3A_35 = arith.constant 1 : i32
      scf.for %scan3A_57 = %scan3A_32 to %scan3A_34 step %scan3A_35  : i32 {
        %broadcast_in_dim3A = arith.constant 0.000000e+00 : f32
        %broadcast_in_dim3A_58 = vector.broadcast %broadcast_in_dim3A : f32 to vector<16xf32>
        %swap3A = arith.index_cast %scan3A_57 : i32 to index
        %swap3A_59 = arith.constant 0 : index
        %swap3A_60 = tpu.vector_load %arg14[%swap3A, %swap3A_59] {strides = array<i32>} : memref<128x128xf32, #tpu.memory_space<vmem>>, vector<1x16xf32>,
        %swap3A_61 = vector.shape_cast %swap3A_60 : vector<1x16xf32> to vector<16xf32>
        %swap3A_62 = vector.shape_cast %broadcast_in_dim3A_58 : vector<16xf32> to vector<1x16xf32>
        tpu.vector_store %arg14[%swap3A, %swap3A_59], %swap3A_62 {strides = array<i32>} : memref<128x128xf32, #tpu.memory_space<vmem>>, vector<1x16xf32>,
        %broadcast_in_dim3A_63 = arith.constant 0.000000e+00 : f32
        %broadcast_in_dim3A_64 = vector.broadcast %broadcast_in_dim3A_63 : f32 to vector<16xf32>
        %swap3A_65 = arith.index_cast %scan3A_57 : i32 to index
        %swap3A_66 = arith.constant 16 : index
        %swap3A_67 = tpu.vector_load %arg14[%swap3A_65, %swap3A_66] {strides = array<i32>} : memref<128x128xf32, #tpu.memory_space<vmem>>, vector<1x16xf32>,
        %swap3A_68 = vector.shape_cast %swap3A_67 : vector<1x16xf32> to vector<16xf32>
        %swap3A_69 = vector.shape_cast %broadcast_in_dim3A_64 : vector<16xf32> to vector<1x16xf32>
        tpu.vector_store %arg14[%swap3A_65, %swap3A_66], %swap3A_69 {strides = array<i32>} : memref<128x128xf32, #tpu.memory_space<vmem>>, vector<1x16xf32>,
        %broadcast_in_dim3A_70 = arith.constant 0.000000e+00 : f32
        %broadcast_in_dim3A_71 = vector.broadcast %broadcast_in_dim3A_70 : f32 to vector<16xf32>
        %swap3A_72 = arith.index_cast %scan3A_57 : i32 to index
        %swap3A_73 = arith.constant 32 : index
        %swap3A_74 = tpu.vector_load %arg14[%swap3A_72, %swap3A_73] {strides = array<i32>} : memref<128x128xf32, #tpu.memory_space<vmem>>, vector<1x16xf32>,
        %swap3A_75 = vector.shape_cast %swap3A_74 : vector<1x16xf32> to vector<16xf32>
        %swap3A_76 = vector.shape_cast %broadcast_in_dim3A_71 : vector<16xf32> to vector<1x16xf32>
        tpu.vector_store %arg14[%swap3A_72, %swap3A_73], %swap3A_76 {strides = array<i32>} : memref<128x128xf32, #tpu.memory_space<vmem>>, vector<1x16xf32>,
        %broadcast_in_dim3A_77 = arith.constant 0.000000e+00 : f32
        %broadcast_in_dim3A_78 = vector.broadcast %broadcast_in_dim3A_77 : f32 to vector<16xf32>
        %swap3A_79 = arith.index_cast %scan3A_57 : i32 to index
        %swap3A_80 = arith.constant 48 : index
        %swap3A_81 = tpu.vector_load %arg14[%swap3A_79, %swap3A_80] {strides = array<i32>} : memref<128x128xf32, #tpu.memory_space<vmem>>, vector<1x16xf32>,
        %swap3A_82 = vector.shape_cast %swap3A_81 : vector<1x16xf32> to vector<16xf32>
        %swap3A_83 = vector.shape_cast %broadcast_in_dim3A_78 : vector<16xf32> to vector<1x16xf32>
        tpu.vector_store %arg14[%swap3A_79, %swap3A_80], %swap3A_83 {strides = array<i32>} : memref<128x128xf32, #tpu.memory_space<vmem>>, vector<1x16xf32>,
        %broadcast_in_dim3A_84 = arith.constant 0.000000e+00 : f32
        %broadcast_in_dim3A_85 = vector.broadcast %broadcast_in_dim3A_84 : f32 to vector<16xf32>
        %swap3A_86 = arith.index_cast %scan3A_57 : i32 to index
        %swap3A_87 = arith.constant 64 : index
        %swap3A_88 = tpu.vector_load %arg14[%swap3A_86, %swap3A_87] {strides = array<i32>} : memref<128x128xf32, #tpu.memory_space<vmem>>, vector<1x16xf32>,
        %swap3A_89 = vector.shape_cast %swap3A_88 : vector<1x16xf32> to vector<16xf32>
        %swap3A_90 = vector.shape_cast %broadcast_in_dim3A_85 : vector<16xf32> to vector<1x16xf32>
        tpu.vector_store %arg14[%swap3A_86, %swap3A_87], %swap3A_90 {strides = array<i32>} : memref<128x128xf32, #tpu.memory_space<vmem>>, vector<1x16xf32>,
        %broadcast_in_dim3A_91 = arith.constant 0.000000e+00 : f32
        %broadcast_in_dim3A_92 = vector.broadcast %broadcast_in_dim3A_91 : f32 to vector<16xf32>
        %swap3A_93 = arith.index_cast %scan3A_57 : i32 to index
        %swap3A_94 = arith.constant 80 : index
        %swap3A_95 = tpu.vector_load %arg14[%swap3A_93, %swap3A_94] {strides = array<i32>} : memref<128x128xf32, #tpu.memory_space<vmem>>, vector<1x16xf32>,
        %swap3A_96 = vector.shape_cast %swap3A_95 : vector<1x16xf32> to vector<16xf32>
        %swap3A_97 = vector.shape_cast %broadcast_in_dim3A_92 : vector<16xf32> to vector<1x16xf32>
        tpu.vector_store %arg14[%swap3A_93, %swap3A_94], %swap3A_97 {strides = array<i32>} : memref<128x128xf32, #tpu.memory_space<vmem>>, vector<1x16xf32>,
        %broadcast_in_dim3A_98 = arith.constant 0.000000e+00 : f32
        %broadcast_in_dim3A_99 = vector.broadcast %broadcast_in_dim3A_98 : f32 to vector<16xf32>
        %swap3A_100 = arith.index_cast %scan3A_57 : i32 to index
        %swap3A_101 = arith.constant 96 : index
        %swap3A_102 = tpu.vector_load %arg14[%swap3A_100, %swap3A_101] {strides = array<i32>} : memref<128x128xf32, #tpu.memory_space<vmem>>, vector<1x16xf32>,
        %swap3A_103 = vector.shape_cast %swap3A_102 : vector<1x16xf32> to vector<16xf32>
        %swap3A_104 = vector.shape_cast %broadcast_in_dim3A_99 : vector<16xf32> to vector<1x16xf32>
        tpu.vector_store %arg14[%swap3A_100, %swap3A_101], %swap3A_104 {strides = array<i32>} : memref<128x128xf32, #tpu.memory_space<vmem>>, vector<1x16xf32>,
        %broadcast_in_dim3A_105 = arith.constant 0.000000e+00 : f32
        %broadcast_in_dim3A_106 = vector.broadcast %broadcast_in_dim3A_105 : f32 to vector<16xf32>
        %swap3A_107 = arith.index_cast %scan3A_57 : i32 to index
        %swap3A_108 = arith.constant 112 : index
        %swap3A_109 = tpu.vector_load %arg14[%swap3A_107, %swap3A_108] {strides = array<i32>} : memref<128x128xf32, #tpu.memory_space<vmem>>, vector<1x16xf32>,
        %swap3A_110 = vector.shape_cast %swap3A_109 : vector<1x16xf32> to vector<16xf32>
        %swap3A_111 = vector.shape_cast %broadcast_in_dim3A_106 : vector<16xf32> to vector<1x16xf32>
        tpu.vector_store %arg14[%swap3A_107, %swap3A_108], %swap3A_111 {strides = array<i32>} : memref<128x128xf32, #tpu.memory_space<vmem>>, vector<1x16xf32>,
      }
      %scan3A_36 = arith.constant 128 : i32
      %mul3A_37 = arith.constant 632 : i32
      %mul3A_38 = arith.muli %arg1, %mul3A_37 : i32
      %add3A_39 = arith.constant 0 : i32
      %add3A_40 = arith.addi %mul3A_38, %add3A_39 : i32
      "tpu.region"() ({
        %run_scoped3A = tpu.sem_alloc : memref<!tpu.dma_semaphore, #tpu.memory_space<semaphore_mem>>
        %dma_start3A = arith.constant 0 : i32
        %dma_start3A_57 = tpu.memref_slice %arg15[%add3A_40, %dma_start3A] : memref<10112x128xf32, #tpu.memory_space<vmem_shared>> -> memref<128x128xf32, #tpu.memory_space<vmem_shared>>
        %dma_start3A_58 = arith.constant 0 : i32
        %dma_start3A_59 = tpu.memref_slice %arg15[%add3A_40, %dma_start3A_58] : memref<10112x128xf32, #tpu.memory_space<vmem_shared>> -> memref<128x128xf32, #tpu.memory_space<vmem_shared>>
        tpu.enqueue_dma source(%arg14 : memref<128x128xf32, #tpu.memory_space<vmem>>) target(%dma_start3A_59 : memref<128x128xf32, #tpu.memory_space<vmem_shared>>) target_semaphore(%run_scoped3A : memref<!tpu.dma_semaphore, #tpu.memory_space<semaphore_mem>>)
        %dma_wait3A = arith.constant 0 : i32
        %dma_wait3A_60 = tpu.memref_slice %arg15[%add3A_40, %dma_wait3A] : memref<10112x128xf32, #tpu.memory_space<vmem_shared>> -> memref<128x128xf32, #tpu.memory_space<vmem_shared>>
        %dma_wait3A_61 = arith.constant 0 : i32
        %dma_wait3A_62 = tpu.memref_slice %arg15[%add3A_40, %dma_wait3A_61] : memref<10112x128xf32, #tpu.memory_space<vmem_shared>> -> memref<128x128xf32, #tpu.memory_space<vmem_shared>>
        tpu.wait_dma2 semaphore(%run_scoped3A : memref<!tpu.dma_semaphore, #tpu.memory_space<semaphore_mem>>) src(%arg14 : memref<128x128xf32, #tpu.memory_space<vmem>>) dst(%dma_wait3A_62 : memref<128x128xf32, #tpu.memory_space<vmem_shared>>)
        tpu.yield
      }) : () -> ()
      %mul3A_41 = arith.constant 632 : i32
      %mul3A_42 = arith.muli %arg1, %mul3A_41 : i32
      %add3A_43 = arith.constant 128 : i32
      %add3A_44 = arith.addi %mul3A_42, %add3A_43 : i32
      "tpu.region"() ({
        %run_scoped3A = tpu.sem_alloc : memref<!tpu.dma_semaphore, #tpu.memory_space<semaphore_mem>>
        %dma_start3A = arith.constant 0 : i32
        %dma_start3A_57 = tpu.memref_slice %arg15[%add3A_44, %dma_start3A] : memref<10112x128xf32, #tpu.memory_space<vmem_shared>> -> memref<128x128xf32, #tpu.memory_space<vmem_shared>>
        %dma_start3A_58 = arith.constant 0 : i32
        %dma_start3A_59 = tpu.memref_slice %arg15[%add3A_44, %dma_start3A_58] : memref<10112x128xf32, #tpu.memory_space<vmem_shared>> -> memref<128x128xf32, #tpu.memory_space<vmem_shared>>
        tpu.enqueue_dma source(%arg14 : memref<128x128xf32, #tpu.memory_space<vmem>>) target(%dma_start3A_59 : memref<128x128xf32, #tpu.memory_space<vmem_shared>>) target_semaphore(%run_scoped3A : memref<!tpu.dma_semaphore, #tpu.memory_space<semaphore_mem>>)
        %dma_wait3A = arith.constant 0 : i32
        %dma_wait3A_60 = tpu.memref_slice %arg15[%add3A_44, %dma_wait3A] : memref<10112x128xf32, #tpu.memory_space<vmem_shared>> -> memref<128x128xf32, #tpu.memory_space<vmem_shared>>
        %dma_wait3A_61 = arith.constant 0 : i32
        %dma_wait3A_62 = tpu.memref_slice %arg15[%add3A_44, %dma_wait3A_61] : memref<10112x128xf32, #tpu.memory_space<vmem_shared>> -> memref<128x128xf32, #tpu.memory_space<vmem_shared>>
        tpu.wait_dma2 semaphore(%run_scoped3A : memref<!tpu.dma_semaphore, #tpu.memory_space<semaphore_mem>>) src(%arg14 : memref<128x128xf32, #tpu.memory_space<vmem>>) dst(%dma_wait3A_62 : memref<128x128xf32, #tpu.memory_space<vmem_shared>>)
        tpu.yield
      }) : () -> ()
      %mul3A_45 = arith.constant 632 : i32
      %mul3A_46 = arith.muli %arg1, %mul3A_45 : i32
      %add3A_47 = arith.constant 256 : i32
      %add3A_48 = arith.addi %mul3A_46, %add3A_47 : i32
      "tpu.region"() ({
        %run_scoped3A = tpu.sem_alloc : memref<!tpu.dma_semaphore, #tpu.memory_space<semaphore_mem>>
        %dma_start3A = arith.constant 0 : i32
        %dma_start3A_57 = tpu.memref_slice %arg15[%add3A_48, %dma_start3A] : memref<10112x128xf32, #tpu.memory_space<vmem_shared>> -> memref<128x128xf32, #tpu.memory_space<vmem_shared>>
        %dma_start3A_58 = arith.constant 0 : i32
        %dma_start3A_59 = tpu.memref_slice %arg15[%add3A_48, %dma_start3A_58] : memref<10112x128xf32, #tpu.memory_space<vmem_shared>> -> memref<128x128xf32, #tpu.memory_space<vmem_shared>>
        tpu.enqueue_dma source(%arg14 : memref<128x128xf32, #tpu.memory_space<vmem>>) target(%dma_start3A_59 : memref<128x128xf32, #tpu.memory_space<vmem_shared>>) target_semaphore(%run_scoped3A : memref<!tpu.dma_semaphore, #tpu.memory_space<semaphore_mem>>)
        %dma_wait3A = arith.constant 0 : i32
        %dma_wait3A_60 = tpu.memref_slice %arg15[%add3A_48, %dma_wait3A] : memref<10112x128xf32, #tpu.memory_space<vmem_shared>> -> memref<128x128xf32, #tpu.memory_space<vmem_shared>>
        %dma_wait3A_61 = arith.constant 0 : i32
        %dma_wait3A_62 = tpu.memref_slice %arg15[%add3A_48, %dma_wait3A_61] : memref<10112x128xf32, #tpu.memory_space<vmem_shared>> -> memref<128x128xf32, #tpu.memory_space<vmem_shared>>
        tpu.wait_dma2 semaphore(%run_scoped3A : memref<!tpu.dma_semaphore, #tpu.memory_space<semaphore_mem>>) src(%arg14 : memref<128x128xf32, #tpu.memory_space<vmem>>) dst(%dma_wait3A_62 : memref<128x128xf32, #tpu.memory_space<vmem_shared>>)
        tpu.yield
      }) : () -> ()
      %mul3A_49 = arith.constant 632 : i32
      %mul3A_50 = arith.muli %arg1, %mul3A_49 : i32
      %add3A_51 = arith.constant 384 : i32
      %add3A_52 = arith.addi %mul3A_50, %add3A_51 : i32
      "tpu.region"() ({
        %run_scoped3A = tpu.sem_alloc : memref<!tpu.dma_semaphore, #tpu.memory_space<semaphore_mem>>
        %dma_start3A = arith.constant 0 : i32
        %dma_start3A_57 = tpu.memref_slice %arg15[%add3A_52, %dma_start3A] : memref<10112x128xf32, #tpu.memory_space<vmem_shared>> -> memref<128x128xf32, #tpu.memory_space<vmem_shared>>
        %dma_start3A_58 = arith.constant 0 : i32
        %dma_start3A_59 = tpu.memref_slice %arg15[%add3A_52, %dma_start3A_58] : memref<10112x128xf32, #tpu.memory_space<vmem_shared>> -> memref<128x128xf32, #tpu.memory_space<vmem_shared>>
        tpu.enqueue_dma source(%arg14 : memref<128x128xf32, #tpu.memory_space<vmem>>) target(%dma_start3A_59 : memref<128x128xf32, #tpu.memory_space<vmem_shared>>) target_semaphore(%run_scoped3A : memref<!tpu.dma_semaphore, #tpu.memory_space<semaphore_mem>>)
        %dma_wait3A = arith.constant 0 : i32
        %dma_wait3A_60 = tpu.memref_slice %arg15[%add3A_52, %dma_wait3A] : memref<10112x128xf32, #tpu.memory_space<vmem_shared>> -> memref<128x128xf32, #tpu.memory_space<vmem_shared>>
        %dma_wait3A_61 = arith.constant 0 : i32
        %dma_wait3A_62 = tpu.memref_slice %arg15[%add3A_52, %dma_wait3A_61] : memref<10112x128xf32, #tpu.memory_space<vmem_shared>> -> memref<128x128xf32, #tpu.memory_space<vmem_shared>>
        tpu.wait_dma2 semaphore(%run_scoped3A : memref<!tpu.dma_semaphore, #tpu.memory_space<semaphore_mem>>) src(%arg14 : memref<128x128xf32, #tpu.memory_space<vmem>>) dst(%dma_wait3A_62 : memref<128x128xf32, #tpu.memory_space<vmem_shared>>)
        tpu.yield
      }) : () -> ()
      %mul3A_53 = arith.constant 632 : i32
      %mul3A_54 = arith.muli %arg1, %mul3A_53 : i32
      %add3A_55 = arith.constant 512 : i32
      %add3A_56 = arith.addi %mul3A_54, %add3A_55 : i32
      "tpu.region"() ({
        %run_scoped3A = tpu.sem_alloc : memref<!tpu.dma_semaphore, #tpu.memory_space<semaphore_mem>>
        %dma_start3A = arith.constant 0 : i32
        %dma_start3A_57 = arith.constant 0 : i32
        %dma_start3A_58 = tpu.memref_slice %arg14[%dma_start3A, %dma_start3A_57] : memref<128x128xf32, #tpu.memory_space<vmem>> -> memref<120x128xf32, #tpu.memory_space<vmem>>
        %dma_start3A_59 = arith.constant 0 : i32
        %dma_start3A_60 = tpu.memref_slice %arg15[%add3A_56, %dma_start3A_59] : memref<10112x128xf32, #tpu.memory_space<vmem_shared>> -> memref<120x128xf32, #tpu.memory_space<vmem_shared>>
        %dma_start3A_61 = arith.constant 0 : i32
        %dma_start3A_62 = tpu.memref_slice %arg15[%add3A_56, %dma_start3A_61] : memref<10112x128xf32, #tpu.memory_space<vmem_shared>> -> memref<120x128xf32, #tpu.memory_space<vmem_shared>>
        %dma_start3A_63 = arith.constant 0 : i32
        %dma_start3A_64 = arith.constant 0 : i32
        %dma_start3A_65 = tpu.memref_slice %arg14[%dma_start3A_63, %dma_start3A_64] : memref<128x128xf32, #tpu.memory_space<vmem>> -> memref<120x128xf32, #tpu.memory_space<vmem>>
        tpu.enqueue_dma source(%dma_start3A_65 : memref<120x128xf32, #tpu.memory_space<vmem>>) target(%dma_start3A_62 : memref<120x128xf32, #tpu.memory_space<vmem_shared>>) target_semaphore(%run_scoped3A : memref<!tpu.dma_semaphore, #tpu.memory_space<semaphore_mem>>)
        %dma_wait3A = arith.constant 0 : i32
        %dma_wait3A_66 = arith.constant 0 : i32
        %dma_wait3A_67 = tpu.memref_slice %arg14[%dma_wait3A, %dma_wait3A_66] : memref<128x128xf32, #tpu.memory_space<vmem>> -> memref<120x128xf32, #tpu.memory_space<vmem>>
        %dma_wait3A_68 = arith.constant 0 : i32
        %dma_wait3A_69 = tpu.memref_slice %arg15[%add3A_56, %dma_wait3A_68] : memref<10112x128xf32, #tpu.memory_space<vmem_shared>> -> memref<120x128xf32, #tpu.memory_space<vmem_shared>>
        %dma_wait3A_70 = arith.constant 0 : i32
        %dma_wait3A_71 = tpu.memref_slice %arg15[%add3A_56, %dma_wait3A_70] : memref<10112x128xf32, #tpu.memory_space<vmem_shared>> -> memref<120x128xf32, #tpu.memory_space<vmem_shared>>
        %dma_wait3A_72 = arith.constant 0 : i32
        %dma_wait3A_73 = arith.constant 0 : i32
        %dma_wait3A_74 = tpu.memref_slice %arg14[%dma_wait3A_72, %dma_wait3A_73] : memref<128x128xf32, #tpu.memory_space<vmem>> -> memref<120x128xf32, #tpu.memory_space<vmem>>
        tpu.wait_dma2 semaphore(%run_scoped3A : memref<!tpu.dma_semaphore, #tpu.memory_space<semaphore_mem>>) src(%dma_wait3A_74 : memref<120x128xf32, #tpu.memory_space<vmem>>) dst(%dma_wait3A_71 : memref<120x128xf32, #tpu.memory_space<vmem_shared>>)
        tpu.yield
      }) : () -> ()
    } else {
    }
    %barrier3A = arith.constant 0 : index
    tpu.barrier barrier_id(%barrier3A)
    %eq3A_21 = arith.constant 0 : i32
    %eq3A_22 = arith.cmpi eq, %arg0, %eq3A_21 : i32
    %convert_element_type3A_23 = arith.extui %eq3A_22 : i1 to i32
    %cond3A_24 = arith.constant 0 : i32
    %cond3A_25 = arith.cmpi ne, %convert_element_type3A_23, %cond3A_24 : i32
    scf.if %cond3A_25 {
      %add3A_32 = arith.constant 0 : i32
      %add3A_33 = arith.addi %mul3A_2, %add3A_32 : i32
      %multiple_of3A = tpu.assume_multiple %add3A_33, 128 : i32
      %dma_wait3A = arith.constant 0 : i32
      %dma_wait3A_34 = tpu.memref_slice %arg3[%dma_wait3A, %multiple_of3A] : memref<2x320000xi32, #tpu.memory_space<hbm>> -> memref<1x128xi32, #tpu.memory_space<hbm>>
      %dma_wait3A_35 = tpu.memref_squeeze %dma_wait3A_34 : memref<1x128xi32, #tpu.memory_space<hbm>> -> memref<128xi32, #tpu.memory_space<hbm>>
      %dma_wait3A_36 = tpu.memref_slice %arg3[%dma_wait3A, %multiple_of3A] : memref<2x320000xi32, #tpu.memory_space<hbm>> -> memref<1x128xi32, #tpu.memory_space<hbm>>
      %dma_wait3A_37 = tpu.memref_squeeze %dma_wait3A_36 : memref<1x128xi32, #tpu.memory_space<hbm>> -> memref<128xi32, #tpu.memory_space<hbm>>
      tpu.wait_dma2 semaphore(%arg16 : memref<!tpu.dma_semaphore, #tpu.memory_space<semaphore_mem>>) src(%dma_wait3A_37 : memref<128xi32, #tpu.memory_space<hbm>>) dst(%arg5 : memref<128xi32, #tpu.memory_space<vmem>>)
      %dma_wait3A_38 = arith.constant 1 : i32
      %dma_wait3A_39 = tpu.memref_slice %arg3[%dma_wait3A_38, %multiple_of3A] : memref<2x320000xi32, #tpu.memory_space<hbm>> -> memref<1x128xi32, #tpu.memory_space<hbm>>
      %dma_wait3A_40 = tpu.memref_squeeze %dma_wait3A_39 : memref<1x128xi32, #tpu.memory_space<hbm>> -> memref<128xi32, #tpu.memory_space<hbm>>
      %dma_wait3A_41 = tpu.memref_slice %arg3[%dma_wait3A_38, %multiple_of3A] : memref<2x320000xi32, #tpu.memory_space<hbm>> -> memref<1x128xi32, #tpu.memory_space<hbm>>
      %dma_wait3A_42 = tpu.memref_squeeze %dma_wait3A_41 : memref<1x128xi32, #tpu.memory_space<hbm>> -> memref<128xi32, #tpu.memory_space<hbm>>
      tpu.wait_dma2 semaphore(%arg16 : memref<!tpu.dma_semaphore, #tpu.memory_space<semaphore_mem>>) src(%dma_wait3A_42 : memref<128xi32, #tpu.memory_space<hbm>>) dst(%arg8 : memref<128xi32, #tpu.memory_space<vmem>>)
      %dma_start3A = arith.constant 0 : i32
      %dma_start3A_43 = arith.constant 0 : i32
      %dma_start3A_44 = tpu.memref_slice %arg2[%dma_start3A, %dma_start3A_43] : memref<10000x128xf32, #tpu.memory_space<hbm>> -> memref<10000x128xf32, #tpu.memory_space<hbm>>
      tpu.enqueue_indirect_dma source(%dma_start3A_44 : memref<10000x128xf32, #tpu.memory_space<hbm>>) target(%arg13 : memref<128x128xf32, #tpu.memory_space<vmem>>) offsets(%arg5 : memref<128xi32, #tpu.memory_space<vmem>>) semaphore(%arg19 : memref<!tpu.dma_semaphore, #tpu.memory_space<semaphore_mem>>)
      %add3A_45 = arith.constant 128 : i32
      %add3A_46 = arith.addi %mul3A_2, %add3A_45 : i32
      %multiple_of3A_47 = tpu.assume_multiple %add3A_46, 128 : i32
      %dma_wait3A_48 = arith.constant 0 : i32
      %dma_wait3A_49 = tpu.memref_slice %arg3[%dma_wait3A_48, %multiple_of3A_47] : memref<2x320000xi32, #tpu.memory_space<hbm>> -> memref<1x128xi32, #tpu.memory_space<hbm>>
      %dma_wait3A_50 = tpu.memref_squeeze %dma_wait3A_49 : memref<1x128xi32, #tpu.memory_space<hbm>> -> memref<128xi32, #tpu.memory_space<hbm>>
      %dma_wait3A_51 = tpu.memref_slice %arg3[%dma_wait3A_48, %multiple_of3A_47] : memref<2x320000xi32, #tpu.memory_space<hbm>> -> memref<1x128xi32, #tpu.memory_space<hbm>>
      %dma_wait3A_52 = tpu.memref_squeeze %dma_wait3A_51 : memref<1x128xi32, #tpu.memory_space<hbm>> -> memref<128xi32, #tpu.memory_space<hbm>>
      tpu.wait_dma2 semaphore(%arg17 : memref<!tpu.dma_semaphore, #tpu.memory_space<semaphore_mem>>) src(%dma_wait3A_52 : memref<128xi32, #tpu.memory_space<hbm>>) dst(%arg6 : memref<128xi32, #tpu.memory_space<vmem>>)
      %dma_wait3A_53 = arith.constant 1 : i32
      %dma_wait3A_54 = tpu.memref_slice %arg3[%dma_wait3A_53, %multiple_of3A_47] : memref<2x320000xi32, #tpu.memory_space<hbm>> -> memref<1x128xi32, #tpu.memory_space<hbm>>
      %dma_wait3A_55 = tpu.memref_squeeze %dma_wait3A_54 : memref<1x128xi32, #tpu.memory_space<hbm>> -> memref<128xi32, #tpu.memory_space<hbm>>
      %dma_wait3A_56 = tpu.memref_slice %arg3[%dma_wait3A_53, %multiple_of3A_47] : memref<2x320000xi32, #tpu.memory_space<hbm>> -> memref<1x128xi32, #tpu.memory_space<hbm>>
      %dma_wait3A_57 = tpu.memref_squeeze %dma_wait3A_56 : memref<1x128xi32, #tpu.memory_space<hbm>> -> memref<128xi32, #tpu.memory_space<hbm>>
      tpu.wait_dma2 semaphore(%arg17 : memref<!tpu.dma_semaphore, #tpu.memory_space<semaphore_mem>>) src(%dma_wait3A_57 : memref<128xi32, #tpu.memory_space<hbm>>) dst(%arg9 : memref<128xi32, #tpu.memory_space<vmem>>)
      %dma_start3A_58 = arith.constant 0 : i32
      %dma_start3A_59 = arith.constant 0 : i32
      %dma_start3A_60 = tpu.memref_slice %arg2[%dma_start3A_58, %dma_start3A_59] : memref<10000x128xf32, #tpu.memory_space<hbm>> -> memref<10000x128xf32, #tpu.memory_space<hbm>>
      tpu.enqueue_indirect_dma source(%dma_start3A_60 : memref<10000x128xf32, #tpu.memory_space<hbm>>) target(%arg14 : memref<128x128xf32, #tpu.memory_space<vmem>>) offsets(%arg6 : memref<128xi32, #tpu.memory_space<vmem>>) semaphore(%arg20 : memref<!tpu.dma_semaphore, #tpu.memory_space<semaphore_mem>>)
      %scan3A = arith.constant 0 : i32
      %scan3A_61 = arith.constant 0 : i32
      %scan3A_62 = arith.constant 18 : i32
      %scan3A_63 = arith.addi %scan3A_61, %scan3A_62 : i32
      %scan3A_64 = arith.constant 1 : i32
      scf.for %scan3A_66 = %scan3A_61 to %scan3A_63 step %scan3A_64  : i32 {
        %mul3A_67 = arith.constant 6 : i32
        %mul3A_68 = arith.muli %scan3A_66, %mul3A_67 : i32
        %add3A_69 = arith.constant 0 : i32
        %add3A_70 = arith.addi %mul3A_68, %add3A_69 : i32
        %dma_wait3A_71 = arith.constant 0 : i32
        %dma_wait3A_72 = arith.constant 0 : i32
        %dma_wait3A_73 = tpu.memref_slice %arg2[%dma_wait3A_71, %dma_wait3A_72] : memref<10000x128xf32, #tpu.memory_space<hbm>> -> memref<10000x128xf32, #tpu.memory_space<hbm>>
        tpu.wait_indirect_dma semaphore(%arg19 : memref<!tpu.dma_semaphore, #tpu.memory_space<semaphore_mem>>) src(%dma_wait3A_73 : memref<10000x128xf32, #tpu.memory_space<hbm>>) dst(%arg13 : memref<128x128xf32, #tpu.memory_space<vmem>>)
        "tpu.region"() ({
          %run_scoped3A = tpu.sem_alloc : memref<!tpu.dma_semaphore, #tpu.memory_space<semaphore_mem>>
          %dma_start3A_183 = arith.constant 0 : i32
          %dma_start3A_184 = arith.constant 0 : i32
          %dma_start3A_185 = tpu.memref_slice %arg15[%dma_start3A_183, %dma_start3A_184] : memref<10112x128xf32, #tpu.memory_space<vmem_shared>> -> memref<10112x128xf32, #tpu.memory_space<vmem_shared>>
          tpu.enqueue_indirect_dma source(%arg13 : memref<128x128xf32, #tpu.memory_space<vmem>>) target(%dma_start3A_185 : memref<10112x128xf32, #tpu.memory_space<vmem_shared>>) offsets(%arg8 : memref<128xi32, #tpu.memory_space<vmem>>) semaphore(%run_scoped3A : memref<!tpu.dma_semaphore, #tpu.memory_space<semaphore_mem>>) {add = true}
          %dma_wait3A_186 = arith.constant 0 : i32
          %dma_wait3A_187 = arith.constant 0 : i32
          %dma_wait3A_188 = tpu.memref_slice %arg15[%dma_wait3A_186, %dma_wait3A_187] : memref<10112x128xf32, #tpu.memory_space<vmem_shared>> -> memref<10112x128xf32, #tpu.memory_space<vmem_shared>>
          tpu.wait_indirect_dma semaphore(%run_scoped3A : memref<!tpu.dma_semaphore, #tpu.memory_space<semaphore_mem>>) src(%arg13 : memref<128x128xf32, #tpu.memory_space<vmem>>) dst(%dma_wait3A_188 : memref<10112x128xf32, #tpu.memory_space<vmem_shared>>)
          tpu.yield
        }) : () -> ()
        %add3A_74 = arith.constant 3 : i32
        %add3A_75 = arith.addi %add3A_70, %add3A_74 : i32
        %lt3A_76 = arith.constant 108 : i32
        %lt3A_77 = arith.cmpi slt, %add3A_75, %lt3A_76 : i32
        %convert_element_type3A_78 = arith.extui %lt3A_77 : i1 to i32
        %cond3A_79 = arith.constant 0 : i32
        %cond3A_80 = arith.cmpi ne, %convert_element_type3A_78, %cond3A_79 : i32
        scf.if %cond3A_80 {
          %add3A_183 = arith.constant 3 : i32
          %add3A_184 = arith.addi %add3A_70, %add3A_183 : i32
          %mul3A_185 = arith.constant 128 : i32
          %mul3A_186 = arith.muli %add3A_184, %mul3A_185 : i32
          %add3A_187 = arith.addi %mul3A_2, %mul3A_186 : i32
          %multiple_of3A_188 = tpu.assume_multiple %add3A_187, 128 : i32
          %dma_start3A_189 = arith.constant 0 : i32
          %dma_start3A_190 = tpu.memref_slice %arg3[%dma_start3A_189, %multiple_of3A_188] : memref<2x320000xi32, #tpu.memory_space<hbm>> -> memref<1x128xi32, #tpu.memory_space<hbm>>
          %dma_start3A_191 = tpu.memref_squeeze %dma_start3A_190 : memref<1x128xi32, #tpu.memory_space<hbm>> -> memref<128xi32, #tpu.memory_space<hbm>>
          %dma_start3A_192 = tpu.memref_slice %arg3[%dma_start3A_189, %multiple_of3A_188] : memref<2x320000xi32, #tpu.memory_space<hbm>> -> memref<1x128xi32, #tpu.memory_space<hbm>>
          %dma_start3A_193 = tpu.memref_squeeze %dma_start3A_192 : memref<1x128xi32, #tpu.memory_space<hbm>> -> memref<128xi32, #tpu.memory_space<hbm>>
          tpu.enqueue_dma source(%dma_start3A_193 : memref<128xi32, #tpu.memory_space<hbm>>) target(%arg5 : memref<128xi32, #tpu.memory_space<vmem>>) target_semaphore(%arg16 : memref<!tpu.dma_semaphore, #tpu.memory_space<semaphore_mem>>)
          %dma_start3A_194 = arith.constant 1 : i32
          %dma_start3A_195 = tpu.memref_slice %arg3[%dma_start3A_194, %multiple_of3A_188] : memref<2x320000xi32, #tpu.memory_space<hbm>> -> memref<1x128xi32, #tpu.memory_space<hbm>>
          %dma_start3A_196 = tpu.memref_squeeze %dma_start3A_195 : memref<1x128xi32, #tpu.memory_space<hbm>> -> memref<128xi32, #tpu.memory_space<hbm>>
          %dma_start3A_197 = tpu.memref_slice %arg3[%dma_start3A_194, %multiple_of3A_188] : memref<2x320000xi32, #tpu.memory_space<hbm>> -> memref<1x128xi32, #tpu.memory_space<hbm>>
          %dma_start3A_198 = tpu.memref_squeeze %dma_start3A_197 : memref<1x128xi32, #tpu.memory_space<hbm>> -> memref<128xi32, #tpu.memory_space<hbm>>
          tpu.enqueue_dma source(%dma_start3A_198 : memref<128xi32, #tpu.memory_space<hbm>>) target(%arg8 : memref<128xi32, #tpu.memory_space<vmem>>) target_semaphore(%arg16 : memref<!tpu.dma_semaphore, #tpu.memory_space<semaphore_mem>>)
        } else {
        }
        %add3A_81 = arith.constant 2 : i32
        %add3A_82 = arith.addi %add3A_70, %add3A_81 : i32
        %lt3A_83 = arith.constant 108 : i32
        %lt3A_84 = arith.cmpi slt, %add3A_82, %lt3A_83 : i32
        %convert_element_type3A_85 = arith.extui %lt3A_84 : i1 to i32
        %cond3A_86 = arith.constant 0 : i32
        %cond3A_87 = arith.cmpi ne, %convert_element_type3A_85, %cond3A_86 : i32
        scf.if %cond3A_87 {
          %add3A_183 = arith.constant 2 : i32
          %add3A_184 = arith.addi %add3A_70, %add3A_183 : i32
          %mul3A_185 = arith.constant 128 : i32
          %mul3A_186 = arith.muli %add3A_184, %mul3A_185 : i32
          %add3A_187 = arith.addi %mul3A_2, %mul3A_186 : i32
          %multiple_of3A_188 = tpu.assume_multiple %add3A_187, 128 : i32
          %dma_wait3A_189 = arith.constant 0 : i32
          %dma_wait3A_190 = tpu.memref_slice %arg3[%dma_wait3A_189, %multiple_of3A_188] : memref<2x320000xi32, #tpu.memory_space<hbm>> -> memref<1x128xi32, #tpu.memory_space<hbm>>
          %dma_wait3A_191 = tpu.memref_squeeze %dma_wait3A_190 : memref<1x128xi32, #tpu.memory_space<hbm>> -> memref<128xi32, #tpu.memory_space<hbm>>
          %dma_wait3A_192 = tpu.memref_slice %arg3[%dma_wait3A_189, %multiple_of3A_188] : memref<2x320000xi32, #tpu.memory_space<hbm>> -> memref<1x128xi32, #tpu.memory_space<hbm>>
          %dma_wait3A_193 = tpu.memref_squeeze %dma_wait3A_192 : memref<1x128xi32, #tpu.memory_space<hbm>> -> memref<128xi32, #tpu.memory_space<hbm>>
          tpu.wait_dma2 semaphore(%arg18 : memref<!tpu.dma_semaphore, #tpu.memory_space<semaphore_mem>>) src(%dma_wait3A_193 : memref<128xi32, #tpu.memory_space<hbm>>) dst(%arg7 : memref<128xi32, #tpu.memory_space<vmem>>)
          %dma_wait3A_194 = arith.constant 1 : i32
          %dma_wait3A_195 = tpu.memref_slice %arg3[%dma_wait3A_194, %multiple_of3A_188] : memref<2x320000xi32, #tpu.memory_space<hbm>> -> memref<1x128xi32, #tpu.memory_space<hbm>>
          %dma_wait3A_196 = tpu.memref_squeeze %dma_wait3A_195 : memref<1x128xi32, #tpu.memory_space<hbm>> -> memref<128xi32, #tpu.memory_space<hbm>>
          %dma_wait3A_197 = tpu.memref_slice %arg3[%dma_wait3A_194, %multiple_of3A_188] : memref<2x320000xi32, #tpu.memory_space<hbm>> -> memref<1x128xi32, #tpu.memory_space<hbm>>
          %dma_wait3A_198 = tpu.memref_squeeze %dma_wait3A_197 : memref<1x128xi32, #tpu.memory_space<hbm>> -> memref<128xi32, #tpu.memory_space<hbm>>
          tpu.wait_dma2 semaphore(%arg18 : memref<!tpu.dma_semaphore, #tpu.memory_space<semaphore_mem>>) src(%dma_wait3A_198 : memref<128xi32, #tpu.memory_space<hbm>>) dst(%arg10 : memref<128xi32, #tpu.memory_space<vmem>>)
          %dma_start3A_199 = arith.constant 0 : i32
          %dma_start3A_200 = arith.constant 0 : i32
          %dma_start3A_201 = tpu.memref_slice %arg2[%dma_start3A_199, %dma_start3A_200] : memref<10000x128xf32, #tpu.memory_space<hbm>> -> memref<10000x128xf32, #tpu.memory_space<hbm>>
          tpu.enqueue_indirect_dma source(%dma_start3A_201 : memref<10000x128xf32, #tpu.memory_space<hbm>>) target(%arg13 : memref<128x128xf32, #tpu.memory_space<vmem>>) offsets(%arg7 : memref<128xi32, #tpu.memory_space<vmem>>) semaphore(%arg19 : memref<!tpu.dma_semaphore, #tpu.memory_space<semaphore_mem>>)
        } else {
        }
        %add3A_88 = arith.constant 1 : i32
        %add3A_89 = arith.addi %mul3A_68, %add3A_88 : i32
        %dma_wait3A_90 = arith.constant 0 : i32
        %dma_wait3A_91 = arith.constant 0 : i32
        %dma_wait3A_92 = tpu.memref_slice %arg2[%dma_wait3A_90, %dma_wait3A_91] : memref<10000x128xf32, #tpu.memory_space<hbm>> -> memref<10000x128xf32, #tpu.memory_space<hbm>>
        tpu.wait_indirect_dma semaphore(%arg20 : memref<!tpu.dma_semaphore, #tpu.memory_space<semaphore_mem>>) src(%dma_wait3A_92 : memref<10000x128xf32, #tpu.memory_space<hbm>>) dst(%arg14 : memref<128x128xf32, #tpu.memory_space<vmem>>)
        "tpu.region"() ({
          %run_scoped3A = tpu.sem_alloc : memref<!tpu.dma_semaphore, #tpu.memory_space<semaphore_mem>>
          %dma_start3A_183 = arith.constant 0 : i32
          %dma_start3A_184 = arith.constant 0 : i32
          %dma_start3A_185 = tpu.memref_slice %arg15[%dma_start3A_183, %dma_start3A_184] : memref<10112x128xf32, #tpu.memory_space<vmem_shared>> -> memref<10112x128xf32, #tpu.memory_space<vmem_shared>>
          tpu.enqueue_indirect_dma source(%arg14 : memref<128x128xf32, #tpu.memory_space<vmem>>) target(%dma_start3A_185 : memref<10112x128xf32, #tpu.memory_space<vmem_shared>>) offsets(%arg9 : memref<128xi32, #tpu.memory_space<vmem>>) semaphore(%run_scoped3A : memref<!tpu.dma_semaphore, #tpu.memory_space<semaphore_mem>>) {add = true}
          %dma_wait3A_186 = arith.constant 0 : i32
          %dma_wait3A_187 = arith.constant 0 : i32
          %dma_wait3A_188 = tpu.memref_slice %arg15[%dma_wait3A_186, %dma_wait3A_187] : memref<10112x128xf32, #tpu.memory_space<vmem_shared>> -> memref<10112x128xf32, #tpu.memory_space<vmem_shared>>
          tpu.wait_indirect_dma semaphore(%run_scoped3A : memref<!tpu.dma_semaphore, #tpu.memory_space<semaphore_mem>>) src(%arg14 : memref<128x128xf32, #tpu.memory_space<vmem>>) dst(%dma_wait3A_188 : memref<10112x128xf32, #tpu.memory_space<vmem_shared>>)
          tpu.yield
        }) : () -> ()
        %add3A_93 = arith.constant 3 : i32
        %add3A_94 = arith.addi %add3A_89, %add3A_93 : i32
        %lt3A_95 = arith.constant 108 : i32
        %lt3A_96 = arith.cmpi slt, %add3A_94, %lt3A_95 : i32
        %convert_element_type3A_97 = arith.extui %lt3A_96 : i1 to i32
        %cond3A_98 = arith.constant 0 : i32
        %cond3A_99 = arith.cmpi ne, %convert_element_type3A_97, %cond3A_98 : i32
        scf.if %cond3A_99 {
          %add3A_183 = arith.constant 3 : i32
          %add3A_184 = arith.addi %add3A_89, %add3A_183 : i32
          %mul3A_185 = arith.constant 128 : i32
          %mul3A_186 = arith.muli %add3A_184, %mul3A_185 : i32
          %add3A_187 = arith.addi %mul3A_2, %mul3A_186 : i32
          %multiple_of3A_188 = tpu.assume_multiple %add3A_187, 128 : i32
          %dma_start3A_189 = arith.constant 0 : i32
          %dma_start3A_190 = tpu.memref_slice %arg3[%dma_start3A_189, %multiple_of3A_188] : memref<2x320000xi32, #tpu.memory_space<hbm>> -> memref<1x128xi32, #tpu.memory_space<hbm>>
          %dma_start3A_191 = tpu.memref_squeeze %dma_start3A_190 : memref<1x128xi32, #tpu.memory_space<hbm>> -> memref<128xi32, #tpu.memory_space<hbm>>
          %dma_start3A_192 = tpu.memref_slice %arg3[%dma_start3A_189, %multiple_of3A_188] : memref<2x320000xi32, #tpu.memory_space<hbm>> -> memref<1x128xi32, #tpu.memory_space<hbm>>
          %dma_start3A_193 = tpu.memref_squeeze %dma_start3A_192 : memref<1x128xi32, #tpu.memory_space<hbm>> -> memref<128xi32, #tpu.memory_space<hbm>>
          tpu.enqueue_dma source(%dma_start3A_193 : memref<128xi32, #tpu.memory_space<hbm>>) target(%arg6 : memref<128xi32, #tpu.memory_space<vmem>>) target_semaphore(%arg17 : memref<!tpu.dma_semaphore, #tpu.memory_space<semaphore_mem>>)
          %dma_start3A_194 = arith.constant 1 : i32
          %dma_start3A_195 = tpu.memref_slice %arg3[%dma_start3A_194, %multiple_of3A_188] : memref<2x320000xi32, #tpu.memory_space<hbm>> -> memref<1x128xi32, #tpu.memory_space<hbm>>
          %dma_start3A_196 = tpu.memref_squeeze %dma_start3A_195 : memref<1x128xi32, #tpu.memory_space<hbm>> -> memref<128xi32, #tpu.memory_space<hbm>>
          %dma_start3A_197 = tpu.memref_slice %arg3[%dma_start3A_194, %multiple_of3A_188] : memref<2x320000xi32, #tpu.memory_space<hbm>> -> memref<1x128xi32, #tpu.memory_space<hbm>>
          %dma_start3A_198 = tpu.memref_squeeze %dma_start3A_197 : memref<1x128xi32, #tpu.memory_space<hbm>> -> memref<128xi32, #tpu.memory_space<hbm>>
          tpu.enqueue_dma source(%dma_start3A_198 : memref<128xi32, #tpu.memory_space<hbm>>) target(%arg9 : memref<128xi32, #tpu.memory_space<vmem>>) target_semaphore(%arg17 : memref<!tpu.dma_semaphore, #tpu.memory_space<semaphore_mem>>)
        } else {
        }
        %add3A_100 = arith.constant 2 : i32
        %add3A_101 = arith.addi %add3A_89, %add3A_100 : i32
        %lt3A_102 = arith.constant 108 : i32
        %lt3A_103 = arith.cmpi slt, %add3A_101, %lt3A_102 : i32
        %convert_element_type3A_104 = arith.extui %lt3A_103 : i1 to i32
        %cond3A_105 = arith.constant 0 : i32
        %cond3A_106 = arith.cmpi ne, %convert_element_type3A_104, %cond3A_105 : i32
        scf.if %cond3A_106 {
          %add3A_183 = arith.constant 2 : i32
          %add3A_184 = arith.addi %add3A_89, %add3A_183 : i32
          %mul3A_185 = arith.constant 128 : i32
          %mul3A_186 = arith.muli %add3A_184, %mul3A_185 : i32
          %add3A_187 = arith.addi %mul3A_2, %mul3A_186 : i32
          %multiple_of3A_188 = tpu.assume_multiple %add3A_187, 128 : i32
          %dma_wait3A_189 = arith.constant 0 : i32
          %dma_wait3A_190 = tpu.memref_slice %arg3[%dma_wait3A_189, %multiple_of3A_188] : memref<2x320000xi32, #tpu.memory_space<hbm>> -> memref<1x128xi32, #tpu.memory_space<hbm>>
          %dma_wait3A_191 = tpu.memref_squeeze %dma_wait3A_190 : memref<1x128xi32, #tpu.memory_space<hbm>> -> memref<128xi32, #tpu.memory_space<hbm>>
          %dma_wait3A_192 = tpu.memref_slice %arg3[%dma_wait3A_189, %multiple_of3A_188] : memref<2x320000xi32, #tpu.memory_space<hbm>> -> memref<1x128xi32, #tpu.memory_space<hbm>>
          %dma_wait3A_193 = tpu.memref_squeeze %dma_wait3A_192 : memref<1x128xi32, #tpu.memory_space<hbm>> -> memref<128xi32, #tpu.memory_space<hbm>>
          tpu.wait_dma2 semaphore(%arg16 : memref<!tpu.dma_semaphore, #tpu.memory_space<semaphore_mem>>) src(%dma_wait3A_193 : memref<128xi32, #tpu.memory_space<hbm>>) dst(%arg5 : memref<128xi32, #tpu.memory_space<vmem>>)
          %dma_wait3A_194 = arith.constant 1 : i32
          %dma_wait3A_195 = tpu.memref_slice %arg3[%dma_wait3A_194, %multiple_of3A_188] : memref<2x320000xi32, #tpu.memory_space<hbm>> -> memref<1x128xi32, #tpu.memory_space<hbm>>
          %dma_wait3A_196 = tpu.memref_squeeze %dma_wait3A_195 : memref<1x128xi32, #tpu.memory_space<hbm>> -> memref<128xi32, #tpu.memory_space<hbm>>
          %dma_wait3A_197 = tpu.memref_slice %arg3[%dma_wait3A_194, %multiple_of3A_188] : memref<2x320000xi32, #tpu.memory_space<hbm>> -> memref<1x128xi32, #tpu.memory_space<hbm>>
          %dma_wait3A_198 = tpu.memref_squeeze %dma_wait3A_197 : memref<1x128xi32, #tpu.memory_space<hbm>> -> memref<128xi32, #tpu.memory_space<hbm>>
          tpu.wait_dma2 semaphore(%arg16 : memref<!tpu.dma_semaphore, #tpu.memory_space<semaphore_mem>>) src(%dma_wait3A_198 : memref<128xi32, #tpu.memory_space<hbm>>) dst(%arg8 : memref<128xi32, #tpu.memory_space<vmem>>)
          %dma_start3A_199 = arith.constant 0 : i32
          %dma_start3A_200 = arith.constant 0 : i32
          %dma_start3A_201 = tpu.memref_slice %arg2[%dma_start3A_199, %dma_start3A_200] : memref<10000x128xf32, #tpu.memory_space<hbm>> -> memref<10000x128xf32, #tpu.memory_space<hbm>>
          tpu.enqueue_indirect_dma source(%dma_start3A_201 : memref<10000x128xf32, #tpu.memory_space<hbm>>) target(%arg14 : memref<128x128xf32, #tpu.memory_space<vmem>>) offsets(%arg5 : memref<128xi32, #tpu.memory_space<vmem>>) semaphore(%arg20 : memref<!tpu.dma_semaphore, #tpu.memory_space<semaphore_mem>>)
        } else {
        }
        %add3A_107 = arith.constant 2 : i32
        %add3A_108 = arith.addi %mul3A_68, %add3A_107 : i32
        %dma_wait3A_109 = arith.constant 0 : i32
        %dma_wait3A_110 = arith.constant 0 : i32
        %dma_wait3A_111 = tpu.memref_slice %arg2[%dma_wait3A_109, %dma_wait3A_110] : memref<10000x128xf32, #tpu.memory_space<hbm>> -> memref<10000x128xf32, #tpu.memory_space<hbm>>
        tpu.wait_indirect_dma semaphore(%arg19 : memref<!tpu.dma_semaphore, #tpu.memory_space<semaphore_mem>>) src(%dma_wait3A_111 : memref<10000x128xf32, #tpu.memory_space<hbm>>) dst(%arg13 : memref<128x128xf32, #tpu.memory_space<vmem>>)
        "tpu.region"() ({
          %run_scoped3A = tpu.sem_alloc : memref<!tpu.dma_semaphore, #tpu.memory_space<semaphore_mem>>
          %dma_start3A_183 = arith.constant 0 : i32
          %dma_start3A_184 = arith.constant 0 : i32
          %dma_start3A_185 = tpu.memref_slice %arg15[%dma_start3A_183, %dma_start3A_184] : memref<10112x128xf32, #tpu.memory_space<vmem_shared>> -> memref<10112x128xf32, #tpu.memory_space<vmem_shared>>
          tpu.enqueue_indirect_dma source(%arg13 : memref<128x128xf32, #tpu.memory_space<vmem>>) target(%dma_start3A_185 : memref<10112x128xf32, #tpu.memory_space<vmem_shared>>) offsets(%arg10 : memref<128xi32, #tpu.memory_space<vmem>>) semaphore(%run_scoped3A : memref<!tpu.dma_semaphore, #tpu.memory_space<semaphore_mem>>) {add = true}
          %dma_wait3A_186 = arith.constant 0 : i32
          %dma_wait3A_187 = arith.constant 0 : i32
          %dma_wait3A_188 = tpu.memref_slice %arg15[%dma_wait3A_186, %dma_wait3A_187] : memref<10112x128xf32, #tpu.memory_space<vmem_shared>> -> memref<10112x128xf32, #tpu.memory_space<vmem_shared>>
          tpu.wait_indirect_dma semaphore(%run_scoped3A : memref<!tpu.dma_semaphore, #tpu.memory_space<semaphore_mem>>) src(%arg13 : memref<128x128xf32, #tpu.memory_space<vmem>>) dst(%dma_wait3A_188 : memref<10112x128xf32, #tpu.memory_space<vmem_shared>>)
          tpu.yield
        }) : () -> ()
        %add3A_112 = arith.constant 3 : i32
        %add3A_113 = arith.addi %add3A_108, %add3A_112 : i32
        %lt3A_114 = arith.constant 108 : i32
        %lt3A_115 = arith.cmpi slt, %add3A_113, %lt3A_114 : i32
        %convert_element_type3A_116 = arith.extui %lt3A_115 : i1 to i32
        %cond3A_117 = arith.constant 0 : i32
        %cond3A_118 = arith.cmpi ne, %convert_element_type3A_116, %cond3A_117 : i32
        scf.if %cond3A_118 {
          %add3A_183 = arith.constant 3 : i32
          %add3A_184 = arith.addi %add3A_108, %add3A_183 : i32
          %mul3A_185 = arith.constant 128 : i32
          %mul3A_186 = arith.muli %add3A_184, %mul3A_185 : i32
          %add3A_187 = arith.addi %mul3A_2, %mul3A_186 : i32
          %multiple_of3A_188 = tpu.assume_multiple %add3A_187, 128 : i32
          %dma_start3A_189 = arith.constant 0 : i32
          %dma_start3A_190 = tpu.memref_slice %arg3[%dma_start3A_189, %multiple_of3A_188] : memref<2x320000xi32, #tpu.memory_space<hbm>> -> memref<1x128xi32, #tpu.memory_space<hbm>>
          %dma_start3A_191 = tpu.memref_squeeze %dma_start3A_190 : memref<1x128xi32, #tpu.memory_space<hbm>> -> memref<128xi32, #tpu.memory_space<hbm>>
          %dma_start3A_192 = tpu.memref_slice %arg3[%dma_start3A_189, %multiple_of3A_188] : memref<2x320000xi32, #tpu.memory_space<hbm>> -> memref<1x128xi32, #tpu.memory_space<hbm>>
          %dma_start3A_193 = tpu.memref_squeeze %dma_start3A_192 : memref<1x128xi32, #tpu.memory_space<hbm>> -> memref<128xi32, #tpu.memory_space<hbm>>
          tpu.enqueue_dma source(%dma_start3A_193 : memref<128xi32, #tpu.memory_space<hbm>>) target(%arg7 : memref<128xi32, #tpu.memory_space<vmem>>) target_semaphore(%arg18 : memref<!tpu.dma_semaphore, #tpu.memory_space<semaphore_mem>>)
          %dma_start3A_194 = arith.constant 1 : i32
          %dma_start3A_195 = tpu.memref_slice %arg3[%dma_start3A_194, %multiple_of3A_188] : memref<2x320000xi32, #tpu.memory_space<hbm>> -> memref<1x128xi32, #tpu.memory_space<hbm>>
          %dma_start3A_196 = tpu.memref_squeeze %dma_start3A_195 : memref<1x128xi32, #tpu.memory_space<hbm>> -> memref<128xi32, #tpu.memory_space<hbm>>
          %dma_start3A_197 = tpu.memref_slice %arg3[%dma_start3A_194, %multiple_of3A_188] : memref<2x320000xi32, #tpu.memory_space<hbm>> -> memref<1x128xi32, #tpu.memory_space<hbm>>
          %dma_start3A_198 = tpu.memref_squeeze %dma_start3A_197 : memref<1x128xi32, #tpu.memory_space<hbm>> -> memref<128xi32, #tpu.memory_space<hbm>>
          tpu.enqueue_dma source(%dma_start3A_198 : memref<128xi32, #tpu.memory_space<hbm>>) target(%arg10 : memref<128xi32, #tpu.memory_space<vmem>>) target_semaphore(%arg18 : memref<!tpu.dma_semaphore, #tpu.memory_space<semaphore_mem>>)
        } else {
        }
        %add3A_119 = arith.constant 2 : i32
        %add3A_120 = arith.addi %add3A_108, %add3A_119 : i32
        %lt3A_121 = arith.constant 108 : i32
        %lt3A_122 = arith.cmpi slt, %add3A_120, %lt3A_121 : i32
        %convert_element_type3A_123 = arith.extui %lt3A_122 : i1 to i32
        %cond3A_124 = arith.constant 0 : i32
        %cond3A_125 = arith.cmpi ne, %convert_element_type3A_123, %cond3A_124 : i32
        scf.if %cond3A_125 {
          %add3A_183 = arith.constant 2 : i32
          %add3A_184 = arith.addi %add3A_108, %add3A_183 : i32
          %mul3A_185 = arith.constant 128 : i32
          %mul3A_186 = arith.muli %add3A_184, %mul3A_185 : i32
          %add3A_187 = arith.addi %mul3A_2, %mul3A_186 : i32
          %multiple_of3A_188 = tpu.assume_multiple %add3A_187, 128 : i32
          %dma_wait3A_189 = arith.constant 0 : i32
          %dma_wait3A_190 = tpu.memref_slice %arg3[%dma_wait3A_189, %multiple_of3A_188] : memref<2x320000xi32, #tpu.memory_space<hbm>> -> memref<1x128xi32, #tpu.memory_space<hbm>>
          %dma_wait3A_191 = tpu.memref_squeeze %dma_wait3A_190 : memref<1x128xi32, #tpu.memory_space<hbm>> -> memref<128xi32, #tpu.memory_space<hbm>>
          %dma_wait3A_192 = tpu.memref_slice %arg3[%dma_wait3A_189, %multiple_of3A_188] : memref<2x320000xi32, #tpu.memory_space<hbm>> -> memref<1x128xi32, #tpu.memory_space<hbm>>
          %dma_wait3A_193 = tpu.memref_squeeze %dma_wait3A_192 : memref<1x128xi32, #tpu.memory_space<hbm>> -> memref<128xi32, #tpu.memory_space<hbm>>
          tpu.wait_dma2 semaphore(%arg17 : memref<!tpu.dma_semaphore, #tpu.memory_space<semaphore_mem>>) src(%dma_wait3A_193 : memref<128xi32, #tpu.memory_space<hbm>>) dst(%arg6 : memref<128xi32, #tpu.memory_space<vmem>>)
          %dma_wait3A_194 = arith.constant 1 : i32
          %dma_wait3A_195 = tpu.memref_slice %arg3[%dma_wait3A_194, %multiple_of3A_188] : memref<2x320000xi32, #tpu.memory_space<hbm>> -> memref<1x128xi32, #tpu.memory_space<hbm>>
          %dma_wait3A_196 = tpu.memref_squeeze %dma_wait3A_195 : memref<1x128xi32, #tpu.memory_space<hbm>> -> memref<128xi32, #tpu.memory_space<hbm>>
          %dma_wait3A_197 = tpu.memref_slice %arg3[%dma_wait3A_194, %multiple_of3A_188] : memref<2x320000xi32, #tpu.memory_space<hbm>> -> memref<1x128xi32, #tpu.memory_space<hbm>>
          %dma_wait3A_198 = tpu.memref_squeeze %dma_wait3A_197 : memref<1x128xi32, #tpu.memory_space<hbm>> -> memref<128xi32, #tpu.memory_space<hbm>>
          tpu.wait_dma2 semaphore(%arg17 : memref<!tpu.dma_semaphore, #tpu.memory_space<semaphore_mem>>) src(%dma_wait3A_198 : memref<128xi32, #tpu.memory_space<hbm>>) dst(%arg9 : memref<128xi32, #tpu.memory_space<vmem>>)
          %dma_start3A_199 = arith.constant 0 : i32
          %dma_start3A_200 = arith.constant 0 : i32
          %dma_start3A_201 = tpu.memref_slice %arg2[%dma_start3A_199, %dma_start3A_200] : memref<10000x128xf32, #tpu.memory_space<hbm>> -> memref<10000x128xf32, #tpu.memory_space<hbm>>
          tpu.enqueue_indirect_dma source(%dma_start3A_201 : memref<10000x128xf32, #tpu.memory_space<hbm>>) target(%arg13 : memref<128x128xf32, #tpu.memory_space<vmem>>) offsets(%arg6 : memref<128xi32, #tpu.memory_space<vmem>>) semaphore(%arg19 : memref<!tpu.dma_semaphore, #tpu.memory_space<semaphore_mem>>)
        } else {
        }
        %add3A_126 = arith.constant 3 : i32
        %add3A_127 = arith.addi %mul3A_68, %add3A_126 : i32
        %dma_wait3A_128 = arith.constant 0 : i32
        %dma_wait3A_129 = arith.constant 0 : i32
        %dma_wait3A_130 = tpu.memref_slice %arg2[%dma_wait3A_128, %dma_wait3A_129] : memref<10000x128xf32, #tpu.memory_space<hbm>> -> memref<10000x128xf32, #tpu.memory_space<hbm>>
        tpu.wait_indirect_dma semaphore(%arg20 : memref<!tpu.dma_semaphore, #tpu.memory_space<semaphore_mem>>) src(%dma_wait3A_130 : memref<10000x128xf32, #tpu.memory_space<hbm>>) dst(%arg14 : memref<128x128xf32, #tpu.memory_space<vmem>>)
        "tpu.region"() ({
          %run_scoped3A = tpu.sem_alloc : memref<!tpu.dma_semaphore, #tpu.memory_space<semaphore_mem>>
          %dma_start3A_183 = arith.constant 0 : i32
          %dma_start3A_184 = arith.constant 0 : i32
          %dma_start3A_185 = tpu.memref_slice %arg15[%dma_start3A_183, %dma_start3A_184] : memref<10112x128xf32, #tpu.memory_space<vmem_shared>> -> memref<10112x128xf32, #tpu.memory_space<vmem_shared>>
          tpu.enqueue_indirect_dma source(%arg14 : memref<128x128xf32, #tpu.memory_space<vmem>>) target(%dma_start3A_185 : memref<10112x128xf32, #tpu.memory_space<vmem_shared>>) offsets(%arg8 : memref<128xi32, #tpu.memory_space<vmem>>) semaphore(%run_scoped3A : memref<!tpu.dma_semaphore, #tpu.memory_space<semaphore_mem>>) {add = true}
          %dma_wait3A_186 = arith.constant 0 : i32
          %dma_wait3A_187 = arith.constant 0 : i32
          %dma_wait3A_188 = tpu.memref_slice %arg15[%dma_wait3A_186, %dma_wait3A_187] : memref<10112x128xf32, #tpu.memory_space<vmem_shared>> -> memref<10112x128xf32, #tpu.memory_space<vmem_shared>>
          tpu.wait_indirect_dma semaphore(%run_scoped3A : memref<!tpu.dma_semaphore, #tpu.memory_space<semaphore_mem>>) src(%arg14 : memref<128x128xf32, #tpu.memory_space<vmem>>) dst(%dma_wait3A_188 : memref<10112x128xf32, #tpu.memory_space<vmem_shared>>)
          tpu.yield
        }) : () -> ()
        %add3A_131 = arith.constant 3 : i32
        %add3A_132 = arith.addi %add3A_127, %add3A_131 : i32
        %lt3A_133 = arith.constant 108 : i32
        %lt3A_134 = arith.cmpi slt, %add3A_132, %lt3A_133 : i32
        %convert_element_type3A_135 = arith.extui %lt3A_134 : i1 to i32
        %cond3A_136 = arith.constant 0 : i32
        %cond3A_137 = arith.cmpi ne, %convert_element_type3A_135, %cond3A_136 : i32
        scf.if %cond3A_137 {
          %add3A_183 = arith.constant 3 : i32
          %add3A_184 = arith.addi %add3A_127, %add3A_183 : i32
          %mul3A_185 = arith.constant 128 : i32
          %mul3A_186 = arith.muli %add3A_184, %mul3A_185 : i32
          %add3A_187 = arith.addi %mul3A_2, %mul3A_186 : i32
          %multiple_of3A_188 = tpu.assume_multiple %add3A_187, 128 : i32
          %dma_start3A_189 = arith.constant 0 : i32
          %dma_start3A_190 = tpu.memref_slice %arg3[%dma_start3A_189, %multiple_of3A_188] : memref<2x320000xi32, #tpu.memory_space<hbm>> -> memref<1x128xi32, #tpu.memory_space<hbm>>
          %dma_start3A_191 = tpu.memref_squeeze %dma_start3A_190 : memref<1x128xi32, #tpu.memory_space<hbm>> -> memref<128xi32, #tpu.memory_space<hbm>>
          %dma_start3A_192 = tpu.memref_slice %arg3[%dma_start3A_189, %multiple_of3A_188] : memref<2x320000xi32, #tpu.memory_space<hbm>> -> memref<1x128xi32, #tpu.memory_space<hbm>>
          %dma_start3A_193 = tpu.memref_squeeze %dma_start3A_192 : memref<1x128xi32, #tpu.memory_space<hbm>> -> memref<128xi32, #tpu.memory_space<hbm>>
          tpu.enqueue_dma source(%dma_start3A_193 : memref<128xi32, #tpu.memory_space<hbm>>) target(%arg5 : memref<128xi32, #tpu.memory_space<vmem>>) target_semaphore(%arg16 : memref<!tpu.dma_semaphore, #tpu.memory_space<semaphore_mem>>)
          %dma_start3A_194 = arith.constant 1 : i32
          %dma_start3A_195 = tpu.memref_slice %arg3[%dma_start3A_194, %multiple_of3A_188] : memref<2x320000xi32, #tpu.memory_space<hbm>> -> memref<1x128xi32, #tpu.memory_space<hbm>>
          %dma_start3A_196 = tpu.memref_squeeze %dma_start3A_195 : memref<1x128xi32, #tpu.memory_space<hbm>> -> memref<128xi32, #tpu.memory_space<hbm>>
          %dma_start3A_197 = tpu.memref_slice %arg3[%dma_start3A_194, %multiple_of3A_188] : memref<2x320000xi32, #tpu.memory_space<hbm>> -> memref<1x128xi32, #tpu.memory_space<hbm>>
          %dma_start3A_198 = tpu.memref_squeeze %dma_start3A_197 : memref<1x128xi32, #tpu.memory_space<hbm>> -> memref<128xi32, #tpu.memory_space<hbm>>
          tpu.enqueue_dma source(%dma_start3A_198 : memref<128xi32, #tpu.memory_space<hbm>>) target(%arg8 : memref<128xi32, #tpu.memory_space<vmem>>) target_semaphore(%arg16 : memref<!tpu.dma_semaphore, #tpu.memory_space<semaphore_mem>>)
        } else {
        }
        %add3A_138 = arith.constant 2 : i32
        %add3A_139 = arith.addi %add3A_127, %add3A_138 : i32
        %lt3A_140 = arith.constant 108 : i32
        %lt3A_141 = arith.cmpi slt, %add3A_139, %lt3A_140 : i32
        %convert_element_type3A_142 = arith.extui %lt3A_141 : i1 to i32
        %cond3A_143 = arith.constant 0 : i32
        %cond3A_144 = arith.cmpi ne, %convert_element_type3A_142, %cond3A_143 : i32
        scf.if %cond3A_144 {
          %add3A_183 = arith.constant 2 : i32
          %add3A_184 = arith.addi %add3A_127, %add3A_183 : i32
          %mul3A_185 = arith.constant 128 : i32
          %mul3A_186 = arith.muli %add3A_184, %mul3A_185 : i32
          %add3A_187 = arith.addi %mul3A_2, %mul3A_186 : i32
          %multiple_of3A_188 = tpu.assume_multiple %add3A_187, 128 : i32
          %dma_wait3A_189 = arith.constant 0 : i32
          %dma_wait3A_190 = tpu.memref_slice %arg3[%dma_wait3A_189, %multiple_of3A_188] : memref<2x320000xi32, #tpu.memory_space<hbm>> -> memref<1x128xi32, #tpu.memory_space<hbm>>
          %dma_wait3A_191 = tpu.memref_squeeze %dma_wait3A_190 : memref<1x128xi32, #tpu.memory_space<hbm>> -> memref<128xi32, #tpu.memory_space<hbm>>
          %dma_wait3A_192 = tpu.memref_slice %arg3[%dma_wait3A_189, %multiple_of3A_188] : memref<2x320000xi32, #tpu.memory_space<hbm>> -> memref<1x128xi32, #tpu.memory_space<hbm>>
          %dma_wait3A_193 = tpu.memref_squeeze %dma_wait3A_192 : memref<1x128xi32, #tpu.memory_space<hbm>> -> memref<128xi32, #tpu.memory_space<hbm>>
          tpu.wait_dma2 semaphore(%arg18 : memref<!tpu.dma_semaphore, #tpu.memory_space<semaphore_mem>>) src(%dma_wait3A_193 : memref<128xi32, #tpu.memory_space<hbm>>) dst(%arg7 : memref<128xi32, #tpu.memory_space<vmem>>)
          %dma_wait3A_194 = arith.constant 1 : i32
          %dma_wait3A_195 = tpu.memref_slice %arg3[%dma_wait3A_194, %multiple_of3A_188] : memref<2x320000xi32, #tpu.memory_space<hbm>> -> memref<1x128xi32, #tpu.memory_space<hbm>>
          %dma_wait3A_196 = tpu.memref_squeeze %dma_wait3A_195 : memref<1x128xi32, #tpu.memory_space<hbm>> -> memref<128xi32, #tpu.memory_space<hbm>>
          %dma_wait3A_197 = tpu.memref_slice %arg3[%dma_wait3A_194, %multiple_of3A_188] : memref<2x320000xi32, #tpu.memory_space<hbm>> -> memref<1x128xi32, #tpu.memory_space<hbm>>
          %dma_wait3A_198 = tpu.memref_squeeze %dma_wait3A_197 : memref<1x128xi32, #tpu.memory_space<hbm>> -> memref<128xi32, #tpu.memory_space<hbm>>
          tpu.wait_dma2 semaphore(%arg18 : memref<!tpu.dma_semaphore, #tpu.memory_space<semaphore_mem>>) src(%dma_wait3A_198 : memref<128xi32, #tpu.memory_space<hbm>>) dst(%arg10 : memref<128xi32, #tpu.memory_space<vmem>>)
          %dma_start3A_199 = arith.constant 0 : i32
          %dma_start3A_200 = arith.constant 0 : i32
          %dma_start3A_201 = tpu.memref_slice %arg2[%dma_start3A_199, %dma_start3A_200] : memref<10000x128xf32, #tpu.memory_space<hbm>> -> memref<10000x128xf32, #tpu.memory_space<hbm>>
          tpu.enqueue_indirect_dma source(%dma_start3A_201 : memref<10000x128xf32, #tpu.memory_space<hbm>>) target(%arg14 : memref<128x128xf32, #tpu.memory_space<vmem>>) offsets(%arg7 : memref<128xi32, #tpu.memory_space<vmem>>) semaphore(%arg20 : memref<!tpu.dma_semaphore, #tpu.memory_space<semaphore_mem>>)
        } else {
        }
        %add3A_145 = arith.constant 4 : i32
        %add3A_146 = arith.addi %mul3A_68, %add3A_145 : i32
        %dma_wait3A_147 = arith.constant 0 : i32
        %dma_wait3A_148 = arith.constant 0 : i32
        %dma_wait3A_149 = tpu.memref_slice %arg2[%dma_wait3A_147, %dma_wait3A_148] : memref<10000x128xf32, #tpu.memory_space<hbm>> -> memref<10000x128xf32, #tpu.memory_space<hbm>>
        tpu.wait_indirect_dma semaphore(%arg19 : memref<!tpu.dma_semaphore, #tpu.memory_space<semaphore_mem>>) src(%dma_wait3A_149 : memref<10000x128xf32, #tpu.memory_space<hbm>>) dst(%arg13 : memref<128x128xf32, #tpu.memory_space<vmem>>)
        "tpu.region"() ({
          %run_scoped3A = tpu.sem_alloc : memref<!tpu.dma_semaphore, #tpu.memory_space<semaphore_mem>>
          %dma_start3A_183 = arith.constant 0 : i32
          %dma_start3A_184 = arith.constant 0 : i32
          %dma_start3A_185 = tpu.memref_slice %arg15[%dma_start3A_183, %dma_start3A_184] : memref<10112x128xf32, #tpu.memory_space<vmem_shared>> -> memref<10112x128xf32, #tpu.memory_space<vmem_shared>>
          tpu.enqueue_indirect_dma source(%arg13 : memref<128x128xf32, #tpu.memory_space<vmem>>) target(%dma_start3A_185 : memref<10112x128xf32, #tpu.memory_space<vmem_shared>>) offsets(%arg9 : memref<128xi32, #tpu.memory_space<vmem>>) semaphore(%run_scoped3A : memref<!tpu.dma_semaphore, #tpu.memory_space<semaphore_mem>>) {add = true}
          %dma_wait3A_186 = arith.constant 0 : i32
          %dma_wait3A_187 = arith.constant 0 : i32
          %dma_wait3A_188 = tpu.memref_slice %arg15[%dma_wait3A_186, %dma_wait3A_187] : memref<10112x128xf32, #tpu.memory_space<vmem_shared>> -> memref<10112x128xf32, #tpu.memory_space<vmem_shared>>
          tpu.wait_indirect_dma semaphore(%run_scoped3A : memref<!tpu.dma_semaphore, #tpu.memory_space<semaphore_mem>>) src(%arg13 : memref<128x128xf32, #tpu.memory_space<vmem>>) dst(%dma_wait3A_188 : memref<10112x128xf32, #tpu.memory_space<vmem_shared>>)
          tpu.yield
        }) : () -> ()
        %add3A_150 = arith.constant 3 : i32
        %add3A_151 = arith.addi %add3A_146, %add3A_150 : i32
        %lt3A_152 = arith.constant 108 : i32
        %lt3A_153 = arith.cmpi slt, %add3A_151, %lt3A_152 : i32
        %convert_element_type3A_154 = arith.extui %lt3A_153 : i1 to i32
        %cond3A_155 = arith.constant 0 : i32
        %cond3A_156 = arith.cmpi ne, %convert_element_type3A_154, %cond3A_155 : i32
        scf.if %cond3A_156 {
          %add3A_183 = arith.constant 3 : i32
          %add3A_184 = arith.addi %add3A_146, %add3A_183 : i32
          %mul3A_185 = arith.constant 128 : i32
          %mul3A_186 = arith.muli %add3A_184, %mul3A_185 : i32
          %add3A_187 = arith.addi %mul3A_2, %mul3A_186 : i32
          %multiple_of3A_188 = tpu.assume_multiple %add3A_187, 128 : i32
          %dma_start3A_189 = arith.constant 0 : i32
          %dma_start3A_190 = tpu.memref_slice %arg3[%dma_start3A_189, %multiple_of3A_188] : memref<2x320000xi32, #tpu.memory_space<hbm>> -> memref<1x128xi32, #tpu.memory_space<hbm>>
          %dma_start3A_191 = tpu.memref_squeeze %dma_start3A_190 : memref<1x128xi32, #tpu.memory_space<hbm>> -> memref<128xi32, #tpu.memory_space<hbm>>
          %dma_start3A_192 = tpu.memref_slice %arg3[%dma_start3A_189, %multiple_of3A_188] : memref<2x320000xi32, #tpu.memory_space<hbm>> -> memref<1x128xi32, #tpu.memory_space<hbm>>
          %dma_start3A_193 = tpu.memref_squeeze %dma_start3A_192 : memref<1x128xi32, #tpu.memory_space<hbm>> -> memref<128xi32, #tpu.memory_space<hbm>>
          tpu.enqueue_dma source(%dma_start3A_193 : memref<128xi32, #tpu.memory_space<hbm>>) target(%arg6 : memref<128xi32, #tpu.memory_space<vmem>>) target_semaphore(%arg17 : memref<!tpu.dma_semaphore, #tpu.memory_space<semaphore_mem>>)
          %dma_start3A_194 = arith.constant 1 : i32
          %dma_start3A_195 = tpu.memref_slice %arg3[%dma_start3A_194, %multiple_of3A_188] : memref<2x320000xi32, #tpu.memory_space<hbm>> -> memref<1x128xi32, #tpu.memory_space<hbm>>
          %dma_start3A_196 = tpu.memref_squeeze %dma_start3A_195 : memref<1x128xi32, #tpu.memory_space<hbm>> -> memref<128xi32, #tpu.memory_space<hbm>>
          %dma_start3A_197 = tpu.memref_slice %arg3[%dma_start3A_194, %multiple_of3A_188] : memref<2x320000xi32, #tpu.memory_space<hbm>> -> memref<1x128xi32, #tpu.memory_space<hbm>>
          %dma_start3A_198 = tpu.memref_squeeze %dma_start3A_197 : memref<1x128xi32, #tpu.memory_space<hbm>> -> memref<128xi32, #tpu.memory_space<hbm>>
          tpu.enqueue_dma source(%dma_start3A_198 : memref<128xi32, #tpu.memory_space<hbm>>) target(%arg9 : memref<128xi32, #tpu.memory_space<vmem>>) target_semaphore(%arg17 : memref<!tpu.dma_semaphore, #tpu.memory_space<semaphore_mem>>)
        } else {
        }
        %add3A_157 = arith.constant 2 : i32
        %add3A_158 = arith.addi %add3A_146, %add3A_157 : i32
        %lt3A_159 = arith.constant 108 : i32
        %lt3A_160 = arith.cmpi slt, %add3A_158, %lt3A_159 : i32
        %convert_element_type3A_161 = arith.extui %lt3A_160 : i1 to i32
        %cond3A_162 = arith.constant 0 : i32
        %cond3A_163 = arith.cmpi ne, %convert_element_type3A_161, %cond3A_162 : i32
        scf.if %cond3A_163 {
          %add3A_183 = arith.constant 2 : i32
          %add3A_184 = arith.addi %add3A_146, %add3A_183 : i32
          %mul3A_185 = arith.constant 128 : i32
          %mul3A_186 = arith.muli %add3A_184, %mul3A_185 : i32
          %add3A_187 = arith.addi %mul3A_2, %mul3A_186 : i32
          %multiple_of3A_188 = tpu.assume_multiple %add3A_187, 128 : i32
          %dma_wait3A_189 = arith.constant 0 : i32
          %dma_wait3A_190 = tpu.memref_slice %arg3[%dma_wait3A_189, %multiple_of3A_188] : memref<2x320000xi32, #tpu.memory_space<hbm>> -> memref<1x128xi32, #tpu.memory_space<hbm>>
          %dma_wait3A_191 = tpu.memref_squeeze %dma_wait3A_190 : memref<1x128xi32, #tpu.memory_space<hbm>> -> memref<128xi32, #tpu.memory_space<hbm>>
          %dma_wait3A_192 = tpu.memref_slice %arg3[%dma_wait3A_189, %multiple_of3A_188] : memref<2x320000xi32, #tpu.memory_space<hbm>> -> memref<1x128xi32, #tpu.memory_space<hbm>>
          %dma_wait3A_193 = tpu.memref_squeeze %dma_wait3A_192 : memref<1x128xi32, #tpu.memory_space<hbm>> -> memref<128xi32, #tpu.memory_space<hbm>>
          tpu.wait_dma2 semaphore(%arg16 : memref<!tpu.dma_semaphore, #tpu.memory_space<semaphore_mem>>) src(%dma_wait3A_193 : memref<128xi32, #tpu.memory_space<hbm>>) dst(%arg5 : memref<128xi32, #tpu.memory_space<vmem>>)
          %dma_wait3A_194 = arith.constant 1 : i32
          %dma_wait3A_195 = tpu.memref_slice %arg3[%dma_wait3A_194, %multiple_of3A_188] : memref<2x320000xi32, #tpu.memory_space<hbm>> -> memref<1x128xi32, #tpu.memory_space<hbm>>
          %dma_wait3A_196 = tpu.memref_squeeze %dma_wait3A_195 : memref<1x128xi32, #tpu.memory_space<hbm>> -> memref<128xi32, #tpu.memory_space<hbm>>
          %dma_wait3A_197 = tpu.memref_slice %arg3[%dma_wait3A_194, %multiple_of3A_188] : memref<2x320000xi32, #tpu.memory_space<hbm>> -> memref<1x128xi32, #tpu.memory_space<hbm>>
          %dma_wait3A_198 = tpu.memref_squeeze %dma_wait3A_197 : memref<1x128xi32, #tpu.memory_space<hbm>> -> memref<128xi32, #tpu.memory_space<hbm>>
          tpu.wait_dma2 semaphore(%arg16 : memref<!tpu.dma_semaphore, #tpu.memory_space<semaphore_mem>>) src(%dma_wait3A_198 : memref<128xi32, #tpu.memory_space<hbm>>) dst(%arg8 : memref<128xi32, #tpu.memory_space<vmem>>)
          %dma_start3A_199 = arith.constant 0 : i32
          %dma_start3A_200 = arith.constant 0 : i32
          %dma_start3A_201 = tpu.memref_slice %arg2[%dma_start3A_199, %dma_start3A_200] : memref<10000x128xf32, #tpu.memory_space<hbm>> -> memref<10000x128xf32, #tpu.memory_space<hbm>>
          tpu.enqueue_indirect_dma source(%dma_start3A_201 : memref<10000x128xf32, #tpu.memory_space<hbm>>) target(%arg13 : memref<128x128xf32, #tpu.memory_space<vmem>>) offsets(%arg5 : memref<128xi32, #tpu.memory_space<vmem>>) semaphore(%arg19 : memref<!tpu.dma_semaphore, #tpu.memory_space<semaphore_mem>>)
        } else {
        }
        %add3A_164 = arith.constant 5 : i32
        %add3A_165 = arith.addi %mul3A_68, %add3A_164 : i32
        %dma_wait3A_166 = arith.constant 0 : i32
        %dma_wait3A_167 = arith.constant 0 : i32
        %dma_wait3A_168 = tpu.memref_slice %arg2[%dma_wait3A_166, %dma_wait3A_167] : memref<10000x128xf32, #tpu.memory_space<hbm>> -> memref<10000x128xf32, #tpu.memory_space<hbm>>
        tpu.wait_indirect_dma semaphore(%arg20 : memref<!tpu.dma_semaphore, #tpu.memory_space<semaphore_mem>>) src(%dma_wait3A_168 : memref<10000x128xf32, #tpu.memory_space<hbm>>) dst(%arg14 : memref<128x128xf32, #tpu.memory_space<vmem>>)
        "tpu.region"() ({
          %run_scoped3A = tpu.sem_alloc : memref<!tpu.dma_semaphore, #tpu.memory_space<semaphore_mem>>
          %dma_start3A_183 = arith.constant 0 : i32
          %dma_start3A_184 = arith.constant 0 : i32
          %dma_start3A_185 = tpu.memref_slice %arg15[%dma_start3A_183, %dma_start3A_184] : memref<10112x128xf32, #tpu.memory_space<vmem_shared>> -> memref<10112x128xf32, #tpu.memory_space<vmem_shared>>
          tpu.enqueue_indirect_dma source(%arg14 : memref<128x128xf32, #tpu.memory_space<vmem>>) target(%dma_start3A_185 : memref<10112x128xf32, #tpu.memory_space<vmem_shared>>) offsets(%arg10 : memref<128xi32, #tpu.memory_space<vmem>>) semaphore(%run_scoped3A : memref<!tpu.dma_semaphore, #tpu.memory_space<semaphore_mem>>) {add = true}
          %dma_wait3A_186 = arith.constant 0 : i32
          %dma_wait3A_187 = arith.constant 0 : i32
          %dma_wait3A_188 = tpu.memref_slice %arg15[%dma_wait3A_186, %dma_wait3A_187] : memref<10112x128xf32, #tpu.memory_space<vmem_shared>> -> memref<10112x128xf32, #tpu.memory_space<vmem_shared>>
          tpu.wait_indirect_dma semaphore(%run_scoped3A : memref<!tpu.dma_semaphore, #tpu.memory_space<semaphore_mem>>) src(%arg14 : memref<128x128xf32, #tpu.memory_space<vmem>>) dst(%dma_wait3A_188 : memref<10112x128xf32, #tpu.memory_space<vmem_shared>>)
          tpu.yield
        }) : () -> ()
        %add3A_169 = arith.constant 3 : i32
        %add3A_170 = arith.addi %add3A_165, %add3A_169 : i32
        %lt3A_171 = arith.constant 108 : i32
        %lt3A_172 = arith.cmpi slt, %add3A_170, %lt3A_171 : i32
        %convert_element_type3A_173 = arith.extui %lt3A_172 : i1 to i32
        %cond3A_174 = arith.constant 0 : i32
        %cond3A_175 = arith.cmpi ne, %convert_element_type3A_173, %cond3A_174 : i32
        scf.if %cond3A_175 {
          %add3A_183 = arith.constant 3 : i32
          %add3A_184 = arith.addi %add3A_165, %add3A_183 : i32
          %mul3A_185 = arith.constant 128 : i32
          %mul3A_186 = arith.muli %add3A_184, %mul3A_185 : i32
          %add3A_187 = arith.addi %mul3A_2, %mul3A_186 : i32
          %multiple_of3A_188 = tpu.assume_multiple %add3A_187, 128 : i32
          %dma_start3A_189 = arith.constant 0 : i32
          %dma_start3A_190 = tpu.memref_slice %arg3[%dma_start3A_189, %multiple_of3A_188] : memref<2x320000xi32, #tpu.memory_space<hbm>> -> memref<1x128xi32, #tpu.memory_space<hbm>>
          %dma_start3A_191 = tpu.memref_squeeze %dma_start3A_190 : memref<1x128xi32, #tpu.memory_space<hbm>> -> memref<128xi32, #tpu.memory_space<hbm>>
          %dma_start3A_192 = tpu.memref_slice %arg3[%dma_start3A_189, %multiple_of3A_188] : memref<2x320000xi32, #tpu.memory_space<hbm>> -> memref<1x128xi32, #tpu.memory_space<hbm>>
          %dma_start3A_193 = tpu.memref_squeeze %dma_start3A_192 : memref<1x128xi32, #tpu.memory_space<hbm>> -> memref<128xi32, #tpu.memory_space<hbm>>
          tpu.enqueue_dma source(%dma_start3A_193 : memref<128xi32, #tpu.memory_space<hbm>>) target(%arg7 : memref<128xi32, #tpu.memory_space<vmem>>) target_semaphore(%arg18 : memref<!tpu.dma_semaphore, #tpu.memory_space<semaphore_mem>>)
          %dma_start3A_194 = arith.constant 1 : i32
          %dma_start3A_195 = tpu.memref_slice %arg3[%dma_start3A_194, %multiple_of3A_188] : memref<2x320000xi32, #tpu.memory_space<hbm>> -> memref<1x128xi32, #tpu.memory_space<hbm>>
          %dma_start3A_196 = tpu.memref_squeeze %dma_start3A_195 : memref<1x128xi32, #tpu.memory_space<hbm>> -> memref<128xi32, #tpu.memory_space<hbm>>
          %dma_start3A_197 = tpu.memref_slice %arg3[%dma_start3A_194, %multiple_of3A_188] : memref<2x320000xi32, #tpu.memory_space<hbm>> -> memref<1x128xi32, #tpu.memory_space<hbm>>
          %dma_start3A_198 = tpu.memref_squeeze %dma_start3A_197 : memref<1x128xi32, #tpu.memory_space<hbm>> -> memref<128xi32, #tpu.memory_space<hbm>>
          tpu.enqueue_dma source(%dma_start3A_198 : memref<128xi32, #tpu.memory_space<hbm>>) target(%arg10 : memref<128xi32, #tpu.memory_space<vmem>>) target_semaphore(%arg18 : memref<!tpu.dma_semaphore, #tpu.memory_space<semaphore_mem>>)
        } else {
        }
        %add3A_176 = arith.constant 2 : i32
        %add3A_177 = arith.addi %add3A_165, %add3A_176 : i32
        %lt3A_178 = arith.constant 108 : i32
        %lt3A_179 = arith.cmpi slt, %add3A_177, %lt3A_178 : i32
        %convert_element_type3A_180 = arith.extui %lt3A_179 : i1 to i32
        %cond3A_181 = arith.constant 0 : i32
        %cond3A_182 = arith.cmpi ne, %convert_element_type3A_180, %cond3A_181 : i32
        scf.if %cond3A_182 {
          %add3A_183 = arith.constant 2 : i32
          %add3A_184 = arith.addi %add3A_165, %add3A_183 : i32
          %mul3A_185 = arith.constant 128 : i32
          %mul3A_186 = arith.muli %add3A_184, %mul3A_185 : i32
          %add3A_187 = arith.addi %mul3A_2, %mul3A_186 : i32
          %multiple_of3A_188 = tpu.assume_multiple %add3A_187, 128 : i32
          %dma_wait3A_189 = arith.constant 0 : i32
          %dma_wait3A_190 = tpu.memref_slice %arg3[%dma_wait3A_189, %multiple_of3A_188] : memref<2x320000xi32, #tpu.memory_space<hbm>> -> memref<1x128xi32, #tpu.memory_space<hbm>>
          %dma_wait3A_191 = tpu.memref_squeeze %dma_wait3A_190 : memref<1x128xi32, #tpu.memory_space<hbm>> -> memref<128xi32, #tpu.memory_space<hbm>>
          %dma_wait3A_192 = tpu.memref_slice %arg3[%dma_wait3A_189, %multiple_of3A_188] : memref<2x320000xi32, #tpu.memory_space<hbm>> -> memref<1x128xi32, #tpu.memory_space<hbm>>
          %dma_wait3A_193 = tpu.memref_squeeze %dma_wait3A_192 : memref<1x128xi32, #tpu.memory_space<hbm>> -> memref<128xi32, #tpu.memory_space<hbm>>
          tpu.wait_dma2 semaphore(%arg17 : memref<!tpu.dma_semaphore, #tpu.memory_space<semaphore_mem>>) src(%dma_wait3A_193 : memref<128xi32, #tpu.memory_space<hbm>>) dst(%arg6 : memref<128xi32, #tpu.memory_space<vmem>>)
          %dma_wait3A_194 = arith.constant 1 : i32
          %dma_wait3A_195 = tpu.memref_slice %arg3[%dma_wait3A_194, %multiple_of3A_188] : memref<2x320000xi32, #tpu.memory_space<hbm>> -> memref<1x128xi32, #tpu.memory_space<hbm>>
          %dma_wait3A_196 = tpu.memref_squeeze %dma_wait3A_195 : memref<1x128xi32, #tpu.memory_space<hbm>> -> memref<128xi32, #tpu.memory_space<hbm>>
          %dma_wait3A_197 = tpu.memref_slice %arg3[%dma_wait3A_194, %multiple_of3A_188] : memref<2x320000xi32, #tpu.memory_space<hbm>> -> memref<1x128xi32, #tpu.memory_space<hbm>>
          %dma_wait3A_198 = tpu.memref_squeeze %dma_wait3A_197 : memref<1x128xi32, #tpu.memory_space<hbm>> -> memref<128xi32, #tpu.memory_space<hbm>>
          tpu.wait_dma2 semaphore(%arg17 : memref<!tpu.dma_semaphore, #tpu.memory_space<semaphore_mem>>) src(%dma_wait3A_198 : memref<128xi32, #tpu.memory_space<hbm>>) dst(%arg9 : memref<128xi32, #tpu.memory_space<vmem>>)
          %dma_start3A_199 = arith.constant 0 : i32
          %dma_start3A_200 = arith.constant 0 : i32
          %dma_start3A_201 = tpu.memref_slice %arg2[%dma_start3A_199, %dma_start3A_200] : memref<10000x128xf32, #tpu.memory_space<hbm>> -> memref<10000x128xf32, #tpu.memory_space<hbm>>
          tpu.enqueue_indirect_dma source(%dma_start3A_201 : memref<10000x128xf32, #tpu.memory_space<hbm>>) target(%arg14 : memref<128x128xf32, #tpu.memory_space<vmem>>) offsets(%arg6 : memref<128xi32, #tpu.memory_space<vmem>>) semaphore(%arg20 : memref<!tpu.dma_semaphore, #tpu.memory_space<semaphore_mem>>)
        } else {
        }
      }
      %scan3A_65 = arith.constant 18 : i32
    } else {
    }
    %eq3A_26 = arith.constant 1 : i32
    %eq3A_27 = arith.cmpi eq, %arg0, %eq3A_26 : i32
    %convert_element_type3A_28 = arith.extui %eq3A_27 : i1 to i32
    %cond3A_29 = arith.constant 0 : i32
    %cond3A_30 = arith.cmpi ne, %convert_element_type3A_28, %cond3A_29 : i32
    scf.if %cond3A_30 {
      %jit3A_32 = arith.constant 8 : i32
      %div3A = arith.divsi %add3A_5, %jit3A_32 : i32
      %sign3A = arith.constant 0 : i32
      %sign3A_33 = arith.cmpi sgt, %add3A_5, %sign3A : i32
      %sign3A_34 = arith.extui %sign3A_33 : i1 to i32
      %sign3A_35 = arith.constant 0 : i32
      %sign3A_36 = arith.cmpi slt, %add3A_5, %sign3A_35 : i32
      %sign3A_37 = arith.extui %sign3A_36 : i1 to i32
      %sign3A_38 = arith.subi %sign3A_34, %sign3A_37 : i32
      %sign3A_39 = arith.constant 0 : i32
      %sign3A_40 = arith.cmpi sgt, %jit3A_32, %sign3A_39 : i32
      %sign3A_41 = arith.extui %sign3A_40 : i1 to i32
      %sign3A_42 = arith.constant 0 : i32
      %sign3A_43 = arith.cmpi slt, %jit3A_32, %sign3A_42 : i32
      %sign3A_44 = arith.extui %sign3A_43 : i1 to i32
      %sign3A_45 = arith.subi %sign3A_41, %sign3A_44 : i32
      %ne3A = arith.cmpi ne, %sign3A_38, %sign3A_45 : i32
      %rem3A = arith.remsi %add3A_5, %jit3A_32 : i32
      %ne3A_46 = arith.constant 0 : i32
      %ne3A_47 = arith.cmpi ne, %rem3A, %ne3A_46 : i32
      %and3A = arith.andi %ne3A, %ne3A_47 : i1
      %sub3A = arith.constant 1 : i32
      %sub3A_48 = arith.subi %div3A, %sub3A : i32
      %select_n3A_49 = arith.select %and3A, %sub3A_48, %div3A : i32
      %while3A = arith.constant 0 : i32
      %while3A_50 = arith.constant 0 : i32
      %while3A_51 = arith.subi %select_n3A_49, %while3A_50 : i32
      %while3A_52 = arith.addi %while3A_50, %while3A_51 : i32
      %while3A_53 = arith.constant 1 : i32
      %while3A_54 = arith.divsi %while3A_51, %while3A_53 : i32
      %while3A_55 = arith.muli %while3A_54, %while3A_53 : i32
      %while3A_56 = arith.addi %while3A_50, %while3A_55 : i32
      %while3A_57 = arith.constant 1 : i32
      scf.for %while3A_70 = %while3A_50 to %while3A_56 step %while3A_57  : i32 {
        %mul3A_71 = arith.constant 1024 : i32
        %mul3A_72 = arith.muli %while3A_70, %mul3A_71 : i32
        %add3A_73 = arith.addi %mul3A_13, %mul3A_72 : i32
        %multiple_of3A = tpu.assume_multiple %add3A_73, 128 : i32
        %run_scoped3A = arith.constant 0 : i32
        "tpu.region"() ({
          %run_scoped3A_599 = tpu.sem_alloc : memref<!tpu.dma_semaphore, #tpu.memory_space<semaphore_mem>>
          %dma_start3A_600 = tpu.memref_slice %arg3[%run_scoped3A, %multiple_of3A] : memref<2x320000xi32, #tpu.memory_space<hbm>> -> memref<1x1024xi32, #tpu.memory_space<hbm>>
          %dma_start3A_601 = tpu.memref_squeeze %dma_start3A_600 : memref<1x1024xi32, #tpu.memory_space<hbm>> -> memref<1024xi32, #tpu.memory_space<hbm>>
          %dma_start3A_602 = tpu.memref_slice %arg3[%run_scoped3A, %multiple_of3A] : memref<2x320000xi32, #tpu.memory_space<hbm>> -> memref<1x1024xi32, #tpu.memory_space<hbm>>
          %dma_start3A_603 = tpu.memref_squeeze %dma_start3A_602 : memref<1x1024xi32, #tpu.memory_space<hbm>> -> memref<1024xi32, #tpu.memory_space<hbm>>
          tpu.enqueue_dma source(%dma_start3A_603 : memref<1024xi32, #tpu.memory_space<hbm>>) target(%arg11 : memref<1024xi32, #tpu.memory_space<vmem>>) target_semaphore(%run_scoped3A_599 : memref<!tpu.dma_semaphore, #tpu.memory_space<semaphore_mem>>)
          %dma_wait3A_604 = tpu.memref_slice %arg3[%run_scoped3A, %multiple_of3A] : memref<2x320000xi32, #tpu.memory_space<hbm>> -> memref<1x1024xi32, #tpu.memory_space<hbm>>
          %dma_wait3A_605 = tpu.memref_squeeze %dma_wait3A_604 : memref<1x1024xi32, #tpu.memory_space<hbm>> -> memref<1024xi32, #tpu.memory_space<hbm>>
          %dma_wait3A_606 = tpu.memref_slice %arg3[%run_scoped3A, %multiple_of3A] : memref<2x320000xi32, #tpu.memory_space<hbm>> -> memref<1x1024xi32, #tpu.memory_space<hbm>>
          %dma_wait3A_607 = tpu.memref_squeeze %dma_wait3A_606 : memref<1x1024xi32, #tpu.memory_space<hbm>> -> memref<1024xi32, #tpu.memory_space<hbm>>
          tpu.wait_dma2 semaphore(%run_scoped3A_599 : memref<!tpu.dma_semaphore, #tpu.memory_space<semaphore_mem>>) src(%dma_wait3A_607 : memref<1024xi32, #tpu.memory_space<hbm>>) dst(%arg11 : memref<1024xi32, #tpu.memory_space<vmem>>)
          tpu.yield
        }) : () -> ()
        %run_scoped3A_74 = arith.constant 1 : i32
        "tpu.region"() ({
          %run_scoped3A_599 = tpu.sem_alloc : memref<!tpu.dma_semaphore, #tpu.memory_space<semaphore_mem>>
          %dma_start3A_600 = tpu.memref_slice %arg3[%run_scoped3A_74, %multiple_of3A] : memref<2x320000xi32, #tpu.memory_space<hbm>> -> memref<1x1024xi32, #tpu.memory_space<hbm>>
          %dma_start3A_601 = tpu.memref_squeeze %dma_start3A_600 : memref<1x1024xi32, #tpu.memory_space<hbm>> -> memref<1024xi32, #tpu.memory_space<hbm>>
          %dma_start3A_602 = tpu.memref_slice %arg3[%run_scoped3A_74, %multiple_of3A] : memref<2x320000xi32, #tpu.memory_space<hbm>> -> memref<1x1024xi32, #tpu.memory_space<hbm>>
          %dma_start3A_603 = tpu.memref_squeeze %dma_start3A_602 : memref<1x1024xi32, #tpu.memory_space<hbm>> -> memref<1024xi32, #tpu.memory_space<hbm>>
          tpu.enqueue_dma source(%dma_start3A_603 : memref<1024xi32, #tpu.memory_space<hbm>>) target(%arg12 : memref<1024xi32, #tpu.memory_space<vmem>>) target_semaphore(%run_scoped3A_599 : memref<!tpu.dma_semaphore, #tpu.memory_space<semaphore_mem>>)
          %dma_wait3A_604 = tpu.memref_slice %arg3[%run_scoped3A_74, %multiple_of3A] : memref<2x320000xi32, #tpu.memory_space<hbm>> -> memref<1x1024xi32, #tpu.memory_space<hbm>>
          %dma_wait3A_605 = tpu.memref_squeeze %dma_wait3A_604 : memref<1x1024xi32, #tpu.memory_space<hbm>> -> memref<1024xi32, #tpu.memory_space<hbm>>
          %dma_wait3A_606 = tpu.memref_slice %arg3[%run_scoped3A_74, %multiple_of3A] : memref<2x320000xi32, #tpu.memory_space<hbm>> -> memref<1x1024xi32, #tpu.memory_space<hbm>>
          %dma_wait3A_607 = tpu.memref_squeeze %dma_wait3A_606 : memref<1x1024xi32, #tpu.memory_space<hbm>> -> memref<1024xi32, #tpu.memory_space<hbm>>
          tpu.wait_dma2 semaphore(%run_scoped3A_599 : memref<!tpu.dma_semaphore, #tpu.memory_space<semaphore_mem>>) src(%dma_wait3A_607 : memref<1024xi32, #tpu.memory_space<hbm>>) dst(%arg12 : memref<1024xi32, #tpu.memory_space<vmem>>)
          tpu.yield
        }) : () -> ()
        %get3A = arith.constant 0 : index
        %get3A_75 = tpu.vector_load %arg12[%get3A] {strides = array<i32>} : memref<1024xi32, #tpu.memory_space<vmem>>, vector<16xi32>,
        %get3A_76 = vector.shape_cast %get3A_75 : vector<16xi32> to vector<16xi32>
        %swap3A = arith.constant 0 : index
        %swap3A_77 = tpu.vector_load %arg8[%swap3A] {strides = array<i32>} : memref<128xi32, #tpu.memory_space<vmem>>, vector<16xi32>,
        %swap3A_78 = vector.shape_cast %swap3A_77 : vector<16xi32> to vector<16xi32>
        %swap3A_79 = vector.shape_cast %get3A_76 : vector<16xi32> to vector<16xi32>
        tpu.vector_store %arg8[%swap3A], %swap3A_79 {strides = array<i32>} : memref<128xi32, #tpu.memory_space<vmem>>, vector<16xi32>,
        %get3A_80 = arith.constant 16 : index
        %get3A_81 = tpu.vector_load %arg12[%get3A_80] {strides = array<i32>} : memref<1024xi32, #tpu.memory_space<vmem>>, vector<16xi32>,
        %get3A_82 = vector.shape_cast %get3A_81 : vector<16xi32> to vector<16xi32>
        %swap3A_83 = arith.constant 16 : index
        %swap3A_84 = tpu.vector_load %arg8[%swap3A_83] {strides = array<i32>} : memref<128xi32, #tpu.memory_space<vmem>>, vector<16xi32>,
        %swap3A_85 = vector.shape_cast %swap3A_84 : vector<16xi32> to vector<16xi32>
        %swap3A_86 = vector.shape_cast %get3A_82 : vector<16xi32> to vector<16xi32>
        tpu.vector_store %arg8[%swap3A_83], %swap3A_86 {strides = array<i32>} : memref<128xi32, #tpu.memory_space<vmem>>, vector<16xi32>,
        %get3A_87 = arith.constant 32 : index
        %get3A_88 = tpu.vector_load %arg12[%get3A_87] {strides = array<i32>} : memref<1024xi32, #tpu.memory_space<vmem>>, vector<16xi32>,
        %get3A_89 = vector.shape_cast %get3A_88 : vector<16xi32> to vector<16xi32>
        %swap3A_90 = arith.constant 32 : index
        %swap3A_91 = tpu.vector_load %arg8[%swap3A_90] {strides = array<i32>} : memref<128xi32, #tpu.memory_space<vmem>>, vector<16xi32>,
        %swap3A_92 = vector.shape_cast %swap3A_91 : vector<16xi32> to vector<16xi32>
        %swap3A_93 = vector.shape_cast %get3A_89 : vector<16xi32> to vector<16xi32>
        tpu.vector_store %arg8[%swap3A_90], %swap3A_93 {strides = array<i32>} : memref<128xi32, #tpu.memory_space<vmem>>, vector<16xi32>,
        %get3A_94 = arith.constant 48 : index
        %get3A_95 = tpu.vector_load %arg12[%get3A_94] {strides = array<i32>} : memref<1024xi32, #tpu.memory_space<vmem>>, vector<16xi32>,
        %get3A_96 = vector.shape_cast %get3A_95 : vector<16xi32> to vector<16xi32>
        %swap3A_97 = arith.constant 48 : index
        %swap3A_98 = tpu.vector_load %arg8[%swap3A_97] {strides = array<i32>} : memref<128xi32, #tpu.memory_space<vmem>>, vector<16xi32>,
        %swap3A_99 = vector.shape_cast %swap3A_98 : vector<16xi32> to vector<16xi32>
        %swap3A_100 = vector.shape_cast %get3A_96 : vector<16xi32> to vector<16xi32>
        tpu.vector_store %arg8[%swap3A_97], %swap3A_100 {strides = array<i32>} : memref<128xi32, #tpu.memory_space<vmem>>, vector<16xi32>,
        %get3A_101 = arith.constant 64 : index
        %get3A_102 = tpu.vector_load %arg12[%get3A_101] {strides = array<i32>} : memref<1024xi32, #tpu.memory_space<vmem>>, vector<16xi32>,
        %get3A_103 = vector.shape_cast %get3A_102 : vector<16xi32> to vector<16xi32>
        %swap3A_104 = arith.constant 64 : index
        %swap3A_105 = tpu.vector_load %arg8[%swap3A_104] {strides = array<i32>} : memref<128xi32, #tpu.memory_space<vmem>>, vector<16xi32>,
        %swap3A_106 = vector.shape_cast %swap3A_105 : vector<16xi32> to vector<16xi32>
        %swap3A_107 = vector.shape_cast %get3A_103 : vector<16xi32> to vector<16xi32>
        tpu.vector_store %arg8[%swap3A_104], %swap3A_107 {strides = array<i32>} : memref<128xi32, #tpu.memory_space<vmem>>, vector<16xi32>,
        %get3A_108 = arith.constant 80 : index
        %get3A_109 = tpu.vector_load %arg12[%get3A_108] {strides = array<i32>} : memref<1024xi32, #tpu.memory_space<vmem>>, vector<16xi32>,
        %get3A_110 = vector.shape_cast %get3A_109 : vector<16xi32> to vector<16xi32>
        %swap3A_111 = arith.constant 80 : index
        %swap3A_112 = tpu.vector_load %arg8[%swap3A_111] {strides = array<i32>} : memref<128xi32, #tpu.memory_space<vmem>>, vector<16xi32>,
        %swap3A_113 = vector.shape_cast %swap3A_112 : vector<16xi32> to vector<16xi32>
        %swap3A_114 = vector.shape_cast %get3A_110 : vector<16xi32> to vector<16xi32>
        tpu.vector_store %arg8[%swap3A_111], %swap3A_114 {strides = array<i32>} : memref<128xi32, #tpu.memory_space<vmem>>, vector<16xi32>,
        %get3A_115 = arith.constant 96 : index
        %get3A_116 = tpu.vector_load %arg12[%get3A_115] {strides = array<i32>} : memref<1024xi32, #tpu.memory_space<vmem>>, vector<16xi32>,
        %get3A_117 = vector.shape_cast %get3A_116 : vector<16xi32> to vector<16xi32>
        %swap3A_118 = arith.constant 96 : index
        %swap3A_119 = tpu.vector_load %arg8[%swap3A_118] {strides = array<i32>} : memref<128xi32, #tpu.memory_space<vmem>>, vector<16xi32>,
        %swap3A_120 = vector.shape_cast %swap3A_119 : vector<16xi32> to vector<16xi32>
        %swap3A_121 = vector.shape_cast %get3A_117 : vector<16xi32> to vector<16xi32>
        tpu.vector_store %arg8[%swap3A_118], %swap3A_121 {strides = array<i32>} : memref<128xi32, #tpu.memory_space<vmem>>, vector<16xi32>,
        %get3A_122 = arith.constant 112 : index
        %get3A_123 = tpu.vector_load %arg12[%get3A_122] {strides = array<i32>} : memref<1024xi32, #tpu.memory_space<vmem>>, vector<16xi32>,
        %get3A_124 = vector.shape_cast %get3A_123 : vector<16xi32> to vector<16xi32>
        %swap3A_125 = arith.constant 112 : index
        %swap3A_126 = tpu.vector_load %arg8[%swap3A_125] {strides = array<i32>} : memref<128xi32, #tpu.memory_space<vmem>>, vector<16xi32>,
        %swap3A_127 = vector.shape_cast %swap3A_126 : vector<16xi32> to vector<16xi32>
        %swap3A_128 = vector.shape_cast %get3A_124 : vector<16xi32> to vector<16xi32>
        tpu.vector_store %arg8[%swap3A_125], %swap3A_128 {strides = array<i32>} : memref<128xi32, #tpu.memory_space<vmem>>, vector<16xi32>,
        %dma_start3A = arith.constant 0 : i32
        %dma_start3A_129 = tpu.memref_slice %arg11[%dma_start3A] : memref<1024xi32, #tpu.memory_space<vmem>> -> memref<128xi32, #tpu.memory_space<vmem>>
        %dma_start3A_130 = arith.constant 0 : i32
        %dma_start3A_131 = arith.constant 0 : i32
        %dma_start3A_132 = tpu.memref_slice %arg2[%dma_start3A_130, %dma_start3A_131] : memref<10000x128xf32, #tpu.memory_space<hbm>> -> memref<10000x128xf32, #tpu.memory_space<hbm>>
        tpu.enqueue_indirect_dma source(%dma_start3A_132 : memref<10000x128xf32, #tpu.memory_space<hbm>>) target(%arg13 : memref<128x128xf32, #tpu.memory_space<vmem>>) offsets(%dma_start3A_129 : memref<128xi32, #tpu.memory_space<vmem>>) semaphore(%arg19 : memref<!tpu.dma_semaphore, #tpu.memory_space<semaphore_mem>>)
        %dma_wait3A = arith.constant 0 : i32
        %dma_wait3A_133 = tpu.memref_slice %arg11[%dma_wait3A] : memref<1024xi32, #tpu.memory_space<vmem>> -> memref<128xi32, #tpu.memory_space<vmem>>
        %dma_wait3A_134 = arith.constant 0 : i32
        %dma_wait3A_135 = arith.constant 0 : i32
        %dma_wait3A_136 = tpu.memref_slice %arg2[%dma_wait3A_134, %dma_wait3A_135] : memref<10000x128xf32, #tpu.memory_space<hbm>> -> memref<10000x128xf32, #tpu.memory_space<hbm>>
        tpu.wait_indirect_dma semaphore(%arg19 : memref<!tpu.dma_semaphore, #tpu.memory_space<semaphore_mem>>) src(%dma_wait3A_136 : memref<10000x128xf32, #tpu.memory_space<hbm>>) dst(%arg13 : memref<128x128xf32, #tpu.memory_space<vmem>>)
        "tpu.region"() ({
          %run_scoped3A_599 = tpu.sem_alloc : memref<!tpu.dma_semaphore, #tpu.memory_space<semaphore_mem>>
          %dma_start3A_600 = arith.constant 0 : i32
          %dma_start3A_601 = arith.constant 0 : i32
          %dma_start3A_602 = tpu.memref_slice %arg15[%dma_start3A_600, %dma_start3A_601] : memref<10112x128xf32, #tpu.memory_space<vmem_shared>> -> memref<10112x128xf32, #tpu.memory_space<vmem_shared>>
          tpu.enqueue_indirect_dma source(%arg13 : memref<128x128xf32, #tpu.memory_space<vmem>>) target(%dma_start3A_602 : memref<10112x128xf32, #tpu.memory_space<vmem_shared>>) offsets(%arg8 : memref<128xi32, #tpu.memory_space<vmem>>) semaphore(%run_scoped3A_599 : memref<!tpu.dma_semaphore, #tpu.memory_space<semaphore_mem>>) {add = true}
          %dma_wait3A_603 = arith.constant 0 : i32
          %dma_wait3A_604 = arith.constant 0 : i32
          %dma_wait3A_605 = tpu.memref_slice %arg15[%dma_wait3A_603, %dma_wait3A_604] : memref<10112x128xf32, #tpu.memory_space<vmem_shared>> -> memref<10112x128xf32, #tpu.memory_space<vmem_shared>>
          tpu.wait_indirect_dma semaphore(%run_scoped3A_599 : memref<!tpu.dma_semaphore, #tpu.memory_space<semaphore_mem>>) src(%arg13 : memref<128x128xf32, #tpu.memory_space<vmem>>) dst(%dma_wait3A_605 : memref<10112x128xf32, #tpu.memory_space<vmem_shared>>)
          tpu.yield
        }) : () -> ()
        %get3A_137 = arith.constant 128 : index
        %get3A_138 = tpu.vector_load %arg12[%get3A_137] {strides = array<i32>} : memref<1024xi32, #tpu.memory_space<vmem>>, vector<16xi32>,
        %get3A_139 = vector.shape_cast %get3A_138 : vector<16xi32> to vector<16xi32>
        %swap3A_140 = arith.constant 0 : index
        %swap3A_141 = tpu.vector_load %arg8[%swap3A_140] {strides = array<i32>} : memref<128xi32, #tpu.memory_space<vmem>>, vector<16xi32>,
        %swap3A_142 = vector.shape_cast %swap3A_141 : vector<16xi32> to vector<16xi32>
        %swap3A_143 = vector.shape_cast %get3A_139 : vector<16xi32> to vector<16xi32>
        tpu.vector_store %arg8[%swap3A_140], %swap3A_143 {strides = array<i32>} : memref<128xi32, #tpu.memory_space<vmem>>, vector<16xi32>,
        %get3A_144 = arith.constant 144 : index
        %get3A_145 = tpu.vector_load %arg12[%get3A_144] {strides = array<i32>} : memref<1024xi32, #tpu.memory_space<vmem>>, vector<16xi32>,
        %get3A_146 = vector.shape_cast %get3A_145 : vector<16xi32> to vector<16xi32>
        %swap3A_147 = arith.constant 16 : index
        %swap3A_148 = tpu.vector_load %arg8[%swap3A_147] {strides = array<i32>} : memref<128xi32, #tpu.memory_space<vmem>>, vector<16xi32>,
        %swap3A_149 = vector.shape_cast %swap3A_148 : vector<16xi32> to vector<16xi32>
        %swap3A_150 = vector.shape_cast %get3A_146 : vector<16xi32> to vector<16xi32>
        tpu.vector_store %arg8[%swap3A_147], %swap3A_150 {strides = array<i32>} : memref<128xi32, #tpu.memory_space<vmem>>, vector<16xi32>,
        %get3A_151 = arith.constant 160 : index
        %get3A_152 = tpu.vector_load %arg12[%get3A_151] {strides = array<i32>} : memref<1024xi32, #tpu.memory_space<vmem>>, vector<16xi32>,
        %get3A_153 = vector.shape_cast %get3A_152 : vector<16xi32> to vector<16xi32>
        %swap3A_154 = arith.constant 32 : index
        %swap3A_155 = tpu.vector_load %arg8[%swap3A_154] {strides = array<i32>} : memref<128xi32, #tpu.memory_space<vmem>>, vector<16xi32>,
        %swap3A_156 = vector.shape_cast %swap3A_155 : vector<16xi32> to vector<16xi32>
        %swap3A_157 = vector.shape_cast %get3A_153 : vector<16xi32> to vector<16xi32>
        tpu.vector_store %arg8[%swap3A_154], %swap3A_157 {strides = array<i32>} : memref<128xi32, #tpu.memory_space<vmem>>, vector<16xi32>,
        %get3A_158 = arith.constant 176 : index
        %get3A_159 = tpu.vector_load %arg12[%get3A_158] {strides = array<i32>} : memref<1024xi32, #tpu.memory_space<vmem>>, vector<16xi32>,
        %get3A_160 = vector.shape_cast %get3A_159 : vector<16xi32> to vector<16xi32>
        %swap3A_161 = arith.constant 48 : index
        %swap3A_162 = tpu.vector_load %arg8[%swap3A_161] {strides = array<i32>} : memref<128xi32, #tpu.memory_space<vmem>>, vector<16xi32>,
        %swap3A_163 = vector.shape_cast %swap3A_162 : vector<16xi32> to vector<16xi32>
        %swap3A_164 = vector.shape_cast %get3A_160 : vector<16xi32> to vector<16xi32>
        tpu.vector_store %arg8[%swap3A_161], %swap3A_164 {strides = array<i32>} : memref<128xi32, #tpu.memory_space<vmem>>, vector<16xi32>,
        %get3A_165 = arith.constant 192 : index
        %get3A_166 = tpu.vector_load %arg12[%get3A_165] {strides = array<i32>} : memref<1024xi32, #tpu.memory_space<vmem>>, vector<16xi32>,
        %get3A_167 = vector.shape_cast %get3A_166 : vector<16xi32> to vector<16xi32>
        %swap3A_168 = arith.constant 64 : index
        %swap3A_169 = tpu.vector_load %arg8[%swap3A_168] {strides = array<i32>} : memref<128xi32, #tpu.memory_space<vmem>>, vector<16xi32>,
        %swap3A_170 = vector.shape_cast %swap3A_169 : vector<16xi32> to vector<16xi32>
        %swap3A_171 = vector.shape_cast %get3A_167 : vector<16xi32> to vector<16xi32>
        tpu.vector_store %arg8[%swap3A_168], %swap3A_171 {strides = array<i32>} : memref<128xi32, #tpu.memory_space<vmem>>, vector<16xi32>,
        %get3A_172 = arith.constant 208 : index
        %get3A_173 = tpu.vector_load %arg12[%get3A_172] {strides = array<i32>} : memref<1024xi32, #tpu.memory_space<vmem>>, vector<16xi32>,
        %get3A_174 = vector.shape_cast %get3A_173 : vector<16xi32> to vector<16xi32>
        %swap3A_175 = arith.constant 80 : index
        %swap3A_176 = tpu.vector_load %arg8[%swap3A_175] {strides = array<i32>} : memref<128xi32, #tpu.memory_space<vmem>>, vector<16xi32>,
        %swap3A_177 = vector.shape_cast %swap3A_176 : vector<16xi32> to vector<16xi32>
        %swap3A_178 = vector.shape_cast %get3A_174 : vector<16xi32> to vector<16xi32>
        tpu.vector_store %arg8[%swap3A_175], %swap3A_178 {strides = array<i32>} : memref<128xi32, #tpu.memory_space<vmem>>, vector<16xi32>,
        %get3A_179 = arith.constant 224 : index
        %get3A_180 = tpu.vector_load %arg12[%get3A_179] {strides = array<i32>} : memref<1024xi32, #tpu.memory_space<vmem>>, vector<16xi32>,
        %get3A_181 = vector.shape_cast %get3A_180 : vector<16xi32> to vector<16xi32>
        %swap3A_182 = arith.constant 96 : index
        %swap3A_183 = tpu.vector_load %arg8[%swap3A_182] {strides = array<i32>} : memref<128xi32, #tpu.memory_space<vmem>>, vector<16xi32>,
        %swap3A_184 = vector.shape_cast %swap3A_183 : vector<16xi32> to vector<16xi32>
        %swap3A_185 = vector.shape_cast %get3A_181 : vector<16xi32> to vector<16xi32>
        tpu.vector_store %arg8[%swap3A_182], %swap3A_185 {strides = array<i32>} : memref<128xi32, #tpu.memory_space<vmem>>, vector<16xi32>,
        %get3A_186 = arith.constant 240 : index
        %get3A_187 = tpu.vector_load %arg12[%get3A_186] {strides = array<i32>} : memref<1024xi32, #tpu.memory_space<vmem>>, vector<16xi32>,
        %get3A_188 = vector.shape_cast %get3A_187 : vector<16xi32> to vector<16xi32>
        %swap3A_189 = arith.constant 112 : index
        %swap3A_190 = tpu.vector_load %arg8[%swap3A_189] {strides = array<i32>} : memref<128xi32, #tpu.memory_space<vmem>>, vector<16xi32>,
        %swap3A_191 = vector.shape_cast %swap3A_190 : vector<16xi32> to vector<16xi32>
        %swap3A_192 = vector.shape_cast %get3A_188 : vector<16xi32> to vector<16xi32>
        tpu.vector_store %arg8[%swap3A_189], %swap3A_192 {strides = array<i32>} : memref<128xi32, #tpu.memory_space<vmem>>, vector<16xi32>,
        %dma_start3A_193 = arith.constant 128 : i32
        %dma_start3A_194 = tpu.memref_slice %arg11[%dma_start3A_193] : memref<1024xi32, #tpu.memory_space<vmem>> -> memref<128xi32, #tpu.memory_space<vmem>>
        %dma_start3A_195 = arith.constant 0 : i32
        %dma_start3A_196 = arith.constant 0 : i32
        %dma_start3A_197 = tpu.memref_slice %arg2[%dma_start3A_195, %dma_start3A_196] : memref<10000x128xf32, #tpu.memory_space<hbm>> -> memref<10000x128xf32, #tpu.memory_space<hbm>>
        tpu.enqueue_indirect_dma source(%dma_start3A_197 : memref<10000x128xf32, #tpu.memory_space<hbm>>) target(%arg13 : memref<128x128xf32, #tpu.memory_space<vmem>>) offsets(%dma_start3A_194 : memref<128xi32, #tpu.memory_space<vmem>>) semaphore(%arg19 : memref<!tpu.dma_semaphore, #tpu.memory_space<semaphore_mem>>)
        %dma_wait3A_198 = arith.constant 128 : i32
        %dma_wait3A_199 = tpu.memref_slice %arg11[%dma_wait3A_198] : memref<1024xi32, #tpu.memory_space<vmem>> -> memref<128xi32, #tpu.memory_space<vmem>>
        %dma_wait3A_200 = arith.constant 0 : i32
        %dma_wait3A_201 = arith.constant 0 : i32
        %dma_wait3A_202 = tpu.memref_slice %arg2[%dma_wait3A_200, %dma_wait3A_201] : memref<10000x128xf32, #tpu.memory_space<hbm>> -> memref<10000x128xf32, #tpu.memory_space<hbm>>
        tpu.wait_indirect_dma semaphore(%arg19 : memref<!tpu.dma_semaphore, #tpu.memory_space<semaphore_mem>>) src(%dma_wait3A_202 : memref<10000x128xf32, #tpu.memory_space<hbm>>) dst(%arg13 : memref<128x128xf32, #tpu.memory_space<vmem>>)
        "tpu.region"() ({
          %run_scoped3A_599 = tpu.sem_alloc : memref<!tpu.dma_semaphore, #tpu.memory_space<semaphore_mem>>
          %dma_start3A_600 = arith.constant 0 : i32
          %dma_start3A_601 = arith.constant 0 : i32
          %dma_start3A_602 = tpu.memref_slice %arg15[%dma_start3A_600, %dma_start3A_601] : memref<10112x128xf32, #tpu.memory_space<vmem_shared>> -> memref<10112x128xf32, #tpu.memory_space<vmem_shared>>
          tpu.enqueue_indirect_dma source(%arg13 : memref<128x128xf32, #tpu.memory_space<vmem>>) target(%dma_start3A_602 : memref<10112x128xf32, #tpu.memory_space<vmem_shared>>) offsets(%arg8 : memref<128xi32, #tpu.memory_space<vmem>>) semaphore(%run_scoped3A_599 : memref<!tpu.dma_semaphore, #tpu.memory_space<semaphore_mem>>) {add = true}
          %dma_wait3A_603 = arith.constant 0 : i32
          %dma_wait3A_604 = arith.constant 0 : i32
          %dma_wait3A_605 = tpu.memref_slice %arg15[%dma_wait3A_603, %dma_wait3A_604] : memref<10112x128xf32, #tpu.memory_space<vmem_shared>> -> memref<10112x128xf32, #tpu.memory_space<vmem_shared>>
          tpu.wait_indirect_dma semaphore(%run_scoped3A_599 : memref<!tpu.dma_semaphore, #tpu.memory_space<semaphore_mem>>) src(%arg13 : memref<128x128xf32, #tpu.memory_space<vmem>>) dst(%dma_wait3A_605 : memref<10112x128xf32, #tpu.memory_space<vmem_shared>>)
          tpu.yield
        }) : () -> ()
        %get3A_203 = arith.constant 256 : index
        %get3A_204 = tpu.vector_load %arg12[%get3A_203] {strides = array<i32>} : memref<1024xi32, #tpu.memory_space<vmem>>, vector<16xi32>,
        %get3A_205 = vector.shape_cast %get3A_204 : vector<16xi32> to vector<16xi32>
        %swap3A_206 = arith.constant 0 : index
        %swap3A_207 = tpu.vector_load %arg8[%swap3A_206] {strides = array<i32>} : memref<128xi32, #tpu.memory_space<vmem>>, vector<16xi32>,
        %swap3A_208 = vector.shape_cast %swap3A_207 : vector<16xi32> to vector<16xi32>
        %swap3A_209 = vector.shape_cast %get3A_205 : vector<16xi32> to vector<16xi32>
        tpu.vector_store %arg8[%swap3A_206], %swap3A_209 {strides = array<i32>} : memref<128xi32, #tpu.memory_space<vmem>>, vector<16xi32>,
        %get3A_210 = arith.constant 272 : index
        %get3A_211 = tpu.vector_load %arg12[%get3A_210] {strides = array<i32>} : memref<1024xi32, #tpu.memory_space<vmem>>, vector<16xi32>,
        %get3A_212 = vector.shape_cast %get3A_211 : vector<16xi32> to vector<16xi32>
        %swap3A_213 = arith.constant 16 : index
        %swap3A_214 = tpu.vector_load %arg8[%swap3A_213] {strides = array<i32>} : memref<128xi32, #tpu.memory_space<vmem>>, vector<16xi32>,
        %swap3A_215 = vector.shape_cast %swap3A_214 : vector<16xi32> to vector<16xi32>
        %swap3A_216 = vector.shape_cast %get3A_212 : vector<16xi32> to vector<16xi32>
        tpu.vector_store %arg8[%swap3A_213], %swap3A_216 {strides = array<i32>} : memref<128xi32, #tpu.memory_space<vmem>>, vector<16xi32>,
        %get3A_217 = arith.constant 288 : index
        %get3A_218 = tpu.vector_load %arg12[%get3A_217] {strides = array<i32>} : memref<1024xi32, #tpu.memory_space<vmem>>, vector<16xi32>,
        %get3A_219 = vector.shape_cast %get3A_218 : vector<16xi32> to vector<16xi32>
        %swap3A_220 = arith.constant 32 : index
        %swap3A_221 = tpu.vector_load %arg8[%swap3A_220] {strides = array<i32>} : memref<128xi32, #tpu.memory_space<vmem>>, vector<16xi32>,
        %swap3A_222 = vector.shape_cast %swap3A_221 : vector<16xi32> to vector<16xi32>
        %swap3A_223 = vector.shape_cast %get3A_219 : vector<16xi32> to vector<16xi32>
        tpu.vector_store %arg8[%swap3A_220], %swap3A_223 {strides = array<i32>} : memref<128xi32, #tpu.memory_space<vmem>>, vector<16xi32>,
        %get3A_224 = arith.constant 304 : index
        %get3A_225 = tpu.vector_load %arg12[%get3A_224] {strides = array<i32>} : memref<1024xi32, #tpu.memory_space<vmem>>, vector<16xi32>,
        %get3A_226 = vector.shape_cast %get3A_225 : vector<16xi32> to vector<16xi32>
        %swap3A_227 = arith.constant 48 : index
        %swap3A_228 = tpu.vector_load %arg8[%swap3A_227] {strides = array<i32>} : memref<128xi32, #tpu.memory_space<vmem>>, vector<16xi32>,
        %swap3A_229 = vector.shape_cast %swap3A_228 : vector<16xi32> to vector<16xi32>
        %swap3A_230 = vector.shape_cast %get3A_226 : vector<16xi32> to vector<16xi32>
        tpu.vector_store %arg8[%swap3A_227], %swap3A_230 {strides = array<i32>} : memref<128xi32, #tpu.memory_space<vmem>>, vector<16xi32>,
        %get3A_231 = arith.constant 320 : index
        %get3A_232 = tpu.vector_load %arg12[%get3A_231] {strides = array<i32>} : memref<1024xi32, #tpu.memory_space<vmem>>, vector<16xi32>,
        %get3A_233 = vector.shape_cast %get3A_232 : vector<16xi32> to vector<16xi32>
        %swap3A_234 = arith.constant 64 : index
        %swap3A_235 = tpu.vector_load %arg8[%swap3A_234] {strides = array<i32>} : memref<128xi32, #tpu.memory_space<vmem>>, vector<16xi32>,
        %swap3A_236 = vector.shape_cast %swap3A_235 : vector<16xi32> to vector<16xi32>
        %swap3A_237 = vector.shape_cast %get3A_233 : vector<16xi32> to vector<16xi32>
        tpu.vector_store %arg8[%swap3A_234], %swap3A_237 {strides = array<i32>} : memref<128xi32, #tpu.memory_space<vmem>>, vector<16xi32>,
        %get3A_238 = arith.constant 336 : index
        %get3A_239 = tpu.vector_load %arg12[%get3A_238] {strides = array<i32>} : memref<1024xi32, #tpu.memory_space<vmem>>, vector<16xi32>,
        %get3A_240 = vector.shape_cast %get3A_239 : vector<16xi32> to vector<16xi32>
        %swap3A_241 = arith.constant 80 : index
        %swap3A_242 = tpu.vector_load %arg8[%swap3A_241] {strides = array<i32>} : memref<128xi32, #tpu.memory_space<vmem>>, vector<16xi32>,
        %swap3A_243 = vector.shape_cast %swap3A_242 : vector<16xi32> to vector<16xi32>
        %swap3A_244 = vector.shape_cast %get3A_240 : vector<16xi32> to vector<16xi32>
        tpu.vector_store %arg8[%swap3A_241], %swap3A_244 {strides = array<i32>} : memref<128xi32, #tpu.memory_space<vmem>>, vector<16xi32>,
        %get3A_245 = arith.constant 352 : index
        %get3A_246 = tpu.vector_load %arg12[%get3A_245] {strides = array<i32>} : memref<1024xi32, #tpu.memory_space<vmem>>, vector<16xi32>,
        %get3A_247 = vector.shape_cast %get3A_246 : vector<16xi32> to vector<16xi32>
        %swap3A_248 = arith.constant 96 : index
        %swap3A_249 = tpu.vector_load %arg8[%swap3A_248] {strides = array<i32>} : memref<128xi32, #tpu.memory_space<vmem>>, vector<16xi32>,
        %swap3A_250 = vector.shape_cast %swap3A_249 : vector<16xi32> to vector<16xi32>
        %swap3A_251 = vector.shape_cast %get3A_247 : vector<16xi32> to vector<16xi32>
        tpu.vector_store %arg8[%swap3A_248], %swap3A_251 {strides = array<i32>} : memref<128xi32, #tpu.memory_space<vmem>>, vector<16xi32>,
        %get3A_252 = arith.constant 368 : index
        %get3A_253 = tpu.vector_load %arg12[%get3A_252] {strides = array<i32>} : memref<1024xi32, #tpu.memory_space<vmem>>, vector<16xi32>,
        %get3A_254 = vector.shape_cast %get3A_253 : vector<16xi32> to vector<16xi32>
        %swap3A_255 = arith.constant 112 : index
        %swap3A_256 = tpu.vector_load %arg8[%swap3A_255] {strides = array<i32>} : memref<128xi32, #tpu.memory_space<vmem>>, vector<16xi32>,
        %swap3A_257 = vector.shape_cast %swap3A_256 : vector<16xi32> to vector<16xi32>
        %swap3A_258 = vector.shape_cast %get3A_254 : vector<16xi32> to vector<16xi32>
        tpu.vector_store %arg8[%swap3A_255], %swap3A_258 {strides = array<i32>} : memref<128xi32, #tpu.memory_space<vmem>>, vector<16xi32>,
        %dma_start3A_259 = arith.constant 256 : i32
        %dma_start3A_260 = tpu.memref_slice %arg11[%dma_start3A_259] : memref<1024xi32, #tpu.memory_space<vmem>> -> memref<128xi32, #tpu.memory_space<vmem>>
        %dma_start3A_261 = arith.constant 0 : i32
        %dma_start3A_262 = arith.constant 0 : i32
        %dma_start3A_263 = tpu.memref_slice %arg2[%dma_start3A_261, %dma_start3A_262] : memref<10000x128xf32, #tpu.memory_space<hbm>> -> memref<10000x128xf32, #tpu.memory_space<hbm>>
        tpu.enqueue_indirect_dma source(%dma_start3A_263 : memref<10000x128xf32, #tpu.memory_space<hbm>>) target(%arg13 : memref<128x128xf32, #tpu.memory_space<vmem>>) offsets(%dma_start3A_260 : memref<128xi32, #tpu.memory_space<vmem>>) semaphore(%arg19 : memref<!tpu.dma_semaphore, #tpu.memory_space<semaphore_mem>>)
        %dma_wait3A_264 = arith.constant 256 : i32
        %dma_wait3A_265 = tpu.memref_slice %arg11[%dma_wait3A_264] : memref<1024xi32, #tpu.memory_space<vmem>> -> memref<128xi32, #tpu.memory_space<vmem>>
        %dma_wait3A_266 = arith.constant 0 : i32
        %dma_wait3A_267 = arith.constant 0 : i32
        %dma_wait3A_268 = tpu.memref_slice %arg2[%dma_wait3A_266, %dma_wait3A_267] : memref<10000x128xf32, #tpu.memory_space<hbm>> -> memref<10000x128xf32, #tpu.memory_space<hbm>>
        tpu.wait_indirect_dma semaphore(%arg19 : memref<!tpu.dma_semaphore, #tpu.memory_space<semaphore_mem>>) src(%dma_wait3A_268 : memref<10000x128xf32, #tpu.memory_space<hbm>>) dst(%arg13 : memref<128x128xf32, #tpu.memory_space<vmem>>)
        "tpu.region"() ({
          %run_scoped3A_599 = tpu.sem_alloc : memref<!tpu.dma_semaphore, #tpu.memory_space<semaphore_mem>>
          %dma_start3A_600 = arith.constant 0 : i32
          %dma_start3A_601 = arith.constant 0 : i32
          %dma_start3A_602 = tpu.memref_slice %arg15[%dma_start3A_600, %dma_start3A_601] : memref<10112x128xf32, #tpu.memory_space<vmem_shared>> -> memref<10112x128xf32, #tpu.memory_space<vmem_shared>>
          tpu.enqueue_indirect_dma source(%arg13 : memref<128x128xf32, #tpu.memory_space<vmem>>) target(%dma_start3A_602 : memref<10112x128xf32, #tpu.memory_space<vmem_shared>>) offsets(%arg8 : memref<128xi32, #tpu.memory_space<vmem>>) semaphore(%run_scoped3A_599 : memref<!tpu.dma_semaphore, #tpu.memory_space<semaphore_mem>>) {add = true}
          %dma_wait3A_603 = arith.constant 0 : i32
          %dma_wait3A_604 = arith.constant 0 : i32
          %dma_wait3A_605 = tpu.memref_slice %arg15[%dma_wait3A_603, %dma_wait3A_604] : memref<10112x128xf32, #tpu.memory_space<vmem_shared>> -> memref<10112x128xf32, #tpu.memory_space<vmem_shared>>
          tpu.wait_indirect_dma semaphore(%run_scoped3A_599 : memref<!tpu.dma_semaphore, #tpu.memory_space<semaphore_mem>>) src(%arg13 : memref<128x128xf32, #tpu.memory_space<vmem>>) dst(%dma_wait3A_605 : memref<10112x128xf32, #tpu.memory_space<vmem_shared>>)
          tpu.yield
        }) : () -> ()
        %get3A_269 = arith.constant 384 : index
        %get3A_270 = tpu.vector_load %arg12[%get3A_269] {strides = array<i32>} : memref<1024xi32, #tpu.memory_space<vmem>>, vector<16xi32>,
        %get3A_271 = vector.shape_cast %get3A_270 : vector<16xi32> to vector<16xi32>
        %swap3A_272 = arith.constant 0 : index
        %swap3A_273 = tpu.vector_load %arg8[%swap3A_272] {strides = array<i32>} : memref<128xi32, #tpu.memory_space<vmem>>, vector<16xi32>,
        %swap3A_274 = vector.shape_cast %swap3A_273 : vector<16xi32> to vector<16xi32>
        %swap3A_275 = vector.shape_cast %get3A_271 : vector<16xi32> to vector<16xi32>
        tpu.vector_store %arg8[%swap3A_272], %swap3A_275 {strides = array<i32>} : memref<128xi32, #tpu.memory_space<vmem>>, vector<16xi32>,
        %get3A_276 = arith.constant 400 : index
        %get3A_277 = tpu.vector_load %arg12[%get3A_276] {strides = array<i32>} : memref<1024xi32, #tpu.memory_space<vmem>>, vector<16xi32>,
        %get3A_278 = vector.shape_cast %get3A_277 : vector<16xi32> to vector<16xi32>
        %swap3A_279 = arith.constant 16 : index
        %swap3A_280 = tpu.vector_load %arg8[%swap3A_279] {strides = array<i32>} : memref<128xi32, #tpu.memory_space<vmem>>, vector<16xi32>,
        %swap3A_281 = vector.shape_cast %swap3A_280 : vector<16xi32> to vector<16xi32>
        %swap3A_282 = vector.shape_cast %get3A_278 : vector<16xi32> to vector<16xi32>
        tpu.vector_store %arg8[%swap3A_279], %swap3A_282 {strides = array<i32>} : memref<128xi32, #tpu.memory_space<vmem>>, vector<16xi32>,
        %get3A_283 = arith.constant 416 : index
        %get3A_284 = tpu.vector_load %arg12[%get3A_283] {strides = array<i32>} : memref<1024xi32, #tpu.memory_space<vmem>>, vector<16xi32>,
        %get3A_285 = vector.shape_cast %get3A_284 : vector<16xi32> to vector<16xi32>
        %swap3A_286 = arith.constant 32 : index
        %swap3A_287 = tpu.vector_load %arg8[%swap3A_286] {strides = array<i32>} : memref<128xi32, #tpu.memory_space<vmem>>, vector<16xi32>,
        %swap3A_288 = vector.shape_cast %swap3A_287 : vector<16xi32> to vector<16xi32>
        %swap3A_289 = vector.shape_cast %get3A_285 : vector<16xi32> to vector<16xi32>
        tpu.vector_store %arg8[%swap3A_286], %swap3A_289 {strides = array<i32>} : memref<128xi32, #tpu.memory_space<vmem>>, vector<16xi32>,
        %get3A_290 = arith.constant 432 : index
        %get3A_291 = tpu.vector_load %arg12[%get3A_290] {strides = array<i32>} : memref<1024xi32, #tpu.memory_space<vmem>>, vector<16xi32>,
        %get3A_292 = vector.shape_cast %get3A_291 : vector<16xi32> to vector<16xi32>
        %swap3A_293 = arith.constant 48 : index
        %swap3A_294 = tpu.vector_load %arg8[%swap3A_293] {strides = array<i32>} : memref<128xi32, #tpu.memory_space<vmem>>, vector<16xi32>,
        %swap3A_295 = vector.shape_cast %swap3A_294 : vector<16xi32> to vector<16xi32>
        %swap3A_296 = vector.shape_cast %get3A_292 : vector<16xi32> to vector<16xi32>
        tpu.vector_store %arg8[%swap3A_293], %swap3A_296 {strides = array<i32>} : memref<128xi32, #tpu.memory_space<vmem>>, vector<16xi32>,
        %get3A_297 = arith.constant 448 : index
        %get3A_298 = tpu.vector_load %arg12[%get3A_297] {strides = array<i32>} : memref<1024xi32, #tpu.memory_space<vmem>>, vector<16xi32>,
        %get3A_299 = vector.shape_cast %get3A_298 : vector<16xi32> to vector<16xi32>
        %swap3A_300 = arith.constant 64 : index
        %swap3A_301 = tpu.vector_load %arg8[%swap3A_300] {strides = array<i32>} : memref<128xi32, #tpu.memory_space<vmem>>, vector<16xi32>,
        %swap3A_302 = vector.shape_cast %swap3A_301 : vector<16xi32> to vector<16xi32>
        %swap3A_303 = vector.shape_cast %get3A_299 : vector<16xi32> to vector<16xi32>
        tpu.vector_store %arg8[%swap3A_300], %swap3A_303 {strides = array<i32>} : memref<128xi32, #tpu.memory_space<vmem>>, vector<16xi32>,
        %get3A_304 = arith.constant 464 : index
        %get3A_305 = tpu.vector_load %arg12[%get3A_304] {strides = array<i32>} : memref<1024xi32, #tpu.memory_space<vmem>>, vector<16xi32>,
        %get3A_306 = vector.shape_cast %get3A_305 : vector<16xi32> to vector<16xi32>
        %swap3A_307 = arith.constant 80 : index
        %swap3A_308 = tpu.vector_load %arg8[%swap3A_307] {strides = array<i32>} : memref<128xi32, #tpu.memory_space<vmem>>, vector<16xi32>,
        %swap3A_309 = vector.shape_cast %swap3A_308 : vector<16xi32> to vector<16xi32>
        %swap3A_310 = vector.shape_cast %get3A_306 : vector<16xi32> to vector<16xi32>
        tpu.vector_store %arg8[%swap3A_307], %swap3A_310 {strides = array<i32>} : memref<128xi32, #tpu.memory_space<vmem>>, vector<16xi32>,
        %get3A_311 = arith.constant 480 : index
        %get3A_312 = tpu.vector_load %arg12[%get3A_311] {strides = array<i32>} : memref<1024xi32, #tpu.memory_space<vmem>>, vector<16xi32>,
        %get3A_313 = vector.shape_cast %get3A_312 : vector<16xi32> to vector<16xi32>
        %swap3A_314 = arith.constant 96 : index
        %swap3A_315 = tpu.vector_load %arg8[%swap3A_314] {strides = array<i32>} : memref<128xi32, #tpu.memory_space<vmem>>, vector<16xi32>,
        %swap3A_316 = vector.shape_cast %swap3A_315 : vector<16xi32> to vector<16xi32>
        %swap3A_317 = vector.shape_cast %get3A_313 : vector<16xi32> to vector<16xi32>
        tpu.vector_store %arg8[%swap3A_314], %swap3A_317 {strides = array<i32>} : memref<128xi32, #tpu.memory_space<vmem>>, vector<16xi32>,
        %get3A_318 = arith.constant 496 : index
        %get3A_319 = tpu.vector_load %arg12[%get3A_318] {strides = array<i32>} : memref<1024xi32, #tpu.memory_space<vmem>>, vector<16xi32>,
        %get3A_320 = vector.shape_cast %get3A_319 : vector<16xi32> to vector<16xi32>
        %swap3A_321 = arith.constant 112 : index
        %swap3A_322 = tpu.vector_load %arg8[%swap3A_321] {strides = array<i32>} : memref<128xi32, #tpu.memory_space<vmem>>, vector<16xi32>,
        %swap3A_323 = vector.shape_cast %swap3A_322 : vector<16xi32> to vector<16xi32>
        %swap3A_324 = vector.shape_cast %get3A_320 : vector<16xi32> to vector<16xi32>
        tpu.vector_store %arg8[%swap3A_321], %swap3A_324 {strides = array<i32>} : memref<128xi32, #tpu.memory_space<vmem>>, vector<16xi32>,
        %dma_start3A_325 = arith.constant 384 : i32
        %dma_start3A_326 = tpu.memref_slice %arg11[%dma_start3A_325] : memref<1024xi32, #tpu.memory_space<vmem>> -> memref<128xi32, #tpu.memory_space<vmem>>
        %dma_start3A_327 = arith.constant 0 : i32
        %dma_start3A_328 = arith.constant 0 : i32
        %dma_start3A_329 = tpu.memref_slice %arg2[%dma_start3A_327, %dma_start3A_328] : memref<10000x128xf32, #tpu.memory_space<hbm>> -> memref<10000x128xf32, #tpu.memory_space<hbm>>
        tpu.enqueue_indirect_dma source(%dma_start3A_329 : memref<10000x128xf32, #tpu.memory_space<hbm>>) target(%arg13 : memref<128x128xf32, #tpu.memory_space<vmem>>) offsets(%dma_start3A_326 : memref<128xi32, #tpu.memory_space<vmem>>) semaphore(%arg19 : memref<!tpu.dma_semaphore, #tpu.memory_space<semaphore_mem>>)
        %dma_wait3A_330 = arith.constant 384 : i32
        %dma_wait3A_331 = tpu.memref_slice %arg11[%dma_wait3A_330] : memref<1024xi32, #tpu.memory_space<vmem>> -> memref<128xi32, #tpu.memory_space<vmem>>
        %dma_wait3A_332 = arith.constant 0 : i32
        %dma_wait3A_333 = arith.constant 0 : i32
        %dma_wait3A_334 = tpu.memref_slice %arg2[%dma_wait3A_332, %dma_wait3A_333] : memref<10000x128xf32, #tpu.memory_space<hbm>> -> memref<10000x128xf32, #tpu.memory_space<hbm>>
        tpu.wait_indirect_dma semaphore(%arg19 : memref<!tpu.dma_semaphore, #tpu.memory_space<semaphore_mem>>) src(%dma_wait3A_334 : memref<10000x128xf32, #tpu.memory_space<hbm>>) dst(%arg13 : memref<128x128xf32, #tpu.memory_space<vmem>>)
        "tpu.region"() ({
          %run_scoped3A_599 = tpu.sem_alloc : memref<!tpu.dma_semaphore, #tpu.memory_space<semaphore_mem>>
          %dma_start3A_600 = arith.constant 0 : i32
          %dma_start3A_601 = arith.constant 0 : i32
          %dma_start3A_602 = tpu.memref_slice %arg15[%dma_start3A_600, %dma_start3A_601] : memref<10112x128xf32, #tpu.memory_space<vmem_shared>> -> memref<10112x128xf32, #tpu.memory_space<vmem_shared>>
          tpu.enqueue_indirect_dma source(%arg13 : memref<128x128xf32, #tpu.memory_space<vmem>>) target(%dma_start3A_602 : memref<10112x128xf32, #tpu.memory_space<vmem_shared>>) offsets(%arg8 : memref<128xi32, #tpu.memory_space<vmem>>) semaphore(%run_scoped3A_599 : memref<!tpu.dma_semaphore, #tpu.memory_space<semaphore_mem>>) {add = true}
          %dma_wait3A_603 = arith.constant 0 : i32
          %dma_wait3A_604 = arith.constant 0 : i32
          %dma_wait3A_605 = tpu.memref_slice %arg15[%dma_wait3A_603, %dma_wait3A_604] : memref<10112x128xf32, #tpu.memory_space<vmem_shared>> -> memref<10112x128xf32, #tpu.memory_space<vmem_shared>>
          tpu.wait_indirect_dma semaphore(%run_scoped3A_599 : memref<!tpu.dma_semaphore, #tpu.memory_space<semaphore_mem>>) src(%arg13 : memref<128x128xf32, #tpu.memory_space<vmem>>) dst(%dma_wait3A_605 : memref<10112x128xf32, #tpu.memory_space<vmem_shared>>)
          tpu.yield
        }) : () -> ()
        %get3A_335 = arith.constant 512 : index
        %get3A_336 = tpu.vector_load %arg12[%get3A_335] {strides = array<i32>} : memref<1024xi32, #tpu.memory_space<vmem>>, vector<16xi32>,
        %get3A_337 = vector.shape_cast %get3A_336 : vector<16xi32> to vector<16xi32>
        %swap3A_338 = arith.constant 0 : index
        %swap3A_339 = tpu.vector_load %arg8[%swap3A_338] {strides = array<i32>} : memref<128xi32, #tpu.memory_space<vmem>>, vector<16xi32>,
        %swap3A_340 = vector.shape_cast %swap3A_339 : vector<16xi32> to vector<16xi32>
        %swap3A_341 = vector.shape_cast %get3A_337 : vector<16xi32> to vector<16xi32>
        tpu.vector_store %arg8[%swap3A_338], %swap3A_341 {strides = array<i32>} : memref<128xi32, #tpu.memory_space<vmem>>, vector<16xi32>,
        %get3A_342 = arith.constant 528 : index
        %get3A_343 = tpu.vector_load %arg12[%get3A_342] {strides = array<i32>} : memref<1024xi32, #tpu.memory_space<vmem>>, vector<16xi32>,
        %get3A_344 = vector.shape_cast %get3A_343 : vector<16xi32> to vector<16xi32>
        %swap3A_345 = arith.constant 16 : index
        %swap3A_346 = tpu.vector_load %arg8[%swap3A_345] {strides = array<i32>} : memref<128xi32, #tpu.memory_space<vmem>>, vector<16xi32>,
        %swap3A_347 = vector.shape_cast %swap3A_346 : vector<16xi32> to vector<16xi32>
        %swap3A_348 = vector.shape_cast %get3A_344 : vector<16xi32> to vector<16xi32>
        tpu.vector_store %arg8[%swap3A_345], %swap3A_348 {strides = array<i32>} : memref<128xi32, #tpu.memory_space<vmem>>, vector<16xi32>,
        %get3A_349 = arith.constant 544 : index
        %get3A_350 = tpu.vector_load %arg12[%get3A_349] {strides = array<i32>} : memref<1024xi32, #tpu.memory_space<vmem>>, vector<16xi32>,
        %get3A_351 = vector.shape_cast %get3A_350 : vector<16xi32> to vector<16xi32>
        %swap3A_352 = arith.constant 32 : index
        %swap3A_353 = tpu.vector_load %arg8[%swap3A_352] {strides = array<i32>} : memref<128xi32, #tpu.memory_space<vmem>>, vector<16xi32>,
        %swap3A_354 = vector.shape_cast %swap3A_353 : vector<16xi32> to vector<16xi32>
        %swap3A_355 = vector.shape_cast %get3A_351 : vector<16xi32> to vector<16xi32>
        tpu.vector_store %arg8[%swap3A_352], %swap3A_355 {strides = array<i32>} : memref<128xi32, #tpu.memory_space<vmem>>, vector<16xi32>,
        %get3A_356 = arith.constant 560 : index
        %get3A_357 = tpu.vector_load %arg12[%get3A_356] {strides = array<i32>} : memref<1024xi32, #tpu.memory_space<vmem>>, vector<16xi32>,
        %get3A_358 = vector.shape_cast %get3A_357 : vector<16xi32> to vector<16xi32>
        %swap3A_359 = arith.constant 48 : index
        %swap3A_360 = tpu.vector_load %arg8[%swap3A_359] {strides = array<i32>} : memref<128xi32, #tpu.memory_space<vmem>>, vector<16xi32>,
        %swap3A_361 = vector.shape_cast %swap3A_360 : vector<16xi32> to vector<16xi32>
        %swap3A_362 = vector.shape_cast %get3A_358 : vector<16xi32> to vector<16xi32>
        tpu.vector_store %arg8[%swap3A_359], %swap3A_362 {strides = array<i32>} : memref<128xi32, #tpu.memory_space<vmem>>, vector<16xi32>,
        %get3A_363 = arith.constant 576 : index
        %get3A_364 = tpu.vector_load %arg12[%get3A_363] {strides = array<i32>} : memref<1024xi32, #tpu.memory_space<vmem>>, vector<16xi32>,
        %get3A_365 = vector.shape_cast %get3A_364 : vector<16xi32> to vector<16xi32>
        %swap3A_366 = arith.constant 64 : index
        %swap3A_367 = tpu.vector_load %arg8[%swap3A_366] {strides = array<i32>} : memref<128xi32, #tpu.memory_space<vmem>>, vector<16xi32>,
        %swap3A_368 = vector.shape_cast %swap3A_367 : vector<16xi32> to vector<16xi32>
        %swap3A_369 = vector.shape_cast %get3A_365 : vector<16xi32> to vector<16xi32>
        tpu.vector_store %arg8[%swap3A_366], %swap3A_369 {strides = array<i32>} : memref<128xi32, #tpu.memory_space<vmem>>, vector<16xi32>,
        %get3A_370 = arith.constant 592 : index
        %get3A_371 = tpu.vector_load %arg12[%get3A_370] {strides = array<i32>} : memref<1024xi32, #tpu.memory_space<vmem>>, vector<16xi32>,
        %get3A_372 = vector.shape_cast %get3A_371 : vector<16xi32> to vector<16xi32>
        %swap3A_373 = arith.constant 80 : index
        %swap3A_374 = tpu.vector_load %arg8[%swap3A_373] {strides = array<i32>} : memref<128xi32, #tpu.memory_space<vmem>>, vector<16xi32>,
        %swap3A_375 = vector.shape_cast %swap3A_374 : vector<16xi32> to vector<16xi32>
        %swap3A_376 = vector.shape_cast %get3A_372 : vector<16xi32> to vector<16xi32>
        tpu.vector_store %arg8[%swap3A_373], %swap3A_376 {strides = array<i32>} : memref<128xi32, #tpu.memory_space<vmem>>, vector<16xi32>,
        %get3A_377 = arith.constant 608 : index
        %get3A_378 = tpu.vector_load %arg12[%get3A_377] {strides = array<i32>} : memref<1024xi32, #tpu.memory_space<vmem>>, vector<16xi32>,
        %get3A_379 = vector.shape_cast %get3A_378 : vector<16xi32> to vector<16xi32>
        %swap3A_380 = arith.constant 96 : index
        %swap3A_381 = tpu.vector_load %arg8[%swap3A_380] {strides = array<i32>} : memref<128xi32, #tpu.memory_space<vmem>>, vector<16xi32>,
        %swap3A_382 = vector.shape_cast %swap3A_381 : vector<16xi32> to vector<16xi32>
        %swap3A_383 = vector.shape_cast %get3A_379 : vector<16xi32> to vector<16xi32>
        tpu.vector_store %arg8[%swap3A_380], %swap3A_383 {strides = array<i32>} : memref<128xi32, #tpu.memory_space<vmem>>, vector<16xi32>,
        %get3A_384 = arith.constant 624 : index
        %get3A_385 = tpu.vector_load %arg12[%get3A_384] {strides = array<i32>} : memref<1024xi32, #tpu.memory_space<vmem>>, vector<16xi32>,
        %get3A_386 = vector.shape_cast %get3A_385 : vector<16xi32> to vector<16xi32>
        %swap3A_387 = arith.constant 112 : index
        %swap3A_388 = tpu.vector_load %arg8[%swap3A_387] {strides = array<i32>} : memref<128xi32, #tpu.memory_space<vmem>>, vector<16xi32>,
        %swap3A_389 = vector.shape_cast %swap3A_388 : vector<16xi32> to vector<16xi32>
        %swap3A_390 = vector.shape_cast %get3A_386 : vector<16xi32> to vector<16xi32>
        tpu.vector_store %arg8[%swap3A_387], %swap3A_390 {strides = array<i32>} : memref<128xi32, #tpu.memory_space<vmem>>, vector<16xi32>,
        %dma_start3A_391 = arith.constant 512 : i32
        %dma_start3A_392 = tpu.memref_slice %arg11[%dma_start3A_391] : memref<1024xi32, #tpu.memory_space<vmem>> -> memref<128xi32, #tpu.memory_space<vmem>>
        %dma_start3A_393 = arith.constant 0 : i32
        %dma_start3A_394 = arith.constant 0 : i32
        %dma_start3A_395 = tpu.memref_slice %arg2[%dma_start3A_393, %dma_start3A_394] : memref<10000x128xf32, #tpu.memory_space<hbm>> -> memref<10000x128xf32, #tpu.memory_space<hbm>>
        tpu.enqueue_indirect_dma source(%dma_start3A_395 : memref<10000x128xf32, #tpu.memory_space<hbm>>) target(%arg13 : memref<128x128xf32, #tpu.memory_space<vmem>>) offsets(%dma_start3A_392 : memref<128xi32, #tpu.memory_space<vmem>>) semaphore(%arg19 : memref<!tpu.dma_semaphore, #tpu.memory_space<semaphore_mem>>)
        %dma_wait3A_396 = arith.constant 512 : i32
        %dma_wait3A_397 = tpu.memref_slice %arg11[%dma_wait3A_396] : memref<1024xi32, #tpu.memory_space<vmem>> -> memref<128xi32, #tpu.memory_space<vmem>>
        %dma_wait3A_398 = arith.constant 0 : i32
        %dma_wait3A_399 = arith.constant 0 : i32
        %dma_wait3A_400 = tpu.memref_slice %arg2[%dma_wait3A_398, %dma_wait3A_399] : memref<10000x128xf32, #tpu.memory_space<hbm>> -> memref<10000x128xf32, #tpu.memory_space<hbm>>
        tpu.wait_indirect_dma semaphore(%arg19 : memref<!tpu.dma_semaphore, #tpu.memory_space<semaphore_mem>>) src(%dma_wait3A_400 : memref<10000x128xf32, #tpu.memory_space<hbm>>) dst(%arg13 : memref<128x128xf32, #tpu.memory_space<vmem>>)
        "tpu.region"() ({
          %run_scoped3A_599 = tpu.sem_alloc : memref<!tpu.dma_semaphore, #tpu.memory_space<semaphore_mem>>
          %dma_start3A_600 = arith.constant 0 : i32
          %dma_start3A_601 = arith.constant 0 : i32
          %dma_start3A_602 = tpu.memref_slice %arg15[%dma_start3A_600, %dma_start3A_601] : memref<10112x128xf32, #tpu.memory_space<vmem_shared>> -> memref<10112x128xf32, #tpu.memory_space<vmem_shared>>
          tpu.enqueue_indirect_dma source(%arg13 : memref<128x128xf32, #tpu.memory_space<vmem>>) target(%dma_start3A_602 : memref<10112x128xf32, #tpu.memory_space<vmem_shared>>) offsets(%arg8 : memref<128xi32, #tpu.memory_space<vmem>>) semaphore(%run_scoped3A_599 : memref<!tpu.dma_semaphore, #tpu.memory_space<semaphore_mem>>) {add = true}
          %dma_wait3A_603 = arith.constant 0 : i32
          %dma_wait3A_604 = arith.constant 0 : i32
          %dma_wait3A_605 = tpu.memref_slice %arg15[%dma_wait3A_603, %dma_wait3A_604] : memref<10112x128xf32, #tpu.memory_space<vmem_shared>> -> memref<10112x128xf32, #tpu.memory_space<vmem_shared>>
          tpu.wait_indirect_dma semaphore(%run_scoped3A_599 : memref<!tpu.dma_semaphore, #tpu.memory_space<semaphore_mem>>) src(%arg13 : memref<128x128xf32, #tpu.memory_space<vmem>>) dst(%dma_wait3A_605 : memref<10112x128xf32, #tpu.memory_space<vmem_shared>>)
          tpu.yield
        }) : () -> ()
        %get3A_401 = arith.constant 640 : index
        %get3A_402 = tpu.vector_load %arg12[%get3A_401] {strides = array<i32>} : memref<1024xi32, #tpu.memory_space<vmem>>, vector<16xi32>,
        %get3A_403 = vector.shape_cast %get3A_402 : vector<16xi32> to vector<16xi32>
        %swap3A_404 = arith.constant 0 : index
        %swap3A_405 = tpu.vector_load %arg8[%swap3A_404] {strides = array<i32>} : memref<128xi32, #tpu.memory_space<vmem>>, vector<16xi32>,
        %swap3A_406 = vector.shape_cast %swap3A_405 : vector<16xi32> to vector<16xi32>
        %swap3A_407 = vector.shape_cast %get3A_403 : vector<16xi32> to vector<16xi32>
        tpu.vector_store %arg8[%swap3A_404], %swap3A_407 {strides = array<i32>} : memref<128xi32, #tpu.memory_space<vmem>>, vector<16xi32>,
        %get3A_408 = arith.constant 656 : index
        %get3A_409 = tpu.vector_load %arg12[%get3A_408] {strides = array<i32>} : memref<1024xi32, #tpu.memory_space<vmem>>, vector<16xi32>,
        %get3A_410 = vector.shape_cast %get3A_409 : vector<16xi32> to vector<16xi32>
        %swap3A_411 = arith.constant 16 : index
        %swap3A_412 = tpu.vector_load %arg8[%swap3A_411] {strides = array<i32>} : memref<128xi32, #tpu.memory_space<vmem>>, vector<16xi32>,
        %swap3A_413 = vector.shape_cast %swap3A_412 : vector<16xi32> to vector<16xi32>
        %swap3A_414 = vector.shape_cast %get3A_410 : vector<16xi32> to vector<16xi32>
        tpu.vector_store %arg8[%swap3A_411], %swap3A_414 {strides = array<i32>} : memref<128xi32, #tpu.memory_space<vmem>>, vector<16xi32>,
        %get3A_415 = arith.constant 672 : index
        %get3A_416 = tpu.vector_load %arg12[%get3A_415] {strides = array<i32>} : memref<1024xi32, #tpu.memory_space<vmem>>, vector<16xi32>,
        %get3A_417 = vector.shape_cast %get3A_416 : vector<16xi32> to vector<16xi32>
        %swap3A_418 = arith.constant 32 : index
        %swap3A_419 = tpu.vector_load %arg8[%swap3A_418] {strides = array<i32>} : memref<128xi32, #tpu.memory_space<vmem>>, vector<16xi32>,
        %swap3A_420 = vector.shape_cast %swap3A_419 : vector<16xi32> to vector<16xi32>
        %swap3A_421 = vector.shape_cast %get3A_417 : vector<16xi32> to vector<16xi32>
        tpu.vector_store %arg8[%swap3A_418], %swap3A_421 {strides = array<i32>} : memref<128xi32, #tpu.memory_space<vmem>>, vector<16xi32>,
        %get3A_422 = arith.constant 688 : index
        %get3A_423 = tpu.vector_load %arg12[%get3A_422] {strides = array<i32>} : memref<1024xi32, #tpu.memory_space<vmem>>, vector<16xi32>,
        %get3A_424 = vector.shape_cast %get3A_423 : vector<16xi32> to vector<16xi32>
        %swap3A_425 = arith.constant 48 : index
        %swap3A_426 = tpu.vector_load %arg8[%swap3A_425] {strides = array<i32>} : memref<128xi32, #tpu.memory_space<vmem>>, vector<16xi32>,
        %swap3A_427 = vector.shape_cast %swap3A_426 : vector<16xi32> to vector<16xi32>
        %swap3A_428 = vector.shape_cast %get3A_424 : vector<16xi32> to vector<16xi32>
        tpu.vector_store %arg8[%swap3A_425], %swap3A_428 {strides = array<i32>} : memref<128xi32, #tpu.memory_space<vmem>>, vector<16xi32>,
        %get3A_429 = arith.constant 704 : index
        %get3A_430 = tpu.vector_load %arg12[%get3A_429] {strides = array<i32>} : memref<1024xi32, #tpu.memory_space<vmem>>, vector<16xi32>,
        %get3A_431 = vector.shape_cast %get3A_430 : vector<16xi32> to vector<16xi32>
        %swap3A_432 = arith.constant 64 : index
        %swap3A_433 = tpu.vector_load %arg8[%swap3A_432] {strides = array<i32>} : memref<128xi32, #tpu.memory_space<vmem>>, vector<16xi32>,
        %swap3A_434 = vector.shape_cast %swap3A_433 : vector<16xi32> to vector<16xi32>
        %swap3A_435 = vector.shape_cast %get3A_431 : vector<16xi32> to vector<16xi32>
        tpu.vector_store %arg8[%swap3A_432], %swap3A_435 {strides = array<i32>} : memref<128xi32, #tpu.memory_space<vmem>>, vector<16xi32>,
        %get3A_436 = arith.constant 720 : index
        %get3A_437 = tpu.vector_load %arg12[%get3A_436] {strides = array<i32>} : memref<1024xi32, #tpu.memory_space<vmem>>, vector<16xi32>,
        %get3A_438 = vector.shape_cast %get3A_437 : vector<16xi32> to vector<16xi32>
        %swap3A_439 = arith.constant 80 : index
        %swap3A_440 = tpu.vector_load %arg8[%swap3A_439] {strides = array<i32>} : memref<128xi32, #tpu.memory_space<vmem>>, vector<16xi32>,
        %swap3A_441 = vector.shape_cast %swap3A_440 : vector<16xi32> to vector<16xi32>
        %swap3A_442 = vector.shape_cast %get3A_438 : vector<16xi32> to vector<16xi32>
        tpu.vector_store %arg8[%swap3A_439], %swap3A_442 {strides = array<i32>} : memref<128xi32, #tpu.memory_space<vmem>>, vector<16xi32>,
        %get3A_443 = arith.constant 736 : index
        %get3A_444 = tpu.vector_load %arg12[%get3A_443] {strides = array<i32>} : memref<1024xi32, #tpu.memory_space<vmem>>, vector<16xi32>,
        %get3A_445 = vector.shape_cast %get3A_444 : vector<16xi32> to vector<16xi32>
        %swap3A_446 = arith.constant 96 : index
        %swap3A_447 = tpu.vector_load %arg8[%swap3A_446] {strides = array<i32>} : memref<128xi32, #tpu.memory_space<vmem>>, vector<16xi32>,
        %swap3A_448 = vector.shape_cast %swap3A_447 : vector<16xi32> to vector<16xi32>
        %swap3A_449 = vector.shape_cast %get3A_445 : vector<16xi32> to vector<16xi32>
        tpu.vector_store %arg8[%swap3A_446], %swap3A_449 {strides = array<i32>} : memref<128xi32, #tpu.memory_space<vmem>>, vector<16xi32>,
        %get3A_450 = arith.constant 752 : index
        %get3A_451 = tpu.vector_load %arg12[%get3A_450] {strides = array<i32>} : memref<1024xi32, #tpu.memory_space<vmem>>, vector<16xi32>,
        %get3A_452 = vector.shape_cast %get3A_451 : vector<16xi32> to vector<16xi32>
        %swap3A_453 = arith.constant 112 : index
        %swap3A_454 = tpu.vector_load %arg8[%swap3A_453] {strides = array<i32>} : memref<128xi32, #tpu.memory_space<vmem>>, vector<16xi32>,
        %swap3A_455 = vector.shape_cast %swap3A_454 : vector<16xi32> to vector<16xi32>
        %swap3A_456 = vector.shape_cast %get3A_452 : vector<16xi32> to vector<16xi32>
        tpu.vector_store %arg8[%swap3A_453], %swap3A_456 {strides = array<i32>} : memref<128xi32, #tpu.memory_space<vmem>>, vector<16xi32>,
        %dma_start3A_457 = arith.constant 640 : i32
        %dma_start3A_458 = tpu.memref_slice %arg11[%dma_start3A_457] : memref<1024xi32, #tpu.memory_space<vmem>> -> memref<128xi32, #tpu.memory_space<vmem>>
        %dma_start3A_459 = arith.constant 0 : i32
        %dma_start3A_460 = arith.constant 0 : i32
        %dma_start3A_461 = tpu.memref_slice %arg2[%dma_start3A_459, %dma_start3A_460] : memref<10000x128xf32, #tpu.memory_space<hbm>> -> memref<10000x128xf32, #tpu.memory_space<hbm>>
        tpu.enqueue_indirect_dma source(%dma_start3A_461 : memref<10000x128xf32, #tpu.memory_space<hbm>>) target(%arg13 : memref<128x128xf32, #tpu.memory_space<vmem>>) offsets(%dma_start3A_458 : memref<128xi32, #tpu.memory_space<vmem>>) semaphore(%arg19 : memref<!tpu.dma_semaphore, #tpu.memory_space<semaphore_mem>>)
        %dma_wait3A_462 = arith.constant 640 : i32
        %dma_wait3A_463 = tpu.memref_slice %arg11[%dma_wait3A_462] : memref<1024xi32, #tpu.memory_space<vmem>> -> memref<128xi32, #tpu.memory_space<vmem>>
        %dma_wait3A_464 = arith.constant 0 : i32
        %dma_wait3A_465 = arith.constant 0 : i32
        %dma_wait3A_466 = tpu.memref_slice %arg2[%dma_wait3A_464, %dma_wait3A_465] : memref<10000x128xf32, #tpu.memory_space<hbm>> -> memref<10000x128xf32, #tpu.memory_space<hbm>>
        tpu.wait_indirect_dma semaphore(%arg19 : memref<!tpu.dma_semaphore, #tpu.memory_space<semaphore_mem>>) src(%dma_wait3A_466 : memref<10000x128xf32, #tpu.memory_space<hbm>>) dst(%arg13 : memref<128x128xf32, #tpu.memory_space<vmem>>)
        "tpu.region"() ({
          %run_scoped3A_599 = tpu.sem_alloc : memref<!tpu.dma_semaphore, #tpu.memory_space<semaphore_mem>>
          %dma_start3A_600 = arith.constant 0 : i32
          %dma_start3A_601 = arith.constant 0 : i32
          %dma_start3A_602 = tpu.memref_slice %arg15[%dma_start3A_600, %dma_start3A_601] : memref<10112x128xf32, #tpu.memory_space<vmem_shared>> -> memref<10112x128xf32, #tpu.memory_space<vmem_shared>>
          tpu.enqueue_indirect_dma source(%arg13 : memref<128x128xf32, #tpu.memory_space<vmem>>) target(%dma_start3A_602 : memref<10112x128xf32, #tpu.memory_space<vmem_shared>>) offsets(%arg8 : memref<128xi32, #tpu.memory_space<vmem>>) semaphore(%run_scoped3A_599 : memref<!tpu.dma_semaphore, #tpu.memory_space<semaphore_mem>>) {add = true}
          %dma_wait3A_603 = arith.constant 0 : i32
          %dma_wait3A_604 = arith.constant 0 : i32
          %dma_wait3A_605 = tpu.memref_slice %arg15[%dma_wait3A_603, %dma_wait3A_604] : memref<10112x128xf32, #tpu.memory_space<vmem_shared>> -> memref<10112x128xf32, #tpu.memory_space<vmem_shared>>
          tpu.wait_indirect_dma semaphore(%run_scoped3A_599 : memref<!tpu.dma_semaphore, #tpu.memory_space<semaphore_mem>>) src(%arg13 : memref<128x128xf32, #tpu.memory_space<vmem>>) dst(%dma_wait3A_605 : memref<10112x128xf32, #tpu.memory_space<vmem_shared>>)
          tpu.yield
        }) : () -> ()
        %get3A_467 = arith.constant 768 : index
        %get3A_468 = tpu.vector_load %arg12[%get3A_467] {strides = array<i32>} : memref<1024xi32, #tpu.memory_space<vmem>>, vector<16xi32>,
        %get3A_469 = vector.shape_cast %get3A_468 : vector<16xi32> to vector<16xi32>
        %swap3A_470 = arith.constant 0 : index
        %swap3A_471 = tpu.vector_load %arg8[%swap3A_470] {strides = array<i32>} : memref<128xi32, #tpu.memory_space<vmem>>, vector<16xi32>,
        %swap3A_472 = vector.shape_cast %swap3A_471 : vector<16xi32> to vector<16xi32>
        %swap3A_473 = vector.shape_cast %get3A_469 : vector<16xi32> to vector<16xi32>
        tpu.vector_store %arg8[%swap3A_470], %swap3A_473 {strides = array<i32>} : memref<128xi32, #tpu.memory_space<vmem>>, vector<16xi32>,
        %get3A_474 = arith.constant 784 : index
        %get3A_475 = tpu.vector_load %arg12[%get3A_474] {strides = array<i32>} : memref<1024xi32, #tpu.memory_space<vmem>>, vector<16xi32>,
        %get3A_476 = vector.shape_cast %get3A_475 : vector<16xi32> to vector<16xi32>
        %swap3A_477 = arith.constant 16 : index
        %swap3A_478 = tpu.vector_load %arg8[%swap3A_477] {strides = array<i32>} : memref<128xi32, #tpu.memory_space<vmem>>, vector<16xi32>,
        %swap3A_479 = vector.shape_cast %swap3A_478 : vector<16xi32> to vector<16xi32>
        %swap3A_480 = vector.shape_cast %get3A_476 : vector<16xi32> to vector<16xi32>
        tpu.vector_store %arg8[%swap3A_477], %swap3A_480 {strides = array<i32>} : memref<128xi32, #tpu.memory_space<vmem>>, vector<16xi32>,
        %get3A_481 = arith.constant 800 : index
        %get3A_482 = tpu.vector_load %arg12[%get3A_481] {strides = array<i32>} : memref<1024xi32, #tpu.memory_space<vmem>>, vector<16xi32>,
        %get3A_483 = vector.shape_cast %get3A_482 : vector<16xi32> to vector<16xi32>
        %swap3A_484 = arith.constant 32 : index
        %swap3A_485 = tpu.vector_load %arg8[%swap3A_484] {strides = array<i32>} : memref<128xi32, #tpu.memory_space<vmem>>, vector<16xi32>,
        %swap3A_486 = vector.shape_cast %swap3A_485 : vector<16xi32> to vector<16xi32>
        %swap3A_487 = vector.shape_cast %get3A_483 : vector<16xi32> to vector<16xi32>
        tpu.vector_store %arg8[%swap3A_484], %swap3A_487 {strides = array<i32>} : memref<128xi32, #tpu.memory_space<vmem>>, vector<16xi32>,
        %get3A_488 = arith.constant 816 : index
        %get3A_489 = tpu.vector_load %arg12[%get3A_488] {strides = array<i32>} : memref<1024xi32, #tpu.memory_space<vmem>>, vector<16xi32>,
        %get3A_490 = vector.shape_cast %get3A_489 : vector<16xi32> to vector<16xi32>
        %swap3A_491 = arith.constant 48 : index
        %swap3A_492 = tpu.vector_load %arg8[%swap3A_491] {strides = array<i32>} : memref<128xi32, #tpu.memory_space<vmem>>, vector<16xi32>,
        %swap3A_493 = vector.shape_cast %swap3A_492 : vector<16xi32> to vector<16xi32>
        %swap3A_494 = vector.shape_cast %get3A_490 : vector<16xi32> to vector<16xi32>
        tpu.vector_store %arg8[%swap3A_491], %swap3A_494 {strides = array<i32>} : memref<128xi32, #tpu.memory_space<vmem>>, vector<16xi32>,
        %get3A_495 = arith.constant 832 : index
        %get3A_496 = tpu.vector_load %arg12[%get3A_495] {strides = array<i32>} : memref<1024xi32, #tpu.memory_space<vmem>>, vector<16xi32>,
        %get3A_497 = vector.shape_cast %get3A_496 : vector<16xi32> to vector<16xi32>
        %swap3A_498 = arith.constant 64 : index
        %swap3A_499 = tpu.vector_load %arg8[%swap3A_498] {strides = array<i32>} : memref<128xi32, #tpu.memory_space<vmem>>, vector<16xi32>,
        %swap3A_500 = vector.shape_cast %swap3A_499 : vector<16xi32> to vector<16xi32>
        %swap3A_501 = vector.shape_cast %get3A_497 : vector<16xi32> to vector<16xi32>
        tpu.vector_store %arg8[%swap3A_498], %swap3A_501 {strides = array<i32>} : memref<128xi32, #tpu.memory_space<vmem>>, vector<16xi32>,
        %get3A_502 = arith.constant 848 : index
        %get3A_503 = tpu.vector_load %arg12[%get3A_502] {strides = array<i32>} : memref<1024xi32, #tpu.memory_space<vmem>>, vector<16xi32>,
        %get3A_504 = vector.shape_cast %get3A_503 : vector<16xi32> to vector<16xi32>
        %swap3A_505 = arith.constant 80 : index
        %swap3A_506 = tpu.vector_load %arg8[%swap3A_505] {strides = array<i32>} : memref<128xi32, #tpu.memory_space<vmem>>, vector<16xi32>,
        %swap3A_507 = vector.shape_cast %swap3A_506 : vector<16xi32> to vector<16xi32>
        %swap3A_508 = vector.shape_cast %get3A_504 : vector<16xi32> to vector<16xi32>
        tpu.vector_store %arg8[%swap3A_505], %swap3A_508 {strides = array<i32>} : memref<128xi32, #tpu.memory_space<vmem>>, vector<16xi32>,
        %get3A_509 = arith.constant 864 : index
        %get3A_510 = tpu.vector_load %arg12[%get3A_509] {strides = array<i32>} : memref<1024xi32, #tpu.memory_space<vmem>>, vector<16xi32>,
        %get3A_511 = vector.shape_cast %get3A_510 : vector<16xi32> to vector<16xi32>
        %swap3A_512 = arith.constant 96 : index
        %swap3A_513 = tpu.vector_load %arg8[%swap3A_512] {strides = array<i32>} : memref<128xi32, #tpu.memory_space<vmem>>, vector<16xi32>,
        %swap3A_514 = vector.shape_cast %swap3A_513 : vector<16xi32> to vector<16xi32>
        %swap3A_515 = vector.shape_cast %get3A_511 : vector<16xi32> to vector<16xi32>
        tpu.vector_store %arg8[%swap3A_512], %swap3A_515 {strides = array<i32>} : memref<128xi32, #tpu.memory_space<vmem>>, vector<16xi32>,
        %get3A_516 = arith.constant 880 : index
        %get3A_517 = tpu.vector_load %arg12[%get3A_516] {strides = array<i32>} : memref<1024xi32, #tpu.memory_space<vmem>>, vector<16xi32>,
        %get3A_518 = vector.shape_cast %get3A_517 : vector<16xi32> to vector<16xi32>
        %swap3A_519 = arith.constant 112 : index
        %swap3A_520 = tpu.vector_load %arg8[%swap3A_519] {strides = array<i32>} : memref<128xi32, #tpu.memory_space<vmem>>, vector<16xi32>,
        %swap3A_521 = vector.shape_cast %swap3A_520 : vector<16xi32> to vector<16xi32>
        %swap3A_522 = vector.shape_cast %get3A_518 : vector<16xi32> to vector<16xi32>
        tpu.vector_store %arg8[%swap3A_519], %swap3A_522 {strides = array<i32>} : memref<128xi32, #tpu.memory_space<vmem>>, vector<16xi32>,
        %dma_start3A_523 = arith.constant 768 : i32
        %dma_start3A_524 = tpu.memref_slice %arg11[%dma_start3A_523] : memref<1024xi32, #tpu.memory_space<vmem>> -> memref<128xi32, #tpu.memory_space<vmem>>
        %dma_start3A_525 = arith.constant 0 : i32
        %dma_start3A_526 = arith.constant 0 : i32
        %dma_start3A_527 = tpu.memref_slice %arg2[%dma_start3A_525, %dma_start3A_526] : memref<10000x128xf32, #tpu.memory_space<hbm>> -> memref<10000x128xf32, #tpu.memory_space<hbm>>
        tpu.enqueue_indirect_dma source(%dma_start3A_527 : memref<10000x128xf32, #tpu.memory_space<hbm>>) target(%arg13 : memref<128x128xf32, #tpu.memory_space<vmem>>) offsets(%dma_start3A_524 : memref<128xi32, #tpu.memory_space<vmem>>) semaphore(%arg19 : memref<!tpu.dma_semaphore, #tpu.memory_space<semaphore_mem>>)
        %dma_wait3A_528 = arith.constant 768 : i32
        %dma_wait3A_529 = tpu.memref_slice %arg11[%dma_wait3A_528] : memref<1024xi32, #tpu.memory_space<vmem>> -> memref<128xi32, #tpu.memory_space<vmem>>
        %dma_wait3A_530 = arith.constant 0 : i32
        %dma_wait3A_531 = arith.constant 0 : i32
        %dma_wait3A_532 = tpu.memref_slice %arg2[%dma_wait3A_530, %dma_wait3A_531] : memref<10000x128xf32, #tpu.memory_space<hbm>> -> memref<10000x128xf32, #tpu.memory_space<hbm>>
        tpu.wait_indirect_dma semaphore(%arg19 : memref<!tpu.dma_semaphore, #tpu.memory_space<semaphore_mem>>) src(%dma_wait3A_532 : memref<10000x128xf32, #tpu.memory_space<hbm>>) dst(%arg13 : memref<128x128xf32, #tpu.memory_space<vmem>>)
        "tpu.region"() ({
          %run_scoped3A_599 = tpu.sem_alloc : memref<!tpu.dma_semaphore, #tpu.memory_space<semaphore_mem>>
          %dma_start3A_600 = arith.constant 0 : i32
          %dma_start3A_601 = arith.constant 0 : i32
          %dma_start3A_602 = tpu.memref_slice %arg15[%dma_start3A_600, %dma_start3A_601] : memref<10112x128xf32, #tpu.memory_space<vmem_shared>> -> memref<10112x128xf32, #tpu.memory_space<vmem_shared>>
          tpu.enqueue_indirect_dma source(%arg13 : memref<128x128xf32, #tpu.memory_space<vmem>>) target(%dma_start3A_602 : memref<10112x128xf32, #tpu.memory_space<vmem_shared>>) offsets(%arg8 : memref<128xi32, #tpu.memory_space<vmem>>) semaphore(%run_scoped3A_599 : memref<!tpu.dma_semaphore, #tpu.memory_space<semaphore_mem>>) {add = true}
          %dma_wait3A_603 = arith.constant 0 : i32
          %dma_wait3A_604 = arith.constant 0 : i32
          %dma_wait3A_605 = tpu.memref_slice %arg15[%dma_wait3A_603, %dma_wait3A_604] : memref<10112x128xf32, #tpu.memory_space<vmem_shared>> -> memref<10112x128xf32, #tpu.memory_space<vmem_shared>>
          tpu.wait_indirect_dma semaphore(%run_scoped3A_599 : memref<!tpu.dma_semaphore, #tpu.memory_space<semaphore_mem>>) src(%arg13 : memref<128x128xf32, #tpu.memory_space<vmem>>) dst(%dma_wait3A_605 : memref<10112x128xf32, #tpu.memory_space<vmem_shared>>)
          tpu.yield
        }) : () -> ()
        %get3A_533 = arith.constant 896 : index
        %get3A_534 = tpu.vector_load %arg12[%get3A_533] {strides = array<i32>} : memref<1024xi32, #tpu.memory_space<vmem>>, vector<16xi32>,
        %get3A_535 = vector.shape_cast %get3A_534 : vector<16xi32> to vector<16xi32>
        %swap3A_536 = arith.constant 0 : index
        %swap3A_537 = tpu.vector_load %arg8[%swap3A_536] {strides = array<i32>} : memref<128xi32, #tpu.memory_space<vmem>>, vector<16xi32>,
        %swap3A_538 = vector.shape_cast %swap3A_537 : vector<16xi32> to vector<16xi32>
        %swap3A_539 = vector.shape_cast %get3A_535 : vector<16xi32> to vector<16xi32>
        tpu.vector_store %arg8[%swap3A_536], %swap3A_539 {strides = array<i32>} : memref<128xi32, #tpu.memory_space<vmem>>, vector<16xi32>,
        %get3A_540 = arith.constant 912 : index
        %get3A_541 = tpu.vector_load %arg12[%get3A_540] {strides = array<i32>} : memref<1024xi32, #tpu.memory_space<vmem>>, vector<16xi32>,
        %get3A_542 = vector.shape_cast %get3A_541 : vector<16xi32> to vector<16xi32>
        %swap3A_543 = arith.constant 16 : index
        %swap3A_544 = tpu.vector_load %arg8[%swap3A_543] {strides = array<i32>} : memref<128xi32, #tpu.memory_space<vmem>>, vector<16xi32>,
        %swap3A_545 = vector.shape_cast %swap3A_544 : vector<16xi32> to vector<16xi32>
        %swap3A_546 = vector.shape_cast %get3A_542 : vector<16xi32> to vector<16xi32>
        tpu.vector_store %arg8[%swap3A_543], %swap3A_546 {strides = array<i32>} : memref<128xi32, #tpu.memory_space<vmem>>, vector<16xi32>,
        %get3A_547 = arith.constant 928 : index
        %get3A_548 = tpu.vector_load %arg12[%get3A_547] {strides = array<i32>} : memref<1024xi32, #tpu.memory_space<vmem>>, vector<16xi32>,
        %get3A_549 = vector.shape_cast %get3A_548 : vector<16xi32> to vector<16xi32>
        %swap3A_550 = arith.constant 32 : index
        %swap3A_551 = tpu.vector_load %arg8[%swap3A_550] {strides = array<i32>} : memref<128xi32, #tpu.memory_space<vmem>>, vector<16xi32>,
        %swap3A_552 = vector.shape_cast %swap3A_551 : vector<16xi32> to vector<16xi32>
        %swap3A_553 = vector.shape_cast %get3A_549 : vector<16xi32> to vector<16xi32>
        tpu.vector_store %arg8[%swap3A_550], %swap3A_553 {strides = array<i32>} : memref<128xi32, #tpu.memory_space<vmem>>, vector<16xi32>,
        %get3A_554 = arith.constant 944 : index
        %get3A_555 = tpu.vector_load %arg12[%get3A_554] {strides = array<i32>} : memref<1024xi32, #tpu.memory_space<vmem>>, vector<16xi32>,
        %get3A_556 = vector.shape_cast %get3A_555 : vector<16xi32> to vector<16xi32>
        %swap3A_557 = arith.constant 48 : index
        %swap3A_558 = tpu.vector_load %arg8[%swap3A_557] {strides = array<i32>} : memref<128xi32, #tpu.memory_space<vmem>>, vector<16xi32>,
        %swap3A_559 = vector.shape_cast %swap3A_558 : vector<16xi32> to vector<16xi32>
        %swap3A_560 = vector.shape_cast %get3A_556 : vector<16xi32> to vector<16xi32>
        tpu.vector_store %arg8[%swap3A_557], %swap3A_560 {strides = array<i32>} : memref<128xi32, #tpu.memory_space<vmem>>, vector<16xi32>,
        %get3A_561 = arith.constant 960 : index
        %get3A_562 = tpu.vector_load %arg12[%get3A_561] {strides = array<i32>} : memref<1024xi32, #tpu.memory_space<vmem>>, vector<16xi32>,
        %get3A_563 = vector.shape_cast %get3A_562 : vector<16xi32> to vector<16xi32>
        %swap3A_564 = arith.constant 64 : index
        %swap3A_565 = tpu.vector_load %arg8[%swap3A_564] {strides = array<i32>} : memref<128xi32, #tpu.memory_space<vmem>>, vector<16xi32>,
        %swap3A_566 = vector.shape_cast %swap3A_565 : vector<16xi32> to vector<16xi32>
        %swap3A_567 = vector.shape_cast %get3A_563 : vector<16xi32> to vector<16xi32>
        tpu.vector_store %arg8[%swap3A_564], %swap3A_567 {strides = array<i32>} : memref<128xi32, #tpu.memory_space<vmem>>, vector<16xi32>,
        %get3A_568 = arith.constant 976 : index
        %get3A_569 = tpu.vector_load %arg12[%get3A_568] {strides = array<i32>} : memref<1024xi32, #tpu.memory_space<vmem>>, vector<16xi32>,
        %get3A_570 = vector.shape_cast %get3A_569 : vector<16xi32> to vector<16xi32>
        %swap3A_571 = arith.constant 80 : index
        %swap3A_572 = tpu.vector_load %arg8[%swap3A_571] {strides = array<i32>} : memref<128xi32, #tpu.memory_space<vmem>>, vector<16xi32>,
        %swap3A_573 = vector.shape_cast %swap3A_572 : vector<16xi32> to vector<16xi32>
        %swap3A_574 = vector.shape_cast %get3A_570 : vector<16xi32> to vector<16xi32>
        tpu.vector_store %arg8[%swap3A_571], %swap3A_574 {strides = array<i32>} : memref<128xi32, #tpu.memory_space<vmem>>, vector<16xi32>,
        %get3A_575 = arith.constant 992 : index
        %get3A_576 = tpu.vector_load %arg12[%get3A_575] {strides = array<i32>} : memref<1024xi32, #tpu.memory_space<vmem>>, vector<16xi32>,
        %get3A_577 = vector.shape_cast %get3A_576 : vector<16xi32> to vector<16xi32>
        %swap3A_578 = arith.constant 96 : index
        %swap3A_579 = tpu.vector_load %arg8[%swap3A_578] {strides = array<i32>} : memref<128xi32, #tpu.memory_space<vmem>>, vector<16xi32>,
        %swap3A_580 = vector.shape_cast %swap3A_579 : vector<16xi32> to vector<16xi32>
        %swap3A_581 = vector.shape_cast %get3A_577 : vector<16xi32> to vector<16xi32>
        tpu.vector_store %arg8[%swap3A_578], %swap3A_581 {strides = array<i32>} : memref<128xi32, #tpu.memory_space<vmem>>, vector<16xi32>,
        %get3A_582 = arith.constant 1008 : index
        %get3A_583 = tpu.vector_load %arg12[%get3A_582] {strides = array<i32>} : memref<1024xi32, #tpu.memory_space<vmem>>, vector<16xi32>,
        %get3A_584 = vector.shape_cast %get3A_583 : vector<16xi32> to vector<16xi32>
        %swap3A_585 = arith.constant 112 : index
        %swap3A_586 = tpu.vector_load %arg8[%swap3A_585] {strides = array<i32>} : memref<128xi32, #tpu.memory_space<vmem>>, vector<16xi32>,
        %swap3A_587 = vector.shape_cast %swap3A_586 : vector<16xi32> to vector<16xi32>
        %swap3A_588 = vector.shape_cast %get3A_584 : vector<16xi32> to vector<16xi32>
        tpu.vector_store %arg8[%swap3A_585], %swap3A_588 {strides = array<i32>} : memref<128xi32, #tpu.memory_space<vmem>>, vector<16xi32>,
        %dma_start3A_589 = arith.constant 896 : i32
        %dma_start3A_590 = tpu.memref_slice %arg11[%dma_start3A_589] : memref<1024xi32, #tpu.memory_space<vmem>> -> memref<128xi32, #tpu.memory_space<vmem>>
        %dma_start3A_591 = arith.constant 0 : i32
        %dma_start3A_592 = arith.constant 0 : i32
        %dma_start3A_593 = tpu.memref_slice %arg2[%dma_start3A_591, %dma_start3A_592] : memref<10000x128xf32, #tpu.memory_space<hbm>> -> memref<10000x128xf32, #tpu.memory_space<hbm>>
        tpu.enqueue_indirect_dma source(%dma_start3A_593 : memref<10000x128xf32, #tpu.memory_space<hbm>>) target(%arg13 : memref<128x128xf32, #tpu.memory_space<vmem>>) offsets(%dma_start3A_590 : memref<128xi32, #tpu.memory_space<vmem>>) semaphore(%arg19 : memref<!tpu.dma_semaphore, #tpu.memory_space<semaphore_mem>>)
        %dma_wait3A_594 = arith.constant 896 : i32
        %dma_wait3A_595 = tpu.memref_slice %arg11[%dma_wait3A_594] : memref<1024xi32, #tpu.memory_space<vmem>> -> memref<128xi32, #tpu.memory_space<vmem>>
        %dma_wait3A_596 = arith.constant 0 : i32
        %dma_wait3A_597 = arith.constant 0 : i32
        %dma_wait3A_598 = tpu.memref_slice %arg2[%dma_wait3A_596, %dma_wait3A_597] : memref<10000x128xf32, #tpu.memory_space<hbm>> -> memref<10000x128xf32, #tpu.memory_space<hbm>>
        tpu.wait_indirect_dma semaphore(%arg19 : memref<!tpu.dma_semaphore, #tpu.memory_space<semaphore_mem>>) src(%dma_wait3A_598 : memref<10000x128xf32, #tpu.memory_space<hbm>>) dst(%arg13 : memref<128x128xf32, #tpu.memory_space<vmem>>)
        "tpu.region"() ({
          %run_scoped3A_599 = tpu.sem_alloc : memref<!tpu.dma_semaphore, #tpu.memory_space<semaphore_mem>>
          %dma_start3A_600 = arith.constant 0 : i32
          %dma_start3A_601 = arith.constant 0 : i32
          %dma_start3A_602 = tpu.memref_slice %arg15[%dma_start3A_600, %dma_start3A_601] : memref<10112x128xf32, #tpu.memory_space<vmem_shared>> -> memref<10112x128xf32, #tpu.memory_space<vmem_shared>>
          tpu.enqueue_indirect_dma source(%arg13 : memref<128x128xf32, #tpu.memory_space<vmem>>) target(%dma_start3A_602 : memref<10112x128xf32, #tpu.memory_space<vmem_shared>>) offsets(%arg8 : memref<128xi32, #tpu.memory_space<vmem>>) semaphore(%run_scoped3A_599 : memref<!tpu.dma_semaphore, #tpu.memory_space<semaphore_mem>>) {add = true}
          %dma_wait3A_603 = arith.constant 0 : i32
          %dma_wait3A_604 = arith.constant 0 : i32
          %dma_wait3A_605 = tpu.memref_slice %arg15[%dma_wait3A_603, %dma_wait3A_604] : memref<10112x128xf32, #tpu.memory_space<vmem_shared>> -> memref<10112x128xf32, #tpu.memory_space<vmem_shared>>
          tpu.wait_indirect_dma semaphore(%run_scoped3A_599 : memref<!tpu.dma_semaphore, #tpu.memory_space<semaphore_mem>>) src(%arg13 : memref<128x128xf32, #tpu.memory_space<vmem>>) dst(%dma_wait3A_605 : memref<10112x128xf32, #tpu.memory_space<vmem_shared>>)
          tpu.yield
        }) : () -> ()
      }
      %while3A_58 = arith.constant 1 : i32
      scf.for %while3A_70 = %while3A_56 to %while3A_52 step %while3A_58  : i32 {
        %mul3A_71 = arith.constant 1024 : i32
        %mul3A_72 = arith.muli %while3A_70, %mul3A_71 : i32
        %add3A_73 = arith.addi %mul3A_13, %mul3A_72 : i32
        %multiple_of3A = tpu.assume_multiple %add3A_73, 128 : i32
        %run_scoped3A = arith.constant 0 : i32
        "tpu.region"() ({
          %run_scoped3A_599 = tpu.sem_alloc : memref<!tpu.dma_semaphore, #tpu.memory_space<semaphore_mem>>
          %dma_start3A_600 = tpu.memref_slice %arg3[%run_scoped3A, %multiple_of3A] : memref<2x320000xi32, #tpu.memory_space<hbm>> -> memref<1x1024xi32, #tpu.memory_space<hbm>>
          %dma_start3A_601 = tpu.memref_squeeze %dma_start3A_600 : memref<1x1024xi32, #tpu.memory_space<hbm>> -> memref<1024xi32, #tpu.memory_space<hbm>>
          %dma_start3A_602 = tpu.memref_slice %arg3[%run_scoped3A, %multiple_of3A] : memref<2x320000xi32, #tpu.memory_space<hbm>> -> memref<1x1024xi32, #tpu.memory_space<hbm>>
          %dma_start3A_603 = tpu.memref_squeeze %dma_start3A_602 : memref<1x1024xi32, #tpu.memory_space<hbm>> -> memref<1024xi32, #tpu.memory_space<hbm>>
          tpu.enqueue_dma source(%dma_start3A_603 : memref<1024xi32, #tpu.memory_space<hbm>>) target(%arg11 : memref<1024xi32, #tpu.memory_space<vmem>>) target_semaphore(%run_scoped3A_599 : memref<!tpu.dma_semaphore, #tpu.memory_space<semaphore_mem>>)
          %dma_wait3A_604 = tpu.memref_slice %arg3[%run_scoped3A, %multiple_of3A] : memref<2x320000xi32, #tpu.memory_space<hbm>> -> memref<1x1024xi32, #tpu.memory_space<hbm>>
          %dma_wait3A_605 = tpu.memref_squeeze %dma_wait3A_604 : memref<1x1024xi32, #tpu.memory_space<hbm>> -> memref<1024xi32, #tpu.memory_space<hbm>>
          %dma_wait3A_606 = tpu.memref_slice %arg3[%run_scoped3A, %multiple_of3A] : memref<2x320000xi32, #tpu.memory_space<hbm>> -> memref<1x1024xi32, #tpu.memory_space<hbm>>
          %dma_wait3A_607 = tpu.memref_squeeze %dma_wait3A_606 : memref<1x1024xi32, #tpu.memory_space<hbm>> -> memref<1024xi32, #tpu.memory_space<hbm>>
          tpu.wait_dma2 semaphore(%run_scoped3A_599 : memref<!tpu.dma_semaphore, #tpu.memory_space<semaphore_mem>>) src(%dma_wait3A_607 : memref<1024xi32, #tpu.memory_space<hbm>>) dst(%arg11 : memref<1024xi32, #tpu.memory_space<vmem>>)
          tpu.yield
        }) : () -> ()
        %run_scoped3A_74 = arith.constant 1 : i32
        "tpu.region"() ({
          %run_scoped3A_599 = tpu.sem_alloc : memref<!tpu.dma_semaphore, #tpu.memory_space<semaphore_mem>>
          %dma_start3A_600 = tpu.memref_slice %arg3[%run_scoped3A_74, %multiple_of3A] : memref<2x320000xi32, #tpu.memory_space<hbm>> -> memref<1x1024xi32, #tpu.memory_space<hbm>>
          %dma_start3A_601 = tpu.memref_squeeze %dma_start3A_600 : memref<1x1024xi32, #tpu.memory_space<hbm>> -> memref<1024xi32, #tpu.memory_space<hbm>>
          %dma_start3A_602 = tpu.memref_slice %arg3[%run_scoped3A_74, %multiple_of3A] : memref<2x320000xi32, #tpu.memory_space<hbm>> -> memref<1x1024xi32, #tpu.memory_space<hbm>>
          %dma_start3A_603 = tpu.memref_squeeze %dma_start3A_602 : memref<1x1024xi32, #tpu.memory_space<hbm>> -> memref<1024xi32, #tpu.memory_space<hbm>>
          tpu.enqueue_dma source(%dma_start3A_603 : memref<1024xi32, #tpu.memory_space<hbm>>) target(%arg12 : memref<1024xi32, #tpu.memory_space<vmem>>) target_semaphore(%run_scoped3A_599 : memref<!tpu.dma_semaphore, #tpu.memory_space<semaphore_mem>>)
          %dma_wait3A_604 = tpu.memref_slice %arg3[%run_scoped3A_74, %multiple_of3A] : memref<2x320000xi32, #tpu.memory_space<hbm>> -> memref<1x1024xi32, #tpu.memory_space<hbm>>
          %dma_wait3A_605 = tpu.memref_squeeze %dma_wait3A_604 : memref<1x1024xi32, #tpu.memory_space<hbm>> -> memref<1024xi32, #tpu.memory_space<hbm>>
          %dma_wait3A_606 = tpu.memref_slice %arg3[%run_scoped3A_74, %multiple_of3A] : memref<2x320000xi32, #tpu.memory_space<hbm>> -> memref<1x1024xi32, #tpu.memory_space<hbm>>
          %dma_wait3A_607 = tpu.memref_squeeze %dma_wait3A_606 : memref<1x1024xi32, #tpu.memory_space<hbm>> -> memref<1024xi32, #tpu.memory_space<hbm>>
          tpu.wait_dma2 semaphore(%run_scoped3A_599 : memref<!tpu.dma_semaphore, #tpu.memory_space<semaphore_mem>>) src(%dma_wait3A_607 : memref<1024xi32, #tpu.memory_space<hbm>>) dst(%arg12 : memref<1024xi32, #tpu.memory_space<vmem>>)
          tpu.yield
        }) : () -> ()
        %get3A = arith.constant 0 : index
        %get3A_75 = tpu.vector_load %arg12[%get3A] {strides = array<i32>} : memref<1024xi32, #tpu.memory_space<vmem>>, vector<16xi32>,
        %get3A_76 = vector.shape_cast %get3A_75 : vector<16xi32> to vector<16xi32>
        %swap3A = arith.constant 0 : index
        %swap3A_77 = tpu.vector_load %arg8[%swap3A] {strides = array<i32>} : memref<128xi32, #tpu.memory_space<vmem>>, vector<16xi32>,
        %swap3A_78 = vector.shape_cast %swap3A_77 : vector<16xi32> to vector<16xi32>
        %swap3A_79 = vector.shape_cast %get3A_76 : vector<16xi32> to vector<16xi32>
        tpu.vector_store %arg8[%swap3A], %swap3A_79 {strides = array<i32>} : memref<128xi32, #tpu.memory_space<vmem>>, vector<16xi32>,
        %get3A_80 = arith.constant 16 : index
        %get3A_81 = tpu.vector_load %arg12[%get3A_80] {strides = array<i32>} : memref<1024xi32, #tpu.memory_space<vmem>>, vector<16xi32>,
        %get3A_82 = vector.shape_cast %get3A_81 : vector<16xi32> to vector<16xi32>
        %swap3A_83 = arith.constant 16 : index
        %swap3A_84 = tpu.vector_load %arg8[%swap3A_83] {strides = array<i32>} : memref<128xi32, #tpu.memory_space<vmem>>, vector<16xi32>,
        %swap3A_85 = vector.shape_cast %swap3A_84 : vector<16xi32> to vector<16xi32>
        %swap3A_86 = vector.shape_cast %get3A_82 : vector<16xi32> to vector<16xi32>
        tpu.vector_store %arg8[%swap3A_83], %swap3A_86 {strides = array<i32>} : memref<128xi32, #tpu.memory_space<vmem>>, vector<16xi32>,
        %get3A_87 = arith.constant 32 : index
        %get3A_88 = tpu.vector_load %arg12[%get3A_87] {strides = array<i32>} : memref<1024xi32, #tpu.memory_space<vmem>>, vector<16xi32>,
        %get3A_89 = vector.shape_cast %get3A_88 : vector<16xi32> to vector<16xi32>
        %swap3A_90 = arith.constant 32 : index
        %swap3A_91 = tpu.vector_load %arg8[%swap3A_90] {strides = array<i32>} : memref<128xi32, #tpu.memory_space<vmem>>, vector<16xi32>,
        %swap3A_92 = vector.shape_cast %swap3A_91 : vector<16xi32> to vector<16xi32>
        %swap3A_93 = vector.shape_cast %get3A_89 : vector<16xi32> to vector<16xi32>
        tpu.vector_store %arg8[%swap3A_90], %swap3A_93 {strides = array<i32>} : memref<128xi32, #tpu.memory_space<vmem>>, vector<16xi32>,
        %get3A_94 = arith.constant 48 : index
        %get3A_95 = tpu.vector_load %arg12[%get3A_94] {strides = array<i32>} : memref<1024xi32, #tpu.memory_space<vmem>>, vector<16xi32>,
        %get3A_96 = vector.shape_cast %get3A_95 : vector<16xi32> to vector<16xi32>
        %swap3A_97 = arith.constant 48 : index
        %swap3A_98 = tpu.vector_load %arg8[%swap3A_97] {strides = array<i32>} : memref<128xi32, #tpu.memory_space<vmem>>, vector<16xi32>,
        %swap3A_99 = vector.shape_cast %swap3A_98 : vector<16xi32> to vector<16xi32>
        %swap3A_100 = vector.shape_cast %get3A_96 : vector<16xi32> to vector<16xi32>
        tpu.vector_store %arg8[%swap3A_97], %swap3A_100 {strides = array<i32>} : memref<128xi32, #tpu.memory_space<vmem>>, vector<16xi32>,
        %get3A_101 = arith.constant 64 : index
        %get3A_102 = tpu.vector_load %arg12[%get3A_101] {strides = array<i32>} : memref<1024xi32, #tpu.memory_space<vmem>>, vector<16xi32>,
        %get3A_103 = vector.shape_cast %get3A_102 : vector<16xi32> to vector<16xi32>
        %swap3A_104 = arith.constant 64 : index
        %swap3A_105 = tpu.vector_load %arg8[%swap3A_104] {strides = array<i32>} : memref<128xi32, #tpu.memory_space<vmem>>, vector<16xi32>,
        %swap3A_106 = vector.shape_cast %swap3A_105 : vector<16xi32> to vector<16xi32>
        %swap3A_107 = vector.shape_cast %get3A_103 : vector<16xi32> to vector<16xi32>
        tpu.vector_store %arg8[%swap3A_104], %swap3A_107 {strides = array<i32>} : memref<128xi32, #tpu.memory_space<vmem>>, vector<16xi32>,
        %get3A_108 = arith.constant 80 : index
        %get3A_109 = tpu.vector_load %arg12[%get3A_108] {strides = array<i32>} : memref<1024xi32, #tpu.memory_space<vmem>>, vector<16xi32>,
        %get3A_110 = vector.shape_cast %get3A_109 : vector<16xi32> to vector<16xi32>
        %swap3A_111 = arith.constant 80 : index
        %swap3A_112 = tpu.vector_load %arg8[%swap3A_111] {strides = array<i32>} : memref<128xi32, #tpu.memory_space<vmem>>, vector<16xi32>,
        %swap3A_113 = vector.shape_cast %swap3A_112 : vector<16xi32> to vector<16xi32>
        %swap3A_114 = vector.shape_cast %get3A_110 : vector<16xi32> to vector<16xi32>
        tpu.vector_store %arg8[%swap3A_111], %swap3A_114 {strides = array<i32>} : memref<128xi32, #tpu.memory_space<vmem>>, vector<16xi32>,
        %get3A_115 = arith.constant 96 : index
        %get3A_116 = tpu.vector_load %arg12[%get3A_115] {strides = array<i32>} : memref<1024xi32, #tpu.memory_space<vmem>>, vector<16xi32>,
        %get3A_117 = vector.shape_cast %get3A_116 : vector<16xi32> to vector<16xi32>
        %swap3A_118 = arith.constant 96 : index
        %swap3A_119 = tpu.vector_load %arg8[%swap3A_118] {strides = array<i32>} : memref<128xi32, #tpu.memory_space<vmem>>, vector<16xi32>,
        %swap3A_120 = vector.shape_cast %swap3A_119 : vector<16xi32> to vector<16xi32>
        %swap3A_121 = vector.shape_cast %get3A_117 : vector<16xi32> to vector<16xi32>
        tpu.vector_store %arg8[%swap3A_118], %swap3A_121 {strides = array<i32>} : memref<128xi32, #tpu.memory_space<vmem>>, vector<16xi32>,
        %get3A_122 = arith.constant 112 : index
        %get3A_123 = tpu.vector_load %arg12[%get3A_122] {strides = array<i32>} : memref<1024xi32, #tpu.memory_space<vmem>>, vector<16xi32>,
        %get3A_124 = vector.shape_cast %get3A_123 : vector<16xi32> to vector<16xi32>
        %swap3A_125 = arith.constant 112 : index
        %swap3A_126 = tpu.vector_load %arg8[%swap3A_125] {strides = array<i32>} : memref<128xi32, #tpu.memory_space<vmem>>, vector<16xi32>,
        %swap3A_127 = vector.shape_cast %swap3A_126 : vector<16xi32> to vector<16xi32>
        %swap3A_128 = vector.shape_cast %get3A_124 : vector<16xi32> to vector<16xi32>
        tpu.vector_store %arg8[%swap3A_125], %swap3A_128 {strides = array<i32>} : memref<128xi32, #tpu.memory_space<vmem>>, vector<16xi32>,
        %dma_start3A = arith.constant 0 : i32
        %dma_start3A_129 = tpu.memref_slice %arg11[%dma_start3A] : memref<1024xi32, #tpu.memory_space<vmem>> -> memref<128xi32, #tpu.memory_space<vmem>>
        %dma_start3A_130 = arith.constant 0 : i32
        %dma_start3A_131 = arith.constant 0 : i32
        %dma_start3A_132 = tpu.memref_slice %arg2[%dma_start3A_130, %dma_start3A_131] : memref<10000x128xf32, #tpu.memory_space<hbm>> -> memref<10000x128xf32, #tpu.memory_space<hbm>>
        tpu.enqueue_indirect_dma source(%dma_start3A_132 : memref<10000x128xf32, #tpu.memory_space<hbm>>) target(%arg13 : memref<128x128xf32, #tpu.memory_space<vmem>>) offsets(%dma_start3A_129 : memref<128xi32, #tpu.memory_space<vmem>>) semaphore(%arg19 : memref<!tpu.dma_semaphore, #tpu.memory_space<semaphore_mem>>)
        %dma_wait3A = arith.constant 0 : i32
        %dma_wait3A_133 = tpu.memref_slice %arg11[%dma_wait3A] : memref<1024xi32, #tpu.memory_space<vmem>> -> memref<128xi32, #tpu.memory_space<vmem>>
        %dma_wait3A_134 = arith.constant 0 : i32
        %dma_wait3A_135 = arith.constant 0 : i32
        %dma_wait3A_136 = tpu.memref_slice %arg2[%dma_wait3A_134, %dma_wait3A_135] : memref<10000x128xf32, #tpu.memory_space<hbm>> -> memref<10000x128xf32, #tpu.memory_space<hbm>>
        tpu.wait_indirect_dma semaphore(%arg19 : memref<!tpu.dma_semaphore, #tpu.memory_space<semaphore_mem>>) src(%dma_wait3A_136 : memref<10000x128xf32, #tpu.memory_space<hbm>>) dst(%arg13 : memref<128x128xf32, #tpu.memory_space<vmem>>)
        "tpu.region"() ({
          %run_scoped3A_599 = tpu.sem_alloc : memref<!tpu.dma_semaphore, #tpu.memory_space<semaphore_mem>>
          %dma_start3A_600 = arith.constant 0 : i32
          %dma_start3A_601 = arith.constant 0 : i32
          %dma_start3A_602 = tpu.memref_slice %arg15[%dma_start3A_600, %dma_start3A_601] : memref<10112x128xf32, #tpu.memory_space<vmem_shared>> -> memref<10112x128xf32, #tpu.memory_space<vmem_shared>>
          tpu.enqueue_indirect_dma source(%arg13 : memref<128x128xf32, #tpu.memory_space<vmem>>) target(%dma_start3A_602 : memref<10112x128xf32, #tpu.memory_space<vmem_shared>>) offsets(%arg8 : memref<128xi32, #tpu.memory_space<vmem>>) semaphore(%run_scoped3A_599 : memref<!tpu.dma_semaphore, #tpu.memory_space<semaphore_mem>>) {add = true}
          %dma_wait3A_603 = arith.constant 0 : i32
          %dma_wait3A_604 = arith.constant 0 : i32
          %dma_wait3A_605 = tpu.memref_slice %arg15[%dma_wait3A_603, %dma_wait3A_604] : memref<10112x128xf32, #tpu.memory_space<vmem_shared>> -> memref<10112x128xf32, #tpu.memory_space<vmem_shared>>
          tpu.wait_indirect_dma semaphore(%run_scoped3A_599 : memref<!tpu.dma_semaphore, #tpu.memory_space<semaphore_mem>>) src(%arg13 : memref<128x128xf32, #tpu.memory_space<vmem>>) dst(%dma_wait3A_605 : memref<10112x128xf32, #tpu.memory_space<vmem_shared>>)
          tpu.yield
        }) : () -> ()
        %get3A_137 = arith.constant 128 : index
        %get3A_138 = tpu.vector_load %arg12[%get3A_137] {strides = array<i32>} : memref<1024xi32, #tpu.memory_space<vmem>>, vector<16xi32>,
        %get3A_139 = vector.shape_cast %get3A_138 : vector<16xi32> to vector<16xi32>
        %swap3A_140 = arith.constant 0 : index
        %swap3A_141 = tpu.vector_load %arg8[%swap3A_140] {strides = array<i32>} : memref<128xi32, #tpu.memory_space<vmem>>, vector<16xi32>,
        %swap3A_142 = vector.shape_cast %swap3A_141 : vector<16xi32> to vector<16xi32>
        %swap3A_143 = vector.shape_cast %get3A_139 : vector<16xi32> to vector<16xi32>
        tpu.vector_store %arg8[%swap3A_140], %swap3A_143 {strides = array<i32>} : memref<128xi32, #tpu.memory_space<vmem>>, vector<16xi32>,
        %get3A_144 = arith.constant 144 : index
        %get3A_145 = tpu.vector_load %arg12[%get3A_144] {strides = array<i32>} : memref<1024xi32, #tpu.memory_space<vmem>>, vector<16xi32>,
        %get3A_146 = vector.shape_cast %get3A_145 : vector<16xi32> to vector<16xi32>
        %swap3A_147 = arith.constant 16 : index
        %swap3A_148 = tpu.vector_load %arg8[%swap3A_147] {strides = array<i32>} : memref<128xi32, #tpu.memory_space<vmem>>, vector<16xi32>,
        %swap3A_149 = vector.shape_cast %swap3A_148 : vector<16xi32> to vector<16xi32>
        %swap3A_150 = vector.shape_cast %get3A_146 : vector<16xi32> to vector<16xi32>
        tpu.vector_store %arg8[%swap3A_147], %swap3A_150 {strides = array<i32>} : memref<128xi32, #tpu.memory_space<vmem>>, vector<16xi32>,
        %get3A_151 = arith.constant 160 : index
        %get3A_152 = tpu.vector_load %arg12[%get3A_151] {strides = array<i32>} : memref<1024xi32, #tpu.memory_space<vmem>>, vector<16xi32>,
        %get3A_153 = vector.shape_cast %get3A_152 : vector<16xi32> to vector<16xi32>
        %swap3A_154 = arith.constant 32 : index
        %swap3A_155 = tpu.vector_load %arg8[%swap3A_154] {strides = array<i32>} : memref<128xi32, #tpu.memory_space<vmem>>, vector<16xi32>,
        %swap3A_156 = vector.shape_cast %swap3A_155 : vector<16xi32> to vector<16xi32>
        %swap3A_157 = vector.shape_cast %get3A_153 : vector<16xi32> to vector<16xi32>
        tpu.vector_store %arg8[%swap3A_154], %swap3A_157 {strides = array<i32>} : memref<128xi32, #tpu.memory_space<vmem>>, vector<16xi32>,
        %get3A_158 = arith.constant 176 : index
        %get3A_159 = tpu.vector_load %arg12[%get3A_158] {strides = array<i32>} : memref<1024xi32, #tpu.memory_space<vmem>>, vector<16xi32>,
        %get3A_160 = vector.shape_cast %get3A_159 : vector<16xi32> to vector<16xi32>
        %swap3A_161 = arith.constant 48 : index
        %swap3A_162 = tpu.vector_load %arg8[%swap3A_161] {strides = array<i32>} : memref<128xi32, #tpu.memory_space<vmem>>, vector<16xi32>,
        %swap3A_163 = vector.shape_cast %swap3A_162 : vector<16xi32> to vector<16xi32>
        %swap3A_164 = vector.shape_cast %get3A_160 : vector<16xi32> to vector<16xi32>
        tpu.vector_store %arg8[%swap3A_161], %swap3A_164 {strides = array<i32>} : memref<128xi32, #tpu.memory_space<vmem>>, vector<16xi32>,
        %get3A_165 = arith.constant 192 : index
        %get3A_166 = tpu.vector_load %arg12[%get3A_165] {strides = array<i32>} : memref<1024xi32, #tpu.memory_space<vmem>>, vector<16xi32>,
        %get3A_167 = vector.shape_cast %get3A_166 : vector<16xi32> to vector<16xi32>
        %swap3A_168 = arith.constant 64 : index
        %swap3A_169 = tpu.vector_load %arg8[%swap3A_168] {strides = array<i32>} : memref<128xi32, #tpu.memory_space<vmem>>, vector<16xi32>,
        %swap3A_170 = vector.shape_cast %swap3A_169 : vector<16xi32> to vector<16xi32>
        %swap3A_171 = vector.shape_cast %get3A_167 : vector<16xi32> to vector<16xi32>
        tpu.vector_store %arg8[%swap3A_168], %swap3A_171 {strides = array<i32>} : memref<128xi32, #tpu.memory_space<vmem>>, vector<16xi32>,
        %get3A_172 = arith.constant 208 : index
        %get3A_173 = tpu.vector_load %arg12[%get3A_172] {strides = array<i32>} : memref<1024xi32, #tpu.memory_space<vmem>>, vector<16xi32>,
        %get3A_174 = vector.shape_cast %get3A_173 : vector<16xi32> to vector<16xi32>
        %swap3A_175 = arith.constant 80 : index
        %swap3A_176 = tpu.vector_load %arg8[%swap3A_175] {strides = array<i32>} : memref<128xi32, #tpu.memory_space<vmem>>, vector<16xi32>,
        %swap3A_177 = vector.shape_cast %swap3A_176 : vector<16xi32> to vector<16xi32>
        %swap3A_178 = vector.shape_cast %get3A_174 : vector<16xi32> to vector<16xi32>
        tpu.vector_store %arg8[%swap3A_175], %swap3A_178 {strides = array<i32>} : memref<128xi32, #tpu.memory_space<vmem>>, vector<16xi32>,
        %get3A_179 = arith.constant 224 : index
        %get3A_180 = tpu.vector_load %arg12[%get3A_179] {strides = array<i32>} : memref<1024xi32, #tpu.memory_space<vmem>>, vector<16xi32>,
        %get3A_181 = vector.shape_cast %get3A_180 : vector<16xi32> to vector<16xi32>
        %swap3A_182 = arith.constant 96 : index
        %swap3A_183 = tpu.vector_load %arg8[%swap3A_182] {strides = array<i32>} : memref<128xi32, #tpu.memory_space<vmem>>, vector<16xi32>,
        %swap3A_184 = vector.shape_cast %swap3A_183 : vector<16xi32> to vector<16xi32>
        %swap3A_185 = vector.shape_cast %get3A_181 : vector<16xi32> to vector<16xi32>
        tpu.vector_store %arg8[%swap3A_182], %swap3A_185 {strides = array<i32>} : memref<128xi32, #tpu.memory_space<vmem>>, vector<16xi32>,
        %get3A_186 = arith.constant 240 : index
        %get3A_187 = tpu.vector_load %arg12[%get3A_186] {strides = array<i32>} : memref<1024xi32, #tpu.memory_space<vmem>>, vector<16xi32>,
        %get3A_188 = vector.shape_cast %get3A_187 : vector<16xi32> to vector<16xi32>
        %swap3A_189 = arith.constant 112 : index
        %swap3A_190 = tpu.vector_load %arg8[%swap3A_189] {strides = array<i32>} : memref<128xi32, #tpu.memory_space<vmem>>, vector<16xi32>,
        %swap3A_191 = vector.shape_cast %swap3A_190 : vector<16xi32> to vector<16xi32>
        %swap3A_192 = vector.shape_cast %get3A_188 : vector<16xi32> to vector<16xi32>
        tpu.vector_store %arg8[%swap3A_189], %swap3A_192 {strides = array<i32>} : memref<128xi32, #tpu.memory_space<vmem>>, vector<16xi32>,
        %dma_start3A_193 = arith.constant 128 : i32
        %dma_start3A_194 = tpu.memref_slice %arg11[%dma_start3A_193] : memref<1024xi32, #tpu.memory_space<vmem>> -> memref<128xi32, #tpu.memory_space<vmem>>
        %dma_start3A_195 = arith.constant 0 : i32
        %dma_start3A_196 = arith.constant 0 : i32
        %dma_start3A_197 = tpu.memref_slice %arg2[%dma_start3A_195, %dma_start3A_196] : memref<10000x128xf32, #tpu.memory_space<hbm>> -> memref<10000x128xf32, #tpu.memory_space<hbm>>
        tpu.enqueue_indirect_dma source(%dma_start3A_197 : memref<10000x128xf32, #tpu.memory_space<hbm>>) target(%arg13 : memref<128x128xf32, #tpu.memory_space<vmem>>) offsets(%dma_start3A_194 : memref<128xi32, #tpu.memory_space<vmem>>) semaphore(%arg19 : memref<!tpu.dma_semaphore, #tpu.memory_space<semaphore_mem>>)
        %dma_wait3A_198 = arith.constant 128 : i32
        %dma_wait3A_199 = tpu.memref_slice %arg11[%dma_wait3A_198] : memref<1024xi32, #tpu.memory_space<vmem>> -> memref<128xi32, #tpu.memory_space<vmem>>
        %dma_wait3A_200 = arith.constant 0 : i32
        %dma_wait3A_201 = arith.constant 0 : i32
        %dma_wait3A_202 = tpu.memref_slice %arg2[%dma_wait3A_200, %dma_wait3A_201] : memref<10000x128xf32, #tpu.memory_space<hbm>> -> memref<10000x128xf32, #tpu.memory_space<hbm>>
        tpu.wait_indirect_dma semaphore(%arg19 : memref<!tpu.dma_semaphore, #tpu.memory_space<semaphore_mem>>) src(%dma_wait3A_202 : memref<10000x128xf32, #tpu.memory_space<hbm>>) dst(%arg13 : memref<128x128xf32, #tpu.memory_space<vmem>>)
        "tpu.region"() ({
          %run_scoped3A_599 = tpu.sem_alloc : memref<!tpu.dma_semaphore, #tpu.memory_space<semaphore_mem>>
          %dma_start3A_600 = arith.constant 0 : i32
          %dma_start3A_601 = arith.constant 0 : i32
          %dma_start3A_602 = tpu.memref_slice %arg15[%dma_start3A_600, %dma_start3A_601] : memref<10112x128xf32, #tpu.memory_space<vmem_shared>> -> memref<10112x128xf32, #tpu.memory_space<vmem_shared>>
          tpu.enqueue_indirect_dma source(%arg13 : memref<128x128xf32, #tpu.memory_space<vmem>>) target(%dma_start3A_602 : memref<10112x128xf32, #tpu.memory_space<vmem_shared>>) offsets(%arg8 : memref<128xi32, #tpu.memory_space<vmem>>) semaphore(%run_scoped3A_599 : memref<!tpu.dma_semaphore, #tpu.memory_space<semaphore_mem>>) {add = true}
          %dma_wait3A_603 = arith.constant 0 : i32
          %dma_wait3A_604 = arith.constant 0 : i32
          %dma_wait3A_605 = tpu.memref_slice %arg15[%dma_wait3A_603, %dma_wait3A_604] : memref<10112x128xf32, #tpu.memory_space<vmem_shared>> -> memref<10112x128xf32, #tpu.memory_space<vmem_shared>>
          tpu.wait_indirect_dma semaphore(%run_scoped3A_599 : memref<!tpu.dma_semaphore, #tpu.memory_space<semaphore_mem>>) src(%arg13 : memref<128x128xf32, #tpu.memory_space<vmem>>) dst(%dma_wait3A_605 : memref<10112x128xf32, #tpu.memory_space<vmem_shared>>)
          tpu.yield
        }) : () -> ()
        %get3A_203 = arith.constant 256 : index
        %get3A_204 = tpu.vector_load %arg12[%get3A_203] {strides = array<i32>} : memref<1024xi32, #tpu.memory_space<vmem>>, vector<16xi32>,
        %get3A_205 = vector.shape_cast %get3A_204 : vector<16xi32> to vector<16xi32>
        %swap3A_206 = arith.constant 0 : index
        %swap3A_207 = tpu.vector_load %arg8[%swap3A_206] {strides = array<i32>} : memref<128xi32, #tpu.memory_space<vmem>>, vector<16xi32>,
        %swap3A_208 = vector.shape_cast %swap3A_207 : vector<16xi32> to vector<16xi32>
        %swap3A_209 = vector.shape_cast %get3A_205 : vector<16xi32> to vector<16xi32>
        tpu.vector_store %arg8[%swap3A_206], %swap3A_209 {strides = array<i32>} : memref<128xi32, #tpu.memory_space<vmem>>, vector<16xi32>,
        %get3A_210 = arith.constant 272 : index
        %get3A_211 = tpu.vector_load %arg12[%get3A_210] {strides = array<i32>} : memref<1024xi32, #tpu.memory_space<vmem>>, vector<16xi32>,
        %get3A_212 = vector.shape_cast %get3A_211 : vector<16xi32> to vector<16xi32>
        %swap3A_213 = arith.constant 16 : index
        %swap3A_214 = tpu.vector_load %arg8[%swap3A_213] {strides = array<i32>} : memref<128xi32, #tpu.memory_space<vmem>>, vector<16xi32>,
        %swap3A_215 = vector.shape_cast %swap3A_214 : vector<16xi32> to vector<16xi32>
        %swap3A_216 = vector.shape_cast %get3A_212 : vector<16xi32> to vector<16xi32>
        tpu.vector_store %arg8[%swap3A_213], %swap3A_216 {strides = array<i32>} : memref<128xi32, #tpu.memory_space<vmem>>, vector<16xi32>,
        %get3A_217 = arith.constant 288 : index
        %get3A_218 = tpu.vector_load %arg12[%get3A_217] {strides = array<i32>} : memref<1024xi32, #tpu.memory_space<vmem>>, vector<16xi32>,
        %get3A_219 = vector.shape_cast %get3A_218 : vector<16xi32> to vector<16xi32>
        %swap3A_220 = arith.constant 32 : index
        %swap3A_221 = tpu.vector_load %arg8[%swap3A_220] {strides = array<i32>} : memref<128xi32, #tpu.memory_space<vmem>>, vector<16xi32>,
        %swap3A_222 = vector.shape_cast %swap3A_221 : vector<16xi32> to vector<16xi32>
        %swap3A_223 = vector.shape_cast %get3A_219 : vector<16xi32> to vector<16xi32>
        tpu.vector_store %arg8[%swap3A_220], %swap3A_223 {strides = array<i32>} : memref<128xi32, #tpu.memory_space<vmem>>, vector<16xi32>,
        %get3A_224 = arith.constant 304 : index
        %get3A_225 = tpu.vector_load %arg12[%get3A_224] {strides = array<i32>} : memref<1024xi32, #tpu.memory_space<vmem>>, vector<16xi32>,
        %get3A_226 = vector.shape_cast %get3A_225 : vector<16xi32> to vector<16xi32>
        %swap3A_227 = arith.constant 48 : index
        %swap3A_228 = tpu.vector_load %arg8[%swap3A_227] {strides = array<i32>} : memref<128xi32, #tpu.memory_space<vmem>>, vector<16xi32>,
        %swap3A_229 = vector.shape_cast %swap3A_228 : vector<16xi32> to vector<16xi32>
        %swap3A_230 = vector.shape_cast %get3A_226 : vector<16xi32> to vector<16xi32>
        tpu.vector_store %arg8[%swap3A_227], %swap3A_230 {strides = array<i32>} : memref<128xi32, #tpu.memory_space<vmem>>, vector<16xi32>,
        %get3A_231 = arith.constant 320 : index
        %get3A_232 = tpu.vector_load %arg12[%get3A_231] {strides = array<i32>} : memref<1024xi32, #tpu.memory_space<vmem>>, vector<16xi32>,
        %get3A_233 = vector.shape_cast %get3A_232 : vector<16xi32> to vector<16xi32>
        %swap3A_234 = arith.constant 64 : index
        %swap3A_235 = tpu.vector_load %arg8[%swap3A_234] {strides = array<i32>} : memref<128xi32, #tpu.memory_space<vmem>>, vector<16xi32>,
        %swap3A_236 = vector.shape_cast %swap3A_235 : vector<16xi32> to vector<16xi32>
        %swap3A_237 = vector.shape_cast %get3A_233 : vector<16xi32> to vector<16xi32>
        tpu.vector_store %arg8[%swap3A_234], %swap3A_237 {strides = array<i32>} : memref<128xi32, #tpu.memory_space<vmem>>, vector<16xi32>,
        %get3A_238 = arith.constant 336 : index
        %get3A_239 = tpu.vector_load %arg12[%get3A_238] {strides = array<i32>} : memref<1024xi32, #tpu.memory_space<vmem>>, vector<16xi32>,
        %get3A_240 = vector.shape_cast %get3A_239 : vector<16xi32> to vector<16xi32>
        %swap3A_241 = arith.constant 80 : index
        %swap3A_242 = tpu.vector_load %arg8[%swap3A_241] {strides = array<i32>} : memref<128xi32, #tpu.memory_space<vmem>>, vector<16xi32>,
        %swap3A_243 = vector.shape_cast %swap3A_242 : vector<16xi32> to vector<16xi32>
        %swap3A_244 = vector.shape_cast %get3A_240 : vector<16xi32> to vector<16xi32>
        tpu.vector_store %arg8[%swap3A_241], %swap3A_244 {strides = array<i32>} : memref<128xi32, #tpu.memory_space<vmem>>, vector<16xi32>,
        %get3A_245 = arith.constant 352 : index
        %get3A_246 = tpu.vector_load %arg12[%get3A_245] {strides = array<i32>} : memref<1024xi32, #tpu.memory_space<vmem>>, vector<16xi32>,
        %get3A_247 = vector.shape_cast %get3A_246 : vector<16xi32> to vector<16xi32>
        %swap3A_248 = arith.constant 96 : index
        %swap3A_249 = tpu.vector_load %arg8[%swap3A_248] {strides = array<i32>} : memref<128xi32, #tpu.memory_space<vmem>>, vector<16xi32>,
        %swap3A_250 = vector.shape_cast %swap3A_249 : vector<16xi32> to vector<16xi32>
        %swap3A_251 = vector.shape_cast %get3A_247 : vector<16xi32> to vector<16xi32>
        tpu.vector_store %arg8[%swap3A_248], %swap3A_251 {strides = array<i32>} : memref<128xi32, #tpu.memory_space<vmem>>, vector<16xi32>,
        %get3A_252 = arith.constant 368 : index
        %get3A_253 = tpu.vector_load %arg12[%get3A_252] {strides = array<i32>} : memref<1024xi32, #tpu.memory_space<vmem>>, vector<16xi32>,
        %get3A_254 = vector.shape_cast %get3A_253 : vector<16xi32> to vector<16xi32>
        %swap3A_255 = arith.constant 112 : index
        %swap3A_256 = tpu.vector_load %arg8[%swap3A_255] {strides = array<i32>} : memref<128xi32, #tpu.memory_space<vmem>>, vector<16xi32>,
        %swap3A_257 = vector.shape_cast %swap3A_256 : vector<16xi32> to vector<16xi32>
        %swap3A_258 = vector.shape_cast %get3A_254 : vector<16xi32> to vector<16xi32>
        tpu.vector_store %arg8[%swap3A_255], %swap3A_258 {strides = array<i32>} : memref<128xi32, #tpu.memory_space<vmem>>, vector<16xi32>,
        %dma_start3A_259 = arith.constant 256 : i32
        %dma_start3A_260 = tpu.memref_slice %arg11[%dma_start3A_259] : memref<1024xi32, #tpu.memory_space<vmem>> -> memref<128xi32, #tpu.memory_space<vmem>>
        %dma_start3A_261 = arith.constant 0 : i32
        %dma_start3A_262 = arith.constant 0 : i32
        %dma_start3A_263 = tpu.memref_slice %arg2[%dma_start3A_261, %dma_start3A_262] : memref<10000x128xf32, #tpu.memory_space<hbm>> -> memref<10000x128xf32, #tpu.memory_space<hbm>>
        tpu.enqueue_indirect_dma source(%dma_start3A_263 : memref<10000x128xf32, #tpu.memory_space<hbm>>) target(%arg13 : memref<128x128xf32, #tpu.memory_space<vmem>>) offsets(%dma_start3A_260 : memref<128xi32, #tpu.memory_space<vmem>>) semaphore(%arg19 : memref<!tpu.dma_semaphore, #tpu.memory_space<semaphore_mem>>)
        %dma_wait3A_264 = arith.constant 256 : i32
        %dma_wait3A_265 = tpu.memref_slice %arg11[%dma_wait3A_264] : memref<1024xi32, #tpu.memory_space<vmem>> -> memref<128xi32, #tpu.memory_space<vmem>>
        %dma_wait3A_266 = arith.constant 0 : i32
        %dma_wait3A_267 = arith.constant 0 : i32
        %dma_wait3A_268 = tpu.memref_slice %arg2[%dma_wait3A_266, %dma_wait3A_267] : memref<10000x128xf32, #tpu.memory_space<hbm>> -> memref<10000x128xf32, #tpu.memory_space<hbm>>
        tpu.wait_indirect_dma semaphore(%arg19 : memref<!tpu.dma_semaphore, #tpu.memory_space<semaphore_mem>>) src(%dma_wait3A_268 : memref<10000x128xf32, #tpu.memory_space<hbm>>) dst(%arg13 : memref<128x128xf32, #tpu.memory_space<vmem>>)
        "tpu.region"() ({
          %run_scoped3A_599 = tpu.sem_alloc : memref<!tpu.dma_semaphore, #tpu.memory_space<semaphore_mem>>
          %dma_start3A_600 = arith.constant 0 : i32
          %dma_start3A_601 = arith.constant 0 : i32
          %dma_start3A_602 = tpu.memref_slice %arg15[%dma_start3A_600, %dma_start3A_601] : memref<10112x128xf32, #tpu.memory_space<vmem_shared>> -> memref<10112x128xf32, #tpu.memory_space<vmem_shared>>
          tpu.enqueue_indirect_dma source(%arg13 : memref<128x128xf32, #tpu.memory_space<vmem>>) target(%dma_start3A_602 : memref<10112x128xf32, #tpu.memory_space<vmem_shared>>) offsets(%arg8 : memref<128xi32, #tpu.memory_space<vmem>>) semaphore(%run_scoped3A_599 : memref<!tpu.dma_semaphore, #tpu.memory_space<semaphore_mem>>) {add = true}
          %dma_wait3A_603 = arith.constant 0 : i32
          %dma_wait3A_604 = arith.constant 0 : i32
          %dma_wait3A_605 = tpu.memref_slice %arg15[%dma_wait3A_603, %dma_wait3A_604] : memref<10112x128xf32, #tpu.memory_space<vmem_shared>> -> memref<10112x128xf32, #tpu.memory_space<vmem_shared>>
          tpu.wait_indirect_dma semaphore(%run_scoped3A_599 : memref<!tpu.dma_semaphore, #tpu.memory_space<semaphore_mem>>) src(%arg13 : memref<128x128xf32, #tpu.memory_space<vmem>>) dst(%dma_wait3A_605 : memref<10112x128xf32, #tpu.memory_space<vmem_shared>>)
          tpu.yield
        }) : () -> ()
        %get3A_269 = arith.constant 384 : index
        %get3A_270 = tpu.vector_load %arg12[%get3A_269] {strides = array<i32>} : memref<1024xi32, #tpu.memory_space<vmem>>, vector<16xi32>,
        %get3A_271 = vector.shape_cast %get3A_270 : vector<16xi32> to vector<16xi32>
        %swap3A_272 = arith.constant 0 : index
        %swap3A_273 = tpu.vector_load %arg8[%swap3A_272] {strides = array<i32>} : memref<128xi32, #tpu.memory_space<vmem>>, vector<16xi32>,
        %swap3A_274 = vector.shape_cast %swap3A_273 : vector<16xi32> to vector<16xi32>
        %swap3A_275 = vector.shape_cast %get3A_271 : vector<16xi32> to vector<16xi32>
        tpu.vector_store %arg8[%swap3A_272], %swap3A_275 {strides = array<i32>} : memref<128xi32, #tpu.memory_space<vmem>>, vector<16xi32>,
        %get3A_276 = arith.constant 400 : index
        %get3A_277 = tpu.vector_load %arg12[%get3A_276] {strides = array<i32>} : memref<1024xi32, #tpu.memory_space<vmem>>, vector<16xi32>,
        %get3A_278 = vector.shape_cast %get3A_277 : vector<16xi32> to vector<16xi32>
        %swap3A_279 = arith.constant 16 : index
        %swap3A_280 = tpu.vector_load %arg8[%swap3A_279] {strides = array<i32>} : memref<128xi32, #tpu.memory_space<vmem>>, vector<16xi32>,
        %swap3A_281 = vector.shape_cast %swap3A_280 : vector<16xi32> to vector<16xi32>
        %swap3A_282 = vector.shape_cast %get3A_278 : vector<16xi32> to vector<16xi32>
        tpu.vector_store %arg8[%swap3A_279], %swap3A_282 {strides = array<i32>} : memref<128xi32, #tpu.memory_space<vmem>>, vector<16xi32>,
        %get3A_283 = arith.constant 416 : index
        %get3A_284 = tpu.vector_load %arg12[%get3A_283] {strides = array<i32>} : memref<1024xi32, #tpu.memory_space<vmem>>, vector<16xi32>,
        %get3A_285 = vector.shape_cast %get3A_284 : vector<16xi32> to vector<16xi32>
        %swap3A_286 = arith.constant 32 : index
        %swap3A_287 = tpu.vector_load %arg8[%swap3A_286] {strides = array<i32>} : memref<128xi32, #tpu.memory_space<vmem>>, vector<16xi32>,
        %swap3A_288 = vector.shape_cast %swap3A_287 : vector<16xi32> to vector<16xi32>
        %swap3A_289 = vector.shape_cast %get3A_285 : vector<16xi32> to vector<16xi32>
        tpu.vector_store %arg8[%swap3A_286], %swap3A_289 {strides = array<i32>} : memref<128xi32, #tpu.memory_space<vmem>>, vector<16xi32>,
        %get3A_290 = arith.constant 432 : index
        %get3A_291 = tpu.vector_load %arg12[%get3A_290] {strides = array<i32>} : memref<1024xi32, #tpu.memory_space<vmem>>, vector<16xi32>,
        %get3A_292 = vector.shape_cast %get3A_291 : vector<16xi32> to vector<16xi32>
        %swap3A_293 = arith.constant 48 : index
        %swap3A_294 = tpu.vector_load %arg8[%swap3A_293] {strides = array<i32>} : memref<128xi32, #tpu.memory_space<vmem>>, vector<16xi32>,
        %swap3A_295 = vector.shape_cast %swap3A_294 : vector<16xi32> to vector<16xi32>
        %swap3A_296 = vector.shape_cast %get3A_292 : vector<16xi32> to vector<16xi32>
        tpu.vector_store %arg8[%swap3A_293], %swap3A_296 {strides = array<i32>} : memref<128xi32, #tpu.memory_space<vmem>>, vector<16xi32>,
        %get3A_297 = arith.constant 448 : index
        %get3A_298 = tpu.vector_load %arg12[%get3A_297] {strides = array<i32>} : memref<1024xi32, #tpu.memory_space<vmem>>, vector<16xi32>,
        %get3A_299 = vector.shape_cast %get3A_298 : vector<16xi32> to vector<16xi32>
        %swap3A_300 = arith.constant 64 : index
        %swap3A_301 = tpu.vector_load %arg8[%swap3A_300] {strides = array<i32>} : memref<128xi32, #tpu.memory_space<vmem>>, vector<16xi32>,
        %swap3A_302 = vector.shape_cast %swap3A_301 : vector<16xi32> to vector<16xi32>
        %swap3A_303 = vector.shape_cast %get3A_299 : vector<16xi32> to vector<16xi32>
        tpu.vector_store %arg8[%swap3A_300], %swap3A_303 {strides = array<i32>} : memref<128xi32, #tpu.memory_space<vmem>>, vector<16xi32>,
        %get3A_304 = arith.constant 464 : index
        %get3A_305 = tpu.vector_load %arg12[%get3A_304] {strides = array<i32>} : memref<1024xi32, #tpu.memory_space<vmem>>, vector<16xi32>,
        %get3A_306 = vector.shape_cast %get3A_305 : vector<16xi32> to vector<16xi32>
        %swap3A_307 = arith.constant 80 : index
        %swap3A_308 = tpu.vector_load %arg8[%swap3A_307] {strides = array<i32>} : memref<128xi32, #tpu.memory_space<vmem>>, vector<16xi32>,
        %swap3A_309 = vector.shape_cast %swap3A_308 : vector<16xi32> to vector<16xi32>
        %swap3A_310 = vector.shape_cast %get3A_306 : vector<16xi32> to vector<16xi32>
        tpu.vector_store %arg8[%swap3A_307], %swap3A_310 {strides = array<i32>} : memref<128xi32, #tpu.memory_space<vmem>>, vector<16xi32>,
        %get3A_311 = arith.constant 480 : index
        %get3A_312 = tpu.vector_load %arg12[%get3A_311] {strides = array<i32>} : memref<1024xi32, #tpu.memory_space<vmem>>, vector<16xi32>,
        %get3A_313 = vector.shape_cast %get3A_312 : vector<16xi32> to vector<16xi32>
        %swap3A_314 = arith.constant 96 : index
        %swap3A_315 = tpu.vector_load %arg8[%swap3A_314] {strides = array<i32>} : memref<128xi32, #tpu.memory_space<vmem>>, vector<16xi32>,
        %swap3A_316 = vector.shape_cast %swap3A_315 : vector<16xi32> to vector<16xi32>
        %swap3A_317 = vector.shape_cast %get3A_313 : vector<16xi32> to vector<16xi32>
        tpu.vector_store %arg8[%swap3A_314], %swap3A_317 {strides = array<i32>} : memref<128xi32, #tpu.memory_space<vmem>>, vector<16xi32>,
        %get3A_318 = arith.constant 496 : index
        %get3A_319 = tpu.vector_load %arg12[%get3A_318] {strides = array<i32>} : memref<1024xi32, #tpu.memory_space<vmem>>, vector<16xi32>,
        %get3A_320 = vector.shape_cast %get3A_319 : vector<16xi32> to vector<16xi32>
        %swap3A_321 = arith.constant 112 : index
        %swap3A_322 = tpu.vector_load %arg8[%swap3A_321] {strides = array<i32>} : memref<128xi32, #tpu.memory_space<vmem>>, vector<16xi32>,
        %swap3A_323 = vector.shape_cast %swap3A_322 : vector<16xi32> to vector<16xi32>
        %swap3A_324 = vector.shape_cast %get3A_320 : vector<16xi32> to vector<16xi32>
        tpu.vector_store %arg8[%swap3A_321], %swap3A_324 {strides = array<i32>} : memref<128xi32, #tpu.memory_space<vmem>>, vector<16xi32>,
        %dma_start3A_325 = arith.constant 384 : i32
        %dma_start3A_326 = tpu.memref_slice %arg11[%dma_start3A_325] : memref<1024xi32, #tpu.memory_space<vmem>> -> memref<128xi32, #tpu.memory_space<vmem>>
        %dma_start3A_327 = arith.constant 0 : i32
        %dma_start3A_328 = arith.constant 0 : i32
        %dma_start3A_329 = tpu.memref_slice %arg2[%dma_start3A_327, %dma_start3A_328] : memref<10000x128xf32, #tpu.memory_space<hbm>> -> memref<10000x128xf32, #tpu.memory_space<hbm>>
        tpu.enqueue_indirect_dma source(%dma_start3A_329 : memref<10000x128xf32, #tpu.memory_space<hbm>>) target(%arg13 : memref<128x128xf32, #tpu.memory_space<vmem>>) offsets(%dma_start3A_326 : memref<128xi32, #tpu.memory_space<vmem>>) semaphore(%arg19 : memref<!tpu.dma_semaphore, #tpu.memory_space<semaphore_mem>>)
        %dma_wait3A_330 = arith.constant 384 : i32
        %dma_wait3A_331 = tpu.memref_slice %arg11[%dma_wait3A_330] : memref<1024xi32, #tpu.memory_space<vmem>> -> memref<128xi32, #tpu.memory_space<vmem>>
        %dma_wait3A_332 = arith.constant 0 : i32
        %dma_wait3A_333 = arith.constant 0 : i32
        %dma_wait3A_334 = tpu.memref_slice %arg2[%dma_wait3A_332, %dma_wait3A_333] : memref<10000x128xf32, #tpu.memory_space<hbm>> -> memref<10000x128xf32, #tpu.memory_space<hbm>>
        tpu.wait_indirect_dma semaphore(%arg19 : memref<!tpu.dma_semaphore, #tpu.memory_space<semaphore_mem>>) src(%dma_wait3A_334 : memref<10000x128xf32, #tpu.memory_space<hbm>>) dst(%arg13 : memref<128x128xf32, #tpu.memory_space<vmem>>)
        "tpu.region"() ({
          %run_scoped3A_599 = tpu.sem_alloc : memref<!tpu.dma_semaphore, #tpu.memory_space<semaphore_mem>>
          %dma_start3A_600 = arith.constant 0 : i32
          %dma_start3A_601 = arith.constant 0 : i32
          %dma_start3A_602 = tpu.memref_slice %arg15[%dma_start3A_600, %dma_start3A_601] : memref<10112x128xf32, #tpu.memory_space<vmem_shared>> -> memref<10112x128xf32, #tpu.memory_space<vmem_shared>>
          tpu.enqueue_indirect_dma source(%arg13 : memref<128x128xf32, #tpu.memory_space<vmem>>) target(%dma_start3A_602 : memref<10112x128xf32, #tpu.memory_space<vmem_shared>>) offsets(%arg8 : memref<128xi32, #tpu.memory_space<vmem>>) semaphore(%run_scoped3A_599 : memref<!tpu.dma_semaphore, #tpu.memory_space<semaphore_mem>>) {add = true}
          %dma_wait3A_603 = arith.constant 0 : i32
          %dma_wait3A_604 = arith.constant 0 : i32
          %dma_wait3A_605 = tpu.memref_slice %arg15[%dma_wait3A_603, %dma_wait3A_604] : memref<10112x128xf32, #tpu.memory_space<vmem_shared>> -> memref<10112x128xf32, #tpu.memory_space<vmem_shared>>
          tpu.wait_indirect_dma semaphore(%run_scoped3A_599 : memref<!tpu.dma_semaphore, #tpu.memory_space<semaphore_mem>>) src(%arg13 : memref<128x128xf32, #tpu.memory_space<vmem>>) dst(%dma_wait3A_605 : memref<10112x128xf32, #tpu.memory_space<vmem_shared>>)
          tpu.yield
        }) : () -> ()
        %get3A_335 = arith.constant 512 : index
        %get3A_336 = tpu.vector_load %arg12[%get3A_335] {strides = array<i32>} : memref<1024xi32, #tpu.memory_space<vmem>>, vector<16xi32>,
        %get3A_337 = vector.shape_cast %get3A_336 : vector<16xi32> to vector<16xi32>
        %swap3A_338 = arith.constant 0 : index
        %swap3A_339 = tpu.vector_load %arg8[%swap3A_338] {strides = array<i32>} : memref<128xi32, #tpu.memory_space<vmem>>, vector<16xi32>,
        %swap3A_340 = vector.shape_cast %swap3A_339 : vector<16xi32> to vector<16xi32>
        %swap3A_341 = vector.shape_cast %get3A_337 : vector<16xi32> to vector<16xi32>
        tpu.vector_store %arg8[%swap3A_338], %swap3A_341 {strides = array<i32>} : memref<128xi32, #tpu.memory_space<vmem>>, vector<16xi32>,
        %get3A_342 = arith.constant 528 : index
        %get3A_343 = tpu.vector_load %arg12[%get3A_342] {strides = array<i32>} : memref<1024xi32, #tpu.memory_space<vmem>>, vector<16xi32>,
        %get3A_344 = vector.shape_cast %get3A_343 : vector<16xi32> to vector<16xi32>
        %swap3A_345 = arith.constant 16 : index
        %swap3A_346 = tpu.vector_load %arg8[%swap3A_345] {strides = array<i32>} : memref<128xi32, #tpu.memory_space<vmem>>, vector<16xi32>,
        %swap3A_347 = vector.shape_cast %swap3A_346 : vector<16xi32> to vector<16xi32>
        %swap3A_348 = vector.shape_cast %get3A_344 : vector<16xi32> to vector<16xi32>
        tpu.vector_store %arg8[%swap3A_345], %swap3A_348 {strides = array<i32>} : memref<128xi32, #tpu.memory_space<vmem>>, vector<16xi32>,
        %get3A_349 = arith.constant 544 : index
        %get3A_350 = tpu.vector_load %arg12[%get3A_349] {strides = array<i32>} : memref<1024xi32, #tpu.memory_space<vmem>>, vector<16xi32>,
        %get3A_351 = vector.shape_cast %get3A_350 : vector<16xi32> to vector<16xi32>
        %swap3A_352 = arith.constant 32 : index
        %swap3A_353 = tpu.vector_load %arg8[%swap3A_352] {strides = array<i32>} : memref<128xi32, #tpu.memory_space<vmem>>, vector<16xi32>,
        %swap3A_354 = vector.shape_cast %swap3A_353 : vector<16xi32> to vector<16xi32>
        %swap3A_355 = vector.shape_cast %get3A_351 : vector<16xi32> to vector<16xi32>
        tpu.vector_store %arg8[%swap3A_352], %swap3A_355 {strides = array<i32>} : memref<128xi32, #tpu.memory_space<vmem>>, vector<16xi32>,
        %get3A_356 = arith.constant 560 : index
        %get3A_357 = tpu.vector_load %arg12[%get3A_356] {strides = array<i32>} : memref<1024xi32, #tpu.memory_space<vmem>>, vector<16xi32>,
        %get3A_358 = vector.shape_cast %get3A_357 : vector<16xi32> to vector<16xi32>
        %swap3A_359 = arith.constant 48 : index
        %swap3A_360 = tpu.vector_load %arg8[%swap3A_359] {strides = array<i32>} : memref<128xi32, #tpu.memory_space<vmem>>, vector<16xi32>,
        %swap3A_361 = vector.shape_cast %swap3A_360 : vector<16xi32> to vector<16xi32>
        %swap3A_362 = vector.shape_cast %get3A_358 : vector<16xi32> to vector<16xi32>
        tpu.vector_store %arg8[%swap3A_359], %swap3A_362 {strides = array<i32>} : memref<128xi32, #tpu.memory_space<vmem>>, vector<16xi32>,
        %get3A_363 = arith.constant 576 : index
        %get3A_364 = tpu.vector_load %arg12[%get3A_363] {strides = array<i32>} : memref<1024xi32, #tpu.memory_space<vmem>>, vector<16xi32>,
        %get3A_365 = vector.shape_cast %get3A_364 : vector<16xi32> to vector<16xi32>
        %swap3A_366 = arith.constant 64 : index
        %swap3A_367 = tpu.vector_load %arg8[%swap3A_366] {strides = array<i32>} : memref<128xi32, #tpu.memory_space<vmem>>, vector<16xi32>,
        %swap3A_368 = vector.shape_cast %swap3A_367 : vector<16xi32> to vector<16xi32>
        %swap3A_369 = vector.shape_cast %get3A_365 : vector<16xi32> to vector<16xi32>
        tpu.vector_store %arg8[%swap3A_366], %swap3A_369 {strides = array<i32>} : memref<128xi32, #tpu.memory_space<vmem>>, vector<16xi32>,
        %get3A_370 = arith.constant 592 : index
        %get3A_371 = tpu.vector_load %arg12[%get3A_370] {strides = array<i32>} : memref<1024xi32, #tpu.memory_space<vmem>>, vector<16xi32>,
        %get3A_372 = vector.shape_cast %get3A_371 : vector<16xi32> to vector<16xi32>
        %swap3A_373 = arith.constant 80 : index
        %swap3A_374 = tpu.vector_load %arg8[%swap3A_373] {strides = array<i32>} : memref<128xi32, #tpu.memory_space<vmem>>, vector<16xi32>,
        %swap3A_375 = vector.shape_cast %swap3A_374 : vector<16xi32> to vector<16xi32>
        %swap3A_376 = vector.shape_cast %get3A_372 : vector<16xi32> to vector<16xi32>
        tpu.vector_store %arg8[%swap3A_373], %swap3A_376 {strides = array<i32>} : memref<128xi32, #tpu.memory_space<vmem>>, vector<16xi32>,
        %get3A_377 = arith.constant 608 : index
        %get3A_378 = tpu.vector_load %arg12[%get3A_377] {strides = array<i32>} : memref<1024xi32, #tpu.memory_space<vmem>>, vector<16xi32>,
        %get3A_379 = vector.shape_cast %get3A_378 : vector<16xi32> to vector<16xi32>
        %swap3A_380 = arith.constant 96 : index
        %swap3A_381 = tpu.vector_load %arg8[%swap3A_380] {strides = array<i32>} : memref<128xi32, #tpu.memory_space<vmem>>, vector<16xi32>,
        %swap3A_382 = vector.shape_cast %swap3A_381 : vector<16xi32> to vector<16xi32>
        %swap3A_383 = vector.shape_cast %get3A_379 : vector<16xi32> to vector<16xi32>
        tpu.vector_store %arg8[%swap3A_380], %swap3A_383 {strides = array<i32>} : memref<128xi32, #tpu.memory_space<vmem>>, vector<16xi32>,
        %get3A_384 = arith.constant 624 : index
        %get3A_385 = tpu.vector_load %arg12[%get3A_384] {strides = array<i32>} : memref<1024xi32, #tpu.memory_space<vmem>>, vector<16xi32>,
        %get3A_386 = vector.shape_cast %get3A_385 : vector<16xi32> to vector<16xi32>
        %swap3A_387 = arith.constant 112 : index
        %swap3A_388 = tpu.vector_load %arg8[%swap3A_387] {strides = array<i32>} : memref<128xi32, #tpu.memory_space<vmem>>, vector<16xi32>,
        %swap3A_389 = vector.shape_cast %swap3A_388 : vector<16xi32> to vector<16xi32>
        %swap3A_390 = vector.shape_cast %get3A_386 : vector<16xi32> to vector<16xi32>
        tpu.vector_store %arg8[%swap3A_387], %swap3A_390 {strides = array<i32>} : memref<128xi32, #tpu.memory_space<vmem>>, vector<16xi32>,
        %dma_start3A_391 = arith.constant 512 : i32
        %dma_start3A_392 = tpu.memref_slice %arg11[%dma_start3A_391] : memref<1024xi32, #tpu.memory_space<vmem>> -> memref<128xi32, #tpu.memory_space<vmem>>
        %dma_start3A_393 = arith.constant 0 : i32
        %dma_start3A_394 = arith.constant 0 : i32
        %dma_start3A_395 = tpu.memref_slice %arg2[%dma_start3A_393, %dma_start3A_394] : memref<10000x128xf32, #tpu.memory_space<hbm>> -> memref<10000x128xf32, #tpu.memory_space<hbm>>
        tpu.enqueue_indirect_dma source(%dma_start3A_395 : memref<10000x128xf32, #tpu.memory_space<hbm>>) target(%arg13 : memref<128x128xf32, #tpu.memory_space<vmem>>) offsets(%dma_start3A_392 : memref<128xi32, #tpu.memory_space<vmem>>) semaphore(%arg19 : memref<!tpu.dma_semaphore, #tpu.memory_space<semaphore_mem>>)
        %dma_wait3A_396 = arith.constant 512 : i32
        %dma_wait3A_397 = tpu.memref_slice %arg11[%dma_wait3A_396] : memref<1024xi32, #tpu.memory_space<vmem>> -> memref<128xi32, #tpu.memory_space<vmem>>
        %dma_wait3A_398 = arith.constant 0 : i32
        %dma_wait3A_399 = arith.constant 0 : i32
        %dma_wait3A_400 = tpu.memref_slice %arg2[%dma_wait3A_398, %dma_wait3A_399] : memref<10000x128xf32, #tpu.memory_space<hbm>> -> memref<10000x128xf32, #tpu.memory_space<hbm>>
        tpu.wait_indirect_dma semaphore(%arg19 : memref<!tpu.dma_semaphore, #tpu.memory_space<semaphore_mem>>) src(%dma_wait3A_400 : memref<10000x128xf32, #tpu.memory_space<hbm>>) dst(%arg13 : memref<128x128xf32, #tpu.memory_space<vmem>>)
        "tpu.region"() ({
          %run_scoped3A_599 = tpu.sem_alloc : memref<!tpu.dma_semaphore, #tpu.memory_space<semaphore_mem>>
          %dma_start3A_600 = arith.constant 0 : i32
          %dma_start3A_601 = arith.constant 0 : i32
          %dma_start3A_602 = tpu.memref_slice %arg15[%dma_start3A_600, %dma_start3A_601] : memref<10112x128xf32, #tpu.memory_space<vmem_shared>> -> memref<10112x128xf32, #tpu.memory_space<vmem_shared>>
          tpu.enqueue_indirect_dma source(%arg13 : memref<128x128xf32, #tpu.memory_space<vmem>>) target(%dma_start3A_602 : memref<10112x128xf32, #tpu.memory_space<vmem_shared>>) offsets(%arg8 : memref<128xi32, #tpu.memory_space<vmem>>) semaphore(%run_scoped3A_599 : memref<!tpu.dma_semaphore, #tpu.memory_space<semaphore_mem>>) {add = true}
          %dma_wait3A_603 = arith.constant 0 : i32
          %dma_wait3A_604 = arith.constant 0 : i32
          %dma_wait3A_605 = tpu.memref_slice %arg15[%dma_wait3A_603, %dma_wait3A_604] : memref<10112x128xf32, #tpu.memory_space<vmem_shared>> -> memref<10112x128xf32, #tpu.memory_space<vmem_shared>>
          tpu.wait_indirect_dma semaphore(%run_scoped3A_599 : memref<!tpu.dma_semaphore, #tpu.memory_space<semaphore_mem>>) src(%arg13 : memref<128x128xf32, #tpu.memory_space<vmem>>) dst(%dma_wait3A_605 : memref<10112x128xf32, #tpu.memory_space<vmem_shared>>)
          tpu.yield
        }) : () -> ()
        %get3A_401 = arith.constant 640 : index
        %get3A_402 = tpu.vector_load %arg12[%get3A_401] {strides = array<i32>} : memref<1024xi32, #tpu.memory_space<vmem>>, vector<16xi32>,
        %get3A_403 = vector.shape_cast %get3A_402 : vector<16xi32> to vector<16xi32>
        %swap3A_404 = arith.constant 0 : index
        %swap3A_405 = tpu.vector_load %arg8[%swap3A_404] {strides = array<i32>} : memref<128xi32, #tpu.memory_space<vmem>>, vector<16xi32>,
        %swap3A_406 = vector.shape_cast %swap3A_405 : vector<16xi32> to vector<16xi32>
        %swap3A_407 = vector.shape_cast %get3A_403 : vector<16xi32> to vector<16xi32>
        tpu.vector_store %arg8[%swap3A_404], %swap3A_407 {strides = array<i32>} : memref<128xi32, #tpu.memory_space<vmem>>, vector<16xi32>,
        %get3A_408 = arith.constant 656 : index
        %get3A_409 = tpu.vector_load %arg12[%get3A_408] {strides = array<i32>} : memref<1024xi32, #tpu.memory_space<vmem>>, vector<16xi32>,
        %get3A_410 = vector.shape_cast %get3A_409 : vector<16xi32> to vector<16xi32>
        %swap3A_411 = arith.constant 16 : index
        %swap3A_412 = tpu.vector_load %arg8[%swap3A_411] {strides = array<i32>} : memref<128xi32, #tpu.memory_space<vmem>>, vector<16xi32>,
        %swap3A_413 = vector.shape_cast %swap3A_412 : vector<16xi32> to vector<16xi32>
        %swap3A_414 = vector.shape_cast %get3A_410 : vector<16xi32> to vector<16xi32>
        tpu.vector_store %arg8[%swap3A_411], %swap3A_414 {strides = array<i32>} : memref<128xi32, #tpu.memory_space<vmem>>, vector<16xi32>,
        %get3A_415 = arith.constant 672 : index
        %get3A_416 = tpu.vector_load %arg12[%get3A_415] {strides = array<i32>} : memref<1024xi32, #tpu.memory_space<vmem>>, vector<16xi32>,
        %get3A_417 = vector.shape_cast %get3A_416 : vector<16xi32> to vector<16xi32>
        %swap3A_418 = arith.constant 32 : index
        %swap3A_419 = tpu.vector_load %arg8[%swap3A_418] {strides = array<i32>} : memref<128xi32, #tpu.memory_space<vmem>>, vector<16xi32>,
        %swap3A_420 = vector.shape_cast %swap3A_419 : vector<16xi32> to vector<16xi32>
        %swap3A_421 = vector.shape_cast %get3A_417 : vector<16xi32> to vector<16xi32>
        tpu.vector_store %arg8[%swap3A_418], %swap3A_421 {strides = array<i32>} : memref<128xi32, #tpu.memory_space<vmem>>, vector<16xi32>,
        %get3A_422 = arith.constant 688 : index
        %get3A_423 = tpu.vector_load %arg12[%get3A_422] {strides = array<i32>} : memref<1024xi32, #tpu.memory_space<vmem>>, vector<16xi32>,
        %get3A_424 = vector.shape_cast %get3A_423 : vector<16xi32> to vector<16xi32>
        %swap3A_425 = arith.constant 48 : index
        %swap3A_426 = tpu.vector_load %arg8[%swap3A_425] {strides = array<i32>} : memref<128xi32, #tpu.memory_space<vmem>>, vector<16xi32>,
        %swap3A_427 = vector.shape_cast %swap3A_426 : vector<16xi32> to vector<16xi32>
        %swap3A_428 = vector.shape_cast %get3A_424 : vector<16xi32> to vector<16xi32>
        tpu.vector_store %arg8[%swap3A_425], %swap3A_428 {strides = array<i32>} : memref<128xi32, #tpu.memory_space<vmem>>, vector<16xi32>,
        %get3A_429 = arith.constant 704 : index
        %get3A_430 = tpu.vector_load %arg12[%get3A_429] {strides = array<i32>} : memref<1024xi32, #tpu.memory_space<vmem>>, vector<16xi32>,
        %get3A_431 = vector.shape_cast %get3A_430 : vector<16xi32> to vector<16xi32>
        %swap3A_432 = arith.constant 64 : index
        %swap3A_433 = tpu.vector_load %arg8[%swap3A_432] {strides = array<i32>} : memref<128xi32, #tpu.memory_space<vmem>>, vector<16xi32>,
        %swap3A_434 = vector.shape_cast %swap3A_433 : vector<16xi32> to vector<16xi32>
        %swap3A_435 = vector.shape_cast %get3A_431 : vector<16xi32> to vector<16xi32>
        tpu.vector_store %arg8[%swap3A_432], %swap3A_435 {strides = array<i32>} : memref<128xi32, #tpu.memory_space<vmem>>, vector<16xi32>,
        %get3A_436 = arith.constant 720 : index
        %get3A_437 = tpu.vector_load %arg12[%get3A_436] {strides = array<i32>} : memref<1024xi32, #tpu.memory_space<vmem>>, vector<16xi32>,
        %get3A_438 = vector.shape_cast %get3A_437 : vector<16xi32> to vector<16xi32>
        %swap3A_439 = arith.constant 80 : index
        %swap3A_440 = tpu.vector_load %arg8[%swap3A_439] {strides = array<i32>} : memref<128xi32, #tpu.memory_space<vmem>>, vector<16xi32>,
        %swap3A_441 = vector.shape_cast %swap3A_440 : vector<16xi32> to vector<16xi32>
        %swap3A_442 = vector.shape_cast %get3A_438 : vector<16xi32> to vector<16xi32>
        tpu.vector_store %arg8[%swap3A_439], %swap3A_442 {strides = array<i32>} : memref<128xi32, #tpu.memory_space<vmem>>, vector<16xi32>,
        %get3A_443 = arith.constant 736 : index
        %get3A_444 = tpu.vector_load %arg12[%get3A_443] {strides = array<i32>} : memref<1024xi32, #tpu.memory_space<vmem>>, vector<16xi32>,
        %get3A_445 = vector.shape_cast %get3A_444 : vector<16xi32> to vector<16xi32>
        %swap3A_446 = arith.constant 96 : index
        %swap3A_447 = tpu.vector_load %arg8[%swap3A_446] {strides = array<i32>} : memref<128xi32, #tpu.memory_space<vmem>>, vector<16xi32>,
        %swap3A_448 = vector.shape_cast %swap3A_447 : vector<16xi32> to vector<16xi32>
        %swap3A_449 = vector.shape_cast %get3A_445 : vector<16xi32> to vector<16xi32>
        tpu.vector_store %arg8[%swap3A_446], %swap3A_449 {strides = array<i32>} : memref<128xi32, #tpu.memory_space<vmem>>, vector<16xi32>,
        %get3A_450 = arith.constant 752 : index
        %get3A_451 = tpu.vector_load %arg12[%get3A_450] {strides = array<i32>} : memref<1024xi32, #tpu.memory_space<vmem>>, vector<16xi32>,
        %get3A_452 = vector.shape_cast %get3A_451 : vector<16xi32> to vector<16xi32>
        %swap3A_453 = arith.constant 112 : index
        %swap3A_454 = tpu.vector_load %arg8[%swap3A_453] {strides = array<i32>} : memref<128xi32, #tpu.memory_space<vmem>>, vector<16xi32>,
        %swap3A_455 = vector.shape_cast %swap3A_454 : vector<16xi32> to vector<16xi32>
        %swap3A_456 = vector.shape_cast %get3A_452 : vector<16xi32> to vector<16xi32>
        tpu.vector_store %arg8[%swap3A_453], %swap3A_456 {strides = array<i32>} : memref<128xi32, #tpu.memory_space<vmem>>, vector<16xi32>,
        %dma_start3A_457 = arith.constant 640 : i32
        %dma_start3A_458 = tpu.memref_slice %arg11[%dma_start3A_457] : memref<1024xi32, #tpu.memory_space<vmem>> -> memref<128xi32, #tpu.memory_space<vmem>>
        %dma_start3A_459 = arith.constant 0 : i32
        %dma_start3A_460 = arith.constant 0 : i32
        %dma_start3A_461 = tpu.memref_slice %arg2[%dma_start3A_459, %dma_start3A_460] : memref<10000x128xf32, #tpu.memory_space<hbm>> -> memref<10000x128xf32, #tpu.memory_space<hbm>>
        tpu.enqueue_indirect_dma source(%dma_start3A_461 : memref<10000x128xf32, #tpu.memory_space<hbm>>) target(%arg13 : memref<128x128xf32, #tpu.memory_space<vmem>>) offsets(%dma_start3A_458 : memref<128xi32, #tpu.memory_space<vmem>>) semaphore(%arg19 : memref<!tpu.dma_semaphore, #tpu.memory_space<semaphore_mem>>)
        %dma_wait3A_462 = arith.constant 640 : i32
        %dma_wait3A_463 = tpu.memref_slice %arg11[%dma_wait3A_462] : memref<1024xi32, #tpu.memory_space<vmem>> -> memref<128xi32, #tpu.memory_space<vmem>>
        %dma_wait3A_464 = arith.constant 0 : i32
        %dma_wait3A_465 = arith.constant 0 : i32
        %dma_wait3A_466 = tpu.memref_slice %arg2[%dma_wait3A_464, %dma_wait3A_465] : memref<10000x128xf32, #tpu.memory_space<hbm>> -> memref<10000x128xf32, #tpu.memory_space<hbm>>
        tpu.wait_indirect_dma semaphore(%arg19 : memref<!tpu.dma_semaphore, #tpu.memory_space<semaphore_mem>>) src(%dma_wait3A_466 : memref<10000x128xf32, #tpu.memory_space<hbm>>) dst(%arg13 : memref<128x128xf32, #tpu.memory_space<vmem>>)
        "tpu.region"() ({
          %run_scoped3A_599 = tpu.sem_alloc : memref<!tpu.dma_semaphore, #tpu.memory_space<semaphore_mem>>
          %dma_start3A_600 = arith.constant 0 : i32
          %dma_start3A_601 = arith.constant 0 : i32
          %dma_start3A_602 = tpu.memref_slice %arg15[%dma_start3A_600, %dma_start3A_601] : memref<10112x128xf32, #tpu.memory_space<vmem_shared>> -> memref<10112x128xf32, #tpu.memory_space<vmem_shared>>
          tpu.enqueue_indirect_dma source(%arg13 : memref<128x128xf32, #tpu.memory_space<vmem>>) target(%dma_start3A_602 : memref<10112x128xf32, #tpu.memory_space<vmem_shared>>) offsets(%arg8 : memref<128xi32, #tpu.memory_space<vmem>>) semaphore(%run_scoped3A_599 : memref<!tpu.dma_semaphore, #tpu.memory_space<semaphore_mem>>) {add = true}
          %dma_wait3A_603 = arith.constant 0 : i32
          %dma_wait3A_604 = arith.constant 0 : i32
          %dma_wait3A_605 = tpu.memref_slice %arg15[%dma_wait3A_603, %dma_wait3A_604] : memref<10112x128xf32, #tpu.memory_space<vmem_shared>> -> memref<10112x128xf32, #tpu.memory_space<vmem_shared>>
          tpu.wait_indirect_dma semaphore(%run_scoped3A_599 : memref<!tpu.dma_semaphore, #tpu.memory_space<semaphore_mem>>) src(%arg13 : memref<128x128xf32, #tpu.memory_space<vmem>>) dst(%dma_wait3A_605 : memref<10112x128xf32, #tpu.memory_space<vmem_shared>>)
          tpu.yield
        }) : () -> ()
        %get3A_467 = arith.constant 768 : index
        %get3A_468 = tpu.vector_load %arg12[%get3A_467] {strides = array<i32>} : memref<1024xi32, #tpu.memory_space<vmem>>, vector<16xi32>,
        %get3A_469 = vector.shape_cast %get3A_468 : vector<16xi32> to vector<16xi32>
        %swap3A_470 = arith.constant 0 : index
        %swap3A_471 = tpu.vector_load %arg8[%swap3A_470] {strides = array<i32>} : memref<128xi32, #tpu.memory_space<vmem>>, vector<16xi32>,
        %swap3A_472 = vector.shape_cast %swap3A_471 : vector<16xi32> to vector<16xi32>
        %swap3A_473 = vector.shape_cast %get3A_469 : vector<16xi32> to vector<16xi32>
        tpu.vector_store %arg8[%swap3A_470], %swap3A_473 {strides = array<i32>} : memref<128xi32, #tpu.memory_space<vmem>>, vector<16xi32>,
        %get3A_474 = arith.constant 784 : index
        %get3A_475 = tpu.vector_load %arg12[%get3A_474] {strides = array<i32>} : memref<1024xi32, #tpu.memory_space<vmem>>, vector<16xi32>,
        %get3A_476 = vector.shape_cast %get3A_475 : vector<16xi32> to vector<16xi32>
        %swap3A_477 = arith.constant 16 : index
        %swap3A_478 = tpu.vector_load %arg8[%swap3A_477] {strides = array<i32>} : memref<128xi32, #tpu.memory_space<vmem>>, vector<16xi32>,
        %swap3A_479 = vector.shape_cast %swap3A_478 : vector<16xi32> to vector<16xi32>
        %swap3A_480 = vector.shape_cast %get3A_476 : vector<16xi32> to vector<16xi32>
        tpu.vector_store %arg8[%swap3A_477], %swap3A_480 {strides = array<i32>} : memref<128xi32, #tpu.memory_space<vmem>>, vector<16xi32>,
        %get3A_481 = arith.constant 800 : index
        %get3A_482 = tpu.vector_load %arg12[%get3A_481] {strides = array<i32>} : memref<1024xi32, #tpu.memory_space<vmem>>, vector<16xi32>,
        %get3A_483 = vector.shape_cast %get3A_482 : vector<16xi32> to vector<16xi32>
        %swap3A_484 = arith.constant 32 : index
        %swap3A_485 = tpu.vector_load %arg8[%swap3A_484] {strides = array<i32>} : memref<128xi32, #tpu.memory_space<vmem>>, vector<16xi32>,
        %swap3A_486 = vector.shape_cast %swap3A_485 : vector<16xi32> to vector<16xi32>
        %swap3A_487 = vector.shape_cast %get3A_483 : vector<16xi32> to vector<16xi32>
        tpu.vector_store %arg8[%swap3A_484], %swap3A_487 {strides = array<i32>} : memref<128xi32, #tpu.memory_space<vmem>>, vector<16xi32>,
        %get3A_488 = arith.constant 816 : index
        %get3A_489 = tpu.vector_load %arg12[%get3A_488] {strides = array<i32>} : memref<1024xi32, #tpu.memory_space<vmem>>, vector<16xi32>,
        %get3A_490 = vector.shape_cast %get3A_489 : vector<16xi32> to vector<16xi32>
        %swap3A_491 = arith.constant 48 : index
        %swap3A_492 = tpu.vector_load %arg8[%swap3A_491] {strides = array<i32>} : memref<128xi32, #tpu.memory_space<vmem>>, vector<16xi32>,
        %swap3A_493 = vector.shape_cast %swap3A_492 : vector<16xi32> to vector<16xi32>
        %swap3A_494 = vector.shape_cast %get3A_490 : vector<16xi32> to vector<16xi32>
        tpu.vector_store %arg8[%swap3A_491], %swap3A_494 {strides = array<i32>} : memref<128xi32, #tpu.memory_space<vmem>>, vector<16xi32>,
        %get3A_495 = arith.constant 832 : index
        %get3A_496 = tpu.vector_load %arg12[%get3A_495] {strides = array<i32>} : memref<1024xi32, #tpu.memory_space<vmem>>, vector<16xi32>,
        %get3A_497 = vector.shape_cast %get3A_496 : vector<16xi32> to vector<16xi32>
        %swap3A_498 = arith.constant 64 : index
        %swap3A_499 = tpu.vector_load %arg8[%swap3A_498] {strides = array<i32>} : memref<128xi32, #tpu.memory_space<vmem>>, vector<16xi32>,
        %swap3A_500 = vector.shape_cast %swap3A_499 : vector<16xi32> to vector<16xi32>
        %swap3A_501 = vector.shape_cast %get3A_497 : vector<16xi32> to vector<16xi32>
        tpu.vector_store %arg8[%swap3A_498], %swap3A_501 {strides = array<i32>} : memref<128xi32, #tpu.memory_space<vmem>>, vector<16xi32>,
        %get3A_502 = arith.constant 848 : index
        %get3A_503 = tpu.vector_load %arg12[%get3A_502] {strides = array<i32>} : memref<1024xi32, #tpu.memory_space<vmem>>, vector<16xi32>,
        %get3A_504 = vector.shape_cast %get3A_503 : vector<16xi32> to vector<16xi32>
        %swap3A_505 = arith.constant 80 : index
        %swap3A_506 = tpu.vector_load %arg8[%swap3A_505] {strides = array<i32>} : memref<128xi32, #tpu.memory_space<vmem>>, vector<16xi32>,
        %swap3A_507 = vector.shape_cast %swap3A_506 : vector<16xi32> to vector<16xi32>
        %swap3A_508 = vector.shape_cast %get3A_504 : vector<16xi32> to vector<16xi32>
        tpu.vector_store %arg8[%swap3A_505], %swap3A_508 {strides = array<i32>} : memref<128xi32, #tpu.memory_space<vmem>>, vector<16xi32>,
        %get3A_509 = arith.constant 864 : index
        %get3A_510 = tpu.vector_load %arg12[%get3A_509] {strides = array<i32>} : memref<1024xi32, #tpu.memory_space<vmem>>, vector<16xi32>,
        %get3A_511 = vector.shape_cast %get3A_510 : vector<16xi32> to vector<16xi32>
        %swap3A_512 = arith.constant 96 : index
        %swap3A_513 = tpu.vector_load %arg8[%swap3A_512] {strides = array<i32>} : memref<128xi32, #tpu.memory_space<vmem>>, vector<16xi32>,
        %swap3A_514 = vector.shape_cast %swap3A_513 : vector<16xi32> to vector<16xi32>
        %swap3A_515 = vector.shape_cast %get3A_511 : vector<16xi32> to vector<16xi32>
        tpu.vector_store %arg8[%swap3A_512], %swap3A_515 {strides = array<i32>} : memref<128xi32, #tpu.memory_space<vmem>>, vector<16xi32>,
        %get3A_516 = arith.constant 880 : index
        %get3A_517 = tpu.vector_load %arg12[%get3A_516] {strides = array<i32>} : memref<1024xi32, #tpu.memory_space<vmem>>, vector<16xi32>,
        %get3A_518 = vector.shape_cast %get3A_517 : vector<16xi32> to vector<16xi32>
        %swap3A_519 = arith.constant 112 : index
        %swap3A_520 = tpu.vector_load %arg8[%swap3A_519] {strides = array<i32>} : memref<128xi32, #tpu.memory_space<vmem>>, vector<16xi32>,
        %swap3A_521 = vector.shape_cast %swap3A_520 : vector<16xi32> to vector<16xi32>
        %swap3A_522 = vector.shape_cast %get3A_518 : vector<16xi32> to vector<16xi32>
        tpu.vector_store %arg8[%swap3A_519], %swap3A_522 {strides = array<i32>} : memref<128xi32, #tpu.memory_space<vmem>>, vector<16xi32>,
        %dma_start3A_523 = arith.constant 768 : i32
        %dma_start3A_524 = tpu.memref_slice %arg11[%dma_start3A_523] : memref<1024xi32, #tpu.memory_space<vmem>> -> memref<128xi32, #tpu.memory_space<vmem>>
        %dma_start3A_525 = arith.constant 0 : i32
        %dma_start3A_526 = arith.constant 0 : i32
        %dma_start3A_527 = tpu.memref_slice %arg2[%dma_start3A_525, %dma_start3A_526] : memref<10000x128xf32, #tpu.memory_space<hbm>> -> memref<10000x128xf32, #tpu.memory_space<hbm>>
        tpu.enqueue_indirect_dma source(%dma_start3A_527 : memref<10000x128xf32, #tpu.memory_space<hbm>>) target(%arg13 : memref<128x128xf32, #tpu.memory_space<vmem>>) offsets(%dma_start3A_524 : memref<128xi32, #tpu.memory_space<vmem>>) semaphore(%arg19 : memref<!tpu.dma_semaphore, #tpu.memory_space<semaphore_mem>>)
        %dma_wait3A_528 = arith.constant 768 : i32
        %dma_wait3A_529 = tpu.memref_slice %arg11[%dma_wait3A_528] : memref<1024xi32, #tpu.memory_space<vmem>> -> memref<128xi32, #tpu.memory_space<vmem>>
        %dma_wait3A_530 = arith.constant 0 : i32
        %dma_wait3A_531 = arith.constant 0 : i32
        %dma_wait3A_532 = tpu.memref_slice %arg2[%dma_wait3A_530, %dma_wait3A_531] : memref<10000x128xf32, #tpu.memory_space<hbm>> -> memref<10000x128xf32, #tpu.memory_space<hbm>>
        tpu.wait_indirect_dma semaphore(%arg19 : memref<!tpu.dma_semaphore, #tpu.memory_space<semaphore_mem>>) src(%dma_wait3A_532 : memref<10000x128xf32, #tpu.memory_space<hbm>>) dst(%arg13 : memref<128x128xf32, #tpu.memory_space<vmem>>)
        "tpu.region"() ({
          %run_scoped3A_599 = tpu.sem_alloc : memref<!tpu.dma_semaphore, #tpu.memory_space<semaphore_mem>>
          %dma_start3A_600 = arith.constant 0 : i32
          %dma_start3A_601 = arith.constant 0 : i32
          %dma_start3A_602 = tpu.memref_slice %arg15[%dma_start3A_600, %dma_start3A_601] : memref<10112x128xf32, #tpu.memory_space<vmem_shared>> -> memref<10112x128xf32, #tpu.memory_space<vmem_shared>>
          tpu.enqueue_indirect_dma source(%arg13 : memref<128x128xf32, #tpu.memory_space<vmem>>) target(%dma_start3A_602 : memref<10112x128xf32, #tpu.memory_space<vmem_shared>>) offsets(%arg8 : memref<128xi32, #tpu.memory_space<vmem>>) semaphore(%run_scoped3A_599 : memref<!tpu.dma_semaphore, #tpu.memory_space<semaphore_mem>>) {add = true}
          %dma_wait3A_603 = arith.constant 0 : i32
          %dma_wait3A_604 = arith.constant 0 : i32
          %dma_wait3A_605 = tpu.memref_slice %arg15[%dma_wait3A_603, %dma_wait3A_604] : memref<10112x128xf32, #tpu.memory_space<vmem_shared>> -> memref<10112x128xf32, #tpu.memory_space<vmem_shared>>
          tpu.wait_indirect_dma semaphore(%run_scoped3A_599 : memref<!tpu.dma_semaphore, #tpu.memory_space<semaphore_mem>>) src(%arg13 : memref<128x128xf32, #tpu.memory_space<vmem>>) dst(%dma_wait3A_605 : memref<10112x128xf32, #tpu.memory_space<vmem_shared>>)
          tpu.yield
        }) : () -> ()
        %get3A_533 = arith.constant 896 : index
        %get3A_534 = tpu.vector_load %arg12[%get3A_533] {strides = array<i32>} : memref<1024xi32, #tpu.memory_space<vmem>>, vector<16xi32>,
        %get3A_535 = vector.shape_cast %get3A_534 : vector<16xi32> to vector<16xi32>
        %swap3A_536 = arith.constant 0 : index
        %swap3A_537 = tpu.vector_load %arg8[%swap3A_536] {strides = array<i32>} : memref<128xi32, #tpu.memory_space<vmem>>, vector<16xi32>,
        %swap3A_538 = vector.shape_cast %swap3A_537 : vector<16xi32> to vector<16xi32>
        %swap3A_539 = vector.shape_cast %get3A_535 : vector<16xi32> to vector<16xi32>
        tpu.vector_store %arg8[%swap3A_536], %swap3A_539 {strides = array<i32>} : memref<128xi32, #tpu.memory_space<vmem>>, vector<16xi32>,
        %get3A_540 = arith.constant 912 : index
        %get3A_541 = tpu.vector_load %arg12[%get3A_540] {strides = array<i32>} : memref<1024xi32, #tpu.memory_space<vmem>>, vector<16xi32>,
        %get3A_542 = vector.shape_cast %get3A_541 : vector<16xi32> to vector<16xi32>
        %swap3A_543 = arith.constant 16 : index
        %swap3A_544 = tpu.vector_load %arg8[%swap3A_543] {strides = array<i32>} : memref<128xi32, #tpu.memory_space<vmem>>, vector<16xi32>,
        %swap3A_545 = vector.shape_cast %swap3A_544 : vector<16xi32> to vector<16xi32>
        %swap3A_546 = vector.shape_cast %get3A_542 : vector<16xi32> to vector<16xi32>
        tpu.vector_store %arg8[%swap3A_543], %swap3A_546 {strides = array<i32>} : memref<128xi32, #tpu.memory_space<vmem>>, vector<16xi32>,
        %get3A_547 = arith.constant 928 : index
        %get3A_548 = tpu.vector_load %arg12[%get3A_547] {strides = array<i32>} : memref<1024xi32, #tpu.memory_space<vmem>>, vector<16xi32>,
        %get3A_549 = vector.shape_cast %get3A_548 : vector<16xi32> to vector<16xi32>
        %swap3A_550 = arith.constant 32 : index
        %swap3A_551 = tpu.vector_load %arg8[%swap3A_550] {strides = array<i32>} : memref<128xi32, #tpu.memory_space<vmem>>, vector<16xi32>,
        %swap3A_552 = vector.shape_cast %swap3A_551 : vector<16xi32> to vector<16xi32>
        %swap3A_553 = vector.shape_cast %get3A_549 : vector<16xi32> to vector<16xi32>
        tpu.vector_store %arg8[%swap3A_550], %swap3A_553 {strides = array<i32>} : memref<128xi32, #tpu.memory_space<vmem>>, vector<16xi32>,
        %get3A_554 = arith.constant 944 : index
        %get3A_555 = tpu.vector_load %arg12[%get3A_554] {strides = array<i32>} : memref<1024xi32, #tpu.memory_space<vmem>>, vector<16xi32>,
        %get3A_556 = vector.shape_cast %get3A_555 : vector<16xi32> to vector<16xi32>
        %swap3A_557 = arith.constant 48 : index
        %swap3A_558 = tpu.vector_load %arg8[%swap3A_557] {strides = array<i32>} : memref<128xi32, #tpu.memory_space<vmem>>, vector<16xi32>,
        %swap3A_559 = vector.shape_cast %swap3A_558 : vector<16xi32> to vector<16xi32>
        %swap3A_560 = vector.shape_cast %get3A_556 : vector<16xi32> to vector<16xi32>
        tpu.vector_store %arg8[%swap3A_557], %swap3A_560 {strides = array<i32>} : memref<128xi32, #tpu.memory_space<vmem>>, vector<16xi32>,
        %get3A_561 = arith.constant 960 : index
        %get3A_562 = tpu.vector_load %arg12[%get3A_561] {strides = array<i32>} : memref<1024xi32, #tpu.memory_space<vmem>>, vector<16xi32>,
        %get3A_563 = vector.shape_cast %get3A_562 : vector<16xi32> to vector<16xi32>
        %swap3A_564 = arith.constant 64 : index
        %swap3A_565 = tpu.vector_load %arg8[%swap3A_564] {strides = array<i32>} : memref<128xi32, #tpu.memory_space<vmem>>, vector<16xi32>,
        %swap3A_566 = vector.shape_cast %swap3A_565 : vector<16xi32> to vector<16xi32>
        %swap3A_567 = vector.shape_cast %get3A_563 : vector<16xi32> to vector<16xi32>
        tpu.vector_store %arg8[%swap3A_564], %swap3A_567 {strides = array<i32>} : memref<128xi32, #tpu.memory_space<vmem>>, vector<16xi32>,
        %get3A_568 = arith.constant 976 : index
        %get3A_569 = tpu.vector_load %arg12[%get3A_568] {strides = array<i32>} : memref<1024xi32, #tpu.memory_space<vmem>>, vector<16xi32>,
        %get3A_570 = vector.shape_cast %get3A_569 : vector<16xi32> to vector<16xi32>
        %swap3A_571 = arith.constant 80 : index
        %swap3A_572 = tpu.vector_load %arg8[%swap3A_571] {strides = array<i32>} : memref<128xi32, #tpu.memory_space<vmem>>, vector<16xi32>,
        %swap3A_573 = vector.shape_cast %swap3A_572 : vector<16xi32> to vector<16xi32>
        %swap3A_574 = vector.shape_cast %get3A_570 : vector<16xi32> to vector<16xi32>
        tpu.vector_store %arg8[%swap3A_571], %swap3A_574 {strides = array<i32>} : memref<128xi32, #tpu.memory_space<vmem>>, vector<16xi32>,
        %get3A_575 = arith.constant 992 : index
        %get3A_576 = tpu.vector_load %arg12[%get3A_575] {strides = array<i32>} : memref<1024xi32, #tpu.memory_space<vmem>>, vector<16xi32>,
        %get3A_577 = vector.shape_cast %get3A_576 : vector<16xi32> to vector<16xi32>
        %swap3A_578 = arith.constant 96 : index
        %swap3A_579 = tpu.vector_load %arg8[%swap3A_578] {strides = array<i32>} : memref<128xi32, #tpu.memory_space<vmem>>, vector<16xi32>,
        %swap3A_580 = vector.shape_cast %swap3A_579 : vector<16xi32> to vector<16xi32>
        %swap3A_581 = vector.shape_cast %get3A_577 : vector<16xi32> to vector<16xi32>
        tpu.vector_store %arg8[%swap3A_578], %swap3A_581 {strides = array<i32>} : memref<128xi32, #tpu.memory_space<vmem>>, vector<16xi32>,
        %get3A_582 = arith.constant 1008 : index
        %get3A_583 = tpu.vector_load %arg12[%get3A_582] {strides = array<i32>} : memref<1024xi32, #tpu.memory_space<vmem>>, vector<16xi32>,
        %get3A_584 = vector.shape_cast %get3A_583 : vector<16xi32> to vector<16xi32>
        %swap3A_585 = arith.constant 112 : index
        %swap3A_586 = tpu.vector_load %arg8[%swap3A_585] {strides = array<i32>} : memref<128xi32, #tpu.memory_space<vmem>>, vector<16xi32>,
        %swap3A_587 = vector.shape_cast %swap3A_586 : vector<16xi32> to vector<16xi32>
        %swap3A_588 = vector.shape_cast %get3A_584 : vector<16xi32> to vector<16xi32>
        tpu.vector_store %arg8[%swap3A_585], %swap3A_588 {strides = array<i32>} : memref<128xi32, #tpu.memory_space<vmem>>, vector<16xi32>,
        %dma_start3A_589 = arith.constant 896 : i32
        %dma_start3A_590 = tpu.memref_slice %arg11[%dma_start3A_589] : memref<1024xi32, #tpu.memory_space<vmem>> -> memref<128xi32, #tpu.memory_space<vmem>>
        %dma_start3A_591 = arith.constant 0 : i32
        %dma_start3A_592 = arith.constant 0 : i32
        %dma_start3A_593 = tpu.memref_slice %arg2[%dma_start3A_591, %dma_start3A_592] : memref<10000x128xf32, #tpu.memory_space<hbm>> -> memref<10000x128xf32, #tpu.memory_space<hbm>>
        tpu.enqueue_indirect_dma source(%dma_start3A_593 : memref<10000x128xf32, #tpu.memory_space<hbm>>) target(%arg13 : memref<128x128xf32, #tpu.memory_space<vmem>>) offsets(%dma_start3A_590 : memref<128xi32, #tpu.memory_space<vmem>>) semaphore(%arg19 : memref<!tpu.dma_semaphore, #tpu.memory_space<semaphore_mem>>)
        %dma_wait3A_594 = arith.constant 896 : i32
        %dma_wait3A_595 = tpu.memref_slice %arg11[%dma_wait3A_594] : memref<1024xi32, #tpu.memory_space<vmem>> -> memref<128xi32, #tpu.memory_space<vmem>>
        %dma_wait3A_596 = arith.constant 0 : i32
        %dma_wait3A_597 = arith.constant 0 : i32
        %dma_wait3A_598 = tpu.memref_slice %arg2[%dma_wait3A_596, %dma_wait3A_597] : memref<10000x128xf32, #tpu.memory_space<hbm>> -> memref<10000x128xf32, #tpu.memory_space<hbm>>
        tpu.wait_indirect_dma semaphore(%arg19 : memref<!tpu.dma_semaphore, #tpu.memory_space<semaphore_mem>>) src(%dma_wait3A_598 : memref<10000x128xf32, #tpu.memory_space<hbm>>) dst(%arg13 : memref<128x128xf32, #tpu.memory_space<vmem>>)
        "tpu.region"() ({
          %run_scoped3A_599 = tpu.sem_alloc : memref<!tpu.dma_semaphore, #tpu.memory_space<semaphore_mem>>
          %dma_start3A_600 = arith.constant 0 : i32
          %dma_start3A_601 = arith.constant 0 : i32
          %dma_start3A_602 = tpu.memref_slice %arg15[%dma_start3A_600, %dma_start3A_601] : memref<10112x128xf32, #tpu.memory_space<vmem_shared>> -> memref<10112x128xf32, #tpu.memory_space<vmem_shared>>
          tpu.enqueue_indirect_dma source(%arg13 : memref<128x128xf32, #tpu.memory_space<vmem>>) target(%dma_start3A_602 : memref<10112x128xf32, #tpu.memory_space<vmem_shared>>) offsets(%arg8 : memref<128xi32, #tpu.memory_space<vmem>>) semaphore(%run_scoped3A_599 : memref<!tpu.dma_semaphore, #tpu.memory_space<semaphore_mem>>) {add = true}
          %dma_wait3A_603 = arith.constant 0 : i32
          %dma_wait3A_604 = arith.constant 0 : i32
          %dma_wait3A_605 = tpu.memref_slice %arg15[%dma_wait3A_603, %dma_wait3A_604] : memref<10112x128xf32, #tpu.memory_space<vmem_shared>> -> memref<10112x128xf32, #tpu.memory_space<vmem_shared>>
          tpu.wait_indirect_dma semaphore(%run_scoped3A_599 : memref<!tpu.dma_semaphore, #tpu.memory_space<semaphore_mem>>) src(%arg13 : memref<128x128xf32, #tpu.memory_space<vmem>>) dst(%dma_wait3A_605 : memref<10112x128xf32, #tpu.memory_space<vmem_shared>>)
          tpu.yield
        }) : () -> ()
      }
      %mul3A_59 = arith.constant 8 : i32
      %mul3A_60 = arith.muli %select_n3A_49, %mul3A_59 : i32
      %while3A_61 = arith.constant 0 : i32
      %while3A_62 = arith.subi %add3A_5, %mul3A_60 : i32
      %while3A_63 = arith.addi %mul3A_60, %while3A_62 : i32
      %while3A_64 = arith.constant 1 : i32
      %while3A_65 = arith.divsi %while3A_62, %while3A_64 : i32
      %while3A_66 = arith.muli %while3A_65, %while3A_64 : i32
      %while3A_67 = arith.addi %mul3A_60, %while3A_66 : i32
      %while3A_68 = arith.constant 1 : i32
      scf.for %while3A_70 = %mul3A_60 to %while3A_67 step %while3A_68  : i32 {
        %mul3A_71 = arith.constant 128 : i32
        %mul3A_72 = arith.muli %while3A_70, %mul3A_71 : i32
        %add3A_73 = arith.addi %mul3A_13, %mul3A_72 : i32
        %multiple_of3A = tpu.assume_multiple %add3A_73, 128 : i32
        %run_scoped3A = arith.constant 0 : i32
        "tpu.region"() ({
          %run_scoped3A_79 = tpu.sem_alloc : memref<!tpu.dma_semaphore, #tpu.memory_space<semaphore_mem>>
          %dma_start3A_80 = tpu.memref_slice %arg3[%run_scoped3A, %multiple_of3A] : memref<2x320000xi32, #tpu.memory_space<hbm>> -> memref<1x128xi32, #tpu.memory_space<hbm>>
          %dma_start3A_81 = tpu.memref_squeeze %dma_start3A_80 : memref<1x128xi32, #tpu.memory_space<hbm>> -> memref<128xi32, #tpu.memory_space<hbm>>
          %dma_start3A_82 = tpu.memref_slice %arg3[%run_scoped3A, %multiple_of3A] : memref<2x320000xi32, #tpu.memory_space<hbm>> -> memref<1x128xi32, #tpu.memory_space<hbm>>
          %dma_start3A_83 = tpu.memref_squeeze %dma_start3A_82 : memref<1x128xi32, #tpu.memory_space<hbm>> -> memref<128xi32, #tpu.memory_space<hbm>>
          tpu.enqueue_dma source(%dma_start3A_83 : memref<128xi32, #tpu.memory_space<hbm>>) target(%arg5 : memref<128xi32, #tpu.memory_space<vmem>>) target_semaphore(%run_scoped3A_79 : memref<!tpu.dma_semaphore, #tpu.memory_space<semaphore_mem>>)
          %dma_wait3A_84 = tpu.memref_slice %arg3[%run_scoped3A, %multiple_of3A] : memref<2x320000xi32, #tpu.memory_space<hbm>> -> memref<1x128xi32, #tpu.memory_space<hbm>>
          %dma_wait3A_85 = tpu.memref_squeeze %dma_wait3A_84 : memref<1x128xi32, #tpu.memory_space<hbm>> -> memref<128xi32, #tpu.memory_space<hbm>>
          %dma_wait3A_86 = tpu.memref_slice %arg3[%run_scoped3A, %multiple_of3A] : memref<2x320000xi32, #tpu.memory_space<hbm>> -> memref<1x128xi32, #tpu.memory_space<hbm>>
          %dma_wait3A_87 = tpu.memref_squeeze %dma_wait3A_86 : memref<1x128xi32, #tpu.memory_space<hbm>> -> memref<128xi32, #tpu.memory_space<hbm>>
          tpu.wait_dma2 semaphore(%run_scoped3A_79 : memref<!tpu.dma_semaphore, #tpu.memory_space<semaphore_mem>>) src(%dma_wait3A_87 : memref<128xi32, #tpu.memory_space<hbm>>) dst(%arg5 : memref<128xi32, #tpu.memory_space<vmem>>)
          tpu.yield
        }) : () -> ()
        %run_scoped3A_74 = arith.constant 1 : i32
        "tpu.region"() ({
          %run_scoped3A_79 = tpu.sem_alloc : memref<!tpu.dma_semaphore, #tpu.memory_space<semaphore_mem>>
          %dma_start3A_80 = tpu.memref_slice %arg3[%run_scoped3A_74, %multiple_of3A] : memref<2x320000xi32, #tpu.memory_space<hbm>> -> memref<1x128xi32, #tpu.memory_space<hbm>>
          %dma_start3A_81 = tpu.memref_squeeze %dma_start3A_80 : memref<1x128xi32, #tpu.memory_space<hbm>> -> memref<128xi32, #tpu.memory_space<hbm>>
          %dma_start3A_82 = tpu.memref_slice %arg3[%run_scoped3A_74, %multiple_of3A] : memref<2x320000xi32, #tpu.memory_space<hbm>> -> memref<1x128xi32, #tpu.memory_space<hbm>>
          %dma_start3A_83 = tpu.memref_squeeze %dma_start3A_82 : memref<1x128xi32, #tpu.memory_space<hbm>> -> memref<128xi32, #tpu.memory_space<hbm>>
          tpu.enqueue_dma source(%dma_start3A_83 : memref<128xi32, #tpu.memory_space<hbm>>) target(%arg8 : memref<128xi32, #tpu.memory_space<vmem>>) target_semaphore(%run_scoped3A_79 : memref<!tpu.dma_semaphore, #tpu.memory_space<semaphore_mem>>)
          %dma_wait3A_84 = tpu.memref_slice %arg3[%run_scoped3A_74, %multiple_of3A] : memref<2x320000xi32, #tpu.memory_space<hbm>> -> memref<1x128xi32, #tpu.memory_space<hbm>>
          %dma_wait3A_85 = tpu.memref_squeeze %dma_wait3A_84 : memref<1x128xi32, #tpu.memory_space<hbm>> -> memref<128xi32, #tpu.memory_space<hbm>>
          %dma_wait3A_86 = tpu.memref_slice %arg3[%run_scoped3A_74, %multiple_of3A] : memref<2x320000xi32, #tpu.memory_space<hbm>> -> memref<1x128xi32, #tpu.memory_space<hbm>>
          %dma_wait3A_87 = tpu.memref_squeeze %dma_wait3A_86 : memref<1x128xi32, #tpu.memory_space<hbm>> -> memref<128xi32, #tpu.memory_space<hbm>>
          tpu.wait_dma2 semaphore(%run_scoped3A_79 : memref<!tpu.dma_semaphore, #tpu.memory_space<semaphore_mem>>) src(%dma_wait3A_87 : memref<128xi32, #tpu.memory_space<hbm>>) dst(%arg8 : memref<128xi32, #tpu.memory_space<vmem>>)
          tpu.yield
        }) : () -> ()
        %dma_start3A = arith.constant 0 : i32
        %dma_start3A_75 = arith.constant 0 : i32
        %dma_start3A_76 = tpu.memref_slice %arg2[%dma_start3A, %dma_start3A_75] : memref<10000x128xf32, #tpu.memory_space<hbm>> -> memref<10000x128xf32, #tpu.memory_space<hbm>>
        tpu.enqueue_indirect_dma source(%dma_start3A_76 : memref<10000x128xf32, #tpu.memory_space<hbm>>) target(%arg13 : memref<128x128xf32, #tpu.memory_space<vmem>>) offsets(%arg5 : memref<128xi32, #tpu.memory_space<vmem>>) semaphore(%arg19 : memref<!tpu.dma_semaphore, #tpu.memory_space<semaphore_mem>>)
        %dma_wait3A = arith.constant 0 : i32
        %dma_wait3A_77 = arith.constant 0 : i32
        %dma_wait3A_78 = tpu.memref_slice %arg2[%dma_wait3A, %dma_wait3A_77] : memref<10000x128xf32, #tpu.memory_space<hbm>> -> memref<10000x128xf32, #tpu.memory_space<hbm>>
        tpu.wait_indirect_dma semaphore(%arg19 : memref<!tpu.dma_semaphore, #tpu.memory_space<semaphore_mem>>) src(%dma_wait3A_78 : memref<10000x128xf32, #tpu.memory_space<hbm>>) dst(%arg13 : memref<128x128xf32, #tpu.memory_space<vmem>>)
        "tpu.region"() ({
          %run_scoped3A_79 = tpu.sem_alloc : memref<!tpu.dma_semaphore, #tpu.memory_space<semaphore_mem>>
          %dma_start3A_80 = arith.constant 0 : i32
          %dma_start3A_81 = arith.constant 0 : i32
          %dma_start3A_82 = tpu.memref_slice %arg15[%dma_start3A_80, %dma_start3A_81] : memref<10112x128xf32, #tpu.memory_space<vmem_shared>> -> memref<10112x128xf32, #tpu.memory_space<vmem_shared>>
          tpu.enqueue_indirect_dma source(%arg13 : memref<128x128xf32, #tpu.memory_space<vmem>>) target(%dma_start3A_82 : memref<10112x128xf32, #tpu.memory_space<vmem_shared>>) offsets(%arg8 : memref<128xi32, #tpu.memory_space<vmem>>) semaphore(%run_scoped3A_79 : memref<!tpu.dma_semaphore, #tpu.memory_space<semaphore_mem>>) {add = true}
          %dma_wait3A_83 = arith.constant 0 : i32
          %dma_wait3A_84 = arith.constant 0 : i32
          %dma_wait3A_85 = tpu.memref_slice %arg15[%dma_wait3A_83, %dma_wait3A_84] : memref<10112x128xf32, #tpu.memory_space<vmem_shared>> -> memref<10112x128xf32, #tpu.memory_space<vmem_shared>>
          tpu.wait_indirect_dma semaphore(%run_scoped3A_79 : memref<!tpu.dma_semaphore, #tpu.memory_space<semaphore_mem>>) src(%arg13 : memref<128x128xf32, #tpu.memory_space<vmem>>) dst(%dma_wait3A_85 : memref<10112x128xf32, #tpu.memory_space<vmem_shared>>)
          tpu.yield
        }) : () -> ()
      }
      %while3A_69 = arith.constant 1 : i32
      scf.for %while3A_70 = %while3A_67 to %while3A_63 step %while3A_69  : i32 {
        %mul3A_71 = arith.constant 128 : i32
        %mul3A_72 = arith.muli %while3A_70, %mul3A_71 : i32
        %add3A_73 = arith.addi %mul3A_13, %mul3A_72 : i32
        %multiple_of3A = tpu.assume_multiple %add3A_73, 128 : i32
        %run_scoped3A = arith.constant 0 : i32
        "tpu.region"() ({
          %run_scoped3A_79 = tpu.sem_alloc : memref<!tpu.dma_semaphore, #tpu.memory_space<semaphore_mem>>
          %dma_start3A_80 = tpu.memref_slice %arg3[%run_scoped3A, %multiple_of3A] : memref<2x320000xi32, #tpu.memory_space<hbm>> -> memref<1x128xi32, #tpu.memory_space<hbm>>
          %dma_start3A_81 = tpu.memref_squeeze %dma_start3A_80 : memref<1x128xi32, #tpu.memory_space<hbm>> -> memref<128xi32, #tpu.memory_space<hbm>>
          %dma_start3A_82 = tpu.memref_slice %arg3[%run_scoped3A, %multiple_of3A] : memref<2x320000xi32, #tpu.memory_space<hbm>> -> memref<1x128xi32, #tpu.memory_space<hbm>>
          %dma_start3A_83 = tpu.memref_squeeze %dma_start3A_82 : memref<1x128xi32, #tpu.memory_space<hbm>> -> memref<128xi32, #tpu.memory_space<hbm>>
          tpu.enqueue_dma source(%dma_start3A_83 : memref<128xi32, #tpu.memory_space<hbm>>) target(%arg5 : memref<128xi32, #tpu.memory_space<vmem>>) target_semaphore(%run_scoped3A_79 : memref<!tpu.dma_semaphore, #tpu.memory_space<semaphore_mem>>)
          %dma_wait3A_84 = tpu.memref_slice %arg3[%run_scoped3A, %multiple_of3A] : memref<2x320000xi32, #tpu.memory_space<hbm>> -> memref<1x128xi32, #tpu.memory_space<hbm>>
          %dma_wait3A_85 = tpu.memref_squeeze %dma_wait3A_84 : memref<1x128xi32, #tpu.memory_space<hbm>> -> memref<128xi32, #tpu.memory_space<hbm>>
          %dma_wait3A_86 = tpu.memref_slice %arg3[%run_scoped3A, %multiple_of3A] : memref<2x320000xi32, #tpu.memory_space<hbm>> -> memref<1x128xi32, #tpu.memory_space<hbm>>
          %dma_wait3A_87 = tpu.memref_squeeze %dma_wait3A_86 : memref<1x128xi32, #tpu.memory_space<hbm>> -> memref<128xi32, #tpu.memory_space<hbm>>
          tpu.wait_dma2 semaphore(%run_scoped3A_79 : memref<!tpu.dma_semaphore, #tpu.memory_space<semaphore_mem>>) src(%dma_wait3A_87 : memref<128xi32, #tpu.memory_space<hbm>>) dst(%arg5 : memref<128xi32, #tpu.memory_space<vmem>>)
          tpu.yield
        }) : () -> ()
        %run_scoped3A_74 = arith.constant 1 : i32
        "tpu.region"() ({
          %run_scoped3A_79 = tpu.sem_alloc : memref<!tpu.dma_semaphore, #tpu.memory_space<semaphore_mem>>
          %dma_start3A_80 = tpu.memref_slice %arg3[%run_scoped3A_74, %multiple_of3A] : memref<2x320000xi32, #tpu.memory_space<hbm>> -> memref<1x128xi32, #tpu.memory_space<hbm>>
          %dma_start3A_81 = tpu.memref_squeeze %dma_start3A_80 : memref<1x128xi32, #tpu.memory_space<hbm>> -> memref<128xi32, #tpu.memory_space<hbm>>
          %dma_start3A_82 = tpu.memref_slice %arg3[%run_scoped3A_74, %multiple_of3A] : memref<2x320000xi32, #tpu.memory_space<hbm>> -> memref<1x128xi32, #tpu.memory_space<hbm>>
          %dma_start3A_83 = tpu.memref_squeeze %dma_start3A_82 : memref<1x128xi32, #tpu.memory_space<hbm>> -> memref<128xi32, #tpu.memory_space<hbm>>
          tpu.enqueue_dma source(%dma_start3A_83 : memref<128xi32, #tpu.memory_space<hbm>>) target(%arg8 : memref<128xi32, #tpu.memory_space<vmem>>) target_semaphore(%run_scoped3A_79 : memref<!tpu.dma_semaphore, #tpu.memory_space<semaphore_mem>>)
          %dma_wait3A_84 = tpu.memref_slice %arg3[%run_scoped3A_74, %multiple_of3A] : memref<2x320000xi32, #tpu.memory_space<hbm>> -> memref<1x128xi32, #tpu.memory_space<hbm>>
          %dma_wait3A_85 = tpu.memref_squeeze %dma_wait3A_84 : memref<1x128xi32, #tpu.memory_space<hbm>> -> memref<128xi32, #tpu.memory_space<hbm>>
          %dma_wait3A_86 = tpu.memref_slice %arg3[%run_scoped3A_74, %multiple_of3A] : memref<2x320000xi32, #tpu.memory_space<hbm>> -> memref<1x128xi32, #tpu.memory_space<hbm>>
          %dma_wait3A_87 = tpu.memref_squeeze %dma_wait3A_86 : memref<1x128xi32, #tpu.memory_space<hbm>> -> memref<128xi32, #tpu.memory_space<hbm>>
          tpu.wait_dma2 semaphore(%run_scoped3A_79 : memref<!tpu.dma_semaphore, #tpu.memory_space<semaphore_mem>>) src(%dma_wait3A_87 : memref<128xi32, #tpu.memory_space<hbm>>) dst(%arg8 : memref<128xi32, #tpu.memory_space<vmem>>)
          tpu.yield
        }) : () -> ()
        %dma_start3A = arith.constant 0 : i32
        %dma_start3A_75 = arith.constant 0 : i32
        %dma_start3A_76 = tpu.memref_slice %arg2[%dma_start3A, %dma_start3A_75] : memref<10000x128xf32, #tpu.memory_space<hbm>> -> memref<10000x128xf32, #tpu.memory_space<hbm>>
        tpu.enqueue_indirect_dma source(%dma_start3A_76 : memref<10000x128xf32, #tpu.memory_space<hbm>>) target(%arg13 : memref<128x128xf32, #tpu.memory_space<vmem>>) offsets(%arg5 : memref<128xi32, #tpu.memory_space<vmem>>) semaphore(%arg19 : memref<!tpu.dma_semaphore, #tpu.memory_space<semaphore_mem>>)
        %dma_wait3A = arith.constant 0 : i32
        %dma_wait3A_77 = arith.constant 0 : i32
        %dma_wait3A_78 = tpu.memref_slice %arg2[%dma_wait3A, %dma_wait3A_77] : memref<10000x128xf32, #tpu.memory_space<hbm>> -> memref<10000x128xf32, #tpu.memory_space<hbm>>
        tpu.wait_indirect_dma semaphore(%arg19 : memref<!tpu.dma_semaphore, #tpu.memory_space<semaphore_mem>>) src(%dma_wait3A_78 : memref<10000x128xf32, #tpu.memory_space<hbm>>) dst(%arg13 : memref<128x128xf32, #tpu.memory_space<vmem>>)
        "tpu.region"() ({
          %run_scoped3A_79 = tpu.sem_alloc : memref<!tpu.dma_semaphore, #tpu.memory_space<semaphore_mem>>
          %dma_start3A_80 = arith.constant 0 : i32
          %dma_start3A_81 = arith.constant 0 : i32
          %dma_start3A_82 = tpu.memref_slice %arg15[%dma_start3A_80, %dma_start3A_81] : memref<10112x128xf32, #tpu.memory_space<vmem_shared>> -> memref<10112x128xf32, #tpu.memory_space<vmem_shared>>
          tpu.enqueue_indirect_dma source(%arg13 : memref<128x128xf32, #tpu.memory_space<vmem>>) target(%dma_start3A_82 : memref<10112x128xf32, #tpu.memory_space<vmem_shared>>) offsets(%arg8 : memref<128xi32, #tpu.memory_space<vmem>>) semaphore(%run_scoped3A_79 : memref<!tpu.dma_semaphore, #tpu.memory_space<semaphore_mem>>) {add = true}
          %dma_wait3A_83 = arith.constant 0 : i32
          %dma_wait3A_84 = arith.constant 0 : i32
          %dma_wait3A_85 = tpu.memref_slice %arg15[%dma_wait3A_83, %dma_wait3A_84] : memref<10112x128xf32, #tpu.memory_space<vmem_shared>> -> memref<10112x128xf32, #tpu.memory_space<vmem_shared>>
          tpu.wait_indirect_dma semaphore(%run_scoped3A_79 : memref<!tpu.dma_semaphore, #tpu.memory_space<semaphore_mem>>) src(%arg13 : memref<128x128xf32, #tpu.memory_space<vmem>>) dst(%dma_wait3A_85 : memref<10112x128xf32, #tpu.memory_space<vmem_shared>>)
          tpu.yield
        }) : () -> ()
      }
    } else {
    }
    %barrier3A_31 = arith.constant 0 : index
    tpu.barrier barrier_id(%barrier3A_31)
    "tpu.region"() ({
      %run_scoped3A = tpu.sem_alloc : memref<!tpu.dma_semaphore, #tpu.memory_space<semaphore_mem>>
      %dma_start3A = arith.constant 0 : i32
      %dma_start3A_32 = tpu.memref_slice %arg4[%arg0, %mul3A_0, %dma_start3A] : memref<2x10112x128xf32, #tpu.memory_space<hbm>> -> memref<1x632x128xf32, #tpu.memory_space<hbm>>
      %dma_start3A_33 = tpu.memref_squeeze %dma_start3A_32 : memref<1x632x128xf32, #tpu.memory_space<hbm>> -> memref<632x128xf32, #tpu.memory_space<hbm>>
      %dma_start3A_34 = arith.constant 0 : i32
      %dma_start3A_35 = tpu.memref_slice %arg15[%mul3A_0, %dma_start3A_34] : memref<10112x128xf32, #tpu.memory_space<vmem_shared>> -> memref<632x128xf32, #tpu.memory_space<vmem_shared>>
      tpu.enqueue_dma source(%dma_start3A_35 : memref<632x128xf32, #tpu.memory_space<vmem_shared>>) target(%dma_start3A_33 : memref<632x128xf32, #tpu.memory_space<hbm>>) target_semaphore(%run_scoped3A : memref<!tpu.dma_semaphore, #tpu.memory_space<semaphore_mem>>)
      %dma_wait3A = arith.constant 0 : i32
      %dma_wait3A_36 = tpu.memref_slice %arg4[%arg0, %mul3A_0, %dma_wait3A] : memref<2x10112x128xf32, #tpu.memory_space<hbm>> -> memref<1x632x128xf32, #tpu.memory_space<hbm>>
      %dma_wait3A_37 = tpu.memref_squeeze %dma_wait3A_36 : memref<1x632x128xf32, #tpu.memory_space<hbm>> -> memref<632x128xf32, #tpu.memory_space<hbm>>
      %dma_wait3A_38 = arith.constant 0 : i32
      %dma_wait3A_39 = tpu.memref_slice %arg15[%mul3A_0, %dma_wait3A_38] : memref<10112x128xf32, #tpu.memory_space<vmem_shared>> -> memref<632x128xf32, #tpu.memory_space<vmem_shared>>
      tpu.wait_dma2 semaphore(%run_scoped3A : memref<!tpu.dma_semaphore, #tpu.memory_space<semaphore_mem>>) src(%dma_wait3A_39 : memref<632x128xf32, #tpu.memory_space<vmem_shared>>) dst(%dma_wait3A_37 : memref<632x128xf32, #tpu.memory_space<hbm>>)
      tpu.yield
    }) : () -> ()
    return
  }
}

module attributes {stable_mosaic.version = 14 : i64} {
  func.func @_dense_body(%arg0: memref<2x10112x128xf32, #tpu.memory_space<vmem>>, %arg1: memref<128x128xf32, #tpu.memory_space<vmem>>, %arg2: memref<1x128xf32, #tpu.memory_space<vmem>>, %arg3: memref<128x128xf32, #tpu.memory_space<vmem>>, %arg4: memref<1x128xf32, #tpu.memory_space<vmem>>, %arg5: memref<1x128xf32, #tpu.memory_space<vmem>>, %arg6: memref<1x128xf32, #tpu.memory_space<vmem>>, %arg7: memref<10000x128xf32, #tpu.memory_space<vmem>>) attributes {dimension_semantics = [], scalar_prefetch = 0 : i64, scratch_operands = 0 : i64, tpu.core_type = #tpu.core_type<tc>} {
    %get3A = arith.constant 0 : index
    %get3A_0 = arith.constant 0 : index
    %get3A_1 = arith.constant 0 : index
    %get3A_2 = vector.load %arg0[%get3A, %get3A_0, %get3A_1] : memref<2x10112x128xf32, #tpu.memory_space<vmem>>, vector<1x10000x128xf32>
    %get3A_3 = vector.shape_cast %get3A_2 : vector<1x10000x128xf32> to vector<10000x128xf32>
    %get3A_4 = arith.constant 1 : index
    %get3A_5 = arith.constant 0 : index
    %get3A_6 = arith.constant 0 : index
    %get3A_7 = vector.load %arg0[%get3A_4, %get3A_5, %get3A_6] : memref<2x10112x128xf32, #tpu.memory_space<vmem>>, vector<1x10000x128xf32>
    %get3A_8 = vector.shape_cast %get3A_7 : vector<1x10000x128xf32> to vector<10000x128xf32>
    %add3A = arith.addf %get3A_3, %get3A_8 : vector<10000x128xf32>
    %get3A_9 = arith.constant 0 : index
    %get3A_10 = arith.constant 0 : index
    %get3A_11 = vector.load %arg1[%get3A_9, %get3A_10] : memref<128x128xf32, #tpu.memory_space<vmem>>, vector<128x128xf32>
    %dot_general3A = arith.constant dense<0.000000e+00> : vector<10000x128xf32>
    %dot_general3A_12 = tpu.matmul %add3A, %get3A_11, %dot_general3A {dimension_numbers = #tpu.dot_dimension_numbers<[1], [0], [0], [1], [0, 0, 1, 1], [], []>, transpose_lhs_hint = false} : vector<10000x128xf32>, vector<128x128xf32>, vector<10000x128xf32> -> vector<10000x128xf32>
    %get3A_13 = arith.constant 0 : index
    %get3A_14 = arith.constant 0 : index
    %get3A_15 = vector.load %arg2[%get3A_13, %get3A_14] : memref<1x128xf32, #tpu.memory_space<vmem>>, vector<1x128xf32>
    %add3A_16 = vector.broadcast %get3A_15 : vector<1x128xf32> to vector<10000x128xf32>
    %add3A_17 = arith.addf %dot_general3A_12, %add3A_16 : vector<10000x128xf32>
    %max3A = arith.constant 0.000000e+00 : f32
    %max3A_18 = vector.broadcast %max3A : f32 to vector<10000x128xf32>
    %max3A_19 = arith.maximumf %add3A_17, %max3A_18 : vector<10000x128xf32>
    %get3A_20 = arith.constant 0 : index
    %get3A_21 = arith.constant 0 : index
    %get3A_22 = vector.load %arg3[%get3A_20, %get3A_21] : memref<128x128xf32, #tpu.memory_space<vmem>>, vector<128x128xf32>
    %dot_general3A_23 = arith.constant dense<0.000000e+00> : vector<10000x128xf32>
    %dot_general3A_24 = tpu.matmul %max3A_19, %get3A_22, %dot_general3A_23 {dimension_numbers = #tpu.dot_dimension_numbers<[1], [0], [0], [1], [0, 0, 1, 1], [], []>, transpose_lhs_hint = false} : vector<10000x128xf32>, vector<128x128xf32>, vector<10000x128xf32> -> vector<10000x128xf32>
    %get3A_25 = arith.constant 0 : index
    %get3A_26 = arith.constant 0 : index
    %get3A_27 = vector.load %arg4[%get3A_25, %get3A_26] : memref<1x128xf32, #tpu.memory_space<vmem>>, vector<1x128xf32>
    %add3A_28 = vector.broadcast %get3A_27 : vector<1x128xf32> to vector<10000x128xf32>
    %add3A_29 = arith.addf %dot_general3A_24, %add3A_28 : vector<10000x128xf32>
    %reduce_sum3A = arith.constant dense<0.000000e+00> : vector<128xf32>
    %reduce_sum3A_30 = vector.multi_reduction <add>, %add3A_29, %reduce_sum3A [0] : vector<10000x128xf32> to vector<128xf32>
    %broadcast_in_dim3A = vector.shape_cast %reduce_sum3A_30 : vector<128xf32> to vector<1x128xf32>
    %div3A = arith.constant 1.000000e+04 : f32
    %div3A_31 = vector.broadcast %div3A : f32 to vector<1x128xf32>
    %div3A_32 = arith.divf %broadcast_in_dim3A, %div3A_31 : vector<1x128xf32>
    %sub3A = vector.broadcast %div3A_32 : vector<1x128xf32> to vector<10000x128xf32>
    %sub3A_33 = arith.subf %add3A_29, %sub3A : vector<10000x128xf32>
    %mul3A = arith.mulf %sub3A_33, %sub3A_33 : vector<10000x128xf32>
    %reduce_sum3A_34 = arith.constant dense<0.000000e+00> : vector<128xf32>
    %reduce_sum3A_35 = vector.multi_reduction <add>, %mul3A, %reduce_sum3A_34 [0] : vector<10000x128xf32> to vector<128xf32>
    %broadcast_in_dim3A_36 = vector.shape_cast %reduce_sum3A_35 : vector<128xf32> to vector<1x128xf32>
    %div3A_37 = arith.constant 1.000000e+04 : f32
    %div3A_38 = vector.broadcast %div3A_37 : f32 to vector<1x128xf32>
    %div3A_39 = arith.divf %broadcast_in_dim3A_36, %div3A_38 : vector<1x128xf32>
    %add3A_40 = arith.constant 9.99999974E-6 : f32
    %add3A_41 = vector.broadcast %add3A_40 : f32 to vector<1x128xf32>
    %add3A_42 = arith.addf %div3A_39, %add3A_41 : vector<1x128xf32>
    %rsqrt3A = math.rsqrt %add3A_42 : vector<1x128xf32>
    %get3A_43 = arith.constant 0 : index
    %get3A_44 = arith.constant 0 : index
    %get3A_45 = vector.load %arg5[%get3A_43, %get3A_44] : memref<1x128xf32, #tpu.memory_space<vmem>>, vector<1x128xf32>
    %mul3A_46 = arith.mulf %rsqrt3A, %get3A_45 : vector<1x128xf32>
    %mul3A_47 = vector.broadcast %mul3A_46 : vector<1x128xf32> to vector<10000x128xf32>
    %mul3A_48 = arith.mulf %sub3A_33, %mul3A_47 : vector<10000x128xf32>
    %get3A_49 = arith.constant 0 : index
    %get3A_50 = arith.constant 0 : index
    %get3A_51 = vector.load %arg6[%get3A_49, %get3A_50] : memref<1x128xf32, #tpu.memory_space<vmem>>, vector<1x128xf32>
    %add3A_52 = vector.broadcast %get3A_51 : vector<1x128xf32> to vector<10000x128xf32>
    %add3A_53 = arith.addf %mul3A_48, %add3A_52 : vector<10000x128xf32>
    %max3A_54 = arith.constant 0.000000e+00 : f32
    %max3A_55 = vector.broadcast %max3A_54 : f32 to vector<10000x128xf32>
    %max3A_56 = arith.maximumf %add3A_53, %max3A_55 : vector<10000x128xf32>
    %swap3A = arith.constant 0 : index
    %swap3A_57 = arith.constant 0 : index
    %swap3A_58 = vector.load %arg7[%swap3A, %swap3A_57] : memref<10000x128xf32, #tpu.memory_space<vmem>>, vector<10000x128xf32>
    tpu.vector_store %arg7[%swap3A, %swap3A_57], %max3A_56 {strides = array<i32>} : memref<10000x128xf32, #tpu.memory_space<vmem>>, vector<10000x128xf32>,
    return
  }
}

</mosaic_0001>

<sc_bundles>
// kernel: kernel.4.cloned.1.call-start
scs
__scs_entry_jumppad:
0x0: {  	(pc) =	sbr.rel $0x88, $3  }
0x1: {  	(tag) =	ssettag $0x0;
	lr =	simm.s32 $0x1  }
0x2: {  	[smem:$0x3F99] =	sst lr;
	_ =	strace $0xD0000000  }
0x3: {  	_ = 	snop  }
0x4: {  	_ = 	snop  }
0x5: {  	_ = 	snop  }
0x6: {  	_ = 	snop  }
0x7: {  	_ = 	snop  }
__scs_overlays_trampoline_lowered:
0x8: {  	[smem:$0x3FA8] =	sst s0  }
0x9: {  	[smem:$0x3FA9] =	sst s1  }
0xa: {  	[smem:$0x3FAA] =	sst s2  }
0xb: {  	[smem:$0x3FAB] =	sst s3  }
0xc: {  	[smem:$0x3FAC] =	sst s4  }
0xd: {  	[smem:$0x3FAD] =	sst s5  }
0xe: {  	[smem:$0x3FAE] =	sst s6  }
0xf: {  	[smem:$0x3FAF] =	sst s7  }
0x10: {  	[smem:$0x3FB0] =	sst s8  }
0x11: {  	[smem:$0x3FB1] =	sst s9;
	s0 =	simm.s32 @!p0 $0x0  }
0x12: {  	s1 =	sld [smem:$0x3F97];
	s0 =	simm.s32 @p0 $0x1  }
0x13: {  	[smem:$0x3FB2] =	sst s0;
	s0 =	simm.s32 @!p1 $0x0  }
0x14: {  	s2 =	sld [smem:$0x3F96];
	s0 =	simm.s32 @p1 $0x1  }
0x15: {  	[smem:$0x3FB3] =	sst s0;
	s0 =	simm.s32 @!p2 $0x0  }
0x16: {  	s3 =	sld [smem:$0x3FDB];
	s0 =	simm.s32 @p2 $0x1  }
0x17: {  	s4 =	simm.s32 $0x1BF5;
	[smem:$0x3FB5] =	sst s0  }
0x18: {  	s0 =	sld [smem:$0x3F98];
	_ =	swait.ge [sflag:s4], $0x0  }
0x19: {  	s7 =	sld [smem:$0x3F99]  }
0x1a: {  	s8 =	sadd.s32 $0xFFFFE003, lr  }
0x1b: {  	s9 =	sadd.s32 $0xFFFFFEF7, lr;
	s5 =	simm.s32 $0xFFFFFFFF;
	p2 =	slt.u32 s8, $0xFFFFF086  }
0x1c: {  	p1 =	slt.u32 s9, $0xF7A;
	s5 =	simm.s32 @!p2 $0x0  }
0x1d: {  	s5 =	simm.s32 @p1 $0x1;
	p0 =	seq.s32 s7, s2  }
0x1e: {  	s7 =	smul.u32 @!p0 $0xF7A, s2;
	p2 =	seq.s32 @!p0 s5, $0x0  }
0x1f: {  	s9 =	smul.u32 $0xF7A, s1;
	s8 =	simm.s32 @!p0 $0x1BF5;
	p2 =	por !p2, p0  }
0x20: {  	[sflag:s8] =	ssyncset.s32 @!p0 $0xFFFFF086;
	s6 =	sadd.s32 @!p0 s3, s7;
	s7 =	simm.s32 @!p0 $0x108  }
0x21: {  	s3 =	sadd.s32 s3, s9;
	s6 =	sadd.s32 @!p0 $0x88, s6;
	s7 =	simm.s32 @p2 $0x1082  }
0x22: {  	[simem:s7], [sflag:s8] =	dma.local @!p0 [hbm:s6], $0xF7A  }
0x23: {  	s9 =	sor.u32 $0xD0000000, s2;
	s6 =	simm.s32 $0x108;
	_ =	swait.ge @!p0 [sflag:s8], $0x0  }
0x24: {  	s3 =	sadd.s32 $0x88, s3;
	s6 =	simm.s32 @!p1 $0x1082;
	[sflag:s4] =	ssyncset.s32 $0xFFFFF086  }
0x25: {  	[simem:s6], [sflag:s4] =	dma.local [hbm:s3], $0xF7A  }
0x26: {  	[smem:$0x3F99] =	sst s1;
	(tag) =	ssettag s2;
	_ =	strace s9  }
0x27: {  	s1 =	sld [smem:$0x3FA9]  }
0x28: {  	s2 =	sld [smem:$0x3FAA]  }
0x29: {  	s4 =	sld [smem:$0x3FAC]  }
0x2a: {  	p0 =	seq.s32 s5, $0x0;
	s5 =	sld [smem:$0x3FAD]  }
0x2b: {  	s6 =	sld [smem:$0x3FAE]  }
0x2c: {  	s7 =	sld [smem:$0x3FAF]  }
0x2d: {  	s3 =	simm.s32 $0x108;
	s8 =	sld [smem:$0x3FB0]  }
0x2e: {  	s3 =	simm.s32 @!p0 $0x1082;
	s9 =	sld [smem:$0x3FB1]  }
0x2f: {  	lr =	sadd.s32 s0, s3;
	s0 =	sld [smem:$0x3FA8]  }
0x30: {  	s3 =	sld [smem:$0x3FAB]  }
0x31: {  	[smem:$0x3FB4] =	sst s10  }
0x32: {  	s10 =	sld [smem:$0x3FB2];
	_ =	sdelay $0x3  }
0x33: {  	p0 =	seq.s32 s10, $0x1;
	s10 =	sld [smem:$0x3FB4];
	_ =	sdelay $0x3  }
0x34: {  	[smem:$0x3FB4] =	sst s10  }
0x35: {  	s10 =	sld [smem:$0x3FB3];
	_ =	sdelay $0x3  }
0x36: {  	p1 =	seq.s32 s10, $0x1;
	s10 =	sld [smem:$0x3FB4];
	_ =	sdelay $0x3  }
0x37: {  	[smem:$0x3FB4] =	sst s10  }
0x38: {  	s10 =	sld [smem:$0x3FB5]  }
0x39: {  	_ = 	snop;
	(pc) =	sbr.ind lr, $3  }
0x3a: {  	_ = 	snop  }
0x3b: {  	_ = 	snop  }
0x3c: {  	p2 =	seq.s32 s10, $0x1;
	s10 =	sld [smem:$0x3FB4]  }
0x3d: {  	_ =	shalt  }
0x3e: {  	_ =	shalt  }
0x3f: {  	_ =	shalt  }
0x40: {  	_ =	shalt  }
0x41: {  	_ =	shalt  }
0x42: {  	_ =	shalt  }
0x43: {  	_ =	shalt  }
0x44: {  	_ =	shalt  }
0x45: {  	_ =	shalt  }
0x46: {  	_ =	shalt  }
0x47: {  	_ =	shalt  }
0x48: {  	_ =	shalt  }
0x49: {  	_ =	shalt  }
0x4a: {  	_ =	shalt  }
0x4b: {  	_ =	shalt  }
0x4c: {  	_ =	shalt  }
0x4d: {  	_ =	shalt  }
0x4e: {  	_ =	shalt  }
0x4f: {  	_ =	shalt  }
0x50: {  	_ =	shalt  }
0x51: {  	_ =	shalt  }
0x52: {  	_ =	shalt  }
0x53: {  	_ =	shalt  }
0x54: {  	_ =	shalt  }
0x55: {  	_ =	shalt  }
0x56: {  	_ =	shalt  }
0x57: {  	_ =	shalt  }
0x58: {  	_ =	shalt  }
0x59: {  	_ =	shalt  }
0x5a: {  	_ =	shalt  }
0x5b: {  	_ =	shalt  }
0x5c: {  	_ =	shalt  }
0x5d: {  	_ =	shalt  }
0x5e: {  	_ =	shalt  }
0x5f: {  	_ =	shalt  }
0x60: {  	_ =	shalt  }
0x61: {  	_ =	shalt  }
0x62: {  	_ =	shalt  }
0x63: {  	_ =	shalt  }
0x64: {  	_ =	shalt  }
0x65: {  	_ =	shalt  }
0x66: {  	_ =	shalt  }
0x67: {  	_ =	shalt  }
0x68: {  	_ =	shalt  }
0x69: {  	_ =	shalt  }
0x6a: {  	_ =	shalt  }
0x6b: {  	_ =	shalt  }
0x6c: {  	_ =	shalt  }
0x6d: {  	_ =	shalt  }
0x6e: {  	_ =	shalt  }
0x6f: {  	_ =	shalt  }
0x70: {  	_ =	shalt  }
0x71: {  	_ =	shalt  }
0x72: {  	_ =	shalt  }
0x73: {  	_ =	shalt  }
0x74: {  	_ =	shalt  }
0x75: {  	_ =	shalt  }
0x76: {  	_ =	shalt  }
0x77: {  	_ =	shalt  }
0x78: {  	_ =	shalt  }
0x79: {  	_ =	shalt  }
0x7a: {  	_ =	shalt  }
0x7b: {  	_ =	shalt  }
0x7c: {  	_ =	shalt  }
0x7d: {  	_ =	shalt  }
0x7e: {  	_ =	shalt  }
0x7f: {  	_ =	shalt  }
0x80: {  	_ =	shalt  }
0x81: {  	_ =	shalt  }
0x82: {  	_ =	shalt  }
0x83: {  	_ =	shalt  }
0x84: {  	_ =	shalt  }
0x85: {  	_ =	shalt  }
0x86: {  	_ =	shalt  }
0x87: {  	_ =	shalt  }
.Lfunc_end0:
.L_simem_size_0:
called_computation_lowered:
.L_overlay_start_0:
0x88: {  	s2 =	sld [smem:$0x3FD9]  }
0x89: {  	s3 =	sld [smem:$0x3FFE];
	_ =	sdelay $0x1  }
0x8a: {  	s1 =	srdreg.scid  }
0x8b: {  	s0 =	sand.u32 $0x1, s1  }
0x8c: {  	s17 =	sshll.u32 s0, $0xA;
	s2 =	sadd.s32 s3, s2  }
0x8d: {  	s2 =	sadd.s32 s2, s17  }
0x8e: {  	[smem:$0x3FC0] =	sst s2  }
0x8f: {  	_ = 	snop  }
0x90: {  	s2 =	sld [smem:$0x3FC9]  }
0x91: {  	s18 =	sld [smem:$0x3FC8];
	(tm) =	ssettm $0x1  }
0x92: {  	s4 =	sld [smem:$0x3FFB];
	_ =	sdelay $0x3  }
0x93: {  	_ =	strace s4  }
0x94: {  	s4 =	sld [smem:$0x3FFC];
	_ =	sdelay $0x3  }
0x95: {  	_ =	strace s4  }
0x96: {  	s4 =	sld [smem:$0x3FFD];
	_ =	sdelay $0x3  }
0x97: {  	_ =	strace s4  }
0x98: {  	_ =	strace $0x8FFFFFFF  }
0x99: {  	s19 =	sld [smem:$0x3FDB];
	_ =	sdelay $0x1  }
0x9a: {  	s5 =	simm.s32 $_scs_section_size  }
0x9b: {  	s6 =	simm.s32 $_size__tile_overlayer_lowered;
	s7 =	simm.s32 $_tile_overlayer_lowered  }
0x9c: {  	s22 =	simm.s32 $0x1BFF;
	s21 =	sshll.u32 s7, $0x1;
	s4 =	sadd.s32 s5, s19  }
0x9d: {  	s8 =	simm.s32 $0x0;
	s20 =	sshll.u32 s6, $0x1;
	s6 =	sadd.s32 s21, s4  }
0x9e: {  	[timem:s8], [sflag:s22] =	dma.local [hbm:s6], s20  }
0x9f: {  	_ =	swait.ge [sflag:s22], s20  }
0xa0: {  	s5 =	ssub.s32 $0x0, s20;
	[sflag:s22] =	ssyncset.done $0x0  }
0xa1: {  	[sflag:s22] =	ssyncadd.s32 s5;
	_ =	sdelay $0x1  }
0xa2: {  	s23 =	simm.s32 $0x1B8B  }
0xa3: {  	_ =	swait.ge [sflag:s23], $0x1  }
0xa4: {  	[sflag:s23] =	ssyncset.done $0x0  }
0xa5: {  	s25 =	simm.s32 $0x1B8E;
	s24 =	sld [smem:$0x3FFE];
	[sflag:s23] =	ssyncadd.s32 $0xFFFFFFFF  }
0xa6: {  	s26 =	simm.s32 $execute0_lowered;
	[smem:$0x3FD2] =	sst s25  }
0xa7: {  	s6 =	sshll.u32 s26, $0x1;
	_ =	strace $0x80000046;
	[dreg:$0x1] =	wrdreg $0xFFFFFFFF  }
0xa8: {  	s28 =	simm.s32 $_size_execute0_lowered;
	s4 =	sadd.s32 s4, s6;
	[dreg:$0x0] =	wrdreg $0x0  }
0xa9: {  	s6 =	sshll.u32 s28, $0x1;
	[dreg:$0x2] =	wrdreg s4  }
0xaa: {  	[dreg:$0x3] =	wrdreg s6  }
0xab: {  	[dreg:$0x4] =	wrdreg $0xC0  }
0xac: {  	_ =	task [dreg:s8], $0x5FFFF  }
0xad: {  	[dreg:$0x1] =	wrdreg $0xFFFFFFFF  }
0xae: {  	[dreg:$0x0] =	wrdreg $0x60  }
0xaf: {  	[dreg:$0x2] =	wrdreg s2  }
0xb0: {  	[dreg:$0x3] =	wrdreg s18  }
0xb1: {  	[dreg:$0x4] =	wrdreg s24  }
0xb2: {  	[dreg:$0x5] =	wrdreg $0x8B000  }
0xb3: {  	[dreg:$0x6] =	wrdreg $0x9  }
0xb4: {  	_ =	task.clear_ibuf [dreg:s8], $0x7FFFF;
	_ =	strace $0x90000046  }
0xb5: {  	s29 =	simm.s32 $0x9;
	_ =	strace $0x80000048  }
0xb6: {  	_ =	swait.ge [sflag:s29], $0x1  }
0xb7: {  	[sflag:s29] =	ssyncadd.s32 $0xFFFFFFFF  }
0xb8: {  	_ =	strace $0x90000048  }
0xb9: {  	_ =	sfence  }
0xba: {  	s30 =	sld [smem:$0x0];
	_ =	sdelay $0x2  }
0xbb: {  	s31 =	sshll.u32 s1, $0xD;
	s1 =	sshrl.u32 s1, $0x2  }
0xbc: {  	s3 =	sand.u32 $0x4000, s31;
	s1 =	sadd.s32 s1, s30  }
0xbd: {  	s0 =	sor.u32 s3, s0;
	s1 =	sshll.u32 s1, $0x11  }
0xbe: {  	s0 =	sor.u32 s1, s0  }
0xbf: {  	s0 =	sadd.s32 $0x8F2B, s0  }
0xc0: {  	[sflag:s0] =	ssyncadd.remote.s32 $0x1  }
0xc1: {  	_ =	sfence.sel $0xFFFF  }
0xc2: {  	[dreg:$0x0] =	wrdreg $0xFFFFFFFF;
	(pc) =	sbr.abs _section_cstart, $3  }
0xc3: {  	[dreg:$0x1] =	wrdreg $0xFFFFFFFF  }
0xc4: {  	_ =	task.clear_ibuf [dreg:s8], $0x2FFFF;
	_ =	strace $0x9FFFFFFF  }
0xc5: {  	(tm) =	ssettm $0x7FFFFFFF  }
tec
execute0_lowered:
.L_overlay_start_1:
0x0: {  	(tag) =	ssettag $0x1  }
0x1: {  	s29 =	stileid.u32  }
0x2: {  	p0 =	sgt.s32 s29, $0x3  }
0x3: {  	p2 =	sgt.s32 @p0 s29, $0x5  }
0x4: {  	p1 =	por !p2, !p0  }
0x5: {  	p3 =	seq.s32 @!p1 s29, $0x6  }
0x6: {  	s1 =	rddreg [dreg:$0x0];
	p4 =	por p2, !p0;
	p1 =	por @p0 !p3, !p2  }
0x7: {  	p5 =	sgt.s32 @!p0 s29, $0x1;
	p4 =	seq.s32 @!p4 s29, $0x4;
	s0 =	simm.s32 @!p1 $0x0  }
0x8: {  	p6 =	por @p0 p4, p2;
	s0 =	simm.s32 @p1 $0x1;
	p1 =	por @p0 p3, !p2  }
0x9: {  	p3 =	por p5, p0;
	[smem:$0x7D7] =	sst s0;
	s0 =	simm.s32 @!p1 $0x0  }
0xa: {  	s0 =	simm.s32 @p1 $0x1;
	p1 =	por @p0 !p4, p2;
	s23 =	sld [smem:$0x7D7]  }
0xb: {  	p3 =	seq.s32 @!p3 s29, $0x0;
	[smem:$0x7D8] =	sst s0;
	s0 =	simm.s32 @!p1 $0x0  }
0xc: {  	p2 =	por @!p0 !p3, p5;
	s0 =	simm.s32 @p1 $0x1;
	p1 =	por !p5, p0  }
0xd: {  	p3 =	por @!p0 p3, p5;
	s24 =	sld [smem:$0x7D8];
	p1 =	seq.s32 @!p1 s29, $0x2  }
0xe: {  	p4 =	por @!p0 !p1, !p5;
	p1 =	por @!p0 p1, !p5;
	p5 =	seq.s32 s23, $0x1  }
0xf: {  	s26 =	rddreg [dreg:$0x1];
	p5 =	por p5, !p0  }
0x10: {  	[smem:$0x7D9] =	sst s0;
	s0 =	simm.s32 @!p5 $0x0  }
0x11: {  	s25 =	sld [smem:$0x7D9];
	s0 =	simm.s32 @p5 $0x1;
	p5 =	seq.s32 s24, $0x1  }
0x12: {  	s3 =	rddreg [dreg:$0x2];
	p5 =	por p5, !p0  }
0x13: {  	s4 =	srdreg.scid;
	[smem:$0x7E1] =	sst s0;
	s0 =	simm.s32 @!p5 $0x0  }
0x14: {  	s7 =	smul.u32 $0x13C00, s29;
	s0 =	simm.s32 @p5 $0x1;
	p5 =	seq.s32 s25, $0x1  }
0x15: {  	s6 =	sand.u32 $0x1, s4;
	s16 =	smul.u32 $0x30, s29;
	p5 =	por p5, !p0  }
0x16: {  	s9 =	smin.u32 s29, $0x4;
	[smem:$0x7E2] =	sst s0;
	s0 =	simm.s32 @!p5 $0x0  }
0x17: {  	s10 =	smul.u32 $0x4F000, s29;
	s0 =	simm.s32 @p5 $0x1;
	p5 =	por p6, !p0  }
0x18: {  	s21 =	sadd.s32 $0x10, s26;
	[smem:$0x7E3] =	sst s0;
	s0 =	simm.s32 @!p5 $0x0  }
0x19: {  	s5 =	smul.u32 $0x13C000, s6;
	p4 =	por p4, p0;
	s0 =	simm.s32 @p5 $0x1  }
0x1a: {  	s17 =	ssub.s32 $0x2, s6;
	[smem:$0x7E4] =	sst s0;
	s0 =	simm.s32 @!p4 $0x0  }
0x1b: {  	s18 =	sshrl.u32 s17, $0x1;
	p1 =	por p1, p0;
	s0 =	simm.s32 @p4 $0x1  }
0x1c: {  	p6 =	por p2, p0;
	[smem:$0x7E5] =	sst s0;
	s0 =	simm.s32 @!p1 $0x0  }
0x1d: {  	p2 =	sgt.s32 s29, $0xB;
	p0 =	por p3, p0;
	s0 =	simm.s32 @p1 $0x1  }
0x1e: {  	p4 =	sgt.s32 @p2 s29, $0xD;
	[smem:$0x7E6] =	sst s0;
	s0 =	simm.s32 @!p0 $0x0  }
0x1f: {  	s20 =	sshrl.u32 s10, $0x2;
	s0 =	simm.s32 @p0 $0x1;
	p0 =	por !p4, !p2  }
0x20: {  	s5 =	sadd.s32 s7, s5;
	s7 =	sor.u32 s9, s16;
	p3 =	seq.s32 @!p0 s29, $0xE  }
0x21: {  	s5 =	sshrl.u32 s5, $0x3;
	s19 =	sshll.u32 s7, $0x5;
	p0 =	por @p2 !p3, !p4  }
0x22: {  	s3 =	sadd.s32 s5, s3;
	p1 =	por p4, !p2;
	s2 =	simm.s32 @!p0 $0x0  }
0x23: {  	[smem:$0x7E7] =	sst s0;
	s2 =	simm.s32 @p0 $0x1;
	p0 =	por @p2 p3, !p4  }
0x24: {  	p5 =	seq.s32 @!p1 s29, $0xC;
	[smem:$0x7DA] =	sst s2;
	s2 =	simm.s32 @!p0 $0x0  }
0x25: {  	s2 =	simm.s32 @p0 $0x1;
	p0 =	por @p2 !p5, p4;
	s8 =	sld [smem:$0x7DA]  }
0x26: {  	s22 =	sadd.s32 $0xDE00, s19;
	[smem:$0x7DB] =	sst s2;
	s2 =	simm.s32 @!p0 $0x0  }
0x27: {  	s2 =	simm.s32 @p0 $0x1;
	p0 =	por @p2 p5, p4;
	s11 =	sld [smem:$0x7DB]  }
0x28: {  	p5 =	sgt.s32 @!p2 s29, $0x9;
	[smem:$0x7DC] =	sst s2;
	s2 =	simm.s32 @!p0 $0x0  }
0x29: {  	p1 =	por p5, p2;
	s2 =	simm.s32 @p0 $0x1;
	s12 =	sld [smem:$0x7DC]  }
0x2a: {  	s3 =	sadd.s32 $0x1200, s3;
	p1 =	seq.s32 @!p1 s29, $0x8;
	[smem:$0x7DD] =	sst s2  }
0x2b: {  	p0 =	por !p5, p2;
	s2 =	rddreg [dreg:$0x3];
	p4 =	por @!p2 !p1, p5  }
0x2c: {  	p0 =	seq.s32 @!p0 s29, $0xA;
	p1 =	por @!p2 p1, p5;
	s4 =	simm.s32 @!p4 $0x0  }
0x2d: {  	p3 =	por @!p2 !p0, !p5;
	p0 =	por @!p2 p0, !p5;
	s4 =	simm.s32 @p4 $0x1  }
0x2e: {  	p4 =	seq.s32 s8, $0x1;
	[smem:$0x7DE] =	sst s4;
	s4 =	simm.s32 @!p1 $0x0  }
0x2f: {  	s13 =	sld [smem:$0x7DD];
	s4 =	simm.s32 @p1 $0x1;
	p1 =	por p4, !p2  }
0x30: {  	p5 =	seq.s32 s11, $0x1;
	s14 =	sld [smem:$0x7DE];
	s8 =	simm.s32 @!p1 $0x0  }
0x31: {  	[smem:$0x7DF] =	sst s4;
	s8 =	simm.s32 @p1 $0x1;
	p1 =	por p5, !p2  }
0x32: {  	p4 =	seq.s32 s12, $0x1;
	[smem:$0x7E8] =	sst s8;
	s8 =	simm.s32 @!p1 $0x0  }
0x33: {  	s15 =	sld [smem:$0x7DF];
	s8 =	simm.s32 @p1 $0x1;
	p1 =	por p4, !p2  }
0x34: {  	s4 =	simm.s32 $0x0;
	[smem:$0x7E9] =	sst s8;
	s8 =	simm.s32 @!p1 $0x0  }
0x35: {  	s25 =	smul.u32 $0x600, s29;
	[smem:$0x7FF] =	sst s4;
	s8 =	simm.s32 @p1 $0x1  }
0x36: {  	s23 =	sadd.s32 s26, s22;
	s12 =	smul.u32 $0xD80, s29;
	[smem:$0x7EA] =	sst s8  }
0x37: {  	s24 =	sadd.s32 s22, s21;
	_ =	strace $0x80000047;
	[dreg:$0x6] =	wrdreg s23  }
0x38: {  	s0 =	sadd.s32 s25, s26;
	s10 =	sadd.s32 s12, s21;
	[dreg:$0x7] =	wrdreg s24  }
0x39: {  	s11 =	ssub.s32 s17, s18;
	s5 =	sadd.s32 s20, s2;
	[dreg:$0x8] =	wrdreg s10  }
0x3a: {  	s8 =	sadd.s32 s26, s12;
	s26 =	smax.u32 s11, $0x1;
	[dreg:$0x9] =	wrdreg s3  }
0x3b: {  	s25 =	sadd.s32 $0x4000, s5;
	[dreg:$0xa] =	wrdreg s26  }
0x3c: {  	s28 =	simm.s32 $0x7;
	s30 =	simm.s32 $0x380;
	[dreg:$0x1a] =	wrdreg s25  }
0x3d: {  	s9 =	sshll.u32 s9, $0x5;
	p5 =	seq.s32 s13, $0x1;
	[dreg:$0x5] =	wrdreg s5  }
0x3e: {  	p4 =	por p5, !p2;
	s10 =	sadd.s32 s9, s0;
	s9 =	sld [smem:$0x7E1]  }
0x3f: {  	p5 =	por p3, p2;
	p3 =	seq.s32 s14, $0x1;
	s11 =	sld [smem:$0x7E2]  }
0x40: {  	p1 =	por p3, p2;
	p3 =	seq.s32 s15, $0x1;
	s22 =	sld [smem:$0x7E8]  }
0x41: {  	p0 =	por p0, p2;
	p2 =	por p3, p2;
	s23 =	sld [smem:$0x7E9]  }
0x42: {  	p3 =	sne.s32 s6, $0x0;
	s26 =	sadd.s32 $0x8000, s5;
	s24 =	sld [smem:$0x7EA]  }
0x43: {  	s6 =	simm.s32 @!p3 $0x0;
	s25 =	sadd.s32 $0x4F00, s1;
	[dreg:$0x1b] =	wrdreg s26  }
0x44: {  	s31 =	simm.s32 $0x400;
	s6 =	simm.s32 @p3 $0x1;
	[smem:$0x7FC] =	sst s25  }
0x45: {  	s7 =	sadd.s32 $0x128400, s2;
	s26 =	sadd.s32 $0x2780, s1;
	[smem:$0x7E0] =	sst s6  }
0x46: {  	s18 =	sadd.s32 $0x76800, s2;
	[smem:$0x7FD] =	sst s26;
	p3 =	seq.s32 s9, $0x1  }
0x47: {  	s16 =	sadd.s32 $0xC5800, s2;
	s3 =	sshrl.u32 @!p3 s18, $0x3;
	s18 =	sld [smem:$0x7E4]  }
0x48: {  	s17 =	sadd.s32 $0x8A400, s2;
	p3 =	seq.s32 s11, $0x1;
	[dreg:$0xb] =	wrdreg s3  }
0x49: {  	s9 =	sadd.s32 $0x40, s8;
	s3 =	sshrl.u32 @!p3 s17, $0x3;
	s17 =	sld [smem:$0x7E3]  }
0x4a: {  	s19 =	sadd.s32 $0x62C00, s2;
	[smem:$0x7ED] =	sst s9;
	s11 =	sadd.s32 $0x50, s8  }
0x4b: {  	s20 =	sadd.s32 $0x4F000, s2;
	s13 =	sadd.s32 $0x114800, s2;
	[smem:$0x7EE] =	sst s11  }
0x4c: {  	s21 =	sadd.s32 $0x3B400, s2;
	[dreg:$0xc] =	wrdreg s3;
	p3 =	seq.s32 s17, $0x1  }
0x4d: {  	s17 =	sadd.s32 $0x18B00, s1;
	s3 =	sshrl.u32 @!p3 s20, $0x3;
	s20 =	sld [smem:$0x7E6]  }
0x4e: {  	s14 =	sadd.s32 $0xED000, s2;
	s15 =	sadd.s32 $0xD9400, s2;
	[smem:$0x7F4] =	sst s17  }
0x4f: {  	s12 =	sadd.s32 $0x100C00, s2;
	p3 =	seq.s32 s18, $0x1;
	[dreg:$0xd] =	wrdreg s3  }
0x50: {  	s0 =	sadd.s32 $0x27800, s2;
	s3 =	sshrl.u32 @!p3 s19, $0x3;
	s19 =	sld [smem:$0x7E5]  }
0x51: {  	s18 =	sadd.s32 $0x16380, s1;
	[dreg:$0xe] =	wrdreg s3;
	s3 =	sadd.s32 $0x9E000, s2  }
0x52: {  	s25 =	simm.s32 $0x4B00;
	[smem:$0x7F5] =	sst s18;
	s3 =	sshrl.u32 @!p1 s3, $0x3  }
0x53: {  	s6 =	sadd.s32 $0x13C00, s2;
	[dreg:$0x18] =	wrdreg s3;
	s3 =	sadd.s32 $0xC000, s5  }
0x54: {  	p3 =	seq.s32 s19, $0x1;
	s5 =	sadd.s32 $0x10000, s5;
	[dreg:$0x1c] =	wrdreg s3  }
0x55: {  	s26 =	simm.s32 $0x4;
	s0 =	sshrl.u32 @!p3 s0, $0x3;
	[dreg:$0x1d] =	wrdreg s5  }
0x56: {  	s9 =	simm.s32 $0x300;
	p3 =	seq.s32 s20, $0x1;
	[dreg:$0xf] =	wrdreg s0  }
0x57: {  	s19 =	sadd.s32 $0x13C00, s1;
	s0 =	sshrl.u32 @!p3 s21, $0x3;
	s21 =	sld [smem:$0x7E7]  }
0x58: {  	s17 =	simm.s32 $0x180;
	[smem:$0x7F6] =	sst s19;
	s20 =	sadd.s32 $0x11480, s1  }
0x59: {  	s18 =	simm.s32 $0x80;
	s19 =	simm.s32 $0x200;
	[smem:$0x7F7] =	sst s20  }
0x5a: {  	[dreg:$0x10] =	wrdreg s0;
	p3 =	seq.s32 s21, $0x1;
	s21 =	sadd.s32 $0xED00, s1  }
0x5b: {  	s3 =	simm.s32 $0x480;
	s0 =	sshrl.u32 @!p3 s6, $0x3;
	[smem:$0x7F8] =	sst s21  }
0x5c: {  	s20 =	simm.s32 $0x100;
	s6 =	sshrl.u32 @!p0 s15, $0x3;
	[dreg:$0x11] =	wrdreg s0  }
0x5d: {  	p3 =	seq.s32 s22, $0x1;
	s15 =	sadd.s32 $0x1DA00, s1;
	[dreg:$0x17] =	wrdreg s6  }
0x5e: {  	s22 =	sadd.s32 $0xC580, s1;
	s21 =	simm.s32 $0x280;
	[smem:$0x7F2] =	sst s15  }
0x5f: {  	s0 =	sshrl.u32 @!p3 s13, $0x3;
	p3 =	seq.s32 s23, $0x1;
	[smem:$0x7F9] =	sst s22  }
0x60: {  	s6 =	sadd.s32 $0x20, s8;
	s13 =	sadd.s32 $0x22900, s1;
	[dreg:$0x12] =	wrdreg s0  }
0x61: {  	s23 =	sadd.s32 $0x9E00, s1;
	s22 =	simm.s32 $0x1;
	[dreg:$0x1e] =	wrdreg s6  }
0x62: {  	s15 =	simm.s32 $0x3;
	s0 =	sshrl.u32 @!p3 s7, $0x3;
	[smem:$0x7F0] =	sst s13  }
0x63: {  	p3 =	seq.s32 s24, $0x1;
	s7 =	sadd.s32 $0x30, s8;
	[smem:$0x7FA] =	sst s23  }
0x64: {  	s24 =	sadd.s32 $0x7680, s1;
	s23 =	simm.s32 $0xB00;
	[dreg:$0x13] =	wrdreg s0  }
0x65: {  	s6 =	simm.s32 $0x500;
	s13 =	simm.s32 $0x600;
	[dreg:$0x1f] =	wrdreg s7  }
0x66: {  	s0 =	sshrl.u32 @!p3 s14, $0x3;
	p3 =	sgt.s32 s29, $0x7;
	[smem:$0x7FB] =	sst s24  }
0x67: {  	s14 =	sadd.s32 $0x20180, s1;
	[dreg:$0x14] =	wrdreg s0;
	s0 =	sshrl.u32 @!p4 s12, $0x3  }
0x68: {  	s24 =	simm.s32 $0x2;
	[dreg:$0x15] =	wrdreg s0;
	s0 =	sshrl.u32 @!p5 s16, $0x3  }
0x69: {  	s7 =	simm.s32 $0x580;
	[dreg:$0x16] =	wrdreg s0;
	s0 =	sadd.s32 $0xB1C00, s2  }
0x6a: {  	s12 =	sadd.s32 $0x25080, s1;
	[smem:$0x7F1] =	sst s14;
	s0 =	sshrl.u32 @!p2 s0, $0x3  }
.Ltmp0:
0x6b: {  	[dreg:$0x19] =	wrdreg s0;
	s0 =	simm.s32 @!p3 $0x0;
	(pc) =	sbr.rel .LBB2_1-.Ltmp0, $4  }
0x6c: {  	[smem:$0x7EF] =	sst s12;
	s0 =	simm.s32 @p3 $0x1;
	p3 =	sgt.u32 s29, $0x3  }
0x6d: {  	s16 =	sadd.s32 $0x1B280, s1;
	[smem:$0x7EB] =	sst s0;
	s0 =	simm.s32 @!p3 $0x0  }
0x6e: {  	s14 =	simm.s32 $0x680;
	[smem:$0x7F3] =	sst s16;
	s0 =	simm.s32 @p3 $0x1  }
0x6f: {  	v0 =	vimm.f32 $0.0e+00;
	s12 =	simm.s32 $0x0;
	s16 =	simm.s32 $0x5;
	[smem:$0x7EC] =	sst s0  }
.LBB2_14:
0x70: {  	_ =	swait.ge [sflag:s16], $0x4000  }
0x71: {  	[sflag:s16] =	ssyncset.done $0x0  }
0x72: {  	s29 =	stileid.u32;
	[sflag:s16] =	ssyncadd.s32 $0xFFFFC000  }
0x73: {  	[spmem:s2] =	stream.indirect.scatter.add.f32 [tilespmem:s25], [sflag:$0x7], $0x80, s21, s18, $0xb8;
	[tilespmem:$0x1C700] =	vst v63  }
.LBB2_15:
0x74: {  	_ =	swait.ge [sflag:s28], $0x4000  }
0x75: {  	[sflag:s28] =	ssyncset.done $0x0  }
0x76: {  	s12 =	sld [smem:$0x7D6];
	[sflag:s28] =	ssyncadd.s32 $0xFFFFC000  }
.LBB2_16:
0x77: {  	[bflag:$0x0] =	sbarrier.arrive $0xFFFF  }
0x78: {  	s0 =	sshll.u32 s29, $0x6;
	s5 =	rddreg [dreg:$0x5]  }
0x79: {  	s0 =	sor.u32 $0x1C07, s0;
	s11 =	rddreg [dreg:$0x9];
	s5 =	sshrl.u32 s5, $0x3  }
0x7a: {  	[hbm:s11], [sflag:s0] =	dma.local [spmem:s5], $0x2780  }
0x7b: {  	_ =	swait.ge [sflag:s28], $0x2780  }
0x7c: {  	s12 =	sadd.s32 $0x1, s12;
	s11 =	rddreg [dreg:$0xa]  }
0x7d: {  	p3 =	sne.s32 s12, s11  }
.Ltmp1:
0x7e: {  	_ = 	snop;
	(pc) =	sbr.rel @!p3 .LBB2_17-.Ltmp1, $3  }
0x7f: {  	_ =	sdelay $0x1  }
0x80: {  	[sflag:s28] =	ssyncset.done $0x0  }
0x81: {  	[sflag:s28] =	ssyncadd.s32 $0xFFFFD880  }
.LBB2_1:
0x82: {  	s0 =	sld [smem:$0x7E0];
	_ =	sdelay $0x2  }
0x83: {  	p3 =	seq.s32 s0, $0x1  }
.Ltmp2:
0x84: {  	_ = 	snop;
	(pc) =	sbr.rel @p3 .LBB2_8-.Ltmp2, $2  }
0x85: {  	_ =	sdelay $0x2  }
0x86: {  	[smem:$0x7D6] =	sst s12  }
0x87: {  	[tilespmem:s4], [sflag:$0x1] =	stream.linear.gather [hbm4b:s8+s4], $0x80, $0x38;
	[tilespmem:$0x1C700] =	vst v63  }
0x88: {  	s0 =	rddreg [dreg:$0x8]  }
0x89: {  	[tilespmem:s17], [sflag:$0x1] =	stream.linear.gather [hbm4b:s0+s4], $0x80, $0x38;
	[tilespmem:$0x1C700] =	vst v63  }
0x8a: {  	s29 =	rddreg [dreg:$0x1e]  }
0x8b: {  	[tilespmem:s18], [sflag:$0x2] =	stream.linear.gather [hbm4b:s29+s4], $0x80, $0x38;
	[tilespmem:$0x1C700] =	vst v63  }
0x8c: {  	s29 =	sld [smem:$0x7EB]  }
0x8d: {  	s5 =	rddreg [dreg:$0x1f]  }
0x8e: {  	[tilespmem:s19], [sflag:$0x2] =	stream.linear.gather [hbm4b:s5+s4], $0x80, $0x38;
	[tilespmem:$0x1C700] =	vst v63  }
0x8f: {  	s11 =	sld [smem:$0x7ED];
	p3 =	seq.s32 s29, $0x1  }
.Ltmp3:
0x90: {  	_ = 	snop;
	(pc) =	sbr.rel @p3 .LBB2_4-.Ltmp3, $4  }
0x91: {  	s12 =	sld [smem:$0x7EE]  }
0x92: {  	[tilespmem:s20], [sflag:$0x3] =	stream.linear.gather [hbm4b:s11+s4], $0x80, $0x38;
	[tilespmem:$0x1C700] =	vst v63  }
0x93: {  	_ = 	snop  }
0x94: {  	[tilespmem:s21], [sflag:$0x3] =	stream.linear.gather [hbm4b:s12+s4], $0x80, $0x38;
	[tilespmem:$0x1C700] =	vst v63  }
0x95: {  	s0 =	sld [smem:$0x7E1];
	_ =	sdelay $0x1  }
0x96: {  	s5 =	sld [smem:$0x7F8]  }
0x97: {  	p3 =	seq.s32 s0, $0x1  }
0x98: {  	s0 =	rddreg [dreg:$0xb];
	s11 =	simm.s32 @!p3 $0x1D86  }
0x99: {  	[spmem:s0], [sflag:s11] =	dma.local @!p3 [hbm:s5], $0x2780  }
0x9a: {  	s11 =	simm.s32 @!p3 $0x6  }
0x9b: {  	_ =	swait.ge @!p3 [sflag:s11], $0x2780  }
0x9c: {  	s12 =	sld [smem:$0x7E2];
	_ =	sdelay $0x1  }
0x9d: {  	[sflag:s11] =	ssyncset.done @!p3 $0x0;
	s5 =	sld [smem:$0x7F7]  }
0x9e: {  	[sflag:s11] =	ssyncadd.s32 @!p3 $0xFFFFD880;
	p3 =	seq.s32 s12, $0x1  }
0x9f: {  	s0 =	rddreg [dreg:$0xc];
	s11 =	simm.s32 @!p3 $0x1DC6  }
0xa0: {  	[spmem:s0], [sflag:s11] =	dma.local @!p3 [hbm:s5], $0x2780  }
0xa1: {  	s11 =	simm.s32 @!p3 $0x6  }
0xa2: {  	_ =	swait.ge @!p3 [sflag:s11], $0x2780  }
0xa3: {  	s29 =	sld [smem:$0x7E3];
	_ =	sdelay $0x1  }
0xa4: {  	[sflag:s11] =	ssyncset.done @!p3 $0x0;
	s5 =	sld [smem:$0x7FA]  }
0xa5: {  	[sflag:s11] =	ssyncadd.s32 @!p3 $0xFFFFD880;
	p3 =	seq.s32 s29, $0x1  }
0xa6: {  	s0 =	rddreg [dreg:$0xd];
	s11 =	simm.s32 @!p3 $0x1D06  }
0xa7: {  	[spmem:s0], [sflag:s11] =	dma.local @!p3 [hbm:s5], $0x2780  }
0xa8: {  	s11 =	simm.s32 @!p3 $0x6  }
0xa9: {  	_ =	swait.ge @!p3 [sflag:s11], $0x2780  }
0xaa: {  	s5 =	sld [smem:$0x7E4];
	_ =	sdelay $0x1  }
0xab: {  	[sflag:s11] =	ssyncset.done @!p3 $0x0  }
0xac: {  	[sflag:s11] =	ssyncadd.s32 @!p3 $0xFFFFD880;
	p3 =	seq.s32 s5, $0x1;
	s5 =	sld [smem:$0x7F9]  }
0xad: {  	_ = 	snop  }
0xae: {  	s0 =	rddreg [dreg:$0xe];
	s11 =	simm.s32 @!p3 $0x1D46  }
0xaf: {  	[spmem:s0], [sflag:s11] =	dma.local @!p3 [hbm:s5], $0x2780  }
0xb0: {  	s11 =	simm.s32 @!p3 $0x6  }
0xb1: {  	_ =	swait.ge @!p3 [sflag:s11], $0x2780  }
0xb2: {  	[sflag:s11] =	ssyncset.done @!p3 $0x0  }
0xb3: {  	[sflag:s11] =	ssyncadd.s32 @!p3 $0xFFFFD880;
	s11 =	sld [smem:$0x7E5];
	_ =	sdelay $0x1  }
0xb4: {  	s5 =	sld [smem:$0x7FC]  }
0xb5: {  	p3 =	seq.s32 s11, $0x1  }
0xb6: {  	s0 =	rddreg [dreg:$0xf];
	s11 =	simm.s32 @!p3 $0x1C86  }
0xb7: {  	[spmem:s0], [sflag:s11] =	dma.local @!p3 [hbm:s5], $0x2780  }
0xb8: {  	s11 =	simm.s32 @!p3 $0x6  }
0xb9: {  	_ =	swait.ge @!p3 [sflag:s11], $0x2780  }
0xba: {  	s12 =	sld [smem:$0x7E6];
	_ =	sdelay $0x1  }
0xbb: {  	[sflag:s11] =	ssyncset.done @!p3 $0x0;
	s5 =	sld [smem:$0x7FB]  }
0xbc: {  	[sflag:s11] =	ssyncadd.s32 @!p3 $0xFFFFD880;
	p3 =	seq.s32 s12, $0x1  }
0xbd: {  	s0 =	rddreg [dreg:$0x10];
	s11 =	simm.s32 @!p3 $0x1CC6  }
0xbe: {  	[spmem:s0], [sflag:s11] =	dma.local @!p3 [hbm:s5], $0x2780  }
0xbf: {  	s11 =	simm.s32 @!p3 $0x6  }
0xc0: {  	_ =	swait.ge @!p3 [sflag:s11], $0x2780  }
0xc1: {  	[sflag:s11] =	ssyncset.done @!p3 $0x0  }
0xc2: {  	s12 =	simm.s32 @!p6 $0x1C06;
	[sflag:s11] =	ssyncadd.s32 @!p3 $0xFFFFD880;
	s11 =	sshrl.u32 @!p6 s2, $0x3  }
0xc3: {  	[spmem:s11], [sflag:s12] =	dma.local @!p6 [hbm:s1], $0x2780  }
0xc4: {  	s11 =	simm.s32 @!p6 $0x6  }
0xc5: {  	_ =	swait.ge @!p6 [sflag:s11], $0x2780  }
0xc6: {  	s29 =	sld [smem:$0x7E7];
	_ =	sdelay $0x1  }
0xc7: {  	s5 =	sld [smem:$0x7FD]  }
0xc8: {  	[sflag:s11] =	ssyncset.done @!p6 $0x0;
	p3 =	seq.s32 s29, $0x1  }
0xc9: {  	s0 =	rddreg [dreg:$0x11];
	[sflag:s11] =	ssyncadd.s32 @!p6 $0xFFFFD880;
	s11 =	simm.s32 @!p3 $0x1C46  }
0xca: {  	[spmem:s0], [sflag:s11] =	dma.local @!p3 [hbm:s5], $0x2780  }
.Ltmp4:
0xcb: {  	_ = 	snop;
	(pc) =	sbr.rel .LBB2_5-.Ltmp4, $4  }
0xcc: {  	s11 =	simm.s32 @!p3 $0x6  }
0xcd: {  	_ =	swait.ge @!p3 [sflag:s11], $0x2780  }
0xce: {  	[sflag:s11] =	ssyncset.done @!p3 $0x0  }
0xcf: {  	[sflag:s11] =	ssyncadd.s32 @!p3 $0xFFFFD880  }
.LBB2_8:
0xd0: {  	s11 =	sshra.s32 s4, $0x2;
	s12 =	sadd.s32 $0x200, s4  }
.LBB2_9:
0xd1: {  	p3 =	sne.s32 s12, $0xFE00;
	[tilespmem:s11+$0x4B70] =	vst v0  }
0xd2: {  	[tilespmem:s11+$0x4B00] =	vst v0  }
0xd3: {  	[tilespmem:s11+$0x4B10] =	vst v0  }
.Ltmp5:
0xd4: {  	[tilespmem:s11+$0x4B20] =	vst v0;
	(pc) =	sbr.rel @p3 .LBB2_9-.Ltmp5, $4  }
0xd5: {  	[tilespmem:s11+$0x4B30] =	vst v0  }
0xd6: {  	[tilespmem:s11+$0x4B40] =	vst v0  }
0xd7: {  	[tilespmem:s11+$0x4B50] =	vst v0  }
0xd8: {  	[tilespmem:s11+$0x4B60] =	vst v0;
	s11 =	sshra.s32 s12, $0x2;
	s12 =	sadd.s32 $0x200, s12  }
0xd9: {  	[tilespmem:s11+$0x4B70] =	vst v0  }
0xda: {  	[tilespmem:s11+$0x4B00] =	vst v0  }
0xdb: {  	[tilespmem:s11+$0x4B10] =	vst v0  }
0xdc: {  	[tilespmem:s11+$0x4B20] =	vst v0  }
0xdd: {  	[tilespmem:s11+$0x4B30] =	vst v0  }
0xde: {  	[tilespmem:s11+$0x4B40] =	vst v0  }
0xdf: {  	[tilespmem:s11+$0x4B50] =	vst v0  }
0xe0: {  	[tilespmem:s11+$0x4B60] =	vst v0;
	s0 =	rddreg [dreg:$0x5]  }
0xe1: {  	[spmem:s0] =	stream.linear.scatter [tilespmem:s25], [sflag:$0x7], $0x4000, $0x38;
	[tilespmem:$0x1C700] =	vst v63  }
0xe2: {  	_ =	swait.ge [sflag:s28], $0x4000  }
0xe3: {  	[sflag:s28] =	ssyncset.done $0x0  }
0xe4: {  	s12 =	rddreg [dreg:$0x1a];
	[sflag:s28] =	ssyncadd.s32 $0xFFFFC000  }
0xe5: {  	[spmem:s12] =	stream.linear.scatter [tilespmem:s25], [sflag:$0x7], $0x4000, $0x38;
	[tilespmem:$0x1C700] =	vst v63  }
0xe6: {  	_ =	swait.ge [sflag:s28], $0x4000  }
0xe7: {  	[sflag:s28] =	ssyncset.done $0x0  }
0xe8: {  	s5 =	rddreg [dreg:$0x1b];
	[sflag:s28] =	ssyncadd.s32 $0xFFFFC000  }
0xe9: {  	[spmem:s5] =	stream.linear.scatter [tilespmem:s25], [sflag:$0x7], $0x4000, $0x38;
	[tilespmem:$0x1C700] =	vst v63  }
0xea: {  	_ =	swait.ge [sflag:s28], $0x4000  }
0xeb: {  	[sflag:s28] =	ssyncset.done $0x0  }
0xec: {  	s11 =	rddreg [dreg:$0x1c];
	[sflag:s28] =	ssyncadd.s32 $0xFFFFC000  }
0xed: {  	[spmem:s11] =	stream.linear.scatter [tilespmem:s25], [sflag:$0x7], $0x4000, $0x38;
	[tilespmem:$0x1C700] =	vst v63  }
0xee: {  	_ =	swait.ge [sflag:s28], $0x4000  }
0xef: {  	[sflag:s28] =	ssyncset.done $0x0  }
0xf0: {  	s12 =	rddreg [dreg:$0x1d];
	[sflag:s28] =	ssyncadd.s32 $0xFFFFC000  }
0xf1: {  	[spmem:s12] =	stream.linear.scatter [tilespmem:s25], [sflag:$0x7], $0x3C00, $0x38;
	[tilespmem:$0x1C700] =	vst v63  }
0xf2: {  	_ =	swait.ge [sflag:s28], $0x3C00  }
0xf3: {  	[sflag:s28] =	ssyncset.done $0x0  }
0xf4: {  	[sflag:s28] =	ssyncadd.s32 $0xFFFFC400  }
0xf5: {  	s11 =	simm.s32 $0xFFFFFA00;
	s12 =	simm.s32 $0x700;
	[bflag:$0x0] =	sbarrier.arrive $0xFFFF  }
.LBB2_11:
0xf6: {  	s0 =	sadd.s32 s11, s10  }
0xf7: {  	s5 =	sadd.s32 $0xDE00, s0  }
0xf8: {  	[tilespmem:s9], [sflag:$0x7] =	stream.strided.gather [hbm4b:s5+s18], $0x400, s20, s18, $0x38;
	[tilespmem:$0x1C700] =	vst v63  }
0xf9: {  	_ =	swait.ge [sflag:s28], $0x400  }
0xfa: {  	[sflag:s28] =	ssyncset.done $0x0  }
0xfb: {  	s0 =	sadd.s32 $0xDE10, s0;
	[sflag:s28] =	ssyncadd.s32 $0xFFFFFC00  }
0xfc: {  	[tilespmem:s12], [sflag:$0x7] =	stream.strided.gather [hbm4b:s0+s18], $0x400, s20, s18, $0x38;
	[tilespmem:$0x1C700] =	vst v63  }
0xfd: {  	_ =	swait.ge [sflag:s28], $0x400  }
0xfe: {  	[sflag:s28] =	ssyncset.done $0x0  }
0xff: {  	[sflag:s28] =	ssyncadd.s32 $0xFFFFFC00  }
0x100: {  	v1 =	vld [tilespmem:$0x700]  }
0x101: {  	v2 =	vld [tilespmem:$0x710]  }
0x102: {  	v3 =	vld [tilespmem:$0x720]  }
0x103: {  	v4 =	vld [tilespmem:$0x730]  }
0x104: {  	v5 =	vld [tilespmem:$0x740]  }
0x105: {  	[tilespmem:$0x180] =	vst v1;
	v1 =	vld [tilespmem:$0x750]  }
0x106: {  	[tilespmem:$0x190] =	vst v2;
	v2 =	vld [tilespmem:$0x760]  }
0x107: {  	[tilespmem:$0x1A0] =	vst v3;
	v3 =	vld [tilespmem:$0x770]  }
0x108: {  	[tilespmem:$0x1B0] =	vst v4  }
0x109: {  	[tilespmem:$0x1C0] =	vst v5  }
0x10a: {  	[tilespmem:$0x1D0] =	vst v1  }
0x10b: {  	[tilespmem:$0x1E0] =	vst v2  }
0x10c: {  	[tilespmem:$0x1F0] =	vst v3  }
0x10d: {  	[tilespmem:s23], [sflag:$0x4] =	stream.indirect.gather [hbm4b:s1+s18], $0x80, s9, s18, $0xb8;
	[tilespmem:$0x1C700] =	vst v63  }
0x10e: {  	_ =	swait.ge [sflag:s26], $0x4000  }
0x10f: {  	[sflag:s26] =	ssyncset.done $0x0  }
0x110: {  	[sflag:s26] =	ssyncadd.s32 $0xFFFFC000  }
0x111: {  	[spmem:s2] =	stream.indirect.scatter.add.f32 [tilespmem:s23], [sflag:$0x7], $0x80, s17, s18, $0xb8;
	[tilespmem:$0x1C700] =	vst v63  }
0x112: {  	_ =	swait.ge [sflag:s28], $0x4000  }
0x113: {  	[sflag:s28] =	ssyncset.done $0x0  }
0x114: {  	[sflag:s28] =	ssyncadd.s32 $0xFFFFC000  }
0x115: {  	v1 =	vld [tilespmem:$0x780]  }
0x116: {  	v2 =	vld [tilespmem:$0x790]  }
0x117: {  	v3 =	vld [tilespmem:$0x7A0]  }
0x118: {  	v50 =	vld [tilespmem:$0x7B0]  }
0x119: {  	v51 =	vld [tilespmem:$0x7C0]  }
0x11a: {  	[tilespmem:$0x180] =	vst v1;
	v1 =	vld [tilespmem:$0x7D0]  }
0x11b: {  	[tilespmem:$0x190] =	vst v2;
	v2 =	vld [tilespmem:$0x7E0]  }
0x11c: {  	[tilespmem:$0x1A0] =	vst v3;
	v3 =	vld [tilespmem:$0x7F0]  }
0x11d: {  	[tilespmem:$0x1B0] =	vst v50  }
0x11e: {  	[tilespmem:$0x1C0] =	vst v51  }
0x11f: {  	[tilespmem:$0x1D0] =	vst v1  }
0x120: {  	[tilespmem:$0x1E0] =	vst v2  }
0x121: {  	[tilespmem:$0x1F0] =	vst v3  }
0x122: {  	[tilespmem:s23], [sflag:$0x4] =	stream.indirect.gather [hbm4b:s1+s18], $0x80, s30, s18, $0xb8;
	[tilespmem:$0x1C700] =	vst v63  }
0x123: {  	_ =	swait.ge [sflag:s26], $0x4000  }
0x124: {  	[sflag:s26] =	ssyncset.done $0x0  }
0x125: {  	[sflag:s26] =	ssyncadd.s32 $0xFFFFC000  }
0x126: {  	[spmem:s2] =	stream.indirect.scatter.add.f32 [tilespmem:s23], [sflag:$0x7], $0x80, s17, s18, $0xb8;
	[tilespmem:$0x1C700] =	vst v63  }
0x127: {  	_ =	swait.ge [sflag:s28], $0x4000  }
0x128: {  	[sflag:s28] =	ssyncset.done $0x0  }
0x129: {  	[sflag:s28] =	ssyncadd.s32 $0xFFFFC000  }
0x12a: {  	v1 =	vld [tilespmem:$0x800]  }
0x12b: {  	v2 =	vld [tilespmem:$0x810]  }
0x12c: {  	v3 =	vld [tilespmem:$0x820]  }
0x12d: {  	v52 =	vld [tilespmem:$0x830]  }
0x12e: {  	v53 =	vld [tilespmem:$0x840]  }
0x12f: {  	[tilespmem:$0x180] =	vst v1;
	v1 =	vld [tilespmem:$0x850]  }
0x130: {  	[tilespmem:$0x190] =	vst v2;
	v2 =	vld [tilespmem:$0x860]  }
0x131: {  	[tilespmem:$0x1A0] =	vst v3;
	v3 =	vld [tilespmem:$0x870]  }
0x132: {  	[tilespmem:$0x1B0] =	vst v52  }
0x133: {  	[tilespmem:$0x1C0] =	vst v53  }
0x134: {  	[tilespmem:$0x1D0] =	vst v1  }
0x135: {  	[tilespmem:$0x1E0] =	vst v2  }
0x136: {  	[tilespmem:$0x1F0] =	vst v3  }
0x137: {  	[tilespmem:s23], [sflag:$0x4] =	stream.indirect.gather [hbm4b:s1+s18], $0x80, s31, s18, $0xb8;
	[tilespmem:$0x1C700] =	vst v63  }
0x138: {  	_ =	swait.ge [sflag:s26], $0x4000  }
0x139: {  	[sflag:s26] =	ssyncset.done $0x0  }
0x13a: {  	[sflag:s26] =	ssyncadd.s32 $0xFFFFC000  }
0x13b: {  	[spmem:s2] =	stream.indirect.scatter.add.f32 [tilespmem:s23], [sflag:$0x7], $0x80, s17, s18, $0xb8;
	[tilespmem:$0x1C700] =	vst v63  }
0x13c: {  	_ =	swait.ge [sflag:s28], $0x4000  }
0x13d: {  	[sflag:s28] =	ssyncset.done $0x0  }
0x13e: {  	[sflag:s28] =	ssyncadd.s32 $0xFFFFC000  }
0x13f: {  	v1 =	vld [tilespmem:$0x880]  }
0x140: {  	v2 =	vld [tilespmem:$0x890]  }
0x141: {  	v3 =	vld [tilespmem:$0x8A0]  }
0x142: {  	v54 =	vld [tilespmem:$0x8B0]  }
0x143: {  	v55 =	vld [tilespmem:$0x8C0]  }
0x144: {  	[tilespmem:$0x180] =	vst v1;
	v1 =	vld [tilespmem:$0x8D0]  }
0x145: {  	[tilespmem:$0x190] =	vst v2;
	v2 =	vld [tilespmem:$0x8E0]  }
0x146: {  	[tilespmem:$0x1A0] =	vst v3;
	v3 =	vld [tilespmem:$0x8F0]  }
0x147: {  	[tilespmem:$0x1B0] =	vst v54  }
0x148: {  	[tilespmem:$0x1C0] =	vst v55  }
0x149: {  	[tilespmem:$0x1D0] =	vst v1  }
0x14a: {  	[tilespmem:$0x1E0] =	vst v2  }
0x14b: {  	[tilespmem:$0x1F0] =	vst v3  }
0x14c: {  	[tilespmem:s23], [sflag:$0x4] =	stream.indirect.gather [hbm4b:s1+s18], $0x80, s3, s18, $0xb8;
	[tilespmem:$0x1C700] =	vst v63  }
0x14d: {  	_ =	swait.ge [sflag:s26], $0x4000  }
0x14e: {  	[sflag:s26] =	ssyncset.done $0x0  }
0x14f: {  	[sflag:s26] =	ssyncadd.s32 $0xFFFFC000  }
0x150: {  	[spmem:s2] =	stream.indirect.scatter.add.f32 [tilespmem:s23], [sflag:$0x7], $0x80, s17, s18, $0xb8;
	[tilespmem:$0x1C700] =	vst v63  }
0x151: {  	_ =	swait.ge [sflag:s28], $0x4000  }
0x152: {  	[sflag:s28] =	ssyncset.done $0x0  }
0x153: {  	[sflag:s28] =	ssyncadd.s32 $0xFFFFC000  }
0x154: {  	v1 =	vld [tilespmem:$0x900]  }
0x155: {  	v2 =	vld [tilespmem:$0x910]  }
0x156: {  	v3 =	vld [tilespmem:$0x920]  }
0x157: {  	v56 =	vld [tilespmem:$0x930]  }
0x158: {  	v57 =	vld [tilespmem:$0x940]  }
0x159: {  	[tilespmem:$0x180] =	vst v1;
	v1 =	vld [tilespmem:$0x950]  }
0x15a: {  	[tilespmem:$0x190] =	vst v2;
	v2 =	vld [tilespmem:$0x960]  }
0x15b: {  	[tilespmem:$0x1A0] =	vst v3;
	v3 =	vld [tilespmem:$0x970]  }
0x15c: {  	[tilespmem:$0x1B0] =	vst v56  }
0x15d: {  	[tilespmem:$0x1C0] =	vst v57  }
0x15e: {  	[tilespmem:$0x1D0] =	vst v1  }
0x15f: {  	[tilespmem:$0x1E0] =	vst v2  }
0x160: {  	[tilespmem:$0x1F0] =	vst v3  }
0x161: {  	[tilespmem:s23], [sflag:$0x4] =	stream.indirect.gather [hbm4b:s1+s18], $0x80, s6, s18, $0xb8;
	[tilespmem:$0x1C700] =	vst v63  }
0x162: {  	_ =	swait.ge [sflag:s26], $0x4000  }
0x163: {  	[sflag:s26] =	ssyncset.done $0x0  }
0x164: {  	[sflag:s26] =	ssyncadd.s32 $0xFFFFC000  }
0x165: {  	[spmem:s2] =	stream.indirect.scatter.add.f32 [tilespmem:s23], [sflag:$0x7], $0x80, s17, s18, $0xb8;
	[tilespmem:$0x1C700] =	vst v63  }
0x166: {  	_ =	swait.ge [sflag:s28], $0x4000  }
0x167: {  	[sflag:s28] =	ssyncset.done $0x0  }
0x168: {  	[sflag:s28] =	ssyncadd.s32 $0xFFFFC000  }
0x169: {  	v1 =	vld [tilespmem:$0x980]  }
0x16a: {  	v2 =	vld [tilespmem:$0x990]  }
0x16b: {  	v3 =	vld [tilespmem:$0x9A0]  }
0x16c: {  	v58 =	vld [tilespmem:$0x9B0]  }
0x16d: {  	v59 =	vld [tilespmem:$0x9C0]  }
0x16e: {  	[tilespmem:$0x180] =	vst v1;
	v1 =	vld [tilespmem:$0x9D0]  }
0x16f: {  	[tilespmem:$0x190] =	vst v2;
	v2 =	vld [tilespmem:$0x9E0]  }
0x170: {  	[tilespmem:$0x1A0] =	vst v3;
	v3 =	vld [tilespmem:$0x9F0]  }
0x171: {  	[tilespmem:$0x1B0] =	vst v58  }
0x172: {  	[tilespmem:$0x1C0] =	vst v59  }
0x173: {  	[tilespmem:$0x1D0] =	vst v1  }
0x174: {  	[tilespmem:$0x1E0] =	vst v2  }
0x175: {  	[tilespmem:$0x1F0] =	vst v3  }
0x176: {  	[tilespmem:s23], [sflag:$0x4] =	stream.indirect.gather [hbm4b:s1+s18], $0x80, s7, s18, $0xb8;
	[tilespmem:$0x1C700] =	vst v63  }
0x177: {  	_ =	swait.ge [sflag:s26], $0x4000  }
0x178: {  	[sflag:s26] =	ssyncset.done $0x0  }
0x179: {  	[sflag:s26] =	ssyncadd.s32 $0xFFFFC000  }
0x17a: {  	[spmem:s2] =	stream.indirect.scatter.add.f32 [tilespmem:s23], [sflag:$0x7], $0x80, s17, s18, $0xb8;
	[tilespmem:$0x1C700] =	vst v63  }
0x17b: {  	_ =	swait.ge [sflag:s28], $0x4000  }
0x17c: {  	[sflag:s28] =	ssyncset.done $0x0  }
0x17d: {  	[sflag:s28] =	ssyncadd.s32 $0xFFFFC000  }
0x17e: {  	v1 =	vld [tilespmem:$0xA00]  }
0x17f: {  	v2 =	vld [tilespmem:$0xA10]  }
0x180: {  	v3 =	vld [tilespmem:$0xA20]  }
0x181: {  	v60 =	vld [tilespmem:$0xA30]  }
0x182: {  	v61 =	vld [tilespmem:$0xA40]  }
0x183: {  	[tilespmem:$0x180] =	vst v1;
	v1 =	vld [tilespmem:$0xA50]  }
0x184: {  	[tilespmem:$0x190] =	vst v2;
	v2 =	vld [tilespmem:$0xA60]  }
0x185: {  	[tilespmem:$0x1A0] =	vst v3;
	v3 =	vld [tilespmem:$0xA70]  }
0x186: {  	[tilespmem:$0x1B0] =	vst v60  }
0x187: {  	[tilespmem:$0x1C0] =	vst v61  }
0x188: {  	[tilespmem:$0x1D0] =	vst v1  }
0x189: {  	[tilespmem:$0x1E0] =	vst v2  }
0x18a: {  	[tilespmem:$0x1F0] =	vst v3  }
0x18b: {  	[tilespmem:s23], [sflag:$0x4] =	stream.indirect.gather [hbm4b:s1+s18], $0x80, s13, s18, $0xb8;
	[tilespmem:$0x1C700] =	vst v63  }
0x18c: {  	_ =	swait.ge [sflag:s26], $0x4000  }
0x18d: {  	[sflag:s26] =	ssyncset.done $0x0  }
0x18e: {  	[sflag:s26] =	ssyncadd.s32 $0xFFFFC000  }
0x18f: {  	[spmem:s2] =	stream.indirect.scatter.add.f32 [tilespmem:s23], [sflag:$0x7], $0x80, s17, s18, $0xb8;
	[tilespmem:$0x1C700] =	vst v63  }
0x190: {  	_ =	swait.ge [sflag:s28], $0x4000  }
0x191: {  	[sflag:s28] =	ssyncset.done $0x0  }
0x192: {  	[sflag:s28] =	ssyncadd.s32 $0xFFFFC000  }
0x193: {  	v1 =	vld [tilespmem:$0xA80]  }
0x194: {  	v2 =	vld [tilespmem:$0xA90]  }
0x195: {  	v3 =	vld [tilespmem:$0xAA0]  }
0x196: {  	v62 =	vld [tilespmem:$0xAB0]  }
0x197: {  	v63 =	vld [tilespmem:$0xAC0]  }
0x198: {  	[tilespmem:$0x180] =	vst v1;
	v1 =	vld [tilespmem:$0xAD0]  }
0x199: {  	[tilespmem:$0x190] =	vst v2;
	v2 =	vld [tilespmem:$0xAE0]  }
0x19a: {  	[tilespmem:$0x1A0] =	vst v3;
	v3 =	vld [tilespmem:$0xAF0]  }
0x19b: {  	[tilespmem:$0x1B0] =	vst v62  }
0x19c: {  	[tilespmem:$0x1C0] =	vst v63  }
0x19d: {  	[tilespmem:$0x1D0] =	vst v1  }
0x19e: {  	[tilespmem:$0x1E0] =	vst v2  }
0x19f: {  	[tilespmem:$0x1F0] =	vst v3  }
0x1a0: {  	[tilespmem:s23], [sflag:$0x4] =	stream.indirect.gather [hbm4b:s1+s18], $0x80, s14, s18, $0xb8;
	[tilespmem:$0x1C700] =	vst v63  }
0x1a1: {  	_ =	swait.ge [sflag:s26], $0x4000  }
0x1a2: {  	p3 =	seq.s32 s11, $0xFFFFFF00;
	[sflag:s26] =	ssyncset.done $0x0  }
.Ltmp6:
0x1a3: {  	[sflag:s26] =	ssyncadd.s32 $0xFFFFC000;
	(pc) =	sbr.rel @!p3 .LBB2_11-.Ltmp6, $4  }
0x1a4: {  	[spmem:s2] =	stream.indirect.scatter.add.f32 [tilespmem:s23], [sflag:$0x7], $0x80, s17, s18, $0xb8;
	[tilespmem:$0x1C700] =	vst v63  }
0x1a5: {  	_ =	swait.ge [sflag:s28], $0x4000  }
0x1a6: {  	[sflag:s28] =	ssyncset.done $0x0  }
0x1a7: {  	s11 =	sadd.s32 $0x100, s11;
	[sflag:s28] =	ssyncadd.s32 $0xFFFFC000  }
0x1a8: {  	s0 =	sld [smem:$0x7EC];
	_ =	sdelay $0x2  }
0x1a9: {  	p3 =	seq.s32 s0, $0x1  }
.Ltmp7:
0x1aa: {  	_ = 	snop;
	(pc) =	sbr.rel @p3 .LBB2_16-.Ltmp7, $2  }
0x1ab: {  	_ =	sdelay $0x2  }
0x1ac: {  	s12 =	sld [smem:$0x7D6]  }
0x1ad: {  	s0 =	rddreg [dreg:$0x6]  }
0x1ae: {  	[tilespmem:s4], [sflag:$0x7] =	stream.linear.gather [hbm4b:s0+s4], $0x80, $0x38;
	[tilespmem:$0x1C700] =	vst v63  }
0x1af: {  	_ =	swait.ge [sflag:s28], $0x80  }
0x1b0: {  	[sflag:s28] =	ssyncset.done $0x0  }
0x1b1: {  	s12 =	rddreg [dreg:$0x7];
	[sflag:s28] =	ssyncadd.s32 $0xFFFFFF80  }
0x1b2: {  	[tilespmem:s17], [sflag:$0x7] =	stream.linear.gather [hbm4b:s12+s4], $0x80, $0x38;
	[tilespmem:$0x1C700] =	vst v63  }
0x1b3: {  	_ =	swait.ge [sflag:s28], $0x80  }
0x1b4: {  	[sflag:s28] =	ssyncset.done $0x0  }
0x1b5: {  	[sflag:s28] =	ssyncadd.s32 $0xFFFFFF80  }
0x1b6: {  	[tilespmem:s23], [sflag:$0x4] =	stream.indirect.gather [hbm4b:s1+s18], $0x80, s4, s18, $0xb8;
	[tilespmem:$0x1C700] =	vst v63  }
.Ltmp8:
0x1b7: {  	_ = 	snop;
	(pc) =	sbr.rel .LBB2_15-.Ltmp8, $4  }
0x1b8: {  	_ =	swait.ge [sflag:s26], $0x4000  }
0x1b9: {  	[sflag:s26] =	ssyncset.done $0x0  }
0x1ba: {  	[sflag:s26] =	ssyncadd.s32 $0xFFFFC000  }
0x1bb: {  	[spmem:s2] =	stream.indirect.scatter.add.f32 [tilespmem:s23], [sflag:$0x7], $0x80, s17, s18, $0xb8;
	[tilespmem:$0x1C700] =	vst v63  }
.LBB2_4:
0x1bc: {  	s0 =	sld [smem:$0x7E8];
	_ =	sdelay $0x1  }
0x1bd: {  	s5 =	sld [smem:$0x7F0]  }
0x1be: {  	p3 =	seq.s32 s0, $0x1  }
0x1bf: {  	s0 =	rddreg [dreg:$0x12];
	s11 =	simm.s32 @!p3 $0x1F86  }
0x1c0: {  	[spmem:s0], [sflag:s11] =	dma.local @!p3 [hbm:s5], $0x2780  }
0x1c1: {  	s11 =	simm.s32 @!p3 $0x6  }
0x1c2: {  	_ =	swait.ge @!p3 [sflag:s11], $0x2780  }
0x1c3: {  	s12 =	sld [smem:$0x7E9];
	_ =	sdelay $0x1  }
0x1c4: {  	[sflag:s11] =	ssyncset.done @!p3 $0x0;
	s5 =	sld [smem:$0x7EF]  }
0x1c5: {  	[sflag:s11] =	ssyncadd.s32 @!p3 $0xFFFFD880;
	p3 =	seq.s32 s12, $0x1  }
0x1c6: {  	s0 =	rddreg [dreg:$0x13];
	s11 =	simm.s32 @!p3 $0x1FC6  }
0x1c7: {  	[spmem:s0], [sflag:s11] =	dma.local @!p3 [hbm:s5], $0x2080  }
0x1c8: {  	s11 =	simm.s32 @!p3 $0x6  }
0x1c9: {  	_ =	swait.ge @!p3 [sflag:s11], $0x2080  }
0x1ca: {  	s29 =	sld [smem:$0x7EA];
	_ =	sdelay $0x1  }
0x1cb: {  	[sflag:s11] =	ssyncset.done @!p3 $0x0;
	s5 =	sld [smem:$0x7F2]  }
0x1cc: {  	[sflag:s11] =	ssyncadd.s32 @!p3 $0xFFFFDF80;
	p3 =	seq.s32 s29, $0x1  }
0x1cd: {  	s0 =	rddreg [dreg:$0x14];
	s11 =	simm.s32 @!p3 $0x1F06  }
0x1ce: {  	[spmem:s0], [sflag:s11] =	dma.local @!p3 [hbm:s5], $0x2780  }
0x1cf: {  	s11 =	simm.s32 @!p3 $0x6  }
0x1d0: {  	_ =	swait.ge @!p3 [sflag:s11], $0x2780  }
0x1d1: {  	s5 =	sld [smem:$0x7F1]  }
0x1d2: {  	[sflag:s11] =	ssyncset.done @!p3 $0x0  }
0x1d3: {  	s0 =	rddreg [dreg:$0x15];
	[sflag:s11] =	ssyncadd.s32 @!p3 $0xFFFFD880;
	s11 =	simm.s32 @!p4 $0x1F46  }
0x1d4: {  	[spmem:s0], [sflag:s11] =	dma.local @!p4 [hbm:s5], $0x2780  }
0x1d5: {  	s11 =	simm.s32 @!p4 $0x6  }
0x1d6: {  	_ =	swait.ge @!p4 [sflag:s11], $0x2780  }
0x1d7: {  	s5 =	sld [smem:$0x7F4]  }
0x1d8: {  	[sflag:s11] =	ssyncset.done @!p4 $0x0  }
0x1d9: {  	s0 =	rddreg [dreg:$0x16];
	[sflag:s11] =	ssyncadd.s32 @!p4 $0xFFFFD880;
	s11 =	simm.s32 @!p5 $0x1E86  }
0x1da: {  	[spmem:s0], [sflag:s11] =	dma.local @!p5 [hbm:s5], $0x2780  }
0x1db: {  	s11 =	simm.s32 @!p5 $0x6  }
0x1dc: {  	_ =	swait.ge @!p5 [sflag:s11], $0x2780  }
0x1dd: {  	s5 =	sld [smem:$0x7F3]  }
0x1de: {  	[sflag:s11] =	ssyncset.done @!p5 $0x0  }
0x1df: {  	s0 =	rddreg [dreg:$0x17];
	[sflag:s11] =	ssyncadd.s32 @!p5 $0xFFFFD880;
	s11 =	simm.s32 @!p0 $0x1EC6  }
0x1e0: {  	[spmem:s0], [sflag:s11] =	dma.local @!p0 [hbm:s5], $0x2780  }
0x1e1: {  	s11 =	simm.s32 @!p0 $0x6  }
0x1e2: {  	_ =	swait.ge @!p0 [sflag:s11], $0x2780  }
0x1e3: {  	s5 =	sld [smem:$0x7F6]  }
0x1e4: {  	[sflag:s11] =	ssyncset.done @!p0 $0x0  }
0x1e5: {  	s0 =	rddreg [dreg:$0x18];
	[sflag:s11] =	ssyncadd.s32 @!p0 $0xFFFFD880;
	s11 =	simm.s32 @!p1 $0x1E06  }
0x1e6: {  	[spmem:s0], [sflag:s11] =	dma.local @!p1 [hbm:s5], $0x2780  }
0x1e7: {  	s11 =	simm.s32 @!p1 $0x6  }
0x1e8: {  	_ =	swait.ge @!p1 [sflag:s11], $0x2780  }
0x1e9: {  	s5 =	sld [smem:$0x7F5]  }
0x1ea: {  	[sflag:s11] =	ssyncset.done @!p1 $0x0  }
0x1eb: {  	s0 =	rddreg [dreg:$0x19];
	[sflag:s11] =	ssyncadd.s32 @!p1 $0xFFFFD880;
	s11 =	simm.s32 @!p2 $0x1E46  }
0x1ec: {  	[spmem:s0], [sflag:s11] =	dma.local @!p2 [hbm:s5], $0x2780  }
0x1ed: {  	s11 =	simm.s32 @!p2 $0x6  }
0x1ee: {  	_ =	swait.ge @!p2 [sflag:s11], $0x2780  }
0x1ef: {  	[sflag:s11] =	ssyncset.done @!p2 $0x0  }
0x1f0: {  	[sflag:s11] =	ssyncadd.s32 @!p2 $0xFFFFD880  }
.LBB2_5:
0x1f1: {  	[bflag:$0x0] =	sbarrier.arrive $0xFFFF  }
0x1f2: {  	_ =	swait.ge [sflag:s22], $0x80  }
0x1f3: {  	[sflag:s22] =	ssyncset.done $0x0  }
0x1f4: {  	[sflag:s22] =	ssyncadd.s32 $0xFFFFFF80  }
0x1f5: {  	_ =	swait.ge [sflag:s22], $0x80  }
0x1f6: {  	[sflag:s22] =	ssyncset.done $0x0  }
0x1f7: {  	s11 =	simm.s32 $0x0;
	[sflag:s22] =	ssyncadd.s32 $0xFFFFFF80  }
0x1f8: {  	[tilespmem:s23], [sflag:$0x4] =	stream.indirect.gather [hbm4b:s1+s18], $0x80, s11, s18, $0xb8;
	[tilespmem:$0x1C700] =	vst v63  }
0x1f9: {  	_ =	swait.ge [sflag:s24], $0x80  }
0x1fa: {  	[sflag:s24] =	ssyncset.done $0x0  }
0x1fb: {  	[sflag:s24] =	ssyncadd.s32 $0xFFFFFF80  }
0x1fc: {  	_ =	swait.ge [sflag:s24], $0x80  }
0x1fd: {  	[sflag:s24] =	ssyncset.done $0x0  }
0x1fe: {  	[sflag:s24] =	ssyncadd.s32 $0xFFFFFF80  }
0x1ff: {  	[tilespmem:s25], [sflag:$0x5] =	stream.indirect.gather [hbm4b:s1+s18], $0x80, s18, s18, $0xb8;
	[tilespmem:$0x1C700] =	vst v63  }
.LBB2_6:
0x200: {  	_ =	swait.ge [sflag:s26], $0x4000  }
0x201: {  	[sflag:s26] =	ssyncset.done $0x0  }
0x202: {  	[sflag:s26] =	ssyncadd.s32 $0xFFFFC000  }
0x203: {  	[spmem:s2] =	stream.indirect.scatter.add.f32 [tilespmem:s23], [sflag:$0x7], $0x80, s17, s18, $0xb8;
	[tilespmem:$0x1C700] =	vst v63  }
0x204: {  	_ =	swait.ge [sflag:s28], $0x4000  }
0x205: {  	s12 =	sadd.s32 s11, s8;
	[sflag:s28] =	ssyncset.done $0x0  }
0x206: {  	s5 =	sadd.s32 $0x60, s12;
	[sflag:s28] =	ssyncadd.s32 $0xFFFFC000  }
0x207: {  	[tilespmem:s4], [sflag:$0x1] =	stream.linear.gather [hbm4b:s5+s4], $0x80, $0x38;
	[tilespmem:$0x1C700] =	vst v63  }
0x208: {  	s29 =	sadd.s32 $0x70, s12  }
0x209: {  	[tilespmem:s17], [sflag:$0x1] =	stream.linear.gather [hbm4b:s29+s4], $0x80, $0x38;
	[tilespmem:$0x1C700] =	vst v63  }
0x20a: {  	_ =	swait.ge [sflag:s15], $0x80  }
0x20b: {  	[sflag:s15] =	ssyncset.done $0x0  }
0x20c: {  	[sflag:s15] =	ssyncadd.s32 $0xFFFFFF80  }
0x20d: {  	_ =	swait.ge [sflag:s15], $0x80  }
0x20e: {  	[sflag:s15] =	ssyncset.done $0x0  }
0x20f: {  	[sflag:s15] =	ssyncadd.s32 $0xFFFFFF80  }
0x210: {  	[tilespmem:s23], [sflag:$0x4] =	stream.indirect.gather [hbm4b:s1+s18], $0x80, s20, s18, $0xb8;
	[tilespmem:$0x1C700] =	vst v63  }
0x211: {  	_ =	swait.ge [sflag:s16], $0x4000  }
0x212: {  	[sflag:s16] =	ssyncset.done $0x0  }
0x213: {  	[sflag:s16] =	ssyncadd.s32 $0xFFFFC000  }
0x214: {  	[spmem:s2] =	stream.indirect.scatter.add.f32 [tilespmem:s25], [sflag:$0x7], $0x80, s19, s18, $0xb8;
	[tilespmem:$0x1C700] =	vst v63  }
0x215: {  	_ =	swait.ge [sflag:s28], $0x4000  }
0x216: {  	[sflag:s28] =	ssyncset.done $0x0  }
0x217: {  	s0 =	sadd.s32 $0x80, s12;
	[sflag:s28] =	ssyncadd.s32 $0xFFFFC000  }
0x218: {  	[tilespmem:s18], [sflag:$0x2] =	stream.linear.gather [hbm4b:s0+s4], $0x80, $0x38;
	[tilespmem:$0x1C700] =	vst v63  }
0x219: {  	s29 =	sadd.s32 $0x90, s12  }
0x21a: {  	[tilespmem:s19], [sflag:$0x2] =	stream.linear.gather [hbm4b:s29+s4], $0x80, $0x38;
	[tilespmem:$0x1C700] =	vst v63  }
0x21b: {  	_ =	swait.ge [sflag:s22], $0x80  }
0x21c: {  	[sflag:s22] =	ssyncset.done $0x0  }
0x21d: {  	[sflag:s22] =	ssyncadd.s32 $0xFFFFFF80  }
0x21e: {  	_ =	swait.ge [sflag:s22], $0x80  }
0x21f: {  	[sflag:s22] =	ssyncset.done $0x0  }
0x220: {  	[sflag:s22] =	ssyncadd.s32 $0xFFFFFF80  }
0x221: {  	[tilespmem:s25], [sflag:$0x5] =	stream.indirect.gather [hbm4b:s1+s18], $0x80, s4, s18, $0xb8;
	[tilespmem:$0x1C700] =	vst v63  }
0x222: {  	_ =	swait.ge [sflag:s26], $0x4000  }
0x223: {  	[sflag:s26] =	ssyncset.done $0x0  }
0x224: {  	[sflag:s26] =	ssyncadd.s32 $0xFFFFC000  }
0x225: {  	[spmem:s2] =	stream.indirect.scatter.add.f32 [tilespmem:s23], [sflag:$0x7], $0x80, s21, s18, $0xb8;
	[tilespmem:$0x1C700] =	vst v63  }
0x226: {  	_ =	swait.ge [sflag:s28], $0x4000  }
0x227: {  	[sflag:s28] =	ssyncset.done $0x0  }
0x228: {  	s0 =	sadd.s32 $0xA0, s12;
	[sflag:s28] =	ssyncadd.s32 $0xFFFFC000  }
0x229: {  	[tilespmem:s20], [sflag:$0x3] =	stream.linear.gather [hbm4b:s0+s4], $0x80, $0x38;
	[tilespmem:$0x1C700] =	vst v63  }
0x22a: {  	s29 =	sadd.s32 $0xB0, s12  }
0x22b: {  	[tilespmem:s21], [sflag:$0x3] =	stream.linear.gather [hbm4b:s29+s4], $0x80, $0x38;
	[tilespmem:$0x1C700] =	vst v63  }
0x22c: {  	_ =	swait.ge [sflag:s24], $0x80  }
0x22d: {  	[sflag:s24] =	ssyncset.done $0x0  }
0x22e: {  	[sflag:s24] =	ssyncadd.s32 $0xFFFFFF80  }
0x22f: {  	_ =	swait.ge [sflag:s24], $0x80  }
0x230: {  	[sflag:s24] =	ssyncset.done $0x0  }
0x231: {  	[sflag:s24] =	ssyncadd.s32 $0xFFFFFF80  }
0x232: {  	[tilespmem:s23], [sflag:$0x4] =	stream.indirect.gather [hbm4b:s1+s18], $0x80, s18, s18, $0xb8;
	[tilespmem:$0x1C700] =	vst v63  }
0x233: {  	_ =	swait.ge [sflag:s16], $0x4000  }
0x234: {  	[sflag:s16] =	ssyncset.done $0x0  }
0x235: {  	[sflag:s16] =	ssyncadd.s32 $0xFFFFC000  }
0x236: {  	[spmem:s2] =	stream.indirect.scatter.add.f32 [tilespmem:s25], [sflag:$0x7], $0x80, s17, s18, $0xb8;
	[tilespmem:$0x1C700] =	vst v63  }
0x237: {  	p3 =	seq.s32 s11, $0xCC0;
	_ =	swait.ge [sflag:s28], $0x4000  }
0x238: {  	s5 =	sadd.s32 @!p3 s11, s8;
	[sflag:s28] =	ssyncset.done $0x0  }
0x239: {  	s0 =	sadd.s32 @!p3 $0xC0, s5;
	s29 =	simm.s32 @!p3 $0x0;
	[sflag:s28] =	ssyncadd.s32 $0xFFFFC000  }
0x23a: {  	[tilespmem:s29], [sflag:$0x1] =	stream.linear.gather @!p3 [hbm4b:s0+s29], $0x80, $0x38;
	[tilespmem:$0x1C700] =	vst v63  }
0x23b: {  	s0 =	sadd.s32 @!p3 $0xD0, s5;
	s5 =	simm.s32 @!p3 $0x180  }
0x23c: {  	[tilespmem:s5], [sflag:$0x1] =	stream.linear.gather @!p3 [hbm4b:s0+s29], $0x80, $0x38;
	[tilespmem:$0x1C700] =	vst v63  }
0x23d: {  	_ =	swait.ge [sflag:s15], $0x80  }
0x23e: {  	[sflag:s15] =	ssyncset.done $0x0  }
0x23f: {  	[sflag:s15] =	ssyncadd.s32 $0xFFFFFF80  }
0x240: {  	_ =	swait.ge [sflag:s15], $0x80  }
0x241: {  	[sflag:s15] =	ssyncset.done $0x0  }
0x242: {  	[sflag:s15] =	ssyncadd.s32 $0xFFFFFF80  }
0x243: {  	[tilespmem:s25], [sflag:$0x5] =	stream.indirect.gather [hbm4b:s1+s18], $0x80, s20, s18, $0xb8;
	[tilespmem:$0x1C700] =	vst v63  }
0x244: {  	_ =	swait.ge [sflag:s26], $0x4000  }
0x245: {  	[sflag:s26] =	ssyncset.done $0x0  }
.Ltmp9:
0x246: {  	[sflag:s26] =	ssyncadd.s32 $0xFFFFC000;
	(pc) =	sbr.rel @p3 .LBB2_14-.Ltmp9, $4  }
0x247: {  	[spmem:s2] =	stream.indirect.scatter.add.f32 [tilespmem:s23], [sflag:$0x7], $0x80, s19, s18, $0xb8;
	[tilespmem:$0x1C700] =	vst v63  }
0x248: {  	_ =	swait.ge [sflag:s28], $0x4000  }
0x249: {  	[sflag:s28] =	ssyncset.done $0x0  }
0x24a: {  	[sflag:s28] =	ssyncadd.s32 $0xFFFFC000  }
0x24b: {  	s0 =	sadd.s32 $0xE0, s12  }
0x24c: {  	[tilespmem:s18], [sflag:$0x2] =	stream.linear.gather [hbm4b:s0+s4], $0x80, $0x38;
	[tilespmem:$0x1C700] =	vst v63  }
0x24d: {  	s29 =	sadd.s32 $0xF0, s12  }
0x24e: {  	[tilespmem:s19], [sflag:$0x2] =	stream.linear.gather [hbm4b:s29+s4], $0x80, $0x38;
	[tilespmem:$0x1C700] =	vst v63  }
0x24f: {  	_ =	swait.ge [sflag:s22], $0x80  }
0x250: {  	[sflag:s22] =	ssyncset.done $0x0  }
0x251: {  	[sflag:s22] =	ssyncadd.s32 $0xFFFFFF80  }
0x252: {  	_ =	swait.ge [sflag:s22], $0x80  }
0x253: {  	[sflag:s22] =	ssyncset.done $0x0  }
0x254: {  	[sflag:s22] =	ssyncadd.s32 $0xFFFFFF80  }
0x255: {  	[tilespmem:s23], [sflag:$0x4] =	stream.indirect.gather [hbm4b:s1+s18], $0x80, s4, s18, $0xb8;
	[tilespmem:$0x1C700] =	vst v63  }
0x256: {  	_ =	swait.ge [sflag:s16], $0x4000  }
0x257: {  	[sflag:s16] =	ssyncset.done $0x0  }
0x258: {  	[sflag:s16] =	ssyncadd.s32 $0xFFFFC000  }
0x259: {  	[spmem:s2] =	stream.indirect.scatter.add.f32 [tilespmem:s25], [sflag:$0x7], $0x80, s21, s18, $0xb8;
	[tilespmem:$0x1C700] =	vst v63  }
0x25a: {  	_ =	swait.ge [sflag:s28], $0x4000  }
0x25b: {  	[sflag:s28] =	ssyncset.done $0x0  }
0x25c: {  	s5 =	sadd.s32 $0x100, s12;
	[sflag:s28] =	ssyncadd.s32 $0xFFFFC000  }
0x25d: {  	[tilespmem:s20], [sflag:$0x3] =	stream.linear.gather [hbm4b:s5+s4], $0x80, $0x38;
	[tilespmem:$0x1C700] =	vst v63  }
0x25e: {  	s29 =	sadd.s32 $0x110, s12  }
0x25f: {  	[tilespmem:s21], [sflag:$0x3] =	stream.linear.gather [hbm4b:s29+s4], $0x80, $0x38;
	[tilespmem:$0x1C700] =	vst v63  }
0x260: {  	_ =	swait.ge [sflag:s24], $0x80  }
0x261: {  	[sflag:s24] =	ssyncset.done $0x0  }
.Ltmp10:
0x262: {  	[sflag:s24] =	ssyncadd.s32 $0xFFFFFF80;
	(pc) =	sbr.rel .LBB2_6-.Ltmp10, $4  }
0x263: {  	_ =	swait.ge [sflag:s24], $0x80  }
0x264: {  	[sflag:s24] =	ssyncset.done $0x0  }
0x265: {  	s11 =	sadd.s32 $0xC0, s11;
	[sflag:s24] =	ssyncadd.s32 $0xFFFFFF80  }
0x266: {  	[tilespmem:s25], [sflag:$0x5] =	stream.indirect.gather [hbm4b:s1+s18], $0x80, s18, s18, $0xb8;
	[tilespmem:$0x1C700] =	vst v63  }
.LBB2_17:
0x267: {  	_ =	sfence.sel $0x180000  }
0x268: {  	[bflag:$0x0] =	sbarrier.arrive $0xFFFF  }
0x269: {  	_ =	strace $0x90000047  }
0x26a: {  	[bflag:$0x2] =	sbarrier.arrive $0xFFFF  }
0x26b: {  	p0 =	sne.s32 s29, $0x0;
	s0 =	rddreg [dreg:$0x4]  }
0x26c: {  	s0 =	sadd.s32 @!p0 $0x100000, s0  }
0x26d: {  	[sflag:s0] =	ssyncadd.tile.s32 @!p0 $0x1;
	_ =	shalt  }
.Lfunc_end2:
_tile_overlayer_lowered:
.L_overlay_start_2:
0x26e: {  	(tag) =	ssettag $0x2  }
0x26f: {  	s0 =	rddreg [dreg:$0x0];
	s2 =	stileid.u32  }
0x270: {  	s1 =	rddreg [dreg:$0x1];
	p0 =	sne.s32 s2, $0x0  }
0x271: {  	s3 =	rddreg [dreg:$0x2];
	[bflag:$0x3] =	sbarrier.arrive $0xFFFF;
	s2 =	simm.s32 @!p0 $0x1C07  }
0x272: {  	[timem:s3], [sflag:s2] =	dma.local @!p0 [hbm:s0], s1  }
0x273: {  	s0 =	simm.s32 @!p0 $0x7  }
0x274: {  	_ =	swait.ge @!p0 [sflag:s0], s1  }
0x275: {  	s1 =	ssub.s32 @!p0 $0x0, s1;
	[sflag:s0] =	ssyncset.done @!p0 $0x0  }
0x276: {  	[sflag:s0] =	ssyncadd.s32 @!p0 s1  }
0x277: {  	[bflag:$0x3] =	sbarrier.arrive $0xFFFF  }
0x278: {  	_ =	shalt  }

</sc_bundles>
